<compile_context>
chip_gen: v7x
topology: tpu7x:2x2x1
jax: 0.10.2.dev20260603
libtpu: 0.0.44.dev20260713+nightly
codegen_flags: <defaults>
</compile_context>

<pallas_src>
import functools

import jax
import jax.numpy as jnp
from jax import lax
from jax.experimental import pallas as pl
from jax.experimental.pallas import tpu as pltpu
from jax.experimental.pallas import tpu_sc as plsc

N_NODES = 10000
N_EDGES = 320000
D_IN = 128
D_OUT = 128

NC = 2
NS = 16
NW = NC * NS
NL = 16

CHUNK = 128
EDGES_PER_TILE = N_EDGES // NW
EPT_PAD = 10240
NCHUNK = EPT_PAD // CHUNK
NGRP = 8
GS = NCHUNK // NGRP
NROW = 10240
ROWS_PER_TILE = NROW // NS
CROW = NROW // D_IN

_mesh = plsc.VectorSubcoreMesh(core_axis_name="c", subcore_axis_name="s")


@functools.partial(
    pl.kernel,
    mesh=_mesh,
    compiler_params=pltpu.CompilerParams(use_tc_tiling_on_sc=False,
                                         needs_layout_passes=False),
    out_type=[
        jax.ShapeDtypeStruct((NC, NROW, D_IN), jnp.float32),
        jax.ShapeDtypeStruct((NC, CROW, D_IN), jnp.float32),
    ],
    scratch_types=[
        pltpu.VMEM((GS, CHUNK), jnp.int32),
        pltpu.VMEM((GS, CHUNK), jnp.int32),
        pltpu.VMEM((GS, CHUNK), jnp.int32),
        pltpu.VMEM((GS, CHUNK), jnp.int32),
        pltpu.VMEM((CHUNK, D_IN), jnp.float32),
        pltpu.VMEM((CHUNK, D_IN), jnp.float32),
        pltpu.VMEM((CROW, D_IN), jnp.float32),
        pltpu.VMEM((1, CROW), jnp.int32),
        pltpu.VMEM_SHARED((NROW, D_IN), jnp.float32),
        pltpu.VMEM_SHARED((CROW, D_IN), jnp.float32),
        pltpu.SemaphoreType.DMA,
        pltpu.SemaphoreType.DMA,
        pltpu.SemaphoreType.DMA,
        pltpu.SemaphoreType.DMA,
        pltpu.SemaphoreType.DMA,
        pltpu.SemaphoreType.DMA,
    ],
)
def _sc_aggregate(h_hbm, src_hbm, dst_hbm, zbig_hbm, ident_hbm,
                  osum_hbm, ocnt_hbm,
                  src_v0, dst_v0, src_v1, dst_v1, msg0, msg1,
                  cnt_v, ident_v, acc, acc_c,
                  g_sem0, g_sem1, s_sem0, s_sem1, i_sem, x_sem):
    cid = lax.axis_index("c")
    sid = lax.axis_index("s")
    wid = cid * NS + sid
    msg = (msg0, msg1)
    sv = (src_v0, src_v1)
    dv = (dst_v0, dst_v1)
    g_sem = (g_sem0, g_sem1)
    s_sem = (s_sem0, s_sem1)
    ones16 = jnp.ones((NL,), jnp.float32)

    def fire_gather(b, j, iv):
        pltpu.async_copy(h_hbm.at[iv.at[j]], msg[b], g_sem[b])

    def wait_gather(b):
        pltpu.make_async_copy(h_hbm.at[src_v0.at[0]], msg[b], g_sem[b]).wait()

    def fire_scatter(b, j, jv):
        pltpu.async_copy(msg[b], acc.at[jv.at[j]], s_sem[b], add=True)

    def wait_scatter(b):
        pltpu.make_async_copy(msg[b], acc.at[dst_v0.at[0]], s_sem[b]).wait()

    def prefetch_idx(g, p):
        pltpu.async_copy(src_hbm.at[wid, g], sv[p], x_sem)
        pltpu.async_copy(dst_hbm.at[wid, g], dv[p], x_sem)

    def wait_idx():
        pltpu.make_async_copy(src_hbm.at[wid, 0], src_v0, x_sem).wait()
        pltpu.make_async_copy(dst_hbm.at[wid, 0], dst_v0, x_sem).wait()

    def count_update(j, jv):
        for k in range(CHUNK // NL):
            d = jv[j, pl.ds(k * NL, NL)]
            plsc.addupdate_scatter(
                cnt_v, (lax.shift_right_logical(d, 7),
                        lax.bitwise_and(d, D_IN - 1)), ones16)

    row0 = sid * ROWS_PER_TILE
    crow0 = sid * (CROW // NS)
    z_acc = pltpu.async_copy(zbig_hbm.at[pl.ds(row0, ROWS_PER_TILE)],
                             acc.at[pl.ds(row0, ROWS_PER_TILE)], i_sem)
    z_cnt = pltpu.async_copy(zbig_hbm.at[pl.ds(0, CROW)], cnt_v, i_sem)
    z_accc = pltpu.async_copy(zbig_hbm.at[pl.ds(0, CROW // NS)],
                              acc_c.at[pl.ds(crow0, CROW // NS)], i_sem)
    pltpu.sync_copy(ident_hbm, ident_v)
    pltpu.sync_copy(src_hbm.at[wid, 0], src_v0)
    pltpu.sync_copy(dst_hbm.at[wid, 0], dst_v0)
    fire_gather(0, 0, src_v0)
    fire_gather(1, 1, src_v0)
    prefetch_idx(1, 1)
    z_acc.wait()
    z_cnt.wait()
    z_accc.wait()
    plsc.subcore_barrier()

    for g in range(NGRP):
        p = g % 2
        svA, dvA = sv[p], dv[p]

        @pl.loop(0, GS - 3, step=2)
        def _(j, svA=svA, dvA=dvA):
            wait_gather(0)
            fire_scatter(0, j, dvA)
            count_update(j, dvA)
            wait_gather(1)
            fire_scatter(1, j + 1, dvA)
            count_update(j + 1, dvA)
            wait_scatter(0)
            fire_gather(0, j + 2, svA)
            wait_scatter(1)
            fire_gather(1, j + 3, svA)

        j = GS - 2
        wait_gather(0)
        fire_scatter(0, j, dvA)
        count_update(j, dvA)
        wait_gather(1)
        fire_scatter(1, j + 1, dvA)
        count_update(j + 1, dvA)
        if g < NGRP - 1:
            wait_idx()
            wait_scatter(0)
            fire_gather(0, 0, sv[1 - p])
            wait_scatter(1)
            fire_gather(1, 1, sv[1 - p])
            if g + 2 < NGRP:
                prefetch_idx(g + 2, p)
        else:
            wait_scatter(0)
            wait_scatter(1)

    pltpu.sync_copy(cnt_v, acc_c.at[ident_v.at[0]], add=True)

    plsc.subcore_barrier()
    pltpu.sync_copy(acc.at[pl.ds(row0, ROWS_PER_TILE)],
                    osum_hbm.at[cid, pl.ds(row0, ROWS_PER_TILE)])
    pltpu.sync_copy(acc_c.at[pl.ds(crow0, CROW // NS)],
                    ocnt_hbm.at[cid, pl.ds(crow0, CROW // NS)])


def _tc_apply(h_ref, s_ref, c_ref, wt_ref, b_ref, o_ref):
    h = h_ref[...]
    s = s_ref[0] + s_ref[1]
    cnt = c_ref[0] + c_ref[1]
    cmean = s / jnp.maximum(cnt, 1.0)
    wt = wt_ref[...]
    y = (jnp.dot(h, wt[:D_IN], preferred_element_type=jnp.float32)
         + jnp.dot(cmean, wt[D_IN:], preferred_element_type=jnp.float32)
         + b_ref[...])
    n2 = jnp.sum(y * y, axis=1, keepdims=True)
    y = y / jnp.maximum(jnp.sqrt(n2), 1e-12)
    o_ref[...] = h + jnp.maximum(y, 0.0)


_BLK = 2000


def kernel(h, edge_index, W, b):
    pad = EPT_PAD - EDGES_PER_TILE
    pad_dst = jnp.broadcast_to(
        jnp.arange(N_NODES, N_NODES + pad, dtype=jnp.int32), (NW, pad))
    pad_src = jnp.broadcast_to(jnp.arange(pad, dtype=jnp.int32), (NW, pad))
    src = jnp.concatenate(
        [edge_index[0].astype(jnp.int32).reshape(NW, EDGES_PER_TILE), pad_src],
        axis=1).reshape(NW, NGRP, GS, CHUNK)
    dst = jnp.concatenate(
        [edge_index[1].astype(jnp.int32).reshape(NW, EDGES_PER_TILE), pad_dst],
        axis=1).reshape(NW, NGRP, GS, CHUNK)
    zbig = jnp.zeros((NROW, D_IN), jnp.float32)
    ident = jnp.arange(CROW, dtype=jnp.int32).reshape(1, CROW)
    psum, pcnt = _sc_aggregate(h, src, dst, zbig, ident)
    pcnt = pcnt.reshape(NC, NROW, 1)

    grid = (N_NODES // _BLK,)
    out = pl.pallas_call(
        _tc_apply,
        grid=grid,
        in_specs=[
            pl.BlockSpec((_BLK, D_IN), lambda i: (i, 0)),
            pl.BlockSpec((NC, _BLK, D_IN), lambda i: (0, i, 0)),
            pl.BlockSpec((NC, _BLK, 1), lambda i: (0, i, 0)),
            pl.BlockSpec((2 * D_IN, D_OUT), lambda i: (0, 0)),
            pl.BlockSpec((1, D_OUT), lambda i: (0, 0)),
        ],
        out_specs=pl.BlockSpec((_BLK, D_OUT), lambda i: (i, 0)),
        out_shape=jax.ShapeDtypeStruct((N_NODES, D_OUT), jnp.float32),
    )(h, psum, pcnt, W.T, b.reshape(1, D_OUT))
    return out

# --- scband reference (transcript-rebuilt; emitter-appended) ---
"""Pipeline reference for scband-graph-sage-layer-16381005267618 (READ-ONLY COPY).

The authoritative reference and input builder live on the scoring server;
editing this copy changes nothing except your own understanding.
"""

import jax, jax.numpy as jnp
import numpy as np

N_NODES = 10000
N_EDGES = 320000
D_IN = 128
D_OUT = 128


def setup_inputs(seed: int = 0) -> dict:
    key = jax.random.key(seed)
    k1, k2, k3, k4 = jax.random.split(key, 4)
    h = jax.random.normal(k1, (N_NODES, D_IN), dtype=jnp.float32)
    edge_index = jax.random.randint(k2, (2, N_EDGES), 0, N_NODES, dtype=jnp.int64)
    # NodeApply linear: Linear(2*in_feats, out_feats) -> W [out, 2*in], b [out]
    W = jax.random.normal(k3, (D_OUT, 2 * D_IN), dtype=jnp.float32) * 0.05
    b = jax.random.normal(k4, (D_OUT,), dtype=jnp.float32) * 0.05
    return {"h": h, "edge_index": edge_index, "W": W, "b": b}


def reference(h, edge_index, W, b):
    # GraphSageLayer (dgl_builtin=False, mean aggregator, dropout=0, activation=None,
    # batch_norm=None, residual=True)
    h_in = h
    src = edge_index[0]
    dst = edge_index[1]
    # mean aggregation of incoming neighbor features: c[v] = mean_{(u,v) in E} h[u]
    msgs = jnp.take(h, src, axis=0)
    summed = jax.ops.segment_sum(msgs, dst, num_segments=N_NODES)
    ones = jnp.ones((src.shape[0],), dtype=h.dtype)
    counts = jax.ops.segment_sum(ones, dst, num_segments=N_NODES)
    c = summed / jnp.maximum(counts, 1.0)[:, None]
    # NodeApply: linear(concat(h, c)) then L2 normalize (F.normalize p=2 dim=1)
    bundle = jnp.concatenate([h, c], axis=1)
    bundle = bundle @ W.T + b
    norm = jnp.sqrt(jnp.sum(bundle * bundle, axis=1, keepdims=True))
    bundle = bundle / jnp.maximum(norm, 1e-12)
    out = jax.nn.relu(bundle)
    out = h_in + out  # residual (in_feats == out_feats)
    return out

if __name__ == "__main__":
    import jax
    _d = setup_inputs()
    print(jax.jit(kernel)(*tuple(_d.values())))

</pallas_src>

<mosaic_0001>
#map = affine_map<(d0, d1) -> (0, 0)>
#map1 = affine_map<(d0, d1) -> (0, 0, 0, 0)>
#map2 = affine_map<(d0, d1) -> (0, 0, 0)>
module attributes {stable_mosaic.version = 14 : i64} {
  func.func @_sc_aggregate(%arg0: i32, %arg1: i32, %arg2: memref<10000x128xf32, #tpu.memory_space<hbm>>, %arg3: memref<32x8x10x128xi32, #tpu.memory_space<hbm>>, %arg4: memref<32x8x10x128xi32, #tpu.memory_space<hbm>>, %arg5: memref<10240x128xf32, #tpu.memory_space<hbm>>, %arg6: memref<1x80xi32, #tpu.memory_space<hbm>>, %arg7: memref<2x10240x128xf32, #tpu.memory_space<hbm>>, %arg8: memref<2x80x128xf32, #tpu.memory_space<hbm>>, %arg9: memref<10x128xi32, #tpu.memory_space<vmem>>, %arg10: memref<10x128xi32, #tpu.memory_space<vmem>>, %arg11: memref<10x128xi32, #tpu.memory_space<vmem>>, %arg12: memref<10x128xi32, #tpu.memory_space<vmem>>, %arg13: memref<128x128xf32, #tpu.memory_space<vmem>>, %arg14: memref<128x128xf32, #tpu.memory_space<vmem>>, %arg15: memref<80x128xf32, #tpu.memory_space<vmem>>, %arg16: memref<1x80xi32, #tpu.memory_space<vmem>>, %arg17: memref<10240x128xf32, #tpu.memory_space<vmem_shared>>, %arg18: memref<80x128xf32, #tpu.memory_space<vmem_shared>>, %arg19: memref<!tpu.dma_semaphore, #tpu.memory_space<semaphore_mem>>, %arg20: memref<!tpu.dma_semaphore, #tpu.memory_space<semaphore_mem>>, %arg21: memref<!tpu.dma_semaphore, #tpu.memory_space<semaphore_mem>>, %arg22: memref<!tpu.dma_semaphore, #tpu.memory_space<semaphore_mem>>, %arg23: memref<!tpu.dma_semaphore, #tpu.memory_space<semaphore_mem>>, %arg24: memref<!tpu.dma_semaphore, #tpu.memory_space<semaphore_mem>>) attributes {dimension_semantics = [#tpu.dimension_semantics<core_parallel>, #tpu.dimension_semantics<subcore_parallel>], iteration_bounds = array<i64: 2, 16>, scalar_prefetch = 0 : i64, scratch_operands = 16 : i64, tpu.core_type = #tpu.core_type<sc_vector_subcore>, window_params = [{transform_indices = #map}, {transform_indices = #map1}, {transform_indices = #map1}, {transform_indices = #map}, {transform_indices = #map}, {transform_indices = #map2}, {transform_indices = #map2}]} {
    %mul3A = arith.constant 16 : i32
    %mul3A_0 = arith.muli %arg0, %mul3A : i32
    %add3A = arith.addi %mul3A_0, %arg1 : i32
    %broadcast_in_dim3A = arith.constant 1.000000e+00 : f32
    %broadcast_in_dim3A_1 = vector.broadcast %broadcast_in_dim3A : f32 to vector<16xf32>
    %mul3A_2 = arith.constant 640 : i32
    %mul3A_3 = arith.muli %arg1, %mul3A_2 : i32
    %mul3A_4 = arith.constant 5 : i32
    %mul3A_5 = arith.muli %arg1, %mul3A_4 : i32
    %dma_start3A = arith.constant 0 : i32
    %dma_start3A_6 = tpu.memref_slice %arg17[%mul3A_3, %dma_start3A] : memref<10240x128xf32, #tpu.memory_space<vmem_shared>> -> memref<640x128xf32, #tpu.memory_space<vmem_shared>>
    %dma_start3A_7 = arith.constant 0 : i32
    %dma_start3A_8 = tpu.memref_slice %arg5[%mul3A_3, %dma_start3A_7] : memref<10240x128xf32, #tpu.memory_space<hbm>> -> memref<640x128xf32, #tpu.memory_space<hbm>>
    tpu.enqueue_dma source(%dma_start3A_8 : memref<640x128xf32, #tpu.memory_space<hbm>>) target(%dma_start3A_6 : memref<640x128xf32, #tpu.memory_space<vmem_shared>>) target_semaphore(%arg23 : memref<!tpu.dma_semaphore, #tpu.memory_space<semaphore_mem>>)
    %dma_start3A_9 = arith.constant 0 : i32
    %dma_start3A_10 = arith.constant 0 : i32
    %dma_start3A_11 = tpu.memref_slice %arg5[%dma_start3A_9, %dma_start3A_10] : memref<10240x128xf32, #tpu.memory_space<hbm>> -> memref<80x128xf32, #tpu.memory_space<hbm>>
    %dma_start3A_12 = arith.constant 0 : i32
    %dma_start3A_13 = arith.constant 0 : i32
    %dma_start3A_14 = tpu.memref_slice %arg5[%dma_start3A_12, %dma_start3A_13] : memref<10240x128xf32, #tpu.memory_space<hbm>> -> memref<80x128xf32, #tpu.memory_space<hbm>>
    tpu.enqueue_dma source(%dma_start3A_14 : memref<80x128xf32, #tpu.memory_space<hbm>>) target(%arg15 : memref<80x128xf32, #tpu.memory_space<vmem>>) target_semaphore(%arg23 : memref<!tpu.dma_semaphore, #tpu.memory_space<semaphore_mem>>)
    %dma_start3A_15 = arith.constant 0 : i32
    %dma_start3A_16 = tpu.memref_slice %arg18[%mul3A_5, %dma_start3A_15] : memref<80x128xf32, #tpu.memory_space<vmem_shared>> -> memref<5x128xf32, #tpu.memory_space<vmem_shared>>
    %dma_start3A_17 = arith.constant 0 : i32
    %dma_start3A_18 = arith.constant 0 : i32
    %dma_start3A_19 = tpu.memref_slice %arg5[%dma_start3A_17, %dma_start3A_18] : memref<10240x128xf32, #tpu.memory_space<hbm>> -> memref<5x128xf32, #tpu.memory_space<hbm>>
    tpu.enqueue_dma source(%dma_start3A_19 : memref<5x128xf32, #tpu.memory_space<hbm>>) target(%dma_start3A_16 : memref<5x128xf32, #tpu.memory_space<vmem_shared>>) target_semaphore(%arg23 : memref<!tpu.dma_semaphore, #tpu.memory_space<semaphore_mem>>)
    "tpu.region"() ({
      %run_scoped3A_2053 = tpu.sem_alloc : memref<!tpu.dma_semaphore, #tpu.memory_space<semaphore_mem>>
      tpu.enqueue_dma source(%arg6 : memref<1x80xi32, #tpu.memory_space<hbm>>) target(%arg16 : memref<1x80xi32, #tpu.memory_space<vmem>>) target_semaphore(%run_scoped3A_2053 : memref<!tpu.dma_semaphore, #tpu.memory_space<semaphore_mem>>)
      tpu.wait_dma2 semaphore(%run_scoped3A_2053 : memref<!tpu.dma_semaphore, #tpu.memory_space<semaphore_mem>>) src(%arg6 : memref<1x80xi32, #tpu.memory_space<hbm>>) dst(%arg16 : memref<1x80xi32, #tpu.memory_space<vmem>>)
      tpu.yield
    }) : () -> ()
    %run_scoped3A = arith.constant 0 : i32
    "tpu.region"() ({
      %run_scoped3A_2053 = tpu.sem_alloc : memref<!tpu.dma_semaphore, #tpu.memory_space<semaphore_mem>>
      %dma_start3A_2054 = arith.constant 0 : i32
      %dma_start3A_2055 = arith.constant 0 : i32
      %dma_start3A_2056 = tpu.memref_slice %arg3[%add3A, %run_scoped3A, %dma_start3A_2054, %dma_start3A_2055] : memref<32x8x10x128xi32, #tpu.memory_space<hbm>> -> memref<1x1x10x128xi32, #tpu.memory_space<hbm>>
      %dma_start3A_2057 = tpu.memref_squeeze %dma_start3A_2056 : memref<1x1x10x128xi32, #tpu.memory_space<hbm>> -> memref<10x128xi32, #tpu.memory_space<hbm>>
      %dma_start3A_2058 = arith.constant 0 : i32
      %dma_start3A_2059 = arith.constant 0 : i32
      %dma_start3A_2060 = tpu.memref_slice %arg3[%add3A, %run_scoped3A, %dma_start3A_2058, %dma_start3A_2059] : memref<32x8x10x128xi32, #tpu.memory_space<hbm>> -> memref<1x1x10x128xi32, #tpu.memory_space<hbm>>
      %dma_start3A_2061 = tpu.memref_squeeze %dma_start3A_2060 : memref<1x1x10x128xi32, #tpu.memory_space<hbm>> -> memref<10x128xi32, #tpu.memory_space<hbm>>
      tpu.enqueue_dma source(%dma_start3A_2061 : memref<10x128xi32, #tpu.memory_space<hbm>>) target(%arg9 : memref<10x128xi32, #tpu.memory_space<vmem>>) target_semaphore(%run_scoped3A_2053 : memref<!tpu.dma_semaphore, #tpu.memory_space<semaphore_mem>>)
      %dma_wait3A_2062 = arith.constant 0 : i32
      %dma_wait3A_2063 = arith.constant 0 : i32
      %dma_wait3A_2064 = tpu.memref_slice %arg3[%add3A, %run_scoped3A, %dma_wait3A_2062, %dma_wait3A_2063] : memref<32x8x10x128xi32, #tpu.memory_space<hbm>> -> memref<1x1x10x128xi32, #tpu.memory_space<hbm>>
      %dma_wait3A_2065 = tpu.memref_squeeze %dma_wait3A_2064 : memref<1x1x10x128xi32, #tpu.memory_space<hbm>> -> memref<10x128xi32, #tpu.memory_space<hbm>>
      %dma_wait3A_2066 = arith.constant 0 : i32
      %dma_wait3A_2067 = arith.constant 0 : i32
      %dma_wait3A_2068 = tpu.memref_slice %arg3[%add3A, %run_scoped3A, %dma_wait3A_2066, %dma_wait3A_2067] : memref<32x8x10x128xi32, #tpu.memory_space<hbm>> -> memref<1x1x10x128xi32, #tpu.memory_space<hbm>>
      %dma_wait3A_2069 = tpu.memref_squeeze %dma_wait3A_2068 : memref<1x1x10x128xi32, #tpu.memory_space<hbm>> -> memref<10x128xi32, #tpu.memory_space<hbm>>
      tpu.wait_dma2 semaphore(%run_scoped3A_2053 : memref<!tpu.dma_semaphore, #tpu.memory_space<semaphore_mem>>) src(%dma_wait3A_2069 : memref<10x128xi32, #tpu.memory_space<hbm>>) dst(%arg9 : memref<10x128xi32, #tpu.memory_space<vmem>>)
      tpu.yield
    }) : () -> ()
    %run_scoped3A_20 = arith.constant 0 : i32
    "tpu.region"() ({
      %run_scoped3A_2053 = tpu.sem_alloc : memref<!tpu.dma_semaphore, #tpu.memory_space<semaphore_mem>>
      %dma_start3A_2054 = arith.constant 0 : i32
      %dma_start3A_2055 = arith.constant 0 : i32
      %dma_start3A_2056 = tpu.memref_slice %arg4[%add3A, %run_scoped3A_20, %dma_start3A_2054, %dma_start3A_2055] : memref<32x8x10x128xi32, #tpu.memory_space<hbm>> -> memref<1x1x10x128xi32, #tpu.memory_space<hbm>>
      %dma_start3A_2057 = tpu.memref_squeeze %dma_start3A_2056 : memref<1x1x10x128xi32, #tpu.memory_space<hbm>> -> memref<10x128xi32, #tpu.memory_space<hbm>>
      %dma_start3A_2058 = arith.constant 0 : i32
      %dma_start3A_2059 = arith.constant 0 : i32
      %dma_start3A_2060 = tpu.memref_slice %arg4[%add3A, %run_scoped3A_20, %dma_start3A_2058, %dma_start3A_2059] : memref<32x8x10x128xi32, #tpu.memory_space<hbm>> -> memref<1x1x10x128xi32, #tpu.memory_space<hbm>>
      %dma_start3A_2061 = tpu.memref_squeeze %dma_start3A_2060 : memref<1x1x10x128xi32, #tpu.memory_space<hbm>> -> memref<10x128xi32, #tpu.memory_space<hbm>>
      tpu.enqueue_dma source(%dma_start3A_2061 : memref<10x128xi32, #tpu.memory_space<hbm>>) target(%arg10 : memref<10x128xi32, #tpu.memory_space<vmem>>) target_semaphore(%run_scoped3A_2053 : memref<!tpu.dma_semaphore, #tpu.memory_space<semaphore_mem>>)
      %dma_wait3A_2062 = arith.constant 0 : i32
      %dma_wait3A_2063 = arith.constant 0 : i32
      %dma_wait3A_2064 = tpu.memref_slice %arg4[%add3A, %run_scoped3A_20, %dma_wait3A_2062, %dma_wait3A_2063] : memref<32x8x10x128xi32, #tpu.memory_space<hbm>> -> memref<1x1x10x128xi32, #tpu.memory_space<hbm>>
      %dma_wait3A_2065 = tpu.memref_squeeze %dma_wait3A_2064 : memref<1x1x10x128xi32, #tpu.memory_space<hbm>> -> memref<10x128xi32, #tpu.memory_space<hbm>>
      %dma_wait3A_2066 = arith.constant 0 : i32
      %dma_wait3A_2067 = arith.constant 0 : i32
      %dma_wait3A_2068 = tpu.memref_slice %arg4[%add3A, %run_scoped3A_20, %dma_wait3A_2066, %dma_wait3A_2067] : memref<32x8x10x128xi32, #tpu.memory_space<hbm>> -> memref<1x1x10x128xi32, #tpu.memory_space<hbm>>
      %dma_wait3A_2069 = tpu.memref_squeeze %dma_wait3A_2068 : memref<1x1x10x128xi32, #tpu.memory_space<hbm>> -> memref<10x128xi32, #tpu.memory_space<hbm>>
      tpu.wait_dma2 semaphore(%run_scoped3A_2053 : memref<!tpu.dma_semaphore, #tpu.memory_space<semaphore_mem>>) src(%dma_wait3A_2069 : memref<10x128xi32, #tpu.memory_space<hbm>>) dst(%arg10 : memref<10x128xi32, #tpu.memory_space<vmem>>)
      tpu.yield
    }) : () -> ()
    %dma_start3A_21 = arith.constant 0 : i32
    %dma_start3A_22 = arith.constant 0 : i32
    %dma_start3A_23 = tpu.memref_slice %arg9[%dma_start3A_21, %dma_start3A_22] : memref<10x128xi32, #tpu.memory_space<vmem>> -> memref<1x128xi32, #tpu.memory_space<vmem>>
    %dma_start3A_24 = tpu.memref_squeeze %dma_start3A_23 : memref<1x128xi32, #tpu.memory_space<vmem>> -> memref<128xi32, #tpu.memory_space<vmem>>
    %dma_start3A_25 = arith.constant 0 : i32
    %dma_start3A_26 = arith.constant 0 : i32
    %dma_start3A_27 = tpu.memref_slice %arg2[%dma_start3A_25, %dma_start3A_26] : memref<10000x128xf32, #tpu.memory_space<hbm>> -> memref<10000x128xf32, #tpu.memory_space<hbm>>
    tpu.enqueue_indirect_dma source(%dma_start3A_27 : memref<10000x128xf32, #tpu.memory_space<hbm>>) target(%arg13 : memref<128x128xf32, #tpu.memory_space<vmem>>) offsets(%dma_start3A_24 : memref<128xi32, #tpu.memory_space<vmem>>) semaphore(%arg19 : memref<!tpu.dma_semaphore, #tpu.memory_space<semaphore_mem>>)
    %dma_start3A_28 = arith.constant 1 : i32
    %dma_start3A_29 = arith.constant 0 : i32
    %dma_start3A_30 = tpu.memref_slice %arg9[%dma_start3A_28, %dma_start3A_29] : memref<10x128xi32, #tpu.memory_space<vmem>> -> memref<1x128xi32, #tpu.memory_space<vmem>>
    %dma_start3A_31 = tpu.memref_squeeze %dma_start3A_30 : memref<1x128xi32, #tpu.memory_space<vmem>> -> memref<128xi32, #tpu.memory_space<vmem>>
    %dma_start3A_32 = arith.constant 0 : i32
    %dma_start3A_33 = arith.constant 0 : i32
    %dma_start3A_34 = tpu.memref_slice %arg2[%dma_start3A_32, %dma_start3A_33] : memref<10000x128xf32, #tpu.memory_space<hbm>> -> memref<10000x128xf32, #tpu.memory_space<hbm>>
    tpu.enqueue_indirect_dma source(%dma_start3A_34 : memref<10000x128xf32, #tpu.memory_space<hbm>>) target(%arg14 : memref<128x128xf32, #tpu.memory_space<vmem>>) offsets(%dma_start3A_31 : memref<128xi32, #tpu.memory_space<vmem>>) semaphore(%arg20 : memref<!tpu.dma_semaphore, #tpu.memory_space<semaphore_mem>>)
    %dma_start3A_35 = arith.constant 1 : i32
    %dma_start3A_36 = arith.constant 0 : i32
    %dma_start3A_37 = arith.constant 0 : i32
    %dma_start3A_38 = tpu.memref_slice %arg3[%add3A, %dma_start3A_35, %dma_start3A_36, %dma_start3A_37] : memref<32x8x10x128xi32, #tpu.memory_space<hbm>> -> memref<1x1x10x128xi32, #tpu.memory_space<hbm>>
    %dma_start3A_39 = tpu.memref_squeeze %dma_start3A_38 : memref<1x1x10x128xi32, #tpu.memory_space<hbm>> -> memref<10x128xi32, #tpu.memory_space<hbm>>
    %dma_start3A_40 = arith.constant 0 : i32
    %dma_start3A_41 = arith.constant 0 : i32
    %dma_start3A_42 = tpu.memref_slice %arg3[%add3A, %dma_start3A_35, %dma_start3A_40, %dma_start3A_41] : memref<32x8x10x128xi32, #tpu.memory_space<hbm>> -> memref<1x1x10x128xi32, #tpu.memory_space<hbm>>
    %dma_start3A_43 = tpu.memref_squeeze %dma_start3A_42 : memref<1x1x10x128xi32, #tpu.memory_space<hbm>> -> memref<10x128xi32, #tpu.memory_space<hbm>>
    tpu.enqueue_dma source(%dma_start3A_43 : memref<10x128xi32, #tpu.memory_space<hbm>>) target(%arg11 : memref<10x128xi32, #tpu.memory_space<vmem>>) target_semaphore(%arg24 : memref<!tpu.dma_semaphore, #tpu.memory_space<semaphore_mem>>)
    %dma_start3A_44 = arith.constant 1 : i32
    %dma_start3A_45 = arith.constant 0 : i32
    %dma_start3A_46 = arith.constant 0 : i32
    %dma_start3A_47 = tpu.memref_slice %arg4[%add3A, %dma_start3A_44, %dma_start3A_45, %dma_start3A_46] : memref<32x8x10x128xi32, #tpu.memory_space<hbm>> -> memref<1x1x10x128xi32, #tpu.memory_space<hbm>>
    %dma_start3A_48 = tpu.memref_squeeze %dma_start3A_47 : memref<1x1x10x128xi32, #tpu.memory_space<hbm>> -> memref<10x128xi32, #tpu.memory_space<hbm>>
    %dma_start3A_49 = arith.constant 0 : i32
    %dma_start3A_50 = arith.constant 0 : i32
    %dma_start3A_51 = tpu.memref_slice %arg4[%add3A, %dma_start3A_44, %dma_start3A_49, %dma_start3A_50] : memref<32x8x10x128xi32, #tpu.memory_space<hbm>> -> memref<1x1x10x128xi32, #tpu.memory_space<hbm>>
    %dma_start3A_52 = tpu.memref_squeeze %dma_start3A_51 : memref<1x1x10x128xi32, #tpu.memory_space<hbm>> -> memref<10x128xi32, #tpu.memory_space<hbm>>
    tpu.enqueue_dma source(%dma_start3A_52 : memref<10x128xi32, #tpu.memory_space<hbm>>) target(%arg12 : memref<10x128xi32, #tpu.memory_space<vmem>>) target_semaphore(%arg24 : memref<!tpu.dma_semaphore, #tpu.memory_space<semaphore_mem>>)
    %dma_wait3A = arith.constant 0 : i32
    %dma_wait3A_53 = tpu.memref_slice %arg17[%mul3A_3, %dma_wait3A] : memref<10240x128xf32, #tpu.memory_space<vmem_shared>> -> memref<640x128xf32, #tpu.memory_space<vmem_shared>>
    %dma_wait3A_54 = arith.constant 0 : i32
    %dma_wait3A_55 = tpu.memref_slice %arg5[%mul3A_3, %dma_wait3A_54] : memref<10240x128xf32, #tpu.memory_space<hbm>> -> memref<640x128xf32, #tpu.memory_space<hbm>>
    tpu.wait_dma2 semaphore(%arg23 : memref<!tpu.dma_semaphore, #tpu.memory_space<semaphore_mem>>) src(%dma_wait3A_55 : memref<640x128xf32, #tpu.memory_space<hbm>>) dst(%dma_wait3A_53 : memref<640x128xf32, #tpu.memory_space<vmem_shared>>)
    %dma_wait3A_56 = arith.constant 0 : i32
    %dma_wait3A_57 = arith.constant 0 : i32
    %dma_wait3A_58 = tpu.memref_slice %arg5[%dma_wait3A_56, %dma_wait3A_57] : memref<10240x128xf32, #tpu.memory_space<hbm>> -> memref<80x128xf32, #tpu.memory_space<hbm>>
    %dma_wait3A_59 = arith.constant 0 : i32
    %dma_wait3A_60 = arith.constant 0 : i32
    %dma_wait3A_61 = tpu.memref_slice %arg5[%dma_wait3A_59, %dma_wait3A_60] : memref<10240x128xf32, #tpu.memory_space<hbm>> -> memref<80x128xf32, #tpu.memory_space<hbm>>
    tpu.wait_dma2 semaphore(%arg23 : memref<!tpu.dma_semaphore, #tpu.memory_space<semaphore_mem>>) src(%dma_wait3A_61 : memref<80x128xf32, #tpu.memory_space<hbm>>) dst(%arg15 : memref<80x128xf32, #tpu.memory_space<vmem>>)
    %dma_wait3A_62 = arith.constant 0 : i32
    %dma_wait3A_63 = tpu.memref_slice %arg18[%mul3A_5, %dma_wait3A_62] : memref<80x128xf32, #tpu.memory_space<vmem_shared>> -> memref<5x128xf32, #tpu.memory_space<vmem_shared>>
    %dma_wait3A_64 = arith.constant 0 : i32
    %dma_wait3A_65 = arith.constant 0 : i32
    %dma_wait3A_66 = tpu.memref_slice %arg5[%dma_wait3A_64, %dma_wait3A_65] : memref<10240x128xf32, #tpu.memory_space<hbm>> -> memref<5x128xf32, #tpu.memory_space<hbm>>
    tpu.wait_dma2 semaphore(%arg23 : memref<!tpu.dma_semaphore, #tpu.memory_space<semaphore_mem>>) src(%dma_wait3A_66 : memref<5x128xf32, #tpu.memory_space<hbm>>) dst(%dma_wait3A_63 : memref<5x128xf32, #tpu.memory_space<vmem_shared>>)
    %barrier3A = arith.constant 0 : index
    tpu.barrier barrier_id(%barrier3A)
    %scan3A = arith.constant 0 : i32
    %scan3A_67 = arith.constant 4 : i32
    %scan3A_68 = arith.addi %scan3A, %scan3A_67 : i32
    %scan3A_69 = arith.constant 1 : i32
    scf.for %scan3A_2053 = %scan3A to %scan3A_68 step %scan3A_69  : i32 {
      %mul3A_2054 = arith.constant 2 : i32
      %mul3A_2055 = arith.muli %scan3A_2053, %mul3A_2054 : i32
      %add3A_2056 = arith.constant 0 : i32
      %add3A_2057 = arith.addi %add3A_2056, %mul3A_2055 : i32
      %dma_wait3A_2058 = arith.constant 0 : i32
      %dma_wait3A_2059 = arith.constant 0 : i32
      %dma_wait3A_2060 = tpu.memref_slice %arg9[%dma_wait3A_2058, %dma_wait3A_2059] : memref<10x128xi32, #tpu.memory_space<vmem>> -> memref<1x128xi32, #tpu.memory_space<vmem>>
      %dma_wait3A_2061 = tpu.memref_squeeze %dma_wait3A_2060 : memref<1x128xi32, #tpu.memory_space<vmem>> -> memref<128xi32, #tpu.memory_space<vmem>>
      %dma_wait3A_2062 = arith.constant 0 : i32
      %dma_wait3A_2063 = arith.constant 0 : i32
      %dma_wait3A_2064 = tpu.memref_slice %arg2[%dma_wait3A_2062, %dma_wait3A_2063] : memref<10000x128xf32, #tpu.memory_space<hbm>> -> memref<10000x128xf32, #tpu.memory_space<hbm>>
      tpu.wait_indirect_dma semaphore(%arg19 : memref<!tpu.dma_semaphore, #tpu.memory_space<semaphore_mem>>) src(%dma_wait3A_2064 : memref<10000x128xf32, #tpu.memory_space<hbm>>) dst(%arg13 : memref<128x128xf32, #tpu.memory_space<vmem>>)
      %dma_start3A_2065 = arith.constant 0 : i32
      %dma_start3A_2066 = tpu.memref_slice %arg10[%add3A_2057, %dma_start3A_2065] : memref<10x128xi32, #tpu.memory_space<vmem>> -> memref<1x128xi32, #tpu.memory_space<vmem>>
      %dma_start3A_2067 = tpu.memref_squeeze %dma_start3A_2066 : memref<1x128xi32, #tpu.memory_space<vmem>> -> memref<128xi32, #tpu.memory_space<vmem>>
      %dma_start3A_2068 = arith.constant 0 : i32
      %dma_start3A_2069 = arith.constant 0 : i32
      %dma_start3A_2070 = tpu.memref_slice %arg17[%dma_start3A_2068, %dma_start3A_2069] : memref<10240x128xf32, #tpu.memory_space<vmem_shared>> -> memref<10240x128xf32, #tpu.memory_space<vmem_shared>>
      tpu.enqueue_indirect_dma source(%arg13 : memref<128x128xf32, #tpu.memory_space<vmem>>) target(%dma_start3A_2070 : memref<10240x128xf32, #tpu.memory_space<vmem_shared>>) offsets(%dma_start3A_2067 : memref<128xi32, #tpu.memory_space<vmem>>) semaphore(%arg21 : memref<!tpu.dma_semaphore, #tpu.memory_space<semaphore_mem>>) {add = true}
      %get3A_2071 = arith.index_cast %add3A_2057 : i32 to index
      %get3A_2072 = arith.constant 0 : index
      %get3A_2073 = tpu.vector_load %arg10[%get3A_2071, %get3A_2072] {strides = array<i32>} : memref<10x128xi32, #tpu.memory_space<vmem>>, vector<16xi32>,
      %shift_right_logical3A_2074 = arith.constant 7 : i32
      %shift_right_logical3A_2075 = vector.broadcast %shift_right_logical3A_2074 : i32 to vector<16xi32>
      %shift_right_logical3A_2076 = arith.shrui %get3A_2073, %shift_right_logical3A_2075 : vector<16xi32>
      %and3A_2077 = arith.constant 127 : i32
      %and3A_2078 = vector.broadcast %and3A_2077 : i32 to vector<16xi32>
      %and3A_2079 = arith.andi %get3A_2073, %and3A_2078 : vector<16xi32>
      tpu.vector_store_idx %arg15[%shift_right_logical3A_2076, %and3A_2079], %broadcast_in_dim3A_1 {add = true} : memref<80x128xf32, #tpu.memory_space<vmem>>[vector<16xi32>, vector<16xi32>], vector<16xf32>,
      %get3A_2080 = arith.index_cast %add3A_2057 : i32 to index
      %get3A_2081 = arith.constant 16 : index
      %get3A_2082 = tpu.vector_load %arg10[%get3A_2080, %get3A_2081] {strides = array<i32>} : memref<10x128xi32, #tpu.memory_space<vmem>>, vector<16xi32>,
      %shift_right_logical3A_2083 = arith.constant 7 : i32
      %shift_right_logical3A_2084 = vector.broadcast %shift_right_logical3A_2083 : i32 to vector<16xi32>
      %shift_right_logical3A_2085 = arith.shrui %get3A_2082, %shift_right_logical3A_2084 : vector<16xi32>
      %and3A_2086 = arith.constant 127 : i32
      %and3A_2087 = vector.broadcast %and3A_2086 : i32 to vector<16xi32>
      %and3A_2088 = arith.andi %get3A_2082, %and3A_2087 : vector<16xi32>
      tpu.vector_store_idx %arg15[%shift_right_logical3A_2085, %and3A_2088], %broadcast_in_dim3A_1 {add = true} : memref<80x128xf32, #tpu.memory_space<vmem>>[vector<16xi32>, vector<16xi32>], vector<16xf32>,
      %get3A_2089 = arith.index_cast %add3A_2057 : i32 to index
      %get3A_2090 = arith.constant 32 : index
      %get3A_2091 = tpu.vector_load %arg10[%get3A_2089, %get3A_2090] {strides = array<i32>} : memref<10x128xi32, #tpu.memory_space<vmem>>, vector<16xi32>,
      %shift_right_logical3A_2092 = arith.constant 7 : i32
      %shift_right_logical3A_2093 = vector.broadcast %shift_right_logical3A_2092 : i32 to vector<16xi32>
      %shift_right_logical3A_2094 = arith.shrui %get3A_2091, %shift_right_logical3A_2093 : vector<16xi32>
      %and3A_2095 = arith.constant 127 : i32
      %and3A_2096 = vector.broadcast %and3A_2095 : i32 to vector<16xi32>
      %and3A_2097 = arith.andi %get3A_2091, %and3A_2096 : vector<16xi32>
      tpu.vector_store_idx %arg15[%shift_right_logical3A_2094, %and3A_2097], %broadcast_in_dim3A_1 {add = true} : memref<80x128xf32, #tpu.memory_space<vmem>>[vector<16xi32>, vector<16xi32>], vector<16xf32>,
      %get3A_2098 = arith.index_cast %add3A_2057 : i32 to index
      %get3A_2099 = arith.constant 48 : index
      %get3A_2100 = tpu.vector_load %arg10[%get3A_2098, %get3A_2099] {strides = array<i32>} : memref<10x128xi32, #tpu.memory_space<vmem>>, vector<16xi32>,
      %shift_right_logical3A_2101 = arith.constant 7 : i32
      %shift_right_logical3A_2102 = vector.broadcast %shift_right_logical3A_2101 : i32 to vector<16xi32>
      %shift_right_logical3A_2103 = arith.shrui %get3A_2100, %shift_right_logical3A_2102 : vector<16xi32>
      %and3A_2104 = arith.constant 127 : i32
      %and3A_2105 = vector.broadcast %and3A_2104 : i32 to vector<16xi32>
      %and3A_2106 = arith.andi %get3A_2100, %and3A_2105 : vector<16xi32>
      tpu.vector_store_idx %arg15[%shift_right_logical3A_2103, %and3A_2106], %broadcast_in_dim3A_1 {add = true} : memref<80x128xf32, #tpu.memory_space<vmem>>[vector<16xi32>, vector<16xi32>], vector<16xf32>,
      %get3A_2107 = arith.index_cast %add3A_2057 : i32 to index
      %get3A_2108 = arith.constant 64 : index
      %get3A_2109 = tpu.vector_load %arg10[%get3A_2107, %get3A_2108] {strides = array<i32>} : memref<10x128xi32, #tpu.memory_space<vmem>>, vector<16xi32>,
      %shift_right_logical3A_2110 = arith.constant 7 : i32
      %shift_right_logical3A_2111 = vector.broadcast %shift_right_logical3A_2110 : i32 to vector<16xi32>
      %shift_right_logical3A_2112 = arith.shrui %get3A_2109, %shift_right_logical3A_2111 : vector<16xi32>
      %and3A_2113 = arith.constant 127 : i32
      %and3A_2114 = vector.broadcast %and3A_2113 : i32 to vector<16xi32>
      %and3A_2115 = arith.andi %get3A_2109, %and3A_2114 : vector<16xi32>
      tpu.vector_store_idx %arg15[%shift_right_logical3A_2112, %and3A_2115], %broadcast_in_dim3A_1 {add = true} : memref<80x128xf32, #tpu.memory_space<vmem>>[vector<16xi32>, vector<16xi32>], vector<16xf32>,
      %get3A_2116 = arith.index_cast %add3A_2057 : i32 to index
      %get3A_2117 = arith.constant 80 : index
      %get3A_2118 = tpu.vector_load %arg10[%get3A_2116, %get3A_2117] {strides = array<i32>} : memref<10x128xi32, #tpu.memory_space<vmem>>, vector<16xi32>,
      %shift_right_logical3A_2119 = arith.constant 7 : i32
      %shift_right_logical3A_2120 = vector.broadcast %shift_right_logical3A_2119 : i32 to vector<16xi32>
      %shift_right_logical3A_2121 = arith.shrui %get3A_2118, %shift_right_logical3A_2120 : vector<16xi32>
      %and3A_2122 = arith.constant 127 : i32
      %and3A_2123 = vector.broadcast %and3A_2122 : i32 to vector<16xi32>
      %and3A_2124 = arith.andi %get3A_2118, %and3A_2123 : vector<16xi32>
      tpu.vector_store_idx %arg15[%shift_right_logical3A_2121, %and3A_2124], %broadcast_in_dim3A_1 {add = true} : memref<80x128xf32, #tpu.memory_space<vmem>>[vector<16xi32>, vector<16xi32>], vector<16xf32>,
      %get3A_2125 = arith.index_cast %add3A_2057 : i32 to index
      %get3A_2126 = arith.constant 96 : index
      %get3A_2127 = tpu.vector_load %arg10[%get3A_2125, %get3A_2126] {strides = array<i32>} : memref<10x128xi32, #tpu.memory_space<vmem>>, vector<16xi32>,
      %shift_right_logical3A_2128 = arith.constant 7 : i32
      %shift_right_logical3A_2129 = vector.broadcast %shift_right_logical3A_2128 : i32 to vector<16xi32>
      %shift_right_logical3A_2130 = arith.shrui %get3A_2127, %shift_right_logical3A_2129 : vector<16xi32>
      %and3A_2131 = arith.constant 127 : i32
      %and3A_2132 = vector.broadcast %and3A_2131 : i32 to vector<16xi32>
      %and3A_2133 = arith.andi %get3A_2127, %and3A_2132 : vector<16xi32>
      tpu.vector_store_idx %arg15[%shift_right_logical3A_2130, %and3A_2133], %broadcast_in_dim3A_1 {add = true} : memref<80x128xf32, #tpu.memory_space<vmem>>[vector<16xi32>, vector<16xi32>], vector<16xf32>,
      %get3A_2134 = arith.index_cast %add3A_2057 : i32 to index
      %get3A_2135 = arith.constant 112 : index
      %get3A_2136 = tpu.vector_load %arg10[%get3A_2134, %get3A_2135] {strides = array<i32>} : memref<10x128xi32, #tpu.memory_space<vmem>>, vector<16xi32>,
      %shift_right_logical3A_2137 = arith.constant 7 : i32
      %shift_right_logical3A_2138 = vector.broadcast %shift_right_logical3A_2137 : i32 to vector<16xi32>
      %shift_right_logical3A_2139 = arith.shrui %get3A_2136, %shift_right_logical3A_2138 : vector<16xi32>
      %and3A_2140 = arith.constant 127 : i32
      %and3A_2141 = vector.broadcast %and3A_2140 : i32 to vector<16xi32>
      %and3A_2142 = arith.andi %get3A_2136, %and3A_2141 : vector<16xi32>
      tpu.vector_store_idx %arg15[%shift_right_logical3A_2139, %and3A_2142], %broadcast_in_dim3A_1 {add = true} : memref<80x128xf32, #tpu.memory_space<vmem>>[vector<16xi32>, vector<16xi32>], vector<16xf32>,
      %dma_wait3A_2143 = arith.constant 0 : i32
      %dma_wait3A_2144 = arith.constant 0 : i32
      %dma_wait3A_2145 = tpu.memref_slice %arg9[%dma_wait3A_2143, %dma_wait3A_2144] : memref<10x128xi32, #tpu.memory_space<vmem>> -> memref<1x128xi32, #tpu.memory_space<vmem>>
      %dma_wait3A_2146 = tpu.memref_squeeze %dma_wait3A_2145 : memref<1x128xi32, #tpu.memory_space<vmem>> -> memref<128xi32, #tpu.memory_space<vmem>>
      %dma_wait3A_2147 = arith.constant 0 : i32
      %dma_wait3A_2148 = arith.constant 0 : i32
      %dma_wait3A_2149 = tpu.memref_slice %arg2[%dma_wait3A_2147, %dma_wait3A_2148] : memref<10000x128xf32, #tpu.memory_space<hbm>> -> memref<10000x128xf32, #tpu.memory_space<hbm>>
      tpu.wait_indirect_dma semaphore(%arg20 : memref<!tpu.dma_semaphore, #tpu.memory_space<semaphore_mem>>) src(%dma_wait3A_2149 : memref<10000x128xf32, #tpu.memory_space<hbm>>) dst(%arg14 : memref<128x128xf32, #tpu.memory_space<vmem>>)
      %add3A_2150 = arith.constant 1 : i32
      %add3A_2151 = arith.addi %add3A_2057, %add3A_2150 : i32
      %dma_start3A_2152 = arith.constant 0 : i32
      %dma_start3A_2153 = tpu.memref_slice %arg10[%add3A_2151, %dma_start3A_2152] : memref<10x128xi32, #tpu.memory_space<vmem>> -> memref<1x128xi32, #tpu.memory_space<vmem>>
      %dma_start3A_2154 = tpu.memref_squeeze %dma_start3A_2153 : memref<1x128xi32, #tpu.memory_space<vmem>> -> memref<128xi32, #tpu.memory_space<vmem>>
      %dma_start3A_2155 = arith.constant 0 : i32
      %dma_start3A_2156 = arith.constant 0 : i32
      %dma_start3A_2157 = tpu.memref_slice %arg17[%dma_start3A_2155, %dma_start3A_2156] : memref<10240x128xf32, #tpu.memory_space<vmem_shared>> -> memref<10240x128xf32, #tpu.memory_space<vmem_shared>>
      tpu.enqueue_indirect_dma source(%arg14 : memref<128x128xf32, #tpu.memory_space<vmem>>) target(%dma_start3A_2157 : memref<10240x128xf32, #tpu.memory_space<vmem_shared>>) offsets(%dma_start3A_2154 : memref<128xi32, #tpu.memory_space<vmem>>) semaphore(%arg22 : memref<!tpu.dma_semaphore, #tpu.memory_space<semaphore_mem>>) {add = true}
      %add3A_2158 = arith.constant 1 : i32
      %add3A_2159 = arith.addi %add3A_2057, %add3A_2158 : i32
      %get3A_2160 = arith.index_cast %add3A_2159 : i32 to index
      %get3A_2161 = arith.constant 0 : index
      %get3A_2162 = tpu.vector_load %arg10[%get3A_2160, %get3A_2161] {strides = array<i32>} : memref<10x128xi32, #tpu.memory_space<vmem>>, vector<16xi32>,
      %shift_right_logical3A_2163 = arith.constant 7 : i32
      %shift_right_logical3A_2164 = vector.broadcast %shift_right_logical3A_2163 : i32 to vector<16xi32>
      %shift_right_logical3A_2165 = arith.shrui %get3A_2162, %shift_right_logical3A_2164 : vector<16xi32>
      %and3A_2166 = arith.constant 127 : i32
      %and3A_2167 = vector.broadcast %and3A_2166 : i32 to vector<16xi32>
      %and3A_2168 = arith.andi %get3A_2162, %and3A_2167 : vector<16xi32>
      tpu.vector_store_idx %arg15[%shift_right_logical3A_2165, %and3A_2168], %broadcast_in_dim3A_1 {add = true} : memref<80x128xf32, #tpu.memory_space<vmem>>[vector<16xi32>, vector<16xi32>], vector<16xf32>,
      %get3A_2169 = arith.index_cast %add3A_2159 : i32 to index
      %get3A_2170 = arith.constant 16 : index
      %get3A_2171 = tpu.vector_load %arg10[%get3A_2169, %get3A_2170] {strides = array<i32>} : memref<10x128xi32, #tpu.memory_space<vmem>>, vector<16xi32>,
      %shift_right_logical3A_2172 = arith.constant 7 : i32
      %shift_right_logical3A_2173 = vector.broadcast %shift_right_logical3A_2172 : i32 to vector<16xi32>
      %shift_right_logical3A_2174 = arith.shrui %get3A_2171, %shift_right_logical3A_2173 : vector<16xi32>
      %and3A_2175 = arith.constant 127 : i32
      %and3A_2176 = vector.broadcast %and3A_2175 : i32 to vector<16xi32>
      %and3A_2177 = arith.andi %get3A_2171, %and3A_2176 : vector<16xi32>
      tpu.vector_store_idx %arg15[%shift_right_logical3A_2174, %and3A_2177], %broadcast_in_dim3A_1 {add = true} : memref<80x128xf32, #tpu.memory_space<vmem>>[vector<16xi32>, vector<16xi32>], vector<16xf32>,
      %get3A_2178 = arith.index_cast %add3A_2159 : i32 to index
      %get3A_2179 = arith.constant 32 : index
      %get3A_2180 = tpu.vector_load %arg10[%get3A_2178, %get3A_2179] {strides = array<i32>} : memref<10x128xi32, #tpu.memory_space<vmem>>, vector<16xi32>,
      %shift_right_logical3A_2181 = arith.constant 7 : i32
      %shift_right_logical3A_2182 = vector.broadcast %shift_right_logical3A_2181 : i32 to vector<16xi32>
      %shift_right_logical3A_2183 = arith.shrui %get3A_2180, %shift_right_logical3A_2182 : vector<16xi32>
      %and3A_2184 = arith.constant 127 : i32
      %and3A_2185 = vector.broadcast %and3A_2184 : i32 to vector<16xi32>
      %and3A_2186 = arith.andi %get3A_2180, %and3A_2185 : vector<16xi32>
      tpu.vector_store_idx %arg15[%shift_right_logical3A_2183, %and3A_2186], %broadcast_in_dim3A_1 {add = true} : memref<80x128xf32, #tpu.memory_space<vmem>>[vector<16xi32>, vector<16xi32>], vector<16xf32>,
      %get3A_2187 = arith.index_cast %add3A_2159 : i32 to index
      %get3A_2188 = arith.constant 48 : index
      %get3A_2189 = tpu.vector_load %arg10[%get3A_2187, %get3A_2188] {strides = array<i32>} : memref<10x128xi32, #tpu.memory_space<vmem>>, vector<16xi32>,
      %shift_right_logical3A_2190 = arith.constant 7 : i32
      %shift_right_logical3A_2191 = vector.broadcast %shift_right_logical3A_2190 : i32 to vector<16xi32>
      %shift_right_logical3A_2192 = arith.shrui %get3A_2189, %shift_right_logical3A_2191 : vector<16xi32>
      %and3A_2193 = arith.constant 127 : i32
      %and3A_2194 = vector.broadcast %and3A_2193 : i32 to vector<16xi32>
      %and3A_2195 = arith.andi %get3A_2189, %and3A_2194 : vector<16xi32>
      tpu.vector_store_idx %arg15[%shift_right_logical3A_2192, %and3A_2195], %broadcast_in_dim3A_1 {add = true} : memref<80x128xf32, #tpu.memory_space<vmem>>[vector<16xi32>, vector<16xi32>], vector<16xf32>,
      %get3A_2196 = arith.index_cast %add3A_2159 : i32 to index
      %get3A_2197 = arith.constant 64 : index
      %get3A_2198 = tpu.vector_load %arg10[%get3A_2196, %get3A_2197] {strides = array<i32>} : memref<10x128xi32, #tpu.memory_space<vmem>>, vector<16xi32>,
      %shift_right_logical3A_2199 = arith.constant 7 : i32
      %shift_right_logical3A_2200 = vector.broadcast %shift_right_logical3A_2199 : i32 to vector<16xi32>
      %shift_right_logical3A_2201 = arith.shrui %get3A_2198, %shift_right_logical3A_2200 : vector<16xi32>
      %and3A_2202 = arith.constant 127 : i32
      %and3A_2203 = vector.broadcast %and3A_2202 : i32 to vector<16xi32>
      %and3A_2204 = arith.andi %get3A_2198, %and3A_2203 : vector<16xi32>
      tpu.vector_store_idx %arg15[%shift_right_logical3A_2201, %and3A_2204], %broadcast_in_dim3A_1 {add = true} : memref<80x128xf32, #tpu.memory_space<vmem>>[vector<16xi32>, vector<16xi32>], vector<16xf32>,
      %get3A_2205 = arith.index_cast %add3A_2159 : i32 to index
      %get3A_2206 = arith.constant 80 : index
      %get3A_2207 = tpu.vector_load %arg10[%get3A_2205, %get3A_2206] {strides = array<i32>} : memref<10x128xi32, #tpu.memory_space<vmem>>, vector<16xi32>,
      %shift_right_logical3A_2208 = arith.constant 7 : i32
      %shift_right_logical3A_2209 = vector.broadcast %shift_right_logical3A_2208 : i32 to vector<16xi32>
      %shift_right_logical3A_2210 = arith.shrui %get3A_2207, %shift_right_logical3A_2209 : vector<16xi32>
      %and3A_2211 = arith.constant 127 : i32
      %and3A_2212 = vector.broadcast %and3A_2211 : i32 to vector<16xi32>
      %and3A_2213 = arith.andi %get3A_2207, %and3A_2212 : vector<16xi32>
      tpu.vector_store_idx %arg15[%shift_right_logical3A_2210, %and3A_2213], %broadcast_in_dim3A_1 {add = true} : memref<80x128xf32, #tpu.memory_space<vmem>>[vector<16xi32>, vector<16xi32>], vector<16xf32>,
      %get3A_2214 = arith.index_cast %add3A_2159 : i32 to index
      %get3A_2215 = arith.constant 96 : index
      %get3A_2216 = tpu.vector_load %arg10[%get3A_2214, %get3A_2215] {strides = array<i32>} : memref<10x128xi32, #tpu.memory_space<vmem>>, vector<16xi32>,
      %shift_right_logical3A_2217 = arith.constant 7 : i32
      %shift_right_logical3A_2218 = vector.broadcast %shift_right_logical3A_2217 : i32 to vector<16xi32>
      %shift_right_logical3A_2219 = arith.shrui %get3A_2216, %shift_right_logical3A_2218 : vector<16xi32>
      %and3A_2220 = arith.constant 127 : i32
      %and3A_2221 = vector.broadcast %and3A_2220 : i32 to vector<16xi32>
      %and3A_2222 = arith.andi %get3A_2216, %and3A_2221 : vector<16xi32>
      tpu.vector_store_idx %arg15[%shift_right_logical3A_2219, %and3A_2222], %broadcast_in_dim3A_1 {add = true} : memref<80x128xf32, #tpu.memory_space<vmem>>[vector<16xi32>, vector<16xi32>], vector<16xf32>,
      %get3A_2223 = arith.index_cast %add3A_2159 : i32 to index
      %get3A_2224 = arith.constant 112 : index
      %get3A_2225 = tpu.vector_load %arg10[%get3A_2223, %get3A_2224] {strides = array<i32>} : memref<10x128xi32, #tpu.memory_space<vmem>>, vector<16xi32>,
      %shift_right_logical3A_2226 = arith.constant 7 : i32
      %shift_right_logical3A_2227 = vector.broadcast %shift_right_logical3A_2226 : i32 to vector<16xi32>
      %shift_right_logical3A_2228 = arith.shrui %get3A_2225, %shift_right_logical3A_2227 : vector<16xi32>
      %and3A_2229 = arith.constant 127 : i32
      %and3A_2230 = vector.broadcast %and3A_2229 : i32 to vector<16xi32>
      %and3A_2231 = arith.andi %get3A_2225, %and3A_2230 : vector<16xi32>
      tpu.vector_store_idx %arg15[%shift_right_logical3A_2228, %and3A_2231], %broadcast_in_dim3A_1 {add = true} : memref<80x128xf32, #tpu.memory_space<vmem>>[vector<16xi32>, vector<16xi32>], vector<16xf32>,
      %dma_wait3A_2232 = arith.constant 0 : i32
      %dma_wait3A_2233 = arith.constant 0 : i32
      %dma_wait3A_2234 = tpu.memref_slice %arg10[%dma_wait3A_2232, %dma_wait3A_2233] : memref<10x128xi32, #tpu.memory_space<vmem>> -> memref<1x128xi32, #tpu.memory_space<vmem>>
      %dma_wait3A_2235 = tpu.memref_squeeze %dma_wait3A_2234 : memref<1x128xi32, #tpu.memory_space<vmem>> -> memref<128xi32, #tpu.memory_space<vmem>>
      %dma_wait3A_2236 = arith.constant 0 : i32
      %dma_wait3A_2237 = arith.constant 0 : i32
      %dma_wait3A_2238 = tpu.memref_slice %arg17[%dma_wait3A_2236, %dma_wait3A_2237] : memref<10240x128xf32, #tpu.memory_space<vmem_shared>> -> memref<10240x128xf32, #tpu.memory_space<vmem_shared>>
      tpu.wait_indirect_dma semaphore(%arg21 : memref<!tpu.dma_semaphore, #tpu.memory_space<semaphore_mem>>) src(%arg13 : memref<128x128xf32, #tpu.memory_space<vmem>>) dst(%dma_wait3A_2238 : memref<10240x128xf32, #tpu.memory_space<vmem_shared>>)
      %add3A_2239 = arith.constant 2 : i32
      %add3A_2240 = arith.addi %add3A_2057, %add3A_2239 : i32
      %dma_start3A_2241 = arith.constant 0 : i32
      %dma_start3A_2242 = tpu.memref_slice %arg9[%add3A_2240, %dma_start3A_2241] : memref<10x128xi32, #tpu.memory_space<vmem>> -> memref<1x128xi32, #tpu.memory_space<vmem>>
      %dma_start3A_2243 = tpu.memref_squeeze %dma_start3A_2242 : memref<1x128xi32, #tpu.memory_space<vmem>> -> memref<128xi32, #tpu.memory_space<vmem>>
      %dma_start3A_2244 = arith.constant 0 : i32
      %dma_start3A_2245 = arith.constant 0 : i32
      %dma_start3A_2246 = tpu.memref_slice %arg2[%dma_start3A_2244, %dma_start3A_2245] : memref<10000x128xf32, #tpu.memory_space<hbm>> -> memref<10000x128xf32, #tpu.memory_space<hbm>>
      tpu.enqueue_indirect_dma source(%dma_start3A_2246 : memref<10000x128xf32, #tpu.memory_space<hbm>>) target(%arg13 : memref<128x128xf32, #tpu.memory_space<vmem>>) offsets(%dma_start3A_2243 : memref<128xi32, #tpu.memory_space<vmem>>) semaphore(%arg19 : memref<!tpu.dma_semaphore, #tpu.memory_space<semaphore_mem>>)
      %dma_wait3A_2247 = arith.constant 0 : i32
      %dma_wait3A_2248 = arith.constant 0 : i32
      %dma_wait3A_2249 = tpu.memref_slice %arg10[%dma_wait3A_2247, %dma_wait3A_2248] : memref<10x128xi32, #tpu.memory_space<vmem>> -> memref<1x128xi32, #tpu.memory_space<vmem>>
      %dma_wait3A_2250 = tpu.memref_squeeze %dma_wait3A_2249 : memref<1x128xi32, #tpu.memory_space<vmem>> -> memref<128xi32, #tpu.memory_space<vmem>>
      %dma_wait3A_2251 = arith.constant 0 : i32
      %dma_wait3A_2252 = arith.constant 0 : i32
      %dma_wait3A_2253 = tpu.memref_slice %arg17[%dma_wait3A_2251, %dma_wait3A_2252] : memref<10240x128xf32, #tpu.memory_space<vmem_shared>> -> memref<10240x128xf32, #tpu.memory_space<vmem_shared>>
      tpu.wait_indirect_dma semaphore(%arg22 : memref<!tpu.dma_semaphore, #tpu.memory_space<semaphore_mem>>) src(%arg14 : memref<128x128xf32, #tpu.memory_space<vmem>>) dst(%dma_wait3A_2253 : memref<10240x128xf32, #tpu.memory_space<vmem_shared>>)
      %add3A_2254 = arith.constant 3 : i32
      %add3A_2255 = arith.addi %add3A_2057, %add3A_2254 : i32
      %dma_start3A_2256 = arith.constant 0 : i32
      %dma_start3A_2257 = tpu.memref_slice %arg9[%add3A_2255, %dma_start3A_2256] : memref<10x128xi32, #tpu.memory_space<vmem>> -> memref<1x128xi32, #tpu.memory_space<vmem>>
      %dma_start3A_2258 = tpu.memref_squeeze %dma_start3A_2257 : memref<1x128xi32, #tpu.memory_space<vmem>> -> memref<128xi32, #tpu.memory_space<vmem>>
      %dma_start3A_2259 = arith.constant 0 : i32
      %dma_start3A_2260 = arith.constant 0 : i32
      %dma_start3A_2261 = tpu.memref_slice %arg2[%dma_start3A_2259, %dma_start3A_2260] : memref<10000x128xf32, #tpu.memory_space<hbm>> -> memref<10000x128xf32, #tpu.memory_space<hbm>>
      tpu.enqueue_indirect_dma source(%dma_start3A_2261 : memref<10000x128xf32, #tpu.memory_space<hbm>>) target(%arg14 : memref<128x128xf32, #tpu.memory_space<vmem>>) offsets(%dma_start3A_2258 : memref<128xi32, #tpu.memory_space<vmem>>) semaphore(%arg20 : memref<!tpu.dma_semaphore, #tpu.memory_space<semaphore_mem>>)
    }
    %scan3A_70 = arith.constant 4 : i32
    %dma_wait3A_71 = arith.constant 0 : i32
    %dma_wait3A_72 = arith.constant 0 : i32
    %dma_wait3A_73 = tpu.memref_slice %arg9[%dma_wait3A_71, %dma_wait3A_72] : memref<10x128xi32, #tpu.memory_space<vmem>> -> memref<1x128xi32, #tpu.memory_space<vmem>>
    %dma_wait3A_74 = tpu.memref_squeeze %dma_wait3A_73 : memref<1x128xi32, #tpu.memory_space<vmem>> -> memref<128xi32, #tpu.memory_space<vmem>>
    %dma_wait3A_75 = arith.constant 0 : i32
    %dma_wait3A_76 = arith.constant 0 : i32
    %dma_wait3A_77 = tpu.memref_slice %arg2[%dma_wait3A_75, %dma_wait3A_76] : memref<10000x128xf32, #tpu.memory_space<hbm>> -> memref<10000x128xf32, #tpu.memory_space<hbm>>
    tpu.wait_indirect_dma semaphore(%arg19 : memref<!tpu.dma_semaphore, #tpu.memory_space<semaphore_mem>>) src(%dma_wait3A_77 : memref<10000x128xf32, #tpu.memory_space<hbm>>) dst(%arg13 : memref<128x128xf32, #tpu.memory_space<vmem>>)
    %dma_start3A_78 = arith.constant 8 : i32
    %dma_start3A_79 = arith.constant 0 : i32
    %dma_start3A_80 = tpu.memref_slice %arg10[%dma_start3A_78, %dma_start3A_79] : memref<10x128xi32, #tpu.memory_space<vmem>> -> memref<1x128xi32, #tpu.memory_space<vmem>>
    %dma_start3A_81 = tpu.memref_squeeze %dma_start3A_80 : memref<1x128xi32, #tpu.memory_space<vmem>> -> memref<128xi32, #tpu.memory_space<vmem>>
    %dma_start3A_82 = arith.constant 0 : i32
    %dma_start3A_83 = arith.constant 0 : i32
    %dma_start3A_84 = tpu.memref_slice %arg17[%dma_start3A_82, %dma_start3A_83] : memref<10240x128xf32, #tpu.memory_space<vmem_shared>> -> memref<10240x128xf32, #tpu.memory_space<vmem_shared>>
    tpu.enqueue_indirect_dma source(%arg13 : memref<128x128xf32, #tpu.memory_space<vmem>>) target(%dma_start3A_84 : memref<10240x128xf32, #tpu.memory_space<vmem_shared>>) offsets(%dma_start3A_81 : memref<128xi32, #tpu.memory_space<vmem>>) semaphore(%arg21 : memref<!tpu.dma_semaphore, #tpu.memory_space<semaphore_mem>>) {add = true}
    %get3A = arith.constant 8 : i32
    %get3A_85 = arith.index_cast %get3A : i32 to index
    %get3A_86 = arith.constant 0 : index
    %get3A_87 = tpu.vector_load %arg10[%get3A_85, %get3A_86] {strides = array<i32>} : memref<10x128xi32, #tpu.memory_space<vmem>>, vector<16xi32>,
    %shift_right_logical3A = arith.constant 7 : i32
    %shift_right_logical3A_88 = vector.broadcast %shift_right_logical3A : i32 to vector<16xi32>
    %shift_right_logical3A_89 = arith.shrui %get3A_87, %shift_right_logical3A_88 : vector<16xi32>
    %and3A = arith.constant 127 : i32
    %and3A_90 = vector.broadcast %and3A : i32 to vector<16xi32>
    %and3A_91 = arith.andi %get3A_87, %and3A_90 : vector<16xi32>
    tpu.vector_store_idx %arg15[%shift_right_logical3A_89, %and3A_91], %broadcast_in_dim3A_1 {add = true} : memref<80x128xf32, #tpu.memory_space<vmem>>[vector<16xi32>, vector<16xi32>], vector<16xf32>,
    %get3A_92 = arith.constant 8 : i32
    %get3A_93 = arith.index_cast %get3A_92 : i32 to index
    %get3A_94 = arith.constant 16 : index
    %get3A_95 = tpu.vector_load %arg10[%get3A_93, %get3A_94] {strides = array<i32>} : memref<10x128xi32, #tpu.memory_space<vmem>>, vector<16xi32>,
    %shift_right_logical3A_96 = arith.constant 7 : i32
    %shift_right_logical3A_97 = vector.broadcast %shift_right_logical3A_96 : i32 to vector<16xi32>
    %shift_right_logical3A_98 = arith.shrui %get3A_95, %shift_right_logical3A_97 : vector<16xi32>
    %and3A_99 = arith.constant 127 : i32
    %and3A_100 = vector.broadcast %and3A_99 : i32 to vector<16xi32>
    %and3A_101 = arith.andi %get3A_95, %and3A_100 : vector<16xi32>
    tpu.vector_store_idx %arg15[%shift_right_logical3A_98, %and3A_101], %broadcast_in_dim3A_1 {add = true} : memref<80x128xf32, #tpu.memory_space<vmem>>[vector<16xi32>, vector<16xi32>], vector<16xf32>,
    %get3A_102 = arith.constant 8 : i32
    %get3A_103 = arith.index_cast %get3A_102 : i32 to index
    %get3A_104 = arith.constant 32 : index
    %get3A_105 = tpu.vector_load %arg10[%get3A_103, %get3A_104] {strides = array<i32>} : memref<10x128xi32, #tpu.memory_space<vmem>>, vector<16xi32>,
    %shift_right_logical3A_106 = arith.constant 7 : i32
    %shift_right_logical3A_107 = vector.broadcast %shift_right_logical3A_106 : i32 to vector<16xi32>
    %shift_right_logical3A_108 = arith.shrui %get3A_105, %shift_right_logical3A_107 : vector<16xi32>
    %and3A_109 = arith.constant 127 : i32
    %and3A_110 = vector.broadcast %and3A_109 : i32 to vector<16xi32>
    %and3A_111 = arith.andi %get3A_105, %and3A_110 : vector<16xi32>
    tpu.vector_store_idx %arg15[%shift_right_logical3A_108, %and3A_111], %broadcast_in_dim3A_1 {add = true} : memref<80x128xf32, #tpu.memory_space<vmem>>[vector<16xi32>, vector<16xi32>], vector<16xf32>,
    %get3A_112 = arith.constant 8 : i32
    %get3A_113 = arith.index_cast %get3A_112 : i32 to index
    %get3A_114 = arith.constant 48 : index
    %get3A_115 = tpu.vector_load %arg10[%get3A_113, %get3A_114] {strides = array<i32>} : memref<10x128xi32, #tpu.memory_space<vmem>>, vector<16xi32>,
    %shift_right_logical3A_116 = arith.constant 7 : i32
    %shift_right_logical3A_117 = vector.broadcast %shift_right_logical3A_116 : i32 to vector<16xi32>
    %shift_right_logical3A_118 = arith.shrui %get3A_115, %shift_right_logical3A_117 : vector<16xi32>
    %and3A_119 = arith.constant 127 : i32
    %and3A_120 = vector.broadcast %and3A_119 : i32 to vector<16xi32>
    %and3A_121 = arith.andi %get3A_115, %and3A_120 : vector<16xi32>
    tpu.vector_store_idx %arg15[%shift_right_logical3A_118, %and3A_121], %broadcast_in_dim3A_1 {add = true} : memref<80x128xf32, #tpu.memory_space<vmem>>[vector<16xi32>, vector<16xi32>], vector<16xf32>,
    %get3A_122 = arith.constant 8 : i32
    %get3A_123 = arith.index_cast %get3A_122 : i32 to index
    %get3A_124 = arith.constant 64 : index
    %get3A_125 = tpu.vector_load %arg10[%get3A_123, %get3A_124] {strides = array<i32>} : memref<10x128xi32, #tpu.memory_space<vmem>>, vector<16xi32>,
    %shift_right_logical3A_126 = arith.constant 7 : i32
    %shift_right_logical3A_127 = vector.broadcast %shift_right_logical3A_126 : i32 to vector<16xi32>
    %shift_right_logical3A_128 = arith.shrui %get3A_125, %shift_right_logical3A_127 : vector<16xi32>
    %and3A_129 = arith.constant 127 : i32
    %and3A_130 = vector.broadcast %and3A_129 : i32 to vector<16xi32>
    %and3A_131 = arith.andi %get3A_125, %and3A_130 : vector<16xi32>
    tpu.vector_store_idx %arg15[%shift_right_logical3A_128, %and3A_131], %broadcast_in_dim3A_1 {add = true} : memref<80x128xf32, #tpu.memory_space<vmem>>[vector<16xi32>, vector<16xi32>], vector<16xf32>,
    %get3A_132 = arith.constant 8 : i32
    %get3A_133 = arith.index_cast %get3A_132 : i32 to index
    %get3A_134 = arith.constant 80 : index
    %get3A_135 = tpu.vector_load %arg10[%get3A_133, %get3A_134] {strides = array<i32>} : memref<10x128xi32, #tpu.memory_space<vmem>>, vector<16xi32>,
    %shift_right_logical3A_136 = arith.constant 7 : i32
    %shift_right_logical3A_137 = vector.broadcast %shift_right_logical3A_136 : i32 to vector<16xi32>
    %shift_right_logical3A_138 = arith.shrui %get3A_135, %shift_right_logical3A_137 : vector<16xi32>
    %and3A_139 = arith.constant 127 : i32
    %and3A_140 = vector.broadcast %and3A_139 : i32 to vector<16xi32>
    %and3A_141 = arith.andi %get3A_135, %and3A_140 : vector<16xi32>
    tpu.vector_store_idx %arg15[%shift_right_logical3A_138, %and3A_141], %broadcast_in_dim3A_1 {add = true} : memref<80x128xf32, #tpu.memory_space<vmem>>[vector<16xi32>, vector<16xi32>], vector<16xf32>,
    %get3A_142 = arith.constant 8 : i32
    %get3A_143 = arith.index_cast %get3A_142 : i32 to index
    %get3A_144 = arith.constant 96 : index
    %get3A_145 = tpu.vector_load %arg10[%get3A_143, %get3A_144] {strides = array<i32>} : memref<10x128xi32, #tpu.memory_space<vmem>>, vector<16xi32>,
    %shift_right_logical3A_146 = arith.constant 7 : i32
    %shift_right_logical3A_147 = vector.broadcast %shift_right_logical3A_146 : i32 to vector<16xi32>
    %shift_right_logical3A_148 = arith.shrui %get3A_145, %shift_right_logical3A_147 : vector<16xi32>
    %and3A_149 = arith.constant 127 : i32
    %and3A_150 = vector.broadcast %and3A_149 : i32 to vector<16xi32>
    %and3A_151 = arith.andi %get3A_145, %and3A_150 : vector<16xi32>
    tpu.vector_store_idx %arg15[%shift_right_logical3A_148, %and3A_151], %broadcast_in_dim3A_1 {add = true} : memref<80x128xf32, #tpu.memory_space<vmem>>[vector<16xi32>, vector<16xi32>], vector<16xf32>,
    %get3A_152 = arith.constant 8 : i32
    %get3A_153 = arith.index_cast %get3A_152 : i32 to index
    %get3A_154 = arith.constant 112 : index
    %get3A_155 = tpu.vector_load %arg10[%get3A_153, %get3A_154] {strides = array<i32>} : memref<10x128xi32, #tpu.memory_space<vmem>>, vector<16xi32>,
    %shift_right_logical3A_156 = arith.constant 7 : i32
    %shift_right_logical3A_157 = vector.broadcast %shift_right_logical3A_156 : i32 to vector<16xi32>
    %shift_right_logical3A_158 = arith.shrui %get3A_155, %shift_right_logical3A_157 : vector<16xi32>
    %and3A_159 = arith.constant 127 : i32
    %and3A_160 = vector.broadcast %and3A_159 : i32 to vector<16xi32>
    %and3A_161 = arith.andi %get3A_155, %and3A_160 : vector<16xi32>
    tpu.vector_store_idx %arg15[%shift_right_logical3A_158, %and3A_161], %broadcast_in_dim3A_1 {add = true} : memref<80x128xf32, #tpu.memory_space<vmem>>[vector<16xi32>, vector<16xi32>], vector<16xf32>,
    %dma_wait3A_162 = arith.constant 0 : i32
    %dma_wait3A_163 = arith.constant 0 : i32
    %dma_wait3A_164 = tpu.memref_slice %arg9[%dma_wait3A_162, %dma_wait3A_163] : memref<10x128xi32, #tpu.memory_space<vmem>> -> memref<1x128xi32, #tpu.memory_space<vmem>>
    %dma_wait3A_165 = tpu.memref_squeeze %dma_wait3A_164 : memref<1x128xi32, #tpu.memory_space<vmem>> -> memref<128xi32, #tpu.memory_space<vmem>>
    %dma_wait3A_166 = arith.constant 0 : i32
    %dma_wait3A_167 = arith.constant 0 : i32
    %dma_wait3A_168 = tpu.memref_slice %arg2[%dma_wait3A_166, %dma_wait3A_167] : memref<10000x128xf32, #tpu.memory_space<hbm>> -> memref<10000x128xf32, #tpu.memory_space<hbm>>
    tpu.wait_indirect_dma semaphore(%arg20 : memref<!tpu.dma_semaphore, #tpu.memory_space<semaphore_mem>>) src(%dma_wait3A_168 : memref<10000x128xf32, #tpu.memory_space<hbm>>) dst(%arg14 : memref<128x128xf32, #tpu.memory_space<vmem>>)
    %dma_start3A_169 = arith.constant 9 : i32
    %dma_start3A_170 = arith.constant 0 : i32
    %dma_start3A_171 = tpu.memref_slice %arg10[%dma_start3A_169, %dma_start3A_170] : memref<10x128xi32, #tpu.memory_space<vmem>> -> memref<1x128xi32, #tpu.memory_space<vmem>>
    %dma_start3A_172 = tpu.memref_squeeze %dma_start3A_171 : memref<1x128xi32, #tpu.memory_space<vmem>> -> memref<128xi32, #tpu.memory_space<vmem>>
    %dma_start3A_173 = arith.constant 0 : i32
    %dma_start3A_174 = arith.constant 0 : i32
    %dma_start3A_175 = tpu.memref_slice %arg17[%dma_start3A_173, %dma_start3A_174] : memref<10240x128xf32, #tpu.memory_space<vmem_shared>> -> memref<10240x128xf32, #tpu.memory_space<vmem_shared>>
    tpu.enqueue_indirect_dma source(%arg14 : memref<128x128xf32, #tpu.memory_space<vmem>>) target(%dma_start3A_175 : memref<10240x128xf32, #tpu.memory_space<vmem_shared>>) offsets(%dma_start3A_172 : memref<128xi32, #tpu.memory_space<vmem>>) semaphore(%arg22 : memref<!tpu.dma_semaphore, #tpu.memory_space<semaphore_mem>>) {add = true}
    %get3A_176 = arith.constant 9 : i32
    %get3A_177 = arith.index_cast %get3A_176 : i32 to index
    %get3A_178 = arith.constant 0 : index
    %get3A_179 = tpu.vector_load %arg10[%get3A_177, %get3A_178] {strides = array<i32>} : memref<10x128xi32, #tpu.memory_space<vmem>>, vector<16xi32>,
    %shift_right_logical3A_180 = arith.constant 7 : i32
    %shift_right_logical3A_181 = vector.broadcast %shift_right_logical3A_180 : i32 to vector<16xi32>
    %shift_right_logical3A_182 = arith.shrui %get3A_179, %shift_right_logical3A_181 : vector<16xi32>
    %and3A_183 = arith.constant 127 : i32
    %and3A_184 = vector.broadcast %and3A_183 : i32 to vector<16xi32>
    %and3A_185 = arith.andi %get3A_179, %and3A_184 : vector<16xi32>
    tpu.vector_store_idx %arg15[%shift_right_logical3A_182, %and3A_185], %broadcast_in_dim3A_1 {add = true} : memref<80x128xf32, #tpu.memory_space<vmem>>[vector<16xi32>, vector<16xi32>], vector<16xf32>,
    %get3A_186 = arith.constant 9 : i32
    %get3A_187 = arith.index_cast %get3A_186 : i32 to index
    %get3A_188 = arith.constant 16 : index
    %get3A_189 = tpu.vector_load %arg10[%get3A_187, %get3A_188] {strides = array<i32>} : memref<10x128xi32, #tpu.memory_space<vmem>>, vector<16xi32>,
    %shift_right_logical3A_190 = arith.constant 7 : i32
    %shift_right_logical3A_191 = vector.broadcast %shift_right_logical3A_190 : i32 to vector<16xi32>
    %shift_right_logical3A_192 = arith.shrui %get3A_189, %shift_right_logical3A_191 : vector<16xi32>
    %and3A_193 = arith.constant 127 : i32
    %and3A_194 = vector.broadcast %and3A_193 : i32 to vector<16xi32>
    %and3A_195 = arith.andi %get3A_189, %and3A_194 : vector<16xi32>
    tpu.vector_store_idx %arg15[%shift_right_logical3A_192, %and3A_195], %broadcast_in_dim3A_1 {add = true} : memref<80x128xf32, #tpu.memory_space<vmem>>[vector<16xi32>, vector<16xi32>], vector<16xf32>,
    %get3A_196 = arith.constant 9 : i32
    %get3A_197 = arith.index_cast %get3A_196 : i32 to index
    %get3A_198 = arith.constant 32 : index
    %get3A_199 = tpu.vector_load %arg10[%get3A_197, %get3A_198] {strides = array<i32>} : memref<10x128xi32, #tpu.memory_space<vmem>>, vector<16xi32>,
    %shift_right_logical3A_200 = arith.constant 7 : i32
    %shift_right_logical3A_201 = vector.broadcast %shift_right_logical3A_200 : i32 to vector<16xi32>
    %shift_right_logical3A_202 = arith.shrui %get3A_199, %shift_right_logical3A_201 : vector<16xi32>
    %and3A_203 = arith.constant 127 : i32
    %and3A_204 = vector.broadcast %and3A_203 : i32 to vector<16xi32>
    %and3A_205 = arith.andi %get3A_199, %and3A_204 : vector<16xi32>
    tpu.vector_store_idx %arg15[%shift_right_logical3A_202, %and3A_205], %broadcast_in_dim3A_1 {add = true} : memref<80x128xf32, #tpu.memory_space<vmem>>[vector<16xi32>, vector<16xi32>], vector<16xf32>,
    %get3A_206 = arith.constant 9 : i32
    %get3A_207 = arith.index_cast %get3A_206 : i32 to index
    %get3A_208 = arith.constant 48 : index
    %get3A_209 = tpu.vector_load %arg10[%get3A_207, %get3A_208] {strides = array<i32>} : memref<10x128xi32, #tpu.memory_space<vmem>>, vector<16xi32>,
    %shift_right_logical3A_210 = arith.constant 7 : i32
    %shift_right_logical3A_211 = vector.broadcast %shift_right_logical3A_210 : i32 to vector<16xi32>
    %shift_right_logical3A_212 = arith.shrui %get3A_209, %shift_right_logical3A_211 : vector<16xi32>
    %and3A_213 = arith.constant 127 : i32
    %and3A_214 = vector.broadcast %and3A_213 : i32 to vector<16xi32>
    %and3A_215 = arith.andi %get3A_209, %and3A_214 : vector<16xi32>
    tpu.vector_store_idx %arg15[%shift_right_logical3A_212, %and3A_215], %broadcast_in_dim3A_1 {add = true} : memref<80x128xf32, #tpu.memory_space<vmem>>[vector<16xi32>, vector<16xi32>], vector<16xf32>,
    %get3A_216 = arith.constant 9 : i32
    %get3A_217 = arith.index_cast %get3A_216 : i32 to index
    %get3A_218 = arith.constant 64 : index
    %get3A_219 = tpu.vector_load %arg10[%get3A_217, %get3A_218] {strides = array<i32>} : memref<10x128xi32, #tpu.memory_space<vmem>>, vector<16xi32>,
    %shift_right_logical3A_220 = arith.constant 7 : i32
    %shift_right_logical3A_221 = vector.broadcast %shift_right_logical3A_220 : i32 to vector<16xi32>
    %shift_right_logical3A_222 = arith.shrui %get3A_219, %shift_right_logical3A_221 : vector<16xi32>
    %and3A_223 = arith.constant 127 : i32
    %and3A_224 = vector.broadcast %and3A_223 : i32 to vector<16xi32>
    %and3A_225 = arith.andi %get3A_219, %and3A_224 : vector<16xi32>
    tpu.vector_store_idx %arg15[%shift_right_logical3A_222, %and3A_225], %broadcast_in_dim3A_1 {add = true} : memref<80x128xf32, #tpu.memory_space<vmem>>[vector<16xi32>, vector<16xi32>], vector<16xf32>,
    %get3A_226 = arith.constant 9 : i32
    %get3A_227 = arith.index_cast %get3A_226 : i32 to index
    %get3A_228 = arith.constant 80 : index
    %get3A_229 = tpu.vector_load %arg10[%get3A_227, %get3A_228] {strides = array<i32>} : memref<10x128xi32, #tpu.memory_space<vmem>>, vector<16xi32>,
    %shift_right_logical3A_230 = arith.constant 7 : i32
    %shift_right_logical3A_231 = vector.broadcast %shift_right_logical3A_230 : i32 to vector<16xi32>
    %shift_right_logical3A_232 = arith.shrui %get3A_229, %shift_right_logical3A_231 : vector<16xi32>
    %and3A_233 = arith.constant 127 : i32
    %and3A_234 = vector.broadcast %and3A_233 : i32 to vector<16xi32>
    %and3A_235 = arith.andi %get3A_229, %and3A_234 : vector<16xi32>
    tpu.vector_store_idx %arg15[%shift_right_logical3A_232, %and3A_235], %broadcast_in_dim3A_1 {add = true} : memref<80x128xf32, #tpu.memory_space<vmem>>[vector<16xi32>, vector<16xi32>], vector<16xf32>,
    %get3A_236 = arith.constant 9 : i32
    %get3A_237 = arith.index_cast %get3A_236 : i32 to index
    %get3A_238 = arith.constant 96 : index
    %get3A_239 = tpu.vector_load %arg10[%get3A_237, %get3A_238] {strides = array<i32>} : memref<10x128xi32, #tpu.memory_space<vmem>>, vector<16xi32>,
    %shift_right_logical3A_240 = arith.constant 7 : i32
    %shift_right_logical3A_241 = vector.broadcast %shift_right_logical3A_240 : i32 to vector<16xi32>
    %shift_right_logical3A_242 = arith.shrui %get3A_239, %shift_right_logical3A_241 : vector<16xi32>
    %and3A_243 = arith.constant 127 : i32
    %and3A_244 = vector.broadcast %and3A_243 : i32 to vector<16xi32>
    %and3A_245 = arith.andi %get3A_239, %and3A_244 : vector<16xi32>
    tpu.vector_store_idx %arg15[%shift_right_logical3A_242, %and3A_245], %broadcast_in_dim3A_1 {add = true} : memref<80x128xf32, #tpu.memory_space<vmem>>[vector<16xi32>, vector<16xi32>], vector<16xf32>,
    %get3A_246 = arith.constant 9 : i32
    %get3A_247 = arith.index_cast %get3A_246 : i32 to index
    %get3A_248 = arith.constant 112 : index
    %get3A_249 = tpu.vector_load %arg10[%get3A_247, %get3A_248] {strides = array<i32>} : memref<10x128xi32, #tpu.memory_space<vmem>>, vector<16xi32>,
    %shift_right_logical3A_250 = arith.constant 7 : i32
    %shift_right_logical3A_251 = vector.broadcast %shift_right_logical3A_250 : i32 to vector<16xi32>
    %shift_right_logical3A_252 = arith.shrui %get3A_249, %shift_right_logical3A_251 : vector<16xi32>
    %and3A_253 = arith.constant 127 : i32
    %and3A_254 = vector.broadcast %and3A_253 : i32 to vector<16xi32>
    %and3A_255 = arith.andi %get3A_249, %and3A_254 : vector<16xi32>
    tpu.vector_store_idx %arg15[%shift_right_logical3A_252, %and3A_255], %broadcast_in_dim3A_1 {add = true} : memref<80x128xf32, #tpu.memory_space<vmem>>[vector<16xi32>, vector<16xi32>], vector<16xf32>,
    %dma_wait3A_256 = arith.constant 0 : i32
    %dma_wait3A_257 = arith.constant 0 : i32
    %dma_wait3A_258 = arith.constant 0 : i32
    %dma_wait3A_259 = tpu.memref_slice %arg3[%add3A, %dma_wait3A_256, %dma_wait3A_257, %dma_wait3A_258] : memref<32x8x10x128xi32, #tpu.memory_space<hbm>> -> memref<1x1x10x128xi32, #tpu.memory_space<hbm>>
    %dma_wait3A_260 = tpu.memref_squeeze %dma_wait3A_259 : memref<1x1x10x128xi32, #tpu.memory_space<hbm>> -> memref<10x128xi32, #tpu.memory_space<hbm>>
    %dma_wait3A_261 = arith.constant 0 : i32
    %dma_wait3A_262 = arith.constant 0 : i32
    %dma_wait3A_263 = tpu.memref_slice %arg3[%add3A, %dma_wait3A_256, %dma_wait3A_261, %dma_wait3A_262] : memref<32x8x10x128xi32, #tpu.memory_space<hbm>> -> memref<1x1x10x128xi32, #tpu.memory_space<hbm>>
    %dma_wait3A_264 = tpu.memref_squeeze %dma_wait3A_263 : memref<1x1x10x128xi32, #tpu.memory_space<hbm>> -> memref<10x128xi32, #tpu.memory_space<hbm>>
    tpu.wait_dma2 semaphore(%arg24 : memref<!tpu.dma_semaphore, #tpu.memory_space<semaphore_mem>>) src(%dma_wait3A_264 : memref<10x128xi32, #tpu.memory_space<hbm>>) dst(%arg9 : memref<10x128xi32, #tpu.memory_space<vmem>>)
    %dma_wait3A_265 = arith.constant 0 : i32
    %dma_wait3A_266 = arith.constant 0 : i32
    %dma_wait3A_267 = arith.constant 0 : i32
    %dma_wait3A_268 = tpu.memref_slice %arg4[%add3A, %dma_wait3A_265, %dma_wait3A_266, %dma_wait3A_267] : memref<32x8x10x128xi32, #tpu.memory_space<hbm>> -> memref<1x1x10x128xi32, #tpu.memory_space<hbm>>
    %dma_wait3A_269 = tpu.memref_squeeze %dma_wait3A_268 : memref<1x1x10x128xi32, #tpu.memory_space<hbm>> -> memref<10x128xi32, #tpu.memory_space<hbm>>
    %dma_wait3A_270 = arith.constant 0 : i32
    %dma_wait3A_271 = arith.constant 0 : i32
    %dma_wait3A_272 = tpu.memref_slice %arg4[%add3A, %dma_wait3A_265, %dma_wait3A_270, %dma_wait3A_271] : memref<32x8x10x128xi32, #tpu.memory_space<hbm>> -> memref<1x1x10x128xi32, #tpu.memory_space<hbm>>
    %dma_wait3A_273 = tpu.memref_squeeze %dma_wait3A_272 : memref<1x1x10x128xi32, #tpu.memory_space<hbm>> -> memref<10x128xi32, #tpu.memory_space<hbm>>
    tpu.wait_dma2 semaphore(%arg24 : memref<!tpu.dma_semaphore, #tpu.memory_space<semaphore_mem>>) src(%dma_wait3A_273 : memref<10x128xi32, #tpu.memory_space<hbm>>) dst(%arg10 : memref<10x128xi32, #tpu.memory_space<vmem>>)
    %dma_wait3A_274 = arith.constant 0 : i32
    %dma_wait3A_275 = arith.constant 0 : i32
    %dma_wait3A_276 = tpu.memref_slice %arg10[%dma_wait3A_274, %dma_wait3A_275] : memref<10x128xi32, #tpu.memory_space<vmem>> -> memref<1x128xi32, #tpu.memory_space<vmem>>
    %dma_wait3A_277 = tpu.memref_squeeze %dma_wait3A_276 : memref<1x128xi32, #tpu.memory_space<vmem>> -> memref<128xi32, #tpu.memory_space<vmem>>
    %dma_wait3A_278 = arith.constant 0 : i32
    %dma_wait3A_279 = arith.constant 0 : i32
    %dma_wait3A_280 = tpu.memref_slice %arg17[%dma_wait3A_278, %dma_wait3A_279] : memref<10240x128xf32, #tpu.memory_space<vmem_shared>> -> memref<10240x128xf32, #tpu.memory_space<vmem_shared>>
    tpu.wait_indirect_dma semaphore(%arg21 : memref<!tpu.dma_semaphore, #tpu.memory_space<semaphore_mem>>) src(%arg13 : memref<128x128xf32, #tpu.memory_space<vmem>>) dst(%dma_wait3A_280 : memref<10240x128xf32, #tpu.memory_space<vmem_shared>>)
    %dma_start3A_281 = arith.constant 0 : i32
    %dma_start3A_282 = arith.constant 0 : i32
    %dma_start3A_283 = tpu.memref_slice %arg11[%dma_start3A_281, %dma_start3A_282] : memref<10x128xi32, #tpu.memory_space<vmem>> -> memref<1x128xi32, #tpu.memory_space<vmem>>
    %dma_start3A_284 = tpu.memref_squeeze %dma_start3A_283 : memref<1x128xi32, #tpu.memory_space<vmem>> -> memref<128xi32, #tpu.memory_space<vmem>>
    %dma_start3A_285 = arith.constant 0 : i32
    %dma_start3A_286 = arith.constant 0 : i32
    %dma_start3A_287 = tpu.memref_slice %arg2[%dma_start3A_285, %dma_start3A_286] : memref<10000x128xf32, #tpu.memory_space<hbm>> -> memref<10000x128xf32, #tpu.memory_space<hbm>>
    tpu.enqueue_indirect_dma source(%dma_start3A_287 : memref<10000x128xf32, #tpu.memory_space<hbm>>) target(%arg13 : memref<128x128xf32, #tpu.memory_space<vmem>>) offsets(%dma_start3A_284 : memref<128xi32, #tpu.memory_space<vmem>>) semaphore(%arg19 : memref<!tpu.dma_semaphore, #tpu.memory_space<semaphore_mem>>)
    %dma_wait3A_288 = arith.constant 0 : i32
    %dma_wait3A_289 = arith.constant 0 : i32
    %dma_wait3A_290 = tpu.memref_slice %arg10[%dma_wait3A_288, %dma_wait3A_289] : memref<10x128xi32, #tpu.memory_space<vmem>> -> memref<1x128xi32, #tpu.memory_space<vmem>>
    %dma_wait3A_291 = tpu.memref_squeeze %dma_wait3A_290 : memref<1x128xi32, #tpu.memory_space<vmem>> -> memref<128xi32, #tpu.memory_space<vmem>>
    %dma_wait3A_292 = arith.constant 0 : i32
    %dma_wait3A_293 = arith.constant 0 : i32
    %dma_wait3A_294 = tpu.memref_slice %arg17[%dma_wait3A_292, %dma_wait3A_293] : memref<10240x128xf32, #tpu.memory_space<vmem_shared>> -> memref<10240x128xf32, #tpu.memory_space<vmem_shared>>
    tpu.wait_indirect_dma semaphore(%arg22 : memref<!tpu.dma_semaphore, #tpu.memory_space<semaphore_mem>>) src(%arg14 : memref<128x128xf32, #tpu.memory_space<vmem>>) dst(%dma_wait3A_294 : memref<10240x128xf32, #tpu.memory_space<vmem_shared>>)
    %dma_start3A_295 = arith.constant 1 : i32
    %dma_start3A_296 = arith.constant 0 : i32
    %dma_start3A_297 = tpu.memref_slice %arg11[%dma_start3A_295, %dma_start3A_296] : memref<10x128xi32, #tpu.memory_space<vmem>> -> memref<1x128xi32, #tpu.memory_space<vmem>>
    %dma_start3A_298 = tpu.memref_squeeze %dma_start3A_297 : memref<1x128xi32, #tpu.memory_space<vmem>> -> memref<128xi32, #tpu.memory_space<vmem>>
    %dma_start3A_299 = arith.constant 0 : i32
    %dma_start3A_300 = arith.constant 0 : i32
    %dma_start3A_301 = tpu.memref_slice %arg2[%dma_start3A_299, %dma_start3A_300] : memref<10000x128xf32, #tpu.memory_space<hbm>> -> memref<10000x128xf32, #tpu.memory_space<hbm>>
    tpu.enqueue_indirect_dma source(%dma_start3A_301 : memref<10000x128xf32, #tpu.memory_space<hbm>>) target(%arg14 : memref<128x128xf32, #tpu.memory_space<vmem>>) offsets(%dma_start3A_298 : memref<128xi32, #tpu.memory_space<vmem>>) semaphore(%arg20 : memref<!tpu.dma_semaphore, #tpu.memory_space<semaphore_mem>>)
    %dma_start3A_302 = arith.constant 2 : i32
    %dma_start3A_303 = arith.constant 0 : i32
    %dma_start3A_304 = arith.constant 0 : i32
    %dma_start3A_305 = tpu.memref_slice %arg3[%add3A, %dma_start3A_302, %dma_start3A_303, %dma_start3A_304] : memref<32x8x10x128xi32, #tpu.memory_space<hbm>> -> memref<1x1x10x128xi32, #tpu.memory_space<hbm>>
    %dma_start3A_306 = tpu.memref_squeeze %dma_start3A_305 : memref<1x1x10x128xi32, #tpu.memory_space<hbm>> -> memref<10x128xi32, #tpu.memory_space<hbm>>
    %dma_start3A_307 = arith.constant 0 : i32
    %dma_start3A_308 = arith.constant 0 : i32
    %dma_start3A_309 = tpu.memref_slice %arg3[%add3A, %dma_start3A_302, %dma_start3A_307, %dma_start3A_308] : memref<32x8x10x128xi32, #tpu.memory_space<hbm>> -> memref<1x1x10x128xi32, #tpu.memory_space<hbm>>
    %dma_start3A_310 = tpu.memref_squeeze %dma_start3A_309 : memref<1x1x10x128xi32, #tpu.memory_space<hbm>> -> memref<10x128xi32, #tpu.memory_space<hbm>>
    tpu.enqueue_dma source(%dma_start3A_310 : memref<10x128xi32, #tpu.memory_space<hbm>>) target(%arg9 : memref<10x128xi32, #tpu.memory_space<vmem>>) target_semaphore(%arg24 : memref<!tpu.dma_semaphore, #tpu.memory_space<semaphore_mem>>)
    %dma_start3A_311 = arith.constant 2 : i32
    %dma_start3A_312 = arith.constant 0 : i32
    %dma_start3A_313 = arith.constant 0 : i32
    %dma_start3A_314 = tpu.memref_slice %arg4[%add3A, %dma_start3A_311, %dma_start3A_312, %dma_start3A_313] : memref<32x8x10x128xi32, #tpu.memory_space<hbm>> -> memref<1x1x10x128xi32, #tpu.memory_space<hbm>>
    %dma_start3A_315 = tpu.memref_squeeze %dma_start3A_314 : memref<1x1x10x128xi32, #tpu.memory_space<hbm>> -> memref<10x128xi32, #tpu.memory_space<hbm>>
    %dma_start3A_316 = arith.constant 0 : i32
    %dma_start3A_317 = arith.constant 0 : i32
    %dma_start3A_318 = tpu.memref_slice %arg4[%add3A, %dma_start3A_311, %dma_start3A_316, %dma_start3A_317] : memref<32x8x10x128xi32, #tpu.memory_space<hbm>> -> memref<1x1x10x128xi32, #tpu.memory_space<hbm>>
    %dma_start3A_319 = tpu.memref_squeeze %dma_start3A_318 : memref<1x1x10x128xi32, #tpu.memory_space<hbm>> -> memref<10x128xi32, #tpu.memory_space<hbm>>
    tpu.enqueue_dma source(%dma_start3A_319 : memref<10x128xi32, #tpu.memory_space<hbm>>) target(%arg10 : memref<10x128xi32, #tpu.memory_space<vmem>>) target_semaphore(%arg24 : memref<!tpu.dma_semaphore, #tpu.memory_space<semaphore_mem>>)
    %scan3A_320 = arith.constant 0 : i32
    %scan3A_321 = arith.constant 4 : i32
    %scan3A_322 = arith.addi %scan3A_320, %scan3A_321 : i32
    %scan3A_323 = arith.constant 1 : i32
    scf.for %scan3A_2053 = %scan3A_320 to %scan3A_322 step %scan3A_323  : i32 {
      %mul3A_2054 = arith.constant 2 : i32
      %mul3A_2055 = arith.muli %scan3A_2053, %mul3A_2054 : i32
      %add3A_2056 = arith.constant 0 : i32
      %add3A_2057 = arith.addi %add3A_2056, %mul3A_2055 : i32
      %dma_wait3A_2058 = arith.constant 0 : i32
      %dma_wait3A_2059 = arith.constant 0 : i32
      %dma_wait3A_2060 = tpu.memref_slice %arg9[%dma_wait3A_2058, %dma_wait3A_2059] : memref<10x128xi32, #tpu.memory_space<vmem>> -> memref<1x128xi32, #tpu.memory_space<vmem>>
      %dma_wait3A_2061 = tpu.memref_squeeze %dma_wait3A_2060 : memref<1x128xi32, #tpu.memory_space<vmem>> -> memref<128xi32, #tpu.memory_space<vmem>>
      %dma_wait3A_2062 = arith.constant 0 : i32
      %dma_wait3A_2063 = arith.constant 0 : i32
      %dma_wait3A_2064 = tpu.memref_slice %arg2[%dma_wait3A_2062, %dma_wait3A_2063] : memref<10000x128xf32, #tpu.memory_space<hbm>> -> memref<10000x128xf32, #tpu.memory_space<hbm>>
      tpu.wait_indirect_dma semaphore(%arg19 : memref<!tpu.dma_semaphore, #tpu.memory_space<semaphore_mem>>) src(%dma_wait3A_2064 : memref<10000x128xf32, #tpu.memory_space<hbm>>) dst(%arg13 : memref<128x128xf32, #tpu.memory_space<vmem>>)
      %dma_start3A_2065 = arith.constant 0 : i32
      %dma_start3A_2066 = tpu.memref_slice %arg12[%add3A_2057, %dma_start3A_2065] : memref<10x128xi32, #tpu.memory_space<vmem>> -> memref<1x128xi32, #tpu.memory_space<vmem>>
      %dma_start3A_2067 = tpu.memref_squeeze %dma_start3A_2066 : memref<1x128xi32, #tpu.memory_space<vmem>> -> memref<128xi32, #tpu.memory_space<vmem>>
      %dma_start3A_2068 = arith.constant 0 : i32
      %dma_start3A_2069 = arith.constant 0 : i32
      %dma_start3A_2070 = tpu.memref_slice %arg17[%dma_start3A_2068, %dma_start3A_2069] : memref<10240x128xf32, #tpu.memory_space<vmem_shared>> -> memref<10240x128xf32, #tpu.memory_space<vmem_shared>>
      tpu.enqueue_indirect_dma source(%arg13 : memref<128x128xf32, #tpu.memory_space<vmem>>) target(%dma_start3A_2070 : memref<10240x128xf32, #tpu.memory_space<vmem_shared>>) offsets(%dma_start3A_2067 : memref<128xi32, #tpu.memory_space<vmem>>) semaphore(%arg21 : memref<!tpu.dma_semaphore, #tpu.memory_space<semaphore_mem>>) {add = true}
      %get3A_2071 = arith.index_cast %add3A_2057 : i32 to index
      %get3A_2072 = arith.constant 0 : index
      %get3A_2073 = tpu.vector_load %arg12[%get3A_2071, %get3A_2072] {strides = array<i32>} : memref<10x128xi32, #tpu.memory_space<vmem>>, vector<16xi32>,
      %shift_right_logical3A_2074 = arith.constant 7 : i32
      %shift_right_logical3A_2075 = vector.broadcast %shift_right_logical3A_2074 : i32 to vector<16xi32>
      %shift_right_logical3A_2076 = arith.shrui %get3A_2073, %shift_right_logical3A_2075 : vector<16xi32>
      %and3A_2077 = arith.constant 127 : i32
      %and3A_2078 = vector.broadcast %and3A_2077 : i32 to vector<16xi32>
      %and3A_2079 = arith.andi %get3A_2073, %and3A_2078 : vector<16xi32>
      tpu.vector_store_idx %arg15[%shift_right_logical3A_2076, %and3A_2079], %broadcast_in_dim3A_1 {add = true} : memref<80x128xf32, #tpu.memory_space<vmem>>[vector<16xi32>, vector<16xi32>], vector<16xf32>,
      %get3A_2080 = arith.index_cast %add3A_2057 : i32 to index
      %get3A_2081 = arith.constant 16 : index
      %get3A_2082 = tpu.vector_load %arg12[%get3A_2080, %get3A_2081] {strides = array<i32>} : memref<10x128xi32, #tpu.memory_space<vmem>>, vector<16xi32>,
      %shift_right_logical3A_2083 = arith.constant 7 : i32
      %shift_right_logical3A_2084 = vector.broadcast %shift_right_logical3A_2083 : i32 to vector<16xi32>
      %shift_right_logical3A_2085 = arith.shrui %get3A_2082, %shift_right_logical3A_2084 : vector<16xi32>
      %and3A_2086 = arith.constant 127 : i32
      %and3A_2087 = vector.broadcast %and3A_2086 : i32 to vector<16xi32>
      %and3A_2088 = arith.andi %get3A_2082, %and3A_2087 : vector<16xi32>
      tpu.vector_store_idx %arg15[%shift_right_logical3A_2085, %and3A_2088], %broadcast_in_dim3A_1 {add = true} : memref<80x128xf32, #tpu.memory_space<vmem>>[vector<16xi32>, vector<16xi32>], vector<16xf32>,
      %get3A_2089 = arith.index_cast %add3A_2057 : i32 to index
      %get3A_2090 = arith.constant 32 : index
      %get3A_2091 = tpu.vector_load %arg12[%get3A_2089, %get3A_2090] {strides = array<i32>} : memref<10x128xi32, #tpu.memory_space<vmem>>, vector<16xi32>,
      %shift_right_logical3A_2092 = arith.constant 7 : i32
      %shift_right_logical3A_2093 = vector.broadcast %shift_right_logical3A_2092 : i32 to vector<16xi32>
      %shift_right_logical3A_2094 = arith.shrui %get3A_2091, %shift_right_logical3A_2093 : vector<16xi32>
      %and3A_2095 = arith.constant 127 : i32
      %and3A_2096 = vector.broadcast %and3A_2095 : i32 to vector<16xi32>
      %and3A_2097 = arith.andi %get3A_2091, %and3A_2096 : vector<16xi32>
      tpu.vector_store_idx %arg15[%shift_right_logical3A_2094, %and3A_2097], %broadcast_in_dim3A_1 {add = true} : memref<80x128xf32, #tpu.memory_space<vmem>>[vector<16xi32>, vector<16xi32>], vector<16xf32>,
      %get3A_2098 = arith.index_cast %add3A_2057 : i32 to index
      %get3A_2099 = arith.constant 48 : index
      %get3A_2100 = tpu.vector_load %arg12[%get3A_2098, %get3A_2099] {strides = array<i32>} : memref<10x128xi32, #tpu.memory_space<vmem>>, vector<16xi32>,
      %shift_right_logical3A_2101 = arith.constant 7 : i32
      %shift_right_logical3A_2102 = vector.broadcast %shift_right_logical3A_2101 : i32 to vector<16xi32>
      %shift_right_logical3A_2103 = arith.shrui %get3A_2100, %shift_right_logical3A_2102 : vector<16xi32>
      %and3A_2104 = arith.constant 127 : i32
      %and3A_2105 = vector.broadcast %and3A_2104 : i32 to vector<16xi32>
      %and3A_2106 = arith.andi %get3A_2100, %and3A_2105 : vector<16xi32>
      tpu.vector_store_idx %arg15[%shift_right_logical3A_2103, %and3A_2106], %broadcast_in_dim3A_1 {add = true} : memref<80x128xf32, #tpu.memory_space<vmem>>[vector<16xi32>, vector<16xi32>], vector<16xf32>,
      %get3A_2107 = arith.index_cast %add3A_2057 : i32 to index
      %get3A_2108 = arith.constant 64 : index
      %get3A_2109 = tpu.vector_load %arg12[%get3A_2107, %get3A_2108] {strides = array<i32>} : memref<10x128xi32, #tpu.memory_space<vmem>>, vector<16xi32>,
      %shift_right_logical3A_2110 = arith.constant 7 : i32
      %shift_right_logical3A_2111 = vector.broadcast %shift_right_logical3A_2110 : i32 to vector<16xi32>
      %shift_right_logical3A_2112 = arith.shrui %get3A_2109, %shift_right_logical3A_2111 : vector<16xi32>
      %and3A_2113 = arith.constant 127 : i32
      %and3A_2114 = vector.broadcast %and3A_2113 : i32 to vector<16xi32>
      %and3A_2115 = arith.andi %get3A_2109, %and3A_2114 : vector<16xi32>
      tpu.vector_store_idx %arg15[%shift_right_logical3A_2112, %and3A_2115], %broadcast_in_dim3A_1 {add = true} : memref<80x128xf32, #tpu.memory_space<vmem>>[vector<16xi32>, vector<16xi32>], vector<16xf32>,
      %get3A_2116 = arith.index_cast %add3A_2057 : i32 to index
      %get3A_2117 = arith.constant 80 : index
      %get3A_2118 = tpu.vector_load %arg12[%get3A_2116, %get3A_2117] {strides = array<i32>} : memref<10x128xi32, #tpu.memory_space<vmem>>, vector<16xi32>,
      %shift_right_logical3A_2119 = arith.constant 7 : i32
      %shift_right_logical3A_2120 = vector.broadcast %shift_right_logical3A_2119 : i32 to vector<16xi32>
      %shift_right_logical3A_2121 = arith.shrui %get3A_2118, %shift_right_logical3A_2120 : vector<16xi32>
      %and3A_2122 = arith.constant 127 : i32
      %and3A_2123 = vector.broadcast %and3A_2122 : i32 to vector<16xi32>
      %and3A_2124 = arith.andi %get3A_2118, %and3A_2123 : vector<16xi32>
      tpu.vector_store_idx %arg15[%shift_right_logical3A_2121, %and3A_2124], %broadcast_in_dim3A_1 {add = true} : memref<80x128xf32, #tpu.memory_space<vmem>>[vector<16xi32>, vector<16xi32>], vector<16xf32>,
      %get3A_2125 = arith.index_cast %add3A_2057 : i32 to index
      %get3A_2126 = arith.constant 96 : index
      %get3A_2127 = tpu.vector_load %arg12[%get3A_2125, %get3A_2126] {strides = array<i32>} : memref<10x128xi32, #tpu.memory_space<vmem>>, vector<16xi32>,
      %shift_right_logical3A_2128 = arith.constant 7 : i32
      %shift_right_logical3A_2129 = vector.broadcast %shift_right_logical3A_2128 : i32 to vector<16xi32>
      %shift_right_logical3A_2130 = arith.shrui %get3A_2127, %shift_right_logical3A_2129 : vector<16xi32>
      %and3A_2131 = arith.constant 127 : i32
      %and3A_2132 = vector.broadcast %and3A_2131 : i32 to vector<16xi32>
      %and3A_2133 = arith.andi %get3A_2127, %and3A_2132 : vector<16xi32>
      tpu.vector_store_idx %arg15[%shift_right_logical3A_2130, %and3A_2133], %broadcast_in_dim3A_1 {add = true} : memref<80x128xf32, #tpu.memory_space<vmem>>[vector<16xi32>, vector<16xi32>], vector<16xf32>,
      %get3A_2134 = arith.index_cast %add3A_2057 : i32 to index
      %get3A_2135 = arith.constant 112 : index
      %get3A_2136 = tpu.vector_load %arg12[%get3A_2134, %get3A_2135] {strides = array<i32>} : memref<10x128xi32, #tpu.memory_space<vmem>>, vector<16xi32>,
      %shift_right_logical3A_2137 = arith.constant 7 : i32
      %shift_right_logical3A_2138 = vector.broadcast %shift_right_logical3A_2137 : i32 to vector<16xi32>
      %shift_right_logical3A_2139 = arith.shrui %get3A_2136, %shift_right_logical3A_2138 : vector<16xi32>
      %and3A_2140 = arith.constant 127 : i32
      %and3A_2141 = vector.broadcast %and3A_2140 : i32 to vector<16xi32>
      %and3A_2142 = arith.andi %get3A_2136, %and3A_2141 : vector<16xi32>
      tpu.vector_store_idx %arg15[%shift_right_logical3A_2139, %and3A_2142], %broadcast_in_dim3A_1 {add = true} : memref<80x128xf32, #tpu.memory_space<vmem>>[vector<16xi32>, vector<16xi32>], vector<16xf32>,
      %dma_wait3A_2143 = arith.constant 0 : i32
      %dma_wait3A_2144 = arith.constant 0 : i32
      %dma_wait3A_2145 = tpu.memref_slice %arg9[%dma_wait3A_2143, %dma_wait3A_2144] : memref<10x128xi32, #tpu.memory_space<vmem>> -> memref<1x128xi32, #tpu.memory_space<vmem>>
      %dma_wait3A_2146 = tpu.memref_squeeze %dma_wait3A_2145 : memref<1x128xi32, #tpu.memory_space<vmem>> -> memref<128xi32, #tpu.memory_space<vmem>>
      %dma_wait3A_2147 = arith.constant 0 : i32
      %dma_wait3A_2148 = arith.constant 0 : i32
      %dma_wait3A_2149 = tpu.memref_slice %arg2[%dma_wait3A_2147, %dma_wait3A_2148] : memref<10000x128xf32, #tpu.memory_space<hbm>> -> memref<10000x128xf32, #tpu.memory_space<hbm>>
      tpu.wait_indirect_dma semaphore(%arg20 : memref<!tpu.dma_semaphore, #tpu.memory_space<semaphore_mem>>) src(%dma_wait3A_2149 : memref<10000x128xf32, #tpu.memory_space<hbm>>) dst(%arg14 : memref<128x128xf32, #tpu.memory_space<vmem>>)
      %add3A_2150 = arith.constant 1 : i32
      %add3A_2151 = arith.addi %add3A_2057, %add3A_2150 : i32
      %dma_start3A_2152 = arith.constant 0 : i32
      %dma_start3A_2153 = tpu.memref_slice %arg12[%add3A_2151, %dma_start3A_2152] : memref<10x128xi32, #tpu.memory_space<vmem>> -> memref<1x128xi32, #tpu.memory_space<vmem>>
      %dma_start3A_2154 = tpu.memref_squeeze %dma_start3A_2153 : memref<1x128xi32, #tpu.memory_space<vmem>> -> memref<128xi32, #tpu.memory_space<vmem>>
      %dma_start3A_2155 = arith.constant 0 : i32
      %dma_start3A_2156 = arith.constant 0 : i32
      %dma_start3A_2157 = tpu.memref_slice %arg17[%dma_start3A_2155, %dma_start3A_2156] : memref<10240x128xf32, #tpu.memory_space<vmem_shared>> -> memref<10240x128xf32, #tpu.memory_space<vmem_shared>>
      tpu.enqueue_indirect_dma source(%arg14 : memref<128x128xf32, #tpu.memory_space<vmem>>) target(%dma_start3A_2157 : memref<10240x128xf32, #tpu.memory_space<vmem_shared>>) offsets(%dma_start3A_2154 : memref<128xi32, #tpu.memory_space<vmem>>) semaphore(%arg22 : memref<!tpu.dma_semaphore, #tpu.memory_space<semaphore_mem>>) {add = true}
      %add3A_2158 = arith.constant 1 : i32
      %add3A_2159 = arith.addi %add3A_2057, %add3A_2158 : i32
      %get3A_2160 = arith.index_cast %add3A_2159 : i32 to index
      %get3A_2161 = arith.constant 0 : index
      %get3A_2162 = tpu.vector_load %arg12[%get3A_2160, %get3A_2161] {strides = array<i32>} : memref<10x128xi32, #tpu.memory_space<vmem>>, vector<16xi32>,
      %shift_right_logical3A_2163 = arith.constant 7 : i32
      %shift_right_logical3A_2164 = vector.broadcast %shift_right_logical3A_2163 : i32 to vector<16xi32>
      %shift_right_logical3A_2165 = arith.shrui %get3A_2162, %shift_right_logical3A_2164 : vector<16xi32>
      %and3A_2166 = arith.constant 127 : i32
      %and3A_2167 = vector.broadcast %and3A_2166 : i32 to vector<16xi32>
      %and3A_2168 = arith.andi %get3A_2162, %and3A_2167 : vector<16xi32>
      tpu.vector_store_idx %arg15[%shift_right_logical3A_2165, %and3A_2168], %broadcast_in_dim3A_1 {add = true} : memref<80x128xf32, #tpu.memory_space<vmem>>[vector<16xi32>, vector<16xi32>], vector<16xf32>,
      %get3A_2169 = arith.index_cast %add3A_2159 : i32 to index
      %get3A_2170 = arith.constant 16 : index
      %get3A_2171 = tpu.vector_load %arg12[%get3A_2169, %get3A_2170] {strides = array<i32>} : memref<10x128xi32, #tpu.memory_space<vmem>>, vector<16xi32>,
      %shift_right_logical3A_2172 = arith.constant 7 : i32
      %shift_right_logical3A_2173 = vector.broadcast %shift_right_logical3A_2172 : i32 to vector<16xi32>
      %shift_right_logical3A_2174 = arith.shrui %get3A_2171, %shift_right_logical3A_2173 : vector<16xi32>
      %and3A_2175 = arith.constant 127 : i32
      %and3A_2176 = vector.broadcast %and3A_2175 : i32 to vector<16xi32>
      %and3A_2177 = arith.andi %get3A_2171, %and3A_2176 : vector<16xi32>
      tpu.vector_store_idx %arg15[%shift_right_logical3A_2174, %and3A_2177], %broadcast_in_dim3A_1 {add = true} : memref<80x128xf32, #tpu.memory_space<vmem>>[vector<16xi32>, vector<16xi32>], vector<16xf32>,
      %get3A_2178 = arith.index_cast %add3A_2159 : i32 to index
      %get3A_2179 = arith.constant 32 : index
      %get3A_2180 = tpu.vector_load %arg12[%get3A_2178, %get3A_2179] {strides = array<i32>} : memref<10x128xi32, #tpu.memory_space<vmem>>, vector<16xi32>,
      %shift_right_logical3A_2181 = arith.constant 7 : i32
      %shift_right_logical3A_2182 = vector.broadcast %shift_right_logical3A_2181 : i32 to vector<16xi32>
      %shift_right_logical3A_2183 = arith.shrui %get3A_2180, %shift_right_logical3A_2182 : vector<16xi32>
      %and3A_2184 = arith.constant 127 : i32
      %and3A_2185 = vector.broadcast %and3A_2184 : i32 to vector<16xi32>
      %and3A_2186 = arith.andi %get3A_2180, %and3A_2185 : vector<16xi32>
      tpu.vector_store_idx %arg15[%shift_right_logical3A_2183, %and3A_2186], %broadcast_in_dim3A_1 {add = true} : memref<80x128xf32, #tpu.memory_space<vmem>>[vector<16xi32>, vector<16xi32>], vector<16xf32>,
      %get3A_2187 = arith.index_cast %add3A_2159 : i32 to index
      %get3A_2188 = arith.constant 48 : index
      %get3A_2189 = tpu.vector_load %arg12[%get3A_2187, %get3A_2188] {strides = array<i32>} : memref<10x128xi32, #tpu.memory_space<vmem>>, vector<16xi32>,
      %shift_right_logical3A_2190 = arith.constant 7 : i32
      %shift_right_logical3A_2191 = vector.broadcast %shift_right_logical3A_2190 : i32 to vector<16xi32>
      %shift_right_logical3A_2192 = arith.shrui %get3A_2189, %shift_right_logical3A_2191 : vector<16xi32>
      %and3A_2193 = arith.constant 127 : i32
      %and3A_2194 = vector.broadcast %and3A_2193 : i32 to vector<16xi32>
      %and3A_2195 = arith.andi %get3A_2189, %and3A_2194 : vector<16xi32>
      tpu.vector_store_idx %arg15[%shift_right_logical3A_2192, %and3A_2195], %broadcast_in_dim3A_1 {add = true} : memref<80x128xf32, #tpu.memory_space<vmem>>[vector<16xi32>, vector<16xi32>], vector<16xf32>,
      %get3A_2196 = arith.index_cast %add3A_2159 : i32 to index
      %get3A_2197 = arith.constant 64 : index
      %get3A_2198 = tpu.vector_load %arg12[%get3A_2196, %get3A_2197] {strides = array<i32>} : memref<10x128xi32, #tpu.memory_space<vmem>>, vector<16xi32>,
      %shift_right_logical3A_2199 = arith.constant 7 : i32
      %shift_right_logical3A_2200 = vector.broadcast %shift_right_logical3A_2199 : i32 to vector<16xi32>
      %shift_right_logical3A_2201 = arith.shrui %get3A_2198, %shift_right_logical3A_2200 : vector<16xi32>
      %and3A_2202 = arith.constant 127 : i32
      %and3A_2203 = vector.broadcast %and3A_2202 : i32 to vector<16xi32>
      %and3A_2204 = arith.andi %get3A_2198, %and3A_2203 : vector<16xi32>
      tpu.vector_store_idx %arg15[%shift_right_logical3A_2201, %and3A_2204], %broadcast_in_dim3A_1 {add = true} : memref<80x128xf32, #tpu.memory_space<vmem>>[vector<16xi32>, vector<16xi32>], vector<16xf32>,
      %get3A_2205 = arith.index_cast %add3A_2159 : i32 to index
      %get3A_2206 = arith.constant 80 : index
      %get3A_2207 = tpu.vector_load %arg12[%get3A_2205, %get3A_2206] {strides = array<i32>} : memref<10x128xi32, #tpu.memory_space<vmem>>, vector<16xi32>,
      %shift_right_logical3A_2208 = arith.constant 7 : i32
      %shift_right_logical3A_2209 = vector.broadcast %shift_right_logical3A_2208 : i32 to vector<16xi32>
      %shift_right_logical3A_2210 = arith.shrui %get3A_2207, %shift_right_logical3A_2209 : vector<16xi32>
      %and3A_2211 = arith.constant 127 : i32
      %and3A_2212 = vector.broadcast %and3A_2211 : i32 to vector<16xi32>
      %and3A_2213 = arith.andi %get3A_2207, %and3A_2212 : vector<16xi32>
      tpu.vector_store_idx %arg15[%shift_right_logical3A_2210, %and3A_2213], %broadcast_in_dim3A_1 {add = true} : memref<80x128xf32, #tpu.memory_space<vmem>>[vector<16xi32>, vector<16xi32>], vector<16xf32>,
      %get3A_2214 = arith.index_cast %add3A_2159 : i32 to index
      %get3A_2215 = arith.constant 96 : index
      %get3A_2216 = tpu.vector_load %arg12[%get3A_2214, %get3A_2215] {strides = array<i32>} : memref<10x128xi32, #tpu.memory_space<vmem>>, vector<16xi32>,
      %shift_right_logical3A_2217 = arith.constant 7 : i32
      %shift_right_logical3A_2218 = vector.broadcast %shift_right_logical3A_2217 : i32 to vector<16xi32>
      %shift_right_logical3A_2219 = arith.shrui %get3A_2216, %shift_right_logical3A_2218 : vector<16xi32>
      %and3A_2220 = arith.constant 127 : i32
      %and3A_2221 = vector.broadcast %and3A_2220 : i32 to vector<16xi32>
      %and3A_2222 = arith.andi %get3A_2216, %and3A_2221 : vector<16xi32>
      tpu.vector_store_idx %arg15[%shift_right_logical3A_2219, %and3A_2222], %broadcast_in_dim3A_1 {add = true} : memref<80x128xf32, #tpu.memory_space<vmem>>[vector<16xi32>, vector<16xi32>], vector<16xf32>,
      %get3A_2223 = arith.index_cast %add3A_2159 : i32 to index
      %get3A_2224 = arith.constant 112 : index
      %get3A_2225 = tpu.vector_load %arg12[%get3A_2223, %get3A_2224] {strides = array<i32>} : memref<10x128xi32, #tpu.memory_space<vmem>>, vector<16xi32>,
      %shift_right_logical3A_2226 = arith.constant 7 : i32
      %shift_right_logical3A_2227 = vector.broadcast %shift_right_logical3A_2226 : i32 to vector<16xi32>
      %shift_right_logical3A_2228 = arith.shrui %get3A_2225, %shift_right_logical3A_2227 : vector<16xi32>
      %and3A_2229 = arith.constant 127 : i32
      %and3A_2230 = vector.broadcast %and3A_2229 : i32 to vector<16xi32>
      %and3A_2231 = arith.andi %get3A_2225, %and3A_2230 : vector<16xi32>
      tpu.vector_store_idx %arg15[%shift_right_logical3A_2228, %and3A_2231], %broadcast_in_dim3A_1 {add = true} : memref<80x128xf32, #tpu.memory_space<vmem>>[vector<16xi32>, vector<16xi32>], vector<16xf32>,
      %dma_wait3A_2232 = arith.constant 0 : i32
      %dma_wait3A_2233 = arith.constant 0 : i32
      %dma_wait3A_2234 = tpu.memref_slice %arg10[%dma_wait3A_2232, %dma_wait3A_2233] : memref<10x128xi32, #tpu.memory_space<vmem>> -> memref<1x128xi32, #tpu.memory_space<vmem>>
      %dma_wait3A_2235 = tpu.memref_squeeze %dma_wait3A_2234 : memref<1x128xi32, #tpu.memory_space<vmem>> -> memref<128xi32, #tpu.memory_space<vmem>>
      %dma_wait3A_2236 = arith.constant 0 : i32
      %dma_wait3A_2237 = arith.constant 0 : i32
      %dma_wait3A_2238 = tpu.memref_slice %arg17[%dma_wait3A_2236, %dma_wait3A_2237] : memref<10240x128xf32, #tpu.memory_space<vmem_shared>> -> memref<10240x128xf32, #tpu.memory_space<vmem_shared>>
      tpu.wait_indirect_dma semaphore(%arg21 : memref<!tpu.dma_semaphore, #tpu.memory_space<semaphore_mem>>) src(%arg13 : memref<128x128xf32, #tpu.memory_space<vmem>>) dst(%dma_wait3A_2238 : memref<10240x128xf32, #tpu.memory_space<vmem_shared>>)
      %add3A_2239 = arith.constant 2 : i32
      %add3A_2240 = arith.addi %add3A_2057, %add3A_2239 : i32
      %dma_start3A_2241 = arith.constant 0 : i32
      %dma_start3A_2242 = tpu.memref_slice %arg11[%add3A_2240, %dma_start3A_2241] : memref<10x128xi32, #tpu.memory_space<vmem>> -> memref<1x128xi32, #tpu.memory_space<vmem>>
      %dma_start3A_2243 = tpu.memref_squeeze %dma_start3A_2242 : memref<1x128xi32, #tpu.memory_space<vmem>> -> memref<128xi32, #tpu.memory_space<vmem>>
      %dma_start3A_2244 = arith.constant 0 : i32
      %dma_start3A_2245 = arith.constant 0 : i32
      %dma_start3A_2246 = tpu.memref_slice %arg2[%dma_start3A_2244, %dma_start3A_2245] : memref<10000x128xf32, #tpu.memory_space<hbm>> -> memref<10000x128xf32, #tpu.memory_space<hbm>>
      tpu.enqueue_indirect_dma source(%dma_start3A_2246 : memref<10000x128xf32, #tpu.memory_space<hbm>>) target(%arg13 : memref<128x128xf32, #tpu.memory_space<vmem>>) offsets(%dma_start3A_2243 : memref<128xi32, #tpu.memory_space<vmem>>) semaphore(%arg19 : memref<!tpu.dma_semaphore, #tpu.memory_space<semaphore_mem>>)
      %dma_wait3A_2247 = arith.constant 0 : i32
      %dma_wait3A_2248 = arith.constant 0 : i32
      %dma_wait3A_2249 = tpu.memref_slice %arg10[%dma_wait3A_2247, %dma_wait3A_2248] : memref<10x128xi32, #tpu.memory_space<vmem>> -> memref<1x128xi32, #tpu.memory_space<vmem>>
      %dma_wait3A_2250 = tpu.memref_squeeze %dma_wait3A_2249 : memref<1x128xi32, #tpu.memory_space<vmem>> -> memref<128xi32, #tpu.memory_space<vmem>>
      %dma_wait3A_2251 = arith.constant 0 : i32
      %dma_wait3A_2252 = arith.constant 0 : i32
      %dma_wait3A_2253 = tpu.memref_slice %arg17[%dma_wait3A_2251, %dma_wait3A_2252] : memref<10240x128xf32, #tpu.memory_space<vmem_shared>> -> memref<10240x128xf32, #tpu.memory_space<vmem_shared>>
      tpu.wait_indirect_dma semaphore(%arg22 : memref<!tpu.dma_semaphore, #tpu.memory_space<semaphore_mem>>) src(%arg14 : memref<128x128xf32, #tpu.memory_space<vmem>>) dst(%dma_wait3A_2253 : memref<10240x128xf32, #tpu.memory_space<vmem_shared>>)
      %add3A_2254 = arith.constant 3 : i32
      %add3A_2255 = arith.addi %add3A_2057, %add3A_2254 : i32
      %dma_start3A_2256 = arith.constant 0 : i32
      %dma_start3A_2257 = tpu.memref_slice %arg11[%add3A_2255, %dma_start3A_2256] : memref<10x128xi32, #tpu.memory_space<vmem>> -> memref<1x128xi32, #tpu.memory_space<vmem>>
      %dma_start3A_2258 = tpu.memref_squeeze %dma_start3A_2257 : memref<1x128xi32, #tpu.memory_space<vmem>> -> memref<128xi32, #tpu.memory_space<vmem>>
      %dma_start3A_2259 = arith.constant 0 : i32
      %dma_start3A_2260 = arith.constant 0 : i32
      %dma_start3A_2261 = tpu.memref_slice %arg2[%dma_start3A_2259, %dma_start3A_2260] : memref<10000x128xf32, #tpu.memory_space<hbm>> -> memref<10000x128xf32, #tpu.memory_space<hbm>>
      tpu.enqueue_indirect_dma source(%dma_start3A_2261 : memref<10000x128xf32, #tpu.memory_space<hbm>>) target(%arg14 : memref<128x128xf32, #tpu.memory_space<vmem>>) offsets(%dma_start3A_2258 : memref<128xi32, #tpu.memory_space<vmem>>) semaphore(%arg20 : memref<!tpu.dma_semaphore, #tpu.memory_space<semaphore_mem>>)
    }
    %scan3A_324 = arith.constant 4 : i32
    %dma_wait3A_325 = arith.constant 0 : i32
    %dma_wait3A_326 = arith.constant 0 : i32
    %dma_wait3A_327 = tpu.memref_slice %arg9[%dma_wait3A_325, %dma_wait3A_326] : memref<10x128xi32, #tpu.memory_space<vmem>> -> memref<1x128xi32, #tpu.memory_space<vmem>>
    %dma_wait3A_328 = tpu.memref_squeeze %dma_wait3A_327 : memref<1x128xi32, #tpu.memory_space<vmem>> -> memref<128xi32, #tpu.memory_space<vmem>>
    %dma_wait3A_329 = arith.constant 0 : i32
    %dma_wait3A_330 = arith.constant 0 : i32
    %dma_wait3A_331 = tpu.memref_slice %arg2[%dma_wait3A_329, %dma_wait3A_330] : memref<10000x128xf32, #tpu.memory_space<hbm>> -> memref<10000x128xf32, #tpu.memory_space<hbm>>
    tpu.wait_indirect_dma semaphore(%arg19 : memref<!tpu.dma_semaphore, #tpu.memory_space<semaphore_mem>>) src(%dma_wait3A_331 : memref<10000x128xf32, #tpu.memory_space<hbm>>) dst(%arg13 : memref<128x128xf32, #tpu.memory_space<vmem>>)
    %dma_start3A_332 = arith.constant 8 : i32
    %dma_start3A_333 = arith.constant 0 : i32
    %dma_start3A_334 = tpu.memref_slice %arg12[%dma_start3A_332, %dma_start3A_333] : memref<10x128xi32, #tpu.memory_space<vmem>> -> memref<1x128xi32, #tpu.memory_space<vmem>>
    %dma_start3A_335 = tpu.memref_squeeze %dma_start3A_334 : memref<1x128xi32, #tpu.memory_space<vmem>> -> memref<128xi32, #tpu.memory_space<vmem>>
    %dma_start3A_336 = arith.constant 0 : i32
    %dma_start3A_337 = arith.constant 0 : i32
    %dma_start3A_338 = tpu.memref_slice %arg17[%dma_start3A_336, %dma_start3A_337] : memref<10240x128xf32, #tpu.memory_space<vmem_shared>> -> memref<10240x128xf32, #tpu.memory_space<vmem_shared>>
    tpu.enqueue_indirect_dma source(%arg13 : memref<128x128xf32, #tpu.memory_space<vmem>>) target(%dma_start3A_338 : memref<10240x128xf32, #tpu.memory_space<vmem_shared>>) offsets(%dma_start3A_335 : memref<128xi32, #tpu.memory_space<vmem>>) semaphore(%arg21 : memref<!tpu.dma_semaphore, #tpu.memory_space<semaphore_mem>>) {add = true}
    %get3A_339 = arith.constant 8 : i32
    %get3A_340 = arith.index_cast %get3A_339 : i32 to index
    %get3A_341 = arith.constant 0 : index
    %get3A_342 = tpu.vector_load %arg12[%get3A_340, %get3A_341] {strides = array<i32>} : memref<10x128xi32, #tpu.memory_space<vmem>>, vector<16xi32>,
    %shift_right_logical3A_343 = arith.constant 7 : i32
    %shift_right_logical3A_344 = vector.broadcast %shift_right_logical3A_343 : i32 to vector<16xi32>
    %shift_right_logical3A_345 = arith.shrui %get3A_342, %shift_right_logical3A_344 : vector<16xi32>
    %and3A_346 = arith.constant 127 : i32
    %and3A_347 = vector.broadcast %and3A_346 : i32 to vector<16xi32>
    %and3A_348 = arith.andi %get3A_342, %and3A_347 : vector<16xi32>
    tpu.vector_store_idx %arg15[%shift_right_logical3A_345, %and3A_348], %broadcast_in_dim3A_1 {add = true} : memref<80x128xf32, #tpu.memory_space<vmem>>[vector<16xi32>, vector<16xi32>], vector<16xf32>,
    %get3A_349 = arith.constant 8 : i32
    %get3A_350 = arith.index_cast %get3A_349 : i32 to index
    %get3A_351 = arith.constant 16 : index
    %get3A_352 = tpu.vector_load %arg12[%get3A_350, %get3A_351] {strides = array<i32>} : memref<10x128xi32, #tpu.memory_space<vmem>>, vector<16xi32>,
    %shift_right_logical3A_353 = arith.constant 7 : i32
    %shift_right_logical3A_354 = vector.broadcast %shift_right_logical3A_353 : i32 to vector<16xi32>
    %shift_right_logical3A_355 = arith.shrui %get3A_352, %shift_right_logical3A_354 : vector<16xi32>
    %and3A_356 = arith.constant 127 : i32
    %and3A_357 = vector.broadcast %and3A_356 : i32 to vector<16xi32>
    %and3A_358 = arith.andi %get3A_352, %and3A_357 : vector<16xi32>
    tpu.vector_store_idx %arg15[%shift_right_logical3A_355, %and3A_358], %broadcast_in_dim3A_1 {add = true} : memref<80x128xf32, #tpu.memory_space<vmem>>[vector<16xi32>, vector<16xi32>], vector<16xf32>,
    %get3A_359 = arith.constant 8 : i32
    %get3A_360 = arith.index_cast %get3A_359 : i32 to index
    %get3A_361 = arith.constant 32 : index
    %get3A_362 = tpu.vector_load %arg12[%get3A_360, %get3A_361] {strides = array<i32>} : memref<10x128xi32, #tpu.memory_space<vmem>>, vector<16xi32>,
    %shift_right_logical3A_363 = arith.constant 7 : i32
    %shift_right_logical3A_364 = vector.broadcast %shift_right_logical3A_363 : i32 to vector<16xi32>
    %shift_right_logical3A_365 = arith.shrui %get3A_362, %shift_right_logical3A_364 : vector<16xi32>
    %and3A_366 = arith.constant 127 : i32
    %and3A_367 = vector.broadcast %and3A_366 : i32 to vector<16xi32>
    %and3A_368 = arith.andi %get3A_362, %and3A_367 : vector<16xi32>
    tpu.vector_store_idx %arg15[%shift_right_logical3A_365, %and3A_368], %broadcast_in_dim3A_1 {add = true} : memref<80x128xf32, #tpu.memory_space<vmem>>[vector<16xi32>, vector<16xi32>], vector<16xf32>,
    %get3A_369 = arith.constant 8 : i32
    %get3A_370 = arith.index_cast %get3A_369 : i32 to index
    %get3A_371 = arith.constant 48 : index
    %get3A_372 = tpu.vector_load %arg12[%get3A_370, %get3A_371] {strides = array<i32>} : memref<10x128xi32, #tpu.memory_space<vmem>>, vector<16xi32>,
    %shift_right_logical3A_373 = arith.constant 7 : i32
    %shift_right_logical3A_374 = vector.broadcast %shift_right_logical3A_373 : i32 to vector<16xi32>
    %shift_right_logical3A_375 = arith.shrui %get3A_372, %shift_right_logical3A_374 : vector<16xi32>
    %and3A_376 = arith.constant 127 : i32
    %and3A_377 = vector.broadcast %and3A_376 : i32 to vector<16xi32>
    %and3A_378 = arith.andi %get3A_372, %and3A_377 : vector<16xi32>
    tpu.vector_store_idx %arg15[%shift_right_logical3A_375, %and3A_378], %broadcast_in_dim3A_1 {add = true} : memref<80x128xf32, #tpu.memory_space<vmem>>[vector<16xi32>, vector<16xi32>], vector<16xf32>,
    %get3A_379 = arith.constant 8 : i32
    %get3A_380 = arith.index_cast %get3A_379 : i32 to index
    %get3A_381 = arith.constant 64 : index
    %get3A_382 = tpu.vector_load %arg12[%get3A_380, %get3A_381] {strides = array<i32>} : memref<10x128xi32, #tpu.memory_space<vmem>>, vector<16xi32>,
    %shift_right_logical3A_383 = arith.constant 7 : i32
    %shift_right_logical3A_384 = vector.broadcast %shift_right_logical3A_383 : i32 to vector<16xi32>
    %shift_right_logical3A_385 = arith.shrui %get3A_382, %shift_right_logical3A_384 : vector<16xi32>
    %and3A_386 = arith.constant 127 : i32
    %and3A_387 = vector.broadcast %and3A_386 : i32 to vector<16xi32>
    %and3A_388 = arith.andi %get3A_382, %and3A_387 : vector<16xi32>
    tpu.vector_store_idx %arg15[%shift_right_logical3A_385, %and3A_388], %broadcast_in_dim3A_1 {add = true} : memref<80x128xf32, #tpu.memory_space<vmem>>[vector<16xi32>, vector<16xi32>], vector<16xf32>,
    %get3A_389 = arith.constant 8 : i32
    %get3A_390 = arith.index_cast %get3A_389 : i32 to index
    %get3A_391 = arith.constant 80 : index
    %get3A_392 = tpu.vector_load %arg12[%get3A_390, %get3A_391] {strides = array<i32>} : memref<10x128xi32, #tpu.memory_space<vmem>>, vector<16xi32>,
    %shift_right_logical3A_393 = arith.constant 7 : i32
    %shift_right_logical3A_394 = vector.broadcast %shift_right_logical3A_393 : i32 to vector<16xi32>
    %shift_right_logical3A_395 = arith.shrui %get3A_392, %shift_right_logical3A_394 : vector<16xi32>
    %and3A_396 = arith.constant 127 : i32
    %and3A_397 = vector.broadcast %and3A_396 : i32 to vector<16xi32>
    %and3A_398 = arith.andi %get3A_392, %and3A_397 : vector<16xi32>
    tpu.vector_store_idx %arg15[%shift_right_logical3A_395, %and3A_398], %broadcast_in_dim3A_1 {add = true} : memref<80x128xf32, #tpu.memory_space<vmem>>[vector<16xi32>, vector<16xi32>], vector<16xf32>,
    %get3A_399 = arith.constant 8 : i32
    %get3A_400 = arith.index_cast %get3A_399 : i32 to index
    %get3A_401 = arith.constant 96 : index
    %get3A_402 = tpu.vector_load %arg12[%get3A_400, %get3A_401] {strides = array<i32>} : memref<10x128xi32, #tpu.memory_space<vmem>>, vector<16xi32>,
    %shift_right_logical3A_403 = arith.constant 7 : i32
    %shift_right_logical3A_404 = vector.broadcast %shift_right_logical3A_403 : i32 to vector<16xi32>
    %shift_right_logical3A_405 = arith.shrui %get3A_402, %shift_right_logical3A_404 : vector<16xi32>
    %and3A_406 = arith.constant 127 : i32
    %and3A_407 = vector.broadcast %and3A_406 : i32 to vector<16xi32>
    %and3A_408 = arith.andi %get3A_402, %and3A_407 : vector<16xi32>
    tpu.vector_store_idx %arg15[%shift_right_logical3A_405, %and3A_408], %broadcast_in_dim3A_1 {add = true} : memref<80x128xf32, #tpu.memory_space<vmem>>[vector<16xi32>, vector<16xi32>], vector<16xf32>,
    %get3A_409 = arith.constant 8 : i32
    %get3A_410 = arith.index_cast %get3A_409 : i32 to index
    %get3A_411 = arith.constant 112 : index
    %get3A_412 = tpu.vector_load %arg12[%get3A_410, %get3A_411] {strides = array<i32>} : memref<10x128xi32, #tpu.memory_space<vmem>>, vector<16xi32>,
    %shift_right_logical3A_413 = arith.constant 7 : i32
    %shift_right_logical3A_414 = vector.broadcast %shift_right_logical3A_413 : i32 to vector<16xi32>
    %shift_right_logical3A_415 = arith.shrui %get3A_412, %shift_right_logical3A_414 : vector<16xi32>
    %and3A_416 = arith.constant 127 : i32
    %and3A_417 = vector.broadcast %and3A_416 : i32 to vector<16xi32>
    %and3A_418 = arith.andi %get3A_412, %and3A_417 : vector<16xi32>
    tpu.vector_store_idx %arg15[%shift_right_logical3A_415, %and3A_418], %broadcast_in_dim3A_1 {add = true} : memref<80x128xf32, #tpu.memory_space<vmem>>[vector<16xi32>, vector<16xi32>], vector<16xf32>,
    %dma_wait3A_419 = arith.constant 0 : i32
    %dma_wait3A_420 = arith.constant 0 : i32
    %dma_wait3A_421 = tpu.memref_slice %arg9[%dma_wait3A_419, %dma_wait3A_420] : memref<10x128xi32, #tpu.memory_space<vmem>> -> memref<1x128xi32, #tpu.memory_space<vmem>>
    %dma_wait3A_422 = tpu.memref_squeeze %dma_wait3A_421 : memref<1x128xi32, #tpu.memory_space<vmem>> -> memref<128xi32, #tpu.memory_space<vmem>>
    %dma_wait3A_423 = arith.constant 0 : i32
    %dma_wait3A_424 = arith.constant 0 : i32
    %dma_wait3A_425 = tpu.memref_slice %arg2[%dma_wait3A_423, %dma_wait3A_424] : memref<10000x128xf32, #tpu.memory_space<hbm>> -> memref<10000x128xf32, #tpu.memory_space<hbm>>
    tpu.wait_indirect_dma semaphore(%arg20 : memref<!tpu.dma_semaphore, #tpu.memory_space<semaphore_mem>>) src(%dma_wait3A_425 : memref<10000x128xf32, #tpu.memory_space<hbm>>) dst(%arg14 : memref<128x128xf32, #tpu.memory_space<vmem>>)
    %dma_start3A_426 = arith.constant 9 : i32
    %dma_start3A_427 = arith.constant 0 : i32
    %dma_start3A_428 = tpu.memref_slice %arg12[%dma_start3A_426, %dma_start3A_427] : memref<10x128xi32, #tpu.memory_space<vmem>> -> memref<1x128xi32, #tpu.memory_space<vmem>>
    %dma_start3A_429 = tpu.memref_squeeze %dma_start3A_428 : memref<1x128xi32, #tpu.memory_space<vmem>> -> memref<128xi32, #tpu.memory_space<vmem>>
    %dma_start3A_430 = arith.constant 0 : i32
    %dma_start3A_431 = arith.constant 0 : i32
    %dma_start3A_432 = tpu.memref_slice %arg17[%dma_start3A_430, %dma_start3A_431] : memref<10240x128xf32, #tpu.memory_space<vmem_shared>> -> memref<10240x128xf32, #tpu.memory_space<vmem_shared>>
    tpu.enqueue_indirect_dma source(%arg14 : memref<128x128xf32, #tpu.memory_space<vmem>>) target(%dma_start3A_432 : memref<10240x128xf32, #tpu.memory_space<vmem_shared>>) offsets(%dma_start3A_429 : memref<128xi32, #tpu.memory_space<vmem>>) semaphore(%arg22 : memref<!tpu.dma_semaphore, #tpu.memory_space<semaphore_mem>>) {add = true}
    %get3A_433 = arith.constant 9 : i32
    %get3A_434 = arith.index_cast %get3A_433 : i32 to index
    %get3A_435 = arith.constant 0 : index
    %get3A_436 = tpu.vector_load %arg12[%get3A_434, %get3A_435] {strides = array<i32>} : memref<10x128xi32, #tpu.memory_space<vmem>>, vector<16xi32>,
    %shift_right_logical3A_437 = arith.constant 7 : i32
    %shift_right_logical3A_438 = vector.broadcast %shift_right_logical3A_437 : i32 to vector<16xi32>
    %shift_right_logical3A_439 = arith.shrui %get3A_436, %shift_right_logical3A_438 : vector<16xi32>
    %and3A_440 = arith.constant 127 : i32
    %and3A_441 = vector.broadcast %and3A_440 : i32 to vector<16xi32>
    %and3A_442 = arith.andi %get3A_436, %and3A_441 : vector<16xi32>
    tpu.vector_store_idx %arg15[%shift_right_logical3A_439, %and3A_442], %broadcast_in_dim3A_1 {add = true} : memref<80x128xf32, #tpu.memory_space<vmem>>[vector<16xi32>, vector<16xi32>], vector<16xf32>,
    %get3A_443 = arith.constant 9 : i32
    %get3A_444 = arith.index_cast %get3A_443 : i32 to index
    %get3A_445 = arith.constant 16 : index
    %get3A_446 = tpu.vector_load %arg12[%get3A_444, %get3A_445] {strides = array<i32>} : memref<10x128xi32, #tpu.memory_space<vmem>>, vector<16xi32>,
    %shift_right_logical3A_447 = arith.constant 7 : i32
    %shift_right_logical3A_448 = vector.broadcast %shift_right_logical3A_447 : i32 to vector<16xi32>
    %shift_right_logical3A_449 = arith.shrui %get3A_446, %shift_right_logical3A_448 : vector<16xi32>
    %and3A_450 = arith.constant 127 : i32
    %and3A_451 = vector.broadcast %and3A_450 : i32 to vector<16xi32>
    %and3A_452 = arith.andi %get3A_446, %and3A_451 : vector<16xi32>
    tpu.vector_store_idx %arg15[%shift_right_logical3A_449, %and3A_452], %broadcast_in_dim3A_1 {add = true} : memref<80x128xf32, #tpu.memory_space<vmem>>[vector<16xi32>, vector<16xi32>], vector<16xf32>,
    %get3A_453 = arith.constant 9 : i32
    %get3A_454 = arith.index_cast %get3A_453 : i32 to index
    %get3A_455 = arith.constant 32 : index
    %get3A_456 = tpu.vector_load %arg12[%get3A_454, %get3A_455] {strides = array<i32>} : memref<10x128xi32, #tpu.memory_space<vmem>>, vector<16xi32>,
    %shift_right_logical3A_457 = arith.constant 7 : i32
    %shift_right_logical3A_458 = vector.broadcast %shift_right_logical3A_457 : i32 to vector<16xi32>
    %shift_right_logical3A_459 = arith.shrui %get3A_456, %shift_right_logical3A_458 : vector<16xi32>
    %and3A_460 = arith.constant 127 : i32
    %and3A_461 = vector.broadcast %and3A_460 : i32 to vector<16xi32>
    %and3A_462 = arith.andi %get3A_456, %and3A_461 : vector<16xi32>
    tpu.vector_store_idx %arg15[%shift_right_logical3A_459, %and3A_462], %broadcast_in_dim3A_1 {add = true} : memref<80x128xf32, #tpu.memory_space<vmem>>[vector<16xi32>, vector<16xi32>], vector<16xf32>,
    %get3A_463 = arith.constant 9 : i32
    %get3A_464 = arith.index_cast %get3A_463 : i32 to index
    %get3A_465 = arith.constant 48 : index
    %get3A_466 = tpu.vector_load %arg12[%get3A_464, %get3A_465] {strides = array<i32>} : memref<10x128xi32, #tpu.memory_space<vmem>>, vector<16xi32>,
    %shift_right_logical3A_467 = arith.constant 7 : i32
    %shift_right_logical3A_468 = vector.broadcast %shift_right_logical3A_467 : i32 to vector<16xi32>
    %shift_right_logical3A_469 = arith.shrui %get3A_466, %shift_right_logical3A_468 : vector<16xi32>
    %and3A_470 = arith.constant 127 : i32
    %and3A_471 = vector.broadcast %and3A_470 : i32 to vector<16xi32>
    %and3A_472 = arith.andi %get3A_466, %and3A_471 : vector<16xi32>
    tpu.vector_store_idx %arg15[%shift_right_logical3A_469, %and3A_472], %broadcast_in_dim3A_1 {add = true} : memref<80x128xf32, #tpu.memory_space<vmem>>[vector<16xi32>, vector<16xi32>], vector<16xf32>,
    %get3A_473 = arith.constant 9 : i32
    %get3A_474 = arith.index_cast %get3A_473 : i32 to index
    %get3A_475 = arith.constant 64 : index
    %get3A_476 = tpu.vector_load %arg12[%get3A_474, %get3A_475] {strides = array<i32>} : memref<10x128xi32, #tpu.memory_space<vmem>>, vector<16xi32>,
    %shift_right_logical3A_477 = arith.constant 7 : i32
    %shift_right_logical3A_478 = vector.broadcast %shift_right_logical3A_477 : i32 to vector<16xi32>
    %shift_right_logical3A_479 = arith.shrui %get3A_476, %shift_right_logical3A_478 : vector<16xi32>
    %and3A_480 = arith.constant 127 : i32
    %and3A_481 = vector.broadcast %and3A_480 : i32 to vector<16xi32>
    %and3A_482 = arith.andi %get3A_476, %and3A_481 : vector<16xi32>
    tpu.vector_store_idx %arg15[%shift_right_logical3A_479, %and3A_482], %broadcast_in_dim3A_1 {add = true} : memref<80x128xf32, #tpu.memory_space<vmem>>[vector<16xi32>, vector<16xi32>], vector<16xf32>,
    %get3A_483 = arith.constant 9 : i32
    %get3A_484 = arith.index_cast %get3A_483 : i32 to index
    %get3A_485 = arith.constant 80 : index
    %get3A_486 = tpu.vector_load %arg12[%get3A_484, %get3A_485] {strides = array<i32>} : memref<10x128xi32, #tpu.memory_space<vmem>>, vector<16xi32>,
    %shift_right_logical3A_487 = arith.constant 7 : i32
    %shift_right_logical3A_488 = vector.broadcast %shift_right_logical3A_487 : i32 to vector<16xi32>
    %shift_right_logical3A_489 = arith.shrui %get3A_486, %shift_right_logical3A_488 : vector<16xi32>
    %and3A_490 = arith.constant 127 : i32
    %and3A_491 = vector.broadcast %and3A_490 : i32 to vector<16xi32>
    %and3A_492 = arith.andi %get3A_486, %and3A_491 : vector<16xi32>
    tpu.vector_store_idx %arg15[%shift_right_logical3A_489, %and3A_492], %broadcast_in_dim3A_1 {add = true} : memref<80x128xf32, #tpu.memory_space<vmem>>[vector<16xi32>, vector<16xi32>], vector<16xf32>,
    %get3A_493 = arith.constant 9 : i32
    %get3A_494 = arith.index_cast %get3A_493 : i32 to index
    %get3A_495 = arith.constant 96 : index
    %get3A_496 = tpu.vector_load %arg12[%get3A_494, %get3A_495] {strides = array<i32>} : memref<10x128xi32, #tpu.memory_space<vmem>>, vector<16xi32>,
    %shift_right_logical3A_497 = arith.constant 7 : i32
    %shift_right_logical3A_498 = vector.broadcast %shift_right_logical3A_497 : i32 to vector<16xi32>
    %shift_right_logical3A_499 = arith.shrui %get3A_496, %shift_right_logical3A_498 : vector<16xi32>
    %and3A_500 = arith.constant 127 : i32
    %and3A_501 = vector.broadcast %and3A_500 : i32 to vector<16xi32>
    %and3A_502 = arith.andi %get3A_496, %and3A_501 : vector<16xi32>
    tpu.vector_store_idx %arg15[%shift_right_logical3A_499, %and3A_502], %broadcast_in_dim3A_1 {add = true} : memref<80x128xf32, #tpu.memory_space<vmem>>[vector<16xi32>, vector<16xi32>], vector<16xf32>,
    %get3A_503 = arith.constant 9 : i32
    %get3A_504 = arith.index_cast %get3A_503 : i32 to index
    %get3A_505 = arith.constant 112 : index
    %get3A_506 = tpu.vector_load %arg12[%get3A_504, %get3A_505] {strides = array<i32>} : memref<10x128xi32, #tpu.memory_space<vmem>>, vector<16xi32>,
    %shift_right_logical3A_507 = arith.constant 7 : i32
    %shift_right_logical3A_508 = vector.broadcast %shift_right_logical3A_507 : i32 to vector<16xi32>
    %shift_right_logical3A_509 = arith.shrui %get3A_506, %shift_right_logical3A_508 : vector<16xi32>
    %and3A_510 = arith.constant 127 : i32
    %and3A_511 = vector.broadcast %and3A_510 : i32 to vector<16xi32>
    %and3A_512 = arith.andi %get3A_506, %and3A_511 : vector<16xi32>
    tpu.vector_store_idx %arg15[%shift_right_logical3A_509, %and3A_512], %broadcast_in_dim3A_1 {add = true} : memref<80x128xf32, #tpu.memory_space<vmem>>[vector<16xi32>, vector<16xi32>], vector<16xf32>,
    %dma_wait3A_513 = arith.constant 0 : i32
    %dma_wait3A_514 = arith.constant 0 : i32
    %dma_wait3A_515 = arith.constant 0 : i32
    %dma_wait3A_516 = tpu.memref_slice %arg3[%add3A, %dma_wait3A_513, %dma_wait3A_514, %dma_wait3A_515] : memref<32x8x10x128xi32, #tpu.memory_space<hbm>> -> memref<1x1x10x128xi32, #tpu.memory_space<hbm>>
    %dma_wait3A_517 = tpu.memref_squeeze %dma_wait3A_516 : memref<1x1x10x128xi32, #tpu.memory_space<hbm>> -> memref<10x128xi32, #tpu.memory_space<hbm>>
    %dma_wait3A_518 = arith.constant 0 : i32
    %dma_wait3A_519 = arith.constant 0 : i32
    %dma_wait3A_520 = tpu.memref_slice %arg3[%add3A, %dma_wait3A_513, %dma_wait3A_518, %dma_wait3A_519] : memref<32x8x10x128xi32, #tpu.memory_space<hbm>> -> memref<1x1x10x128xi32, #tpu.memory_space<hbm>>
    %dma_wait3A_521 = tpu.memref_squeeze %dma_wait3A_520 : memref<1x1x10x128xi32, #tpu.memory_space<hbm>> -> memref<10x128xi32, #tpu.memory_space<hbm>>
    tpu.wait_dma2 semaphore(%arg24 : memref<!tpu.dma_semaphore, #tpu.memory_space<semaphore_mem>>) src(%dma_wait3A_521 : memref<10x128xi32, #tpu.memory_space<hbm>>) dst(%arg9 : memref<10x128xi32, #tpu.memory_space<vmem>>)
    %dma_wait3A_522 = arith.constant 0 : i32
    %dma_wait3A_523 = arith.constant 0 : i32
    %dma_wait3A_524 = arith.constant 0 : i32
    %dma_wait3A_525 = tpu.memref_slice %arg4[%add3A, %dma_wait3A_522, %dma_wait3A_523, %dma_wait3A_524] : memref<32x8x10x128xi32, #tpu.memory_space<hbm>> -> memref<1x1x10x128xi32, #tpu.memory_space<hbm>>
    %dma_wait3A_526 = tpu.memref_squeeze %dma_wait3A_525 : memref<1x1x10x128xi32, #tpu.memory_space<hbm>> -> memref<10x128xi32, #tpu.memory_space<hbm>>
    %dma_wait3A_527 = arith.constant 0 : i32
    %dma_wait3A_528 = arith.constant 0 : i32
    %dma_wait3A_529 = tpu.memref_slice %arg4[%add3A, %dma_wait3A_522, %dma_wait3A_527, %dma_wait3A_528] : memref<32x8x10x128xi32, #tpu.memory_space<hbm>> -> memref<1x1x10x128xi32, #tpu.memory_space<hbm>>
    %dma_wait3A_530 = tpu.memref_squeeze %dma_wait3A_529 : memref<1x1x10x128xi32, #tpu.memory_space<hbm>> -> memref<10x128xi32, #tpu.memory_space<hbm>>
    tpu.wait_dma2 semaphore(%arg24 : memref<!tpu.dma_semaphore, #tpu.memory_space<semaphore_mem>>) src(%dma_wait3A_530 : memref<10x128xi32, #tpu.memory_space<hbm>>) dst(%arg10 : memref<10x128xi32, #tpu.memory_space<vmem>>)
    %dma_wait3A_531 = arith.constant 0 : i32
    %dma_wait3A_532 = arith.constant 0 : i32
    %dma_wait3A_533 = tpu.memref_slice %arg10[%dma_wait3A_531, %dma_wait3A_532] : memref<10x128xi32, #tpu.memory_space<vmem>> -> memref<1x128xi32, #tpu.memory_space<vmem>>
    %dma_wait3A_534 = tpu.memref_squeeze %dma_wait3A_533 : memref<1x128xi32, #tpu.memory_space<vmem>> -> memref<128xi32, #tpu.memory_space<vmem>>
    %dma_wait3A_535 = arith.constant 0 : i32
    %dma_wait3A_536 = arith.constant 0 : i32
    %dma_wait3A_537 = tpu.memref_slice %arg17[%dma_wait3A_535, %dma_wait3A_536] : memref<10240x128xf32, #tpu.memory_space<vmem_shared>> -> memref<10240x128xf32, #tpu.memory_space<vmem_shared>>
    tpu.wait_indirect_dma semaphore(%arg21 : memref<!tpu.dma_semaphore, #tpu.memory_space<semaphore_mem>>) src(%arg13 : memref<128x128xf32, #tpu.memory_space<vmem>>) dst(%dma_wait3A_537 : memref<10240x128xf32, #tpu.memory_space<vmem_shared>>)
    %dma_start3A_538 = arith.constant 0 : i32
    %dma_start3A_539 = arith.constant 0 : i32
    %dma_start3A_540 = tpu.memref_slice %arg9[%dma_start3A_538, %dma_start3A_539] : memref<10x128xi32, #tpu.memory_space<vmem>> -> memref<1x128xi32, #tpu.memory_space<vmem>>
    %dma_start3A_541 = tpu.memref_squeeze %dma_start3A_540 : memref<1x128xi32, #tpu.memory_space<vmem>> -> memref<128xi32, #tpu.memory_space<vmem>>
    %dma_start3A_542 = arith.constant 0 : i32
    %dma_start3A_543 = arith.constant 0 : i32
    %dma_start3A_544 = tpu.memref_slice %arg2[%dma_start3A_542, %dma_start3A_543] : memref<10000x128xf32, #tpu.memory_space<hbm>> -> memref<10000x128xf32, #tpu.memory_space<hbm>>
    tpu.enqueue_indirect_dma source(%dma_start3A_544 : memref<10000x128xf32, #tpu.memory_space<hbm>>) target(%arg13 : memref<128x128xf32, #tpu.memory_space<vmem>>) offsets(%dma_start3A_541 : memref<128xi32, #tpu.memory_space<vmem>>) semaphore(%arg19 : memref<!tpu.dma_semaphore, #tpu.memory_space<semaphore_mem>>)
    %dma_wait3A_545 = arith.constant 0 : i32
    %dma_wait3A_546 = arith.constant 0 : i32
    %dma_wait3A_547 = tpu.memref_slice %arg10[%dma_wait3A_545, %dma_wait3A_546] : memref<10x128xi32, #tpu.memory_space<vmem>> -> memref<1x128xi32, #tpu.memory_space<vmem>>
    %dma_wait3A_548 = tpu.memref_squeeze %dma_wait3A_547 : memref<1x128xi32, #tpu.memory_space<vmem>> -> memref<128xi32, #tpu.memory_space<vmem>>
    %dma_wait3A_549 = arith.constant 0 : i32
    %dma_wait3A_550 = arith.constant 0 : i32
    %dma_wait3A_551 = tpu.memref_slice %arg17[%dma_wait3A_549, %dma_wait3A_550] : memref<10240x128xf32, #tpu.memory_space<vmem_shared>> -> memref<10240x128xf32, #tpu.memory_space<vmem_shared>>
    tpu.wait_indirect_dma semaphore(%arg22 : memref<!tpu.dma_semaphore, #tpu.memory_space<semaphore_mem>>) src(%arg14 : memref<128x128xf32, #tpu.memory_space<vmem>>) dst(%dma_wait3A_551 : memref<10240x128xf32, #tpu.memory_space<vmem_shared>>)
    %dma_start3A_552 = arith.constant 1 : i32
    %dma_start3A_553 = arith.constant 0 : i32
    %dma_start3A_554 = tpu.memref_slice %arg9[%dma_start3A_552, %dma_start3A_553] : memref<10x128xi32, #tpu.memory_space<vmem>> -> memref<1x128xi32, #tpu.memory_space<vmem>>
    %dma_start3A_555 = tpu.memref_squeeze %dma_start3A_554 : memref<1x128xi32, #tpu.memory_space<vmem>> -> memref<128xi32, #tpu.memory_space<vmem>>
    %dma_start3A_556 = arith.constant 0 : i32
    %dma_start3A_557 = arith.constant 0 : i32
    %dma_start3A_558 = tpu.memref_slice %arg2[%dma_start3A_556, %dma_start3A_557] : memref<10000x128xf32, #tpu.memory_space<hbm>> -> memref<10000x128xf32, #tpu.memory_space<hbm>>
    tpu.enqueue_indirect_dma source(%dma_start3A_558 : memref<10000x128xf32, #tpu.memory_space<hbm>>) target(%arg14 : memref<128x128xf32, #tpu.memory_space<vmem>>) offsets(%dma_start3A_555 : memref<128xi32, #tpu.memory_space<vmem>>) semaphore(%arg20 : memref<!tpu.dma_semaphore, #tpu.memory_space<semaphore_mem>>)
    %dma_start3A_559 = arith.constant 3 : i32
    %dma_start3A_560 = arith.constant 0 : i32
    %dma_start3A_561 = arith.constant 0 : i32
    %dma_start3A_562 = tpu.memref_slice %arg3[%add3A, %dma_start3A_559, %dma_start3A_560, %dma_start3A_561] : memref<32x8x10x128xi32, #tpu.memory_space<hbm>> -> memref<1x1x10x128xi32, #tpu.memory_space<hbm>>
    %dma_start3A_563 = tpu.memref_squeeze %dma_start3A_562 : memref<1x1x10x128xi32, #tpu.memory_space<hbm>> -> memref<10x128xi32, #tpu.memory_space<hbm>>
    %dma_start3A_564 = arith.constant 0 : i32
    %dma_start3A_565 = arith.constant 0 : i32
    %dma_start3A_566 = tpu.memref_slice %arg3[%add3A, %dma_start3A_559, %dma_start3A_564, %dma_start3A_565] : memref<32x8x10x128xi32, #tpu.memory_space<hbm>> -> memref<1x1x10x128xi32, #tpu.memory_space<hbm>>
    %dma_start3A_567 = tpu.memref_squeeze %dma_start3A_566 : memref<1x1x10x128xi32, #tpu.memory_space<hbm>> -> memref<10x128xi32, #tpu.memory_space<hbm>>
    tpu.enqueue_dma source(%dma_start3A_567 : memref<10x128xi32, #tpu.memory_space<hbm>>) target(%arg11 : memref<10x128xi32, #tpu.memory_space<vmem>>) target_semaphore(%arg24 : memref<!tpu.dma_semaphore, #tpu.memory_space<semaphore_mem>>)
    %dma_start3A_568 = arith.constant 3 : i32
    %dma_start3A_569 = arith.constant 0 : i32
    %dma_start3A_570 = arith.constant 0 : i32
    %dma_start3A_571 = tpu.memref_slice %arg4[%add3A, %dma_start3A_568, %dma_start3A_569, %dma_start3A_570] : memref<32x8x10x128xi32, #tpu.memory_space<hbm>> -> memref<1x1x10x128xi32, #tpu.memory_space<hbm>>
    %dma_start3A_572 = tpu.memref_squeeze %dma_start3A_571 : memref<1x1x10x128xi32, #tpu.memory_space<hbm>> -> memref<10x128xi32, #tpu.memory_space<hbm>>
    %dma_start3A_573 = arith.constant 0 : i32
    %dma_start3A_574 = arith.constant 0 : i32
    %dma_start3A_575 = tpu.memref_slice %arg4[%add3A, %dma_start3A_568, %dma_start3A_573, %dma_start3A_574] : memref<32x8x10x128xi32, #tpu.memory_space<hbm>> -> memref<1x1x10x128xi32, #tpu.memory_space<hbm>>
    %dma_start3A_576 = tpu.memref_squeeze %dma_start3A_575 : memref<1x1x10x128xi32, #tpu.memory_space<hbm>> -> memref<10x128xi32, #tpu.memory_space<hbm>>
    tpu.enqueue_dma source(%dma_start3A_576 : memref<10x128xi32, #tpu.memory_space<hbm>>) target(%arg12 : memref<10x128xi32, #tpu.memory_space<vmem>>) target_semaphore(%arg24 : memref<!tpu.dma_semaphore, #tpu.memory_space<semaphore_mem>>)
    %scan3A_577 = arith.constant 0 : i32
    %scan3A_578 = arith.constant 4 : i32
    %scan3A_579 = arith.addi %scan3A_577, %scan3A_578 : i32
    %scan3A_580 = arith.constant 1 : i32
    scf.for %scan3A_2053 = %scan3A_577 to %scan3A_579 step %scan3A_580  : i32 {
      %mul3A_2054 = arith.constant 2 : i32
      %mul3A_2055 = arith.muli %scan3A_2053, %mul3A_2054 : i32
      %add3A_2056 = arith.constant 0 : i32
      %add3A_2057 = arith.addi %add3A_2056, %mul3A_2055 : i32
      %dma_wait3A_2058 = arith.constant 0 : i32
      %dma_wait3A_2059 = arith.constant 0 : i32
      %dma_wait3A_2060 = tpu.memref_slice %arg9[%dma_wait3A_2058, %dma_wait3A_2059] : memref<10x128xi32, #tpu.memory_space<vmem>> -> memref<1x128xi32, #tpu.memory_space<vmem>>
      %dma_wait3A_2061 = tpu.memref_squeeze %dma_wait3A_2060 : memref<1x128xi32, #tpu.memory_space<vmem>> -> memref<128xi32, #tpu.memory_space<vmem>>
      %dma_wait3A_2062 = arith.constant 0 : i32
      %dma_wait3A_2063 = arith.constant 0 : i32
      %dma_wait3A_2064 = tpu.memref_slice %arg2[%dma_wait3A_2062, %dma_wait3A_2063] : memref<10000x128xf32, #tpu.memory_space<hbm>> -> memref<10000x128xf32, #tpu.memory_space<hbm>>
      tpu.wait_indirect_dma semaphore(%arg19 : memref<!tpu.dma_semaphore, #tpu.memory_space<semaphore_mem>>) src(%dma_wait3A_2064 : memref<10000x128xf32, #tpu.memory_space<hbm>>) dst(%arg13 : memref<128x128xf32, #tpu.memory_space<vmem>>)
      %dma_start3A_2065 = arith.constant 0 : i32
      %dma_start3A_2066 = tpu.memref_slice %arg10[%add3A_2057, %dma_start3A_2065] : memref<10x128xi32, #tpu.memory_space<vmem>> -> memref<1x128xi32, #tpu.memory_space<vmem>>
      %dma_start3A_2067 = tpu.memref_squeeze %dma_start3A_2066 : memref<1x128xi32, #tpu.memory_space<vmem>> -> memref<128xi32, #tpu.memory_space<vmem>>
      %dma_start3A_2068 = arith.constant 0 : i32
      %dma_start3A_2069 = arith.constant 0 : i32
      %dma_start3A_2070 = tpu.memref_slice %arg17[%dma_start3A_2068, %dma_start3A_2069] : memref<10240x128xf32, #tpu.memory_space<vmem_shared>> -> memref<10240x128xf32, #tpu.memory_space<vmem_shared>>
      tpu.enqueue_indirect_dma source(%arg13 : memref<128x128xf32, #tpu.memory_space<vmem>>) target(%dma_start3A_2070 : memref<10240x128xf32, #tpu.memory_space<vmem_shared>>) offsets(%dma_start3A_2067 : memref<128xi32, #tpu.memory_space<vmem>>) semaphore(%arg21 : memref<!tpu.dma_semaphore, #tpu.memory_space<semaphore_mem>>) {add = true}
      %get3A_2071 = arith.index_cast %add3A_2057 : i32 to index
      %get3A_2072 = arith.constant 0 : index
      %get3A_2073 = tpu.vector_load %arg10[%get3A_2071, %get3A_2072] {strides = array<i32>} : memref<10x128xi32, #tpu.memory_space<vmem>>, vector<16xi32>,
      %shift_right_logical3A_2074 = arith.constant 7 : i32
      %shift_right_logical3A_2075 = vector.broadcast %shift_right_logical3A_2074 : i32 to vector<16xi32>
      %shift_right_logical3A_2076 = arith.shrui %get3A_2073, %shift_right_logical3A_2075 : vector<16xi32>
      %and3A_2077 = arith.constant 127 : i32
      %and3A_2078 = vector.broadcast %and3A_2077 : i32 to vector<16xi32>
      %and3A_2079 = arith.andi %get3A_2073, %and3A_2078 : vector<16xi32>
      tpu.vector_store_idx %arg15[%shift_right_logical3A_2076, %and3A_2079], %broadcast_in_dim3A_1 {add = true} : memref<80x128xf32, #tpu.memory_space<vmem>>[vector<16xi32>, vector<16xi32>], vector<16xf32>,
      %get3A_2080 = arith.index_cast %add3A_2057 : i32 to index
      %get3A_2081 = arith.constant 16 : index
      %get3A_2082 = tpu.vector_load %arg10[%get3A_2080, %get3A_2081] {strides = array<i32>} : memref<10x128xi32, #tpu.memory_space<vmem>>, vector<16xi32>,
      %shift_right_logical3A_2083 = arith.constant 7 : i32
      %shift_right_logical3A_2084 = vector.broadcast %shift_right_logical3A_2083 : i32 to vector<16xi32>
      %shift_right_logical3A_2085 = arith.shrui %get3A_2082, %shift_right_logical3A_2084 : vector<16xi32>
      %and3A_2086 = arith.constant 127 : i32
      %and3A_2087 = vector.broadcast %and3A_2086 : i32 to vector<16xi32>
      %and3A_2088 = arith.andi %get3A_2082, %and3A_2087 : vector<16xi32>
      tpu.vector_store_idx %arg15[%shift_right_logical3A_2085, %and3A_2088], %broadcast_in_dim3A_1 {add = true} : memref<80x128xf32, #tpu.memory_space<vmem>>[vector<16xi32>, vector<16xi32>], vector<16xf32>,
      %get3A_2089 = arith.index_cast %add3A_2057 : i32 to index
      %get3A_2090 = arith.constant 32 : index
      %get3A_2091 = tpu.vector_load %arg10[%get3A_2089, %get3A_2090] {strides = array<i32>} : memref<10x128xi32, #tpu.memory_space<vmem>>, vector<16xi32>,
      %shift_right_logical3A_2092 = arith.constant 7 : i32
      %shift_right_logical3A_2093 = vector.broadcast %shift_right_logical3A_2092 : i32 to vector<16xi32>
      %shift_right_logical3A_2094 = arith.shrui %get3A_2091, %shift_right_logical3A_2093 : vector<16xi32>
      %and3A_2095 = arith.constant 127 : i32
      %and3A_2096 = vector.broadcast %and3A_2095 : i32 to vector<16xi32>
      %and3A_2097 = arith.andi %get3A_2091, %and3A_2096 : vector<16xi32>
      tpu.vector_store_idx %arg15[%shift_right_logical3A_2094, %and3A_2097], %broadcast_in_dim3A_1 {add = true} : memref<80x128xf32, #tpu.memory_space<vmem>>[vector<16xi32>, vector<16xi32>], vector<16xf32>,
      %get3A_2098 = arith.index_cast %add3A_2057 : i32 to index
      %get3A_2099 = arith.constant 48 : index
      %get3A_2100 = tpu.vector_load %arg10[%get3A_2098, %get3A_2099] {strides = array<i32>} : memref<10x128xi32, #tpu.memory_space<vmem>>, vector<16xi32>,
      %shift_right_logical3A_2101 = arith.constant 7 : i32
      %shift_right_logical3A_2102 = vector.broadcast %shift_right_logical3A_2101 : i32 to vector<16xi32>
      %shift_right_logical3A_2103 = arith.shrui %get3A_2100, %shift_right_logical3A_2102 : vector<16xi32>
      %and3A_2104 = arith.constant 127 : i32
      %and3A_2105 = vector.broadcast %and3A_2104 : i32 to vector<16xi32>
      %and3A_2106 = arith.andi %get3A_2100, %and3A_2105 : vector<16xi32>
      tpu.vector_store_idx %arg15[%shift_right_logical3A_2103, %and3A_2106], %broadcast_in_dim3A_1 {add = true} : memref<80x128xf32, #tpu.memory_space<vmem>>[vector<16xi32>, vector<16xi32>], vector<16xf32>,
      %get3A_2107 = arith.index_cast %add3A_2057 : i32 to index
      %get3A_2108 = arith.constant 64 : index
      %get3A_2109 = tpu.vector_load %arg10[%get3A_2107, %get3A_2108] {strides = array<i32>} : memref<10x128xi32, #tpu.memory_space<vmem>>, vector<16xi32>,
      %shift_right_logical3A_2110 = arith.constant 7 : i32
      %shift_right_logical3A_2111 = vector.broadcast %shift_right_logical3A_2110 : i32 to vector<16xi32>
      %shift_right_logical3A_2112 = arith.shrui %get3A_2109, %shift_right_logical3A_2111 : vector<16xi32>
      %and3A_2113 = arith.constant 127 : i32
      %and3A_2114 = vector.broadcast %and3A_2113 : i32 to vector<16xi32>
      %and3A_2115 = arith.andi %get3A_2109, %and3A_2114 : vector<16xi32>
      tpu.vector_store_idx %arg15[%shift_right_logical3A_2112, %and3A_2115], %broadcast_in_dim3A_1 {add = true} : memref<80x128xf32, #tpu.memory_space<vmem>>[vector<16xi32>, vector<16xi32>], vector<16xf32>,
      %get3A_2116 = arith.index_cast %add3A_2057 : i32 to index
      %get3A_2117 = arith.constant 80 : index
      %get3A_2118 = tpu.vector_load %arg10[%get3A_2116, %get3A_2117] {strides = array<i32>} : memref<10x128xi32, #tpu.memory_space<vmem>>, vector<16xi32>,
      %shift_right_logical3A_2119 = arith.constant 7 : i32
      %shift_right_logical3A_2120 = vector.broadcast %shift_right_logical3A_2119 : i32 to vector<16xi32>
      %shift_right_logical3A_2121 = arith.shrui %get3A_2118, %shift_right_logical3A_2120 : vector<16xi32>
      %and3A_2122 = arith.constant 127 : i32
      %and3A_2123 = vector.broadcast %and3A_2122 : i32 to vector<16xi32>
      %and3A_2124 = arith.andi %get3A_2118, %and3A_2123 : vector<16xi32>
      tpu.vector_store_idx %arg15[%shift_right_logical3A_2121, %and3A_2124], %broadcast_in_dim3A_1 {add = true} : memref<80x128xf32, #tpu.memory_space<vmem>>[vector<16xi32>, vector<16xi32>], vector<16xf32>,
      %get3A_2125 = arith.index_cast %add3A_2057 : i32 to index
      %get3A_2126 = arith.constant 96 : index
      %get3A_2127 = tpu.vector_load %arg10[%get3A_2125, %get3A_2126] {strides = array<i32>} : memref<10x128xi32, #tpu.memory_space<vmem>>, vector<16xi32>,
      %shift_right_logical3A_2128 = arith.constant 7 : i32
      %shift_right_logical3A_2129 = vector.broadcast %shift_right_logical3A_2128 : i32 to vector<16xi32>
      %shift_right_logical3A_2130 = arith.shrui %get3A_2127, %shift_right_logical3A_2129 : vector<16xi32>
      %and3A_2131 = arith.constant 127 : i32
      %and3A_2132 = vector.broadcast %and3A_2131 : i32 to vector<16xi32>
      %and3A_2133 = arith.andi %get3A_2127, %and3A_2132 : vector<16xi32>
      tpu.vector_store_idx %arg15[%shift_right_logical3A_2130, %and3A_2133], %broadcast_in_dim3A_1 {add = true} : memref<80x128xf32, #tpu.memory_space<vmem>>[vector<16xi32>, vector<16xi32>], vector<16xf32>,
      %get3A_2134 = arith.index_cast %add3A_2057 : i32 to index
      %get3A_2135 = arith.constant 112 : index
      %get3A_2136 = tpu.vector_load %arg10[%get3A_2134, %get3A_2135] {strides = array<i32>} : memref<10x128xi32, #tpu.memory_space<vmem>>, vector<16xi32>,
      %shift_right_logical3A_2137 = arith.constant 7 : i32
      %shift_right_logical3A_2138 = vector.broadcast %shift_right_logical3A_2137 : i32 to vector<16xi32>
      %shift_right_logical3A_2139 = arith.shrui %get3A_2136, %shift_right_logical3A_2138 : vector<16xi32>
      %and3A_2140 = arith.constant 127 : i32
      %and3A_2141 = vector.broadcast %and3A_2140 : i32 to vector<16xi32>
      %and3A_2142 = arith.andi %get3A_2136, %and3A_2141 : vector<16xi32>
      tpu.vector_store_idx %arg15[%shift_right_logical3A_2139, %and3A_2142], %broadcast_in_dim3A_1 {add = true} : memref<80x128xf32, #tpu.memory_space<vmem>>[vector<16xi32>, vector<16xi32>], vector<16xf32>,
      %dma_wait3A_2143 = arith.constant 0 : i32
      %dma_wait3A_2144 = arith.constant 0 : i32
      %dma_wait3A_2145 = tpu.memref_slice %arg9[%dma_wait3A_2143, %dma_wait3A_2144] : memref<10x128xi32, #tpu.memory_space<vmem>> -> memref<1x128xi32, #tpu.memory_space<vmem>>
      %dma_wait3A_2146 = tpu.memref_squeeze %dma_wait3A_2145 : memref<1x128xi32, #tpu.memory_space<vmem>> -> memref<128xi32, #tpu.memory_space<vmem>>
      %dma_wait3A_2147 = arith.constant 0 : i32
      %dma_wait3A_2148 = arith.constant 0 : i32
      %dma_wait3A_2149 = tpu.memref_slice %arg2[%dma_wait3A_2147, %dma_wait3A_2148] : memref<10000x128xf32, #tpu.memory_space<hbm>> -> memref<10000x128xf32, #tpu.memory_space<hbm>>
      tpu.wait_indirect_dma semaphore(%arg20 : memref<!tpu.dma_semaphore, #tpu.memory_space<semaphore_mem>>) src(%dma_wait3A_2149 : memref<10000x128xf32, #tpu.memory_space<hbm>>) dst(%arg14 : memref<128x128xf32, #tpu.memory_space<vmem>>)
      %add3A_2150 = arith.constant 1 : i32
      %add3A_2151 = arith.addi %add3A_2057, %add3A_2150 : i32
      %dma_start3A_2152 = arith.constant 0 : i32
      %dma_start3A_2153 = tpu.memref_slice %arg10[%add3A_2151, %dma_start3A_2152] : memref<10x128xi32, #tpu.memory_space<vmem>> -> memref<1x128xi32, #tpu.memory_space<vmem>>
      %dma_start3A_2154 = tpu.memref_squeeze %dma_start3A_2153 : memref<1x128xi32, #tpu.memory_space<vmem>> -> memref<128xi32, #tpu.memory_space<vmem>>
      %dma_start3A_2155 = arith.constant 0 : i32
      %dma_start3A_2156 = arith.constant 0 : i32
      %dma_start3A_2157 = tpu.memref_slice %arg17[%dma_start3A_2155, %dma_start3A_2156] : memref<10240x128xf32, #tpu.memory_space<vmem_shared>> -> memref<10240x128xf32, #tpu.memory_space<vmem_shared>>
      tpu.enqueue_indirect_dma source(%arg14 : memref<128x128xf32, #tpu.memory_space<vmem>>) target(%dma_start3A_2157 : memref<10240x128xf32, #tpu.memory_space<vmem_shared>>) offsets(%dma_start3A_2154 : memref<128xi32, #tpu.memory_space<vmem>>) semaphore(%arg22 : memref<!tpu.dma_semaphore, #tpu.memory_space<semaphore_mem>>) {add = true}
      %add3A_2158 = arith.constant 1 : i32
      %add3A_2159 = arith.addi %add3A_2057, %add3A_2158 : i32
      %get3A_2160 = arith.index_cast %add3A_2159 : i32 to index
      %get3A_2161 = arith.constant 0 : index
      %get3A_2162 = tpu.vector_load %arg10[%get3A_2160, %get3A_2161] {strides = array<i32>} : memref<10x128xi32, #tpu.memory_space<vmem>>, vector<16xi32>,
      %shift_right_logical3A_2163 = arith.constant 7 : i32
      %shift_right_logical3A_2164 = vector.broadcast %shift_right_logical3A_2163 : i32 to vector<16xi32>
      %shift_right_logical3A_2165 = arith.shrui %get3A_2162, %shift_right_logical3A_2164 : vector<16xi32>
      %and3A_2166 = arith.constant 127 : i32
      %and3A_2167 = vector.broadcast %and3A_2166 : i32 to vector<16xi32>
      %and3A_2168 = arith.andi %get3A_2162, %and3A_2167 : vector<16xi32>
      tpu.vector_store_idx %arg15[%shift_right_logical3A_2165, %and3A_2168], %broadcast_in_dim3A_1 {add = true} : memref<80x128xf32, #tpu.memory_space<vmem>>[vector<16xi32>, vector<16xi32>], vector<16xf32>,
      %get3A_2169 = arith.index_cast %add3A_2159 : i32 to index
      %get3A_2170 = arith.constant 16 : index
      %get3A_2171 = tpu.vector_load %arg10[%get3A_2169, %get3A_2170] {strides = array<i32>} : memref<10x128xi32, #tpu.memory_space<vmem>>, vector<16xi32>,
      %shift_right_logical3A_2172 = arith.constant 7 : i32
      %shift_right_logical3A_2173 = vector.broadcast %shift_right_logical3A_2172 : i32 to vector<16xi32>
      %shift_right_logical3A_2174 = arith.shrui %get3A_2171, %shift_right_logical3A_2173 : vector<16xi32>
      %and3A_2175 = arith.constant 127 : i32
      %and3A_2176 = vector.broadcast %and3A_2175 : i32 to vector<16xi32>
      %and3A_2177 = arith.andi %get3A_2171, %and3A_2176 : vector<16xi32>
      tpu.vector_store_idx %arg15[%shift_right_logical3A_2174, %and3A_2177], %broadcast_in_dim3A_1 {add = true} : memref<80x128xf32, #tpu.memory_space<vmem>>[vector<16xi32>, vector<16xi32>], vector<16xf32>,
      %get3A_2178 = arith.index_cast %add3A_2159 : i32 to index
      %get3A_2179 = arith.constant 32 : index
      %get3A_2180 = tpu.vector_load %arg10[%get3A_2178, %get3A_2179] {strides = array<i32>} : memref<10x128xi32, #tpu.memory_space<vmem>>, vector<16xi32>,
      %shift_right_logical3A_2181 = arith.constant 7 : i32
      %shift_right_logical3A_2182 = vector.broadcast %shift_right_logical3A_2181 : i32 to vector<16xi32>
      %shift_right_logical3A_2183 = arith.shrui %get3A_2180, %shift_right_logical3A_2182 : vector<16xi32>
      %and3A_2184 = arith.constant 127 : i32
      %and3A_2185 = vector.broadcast %and3A_2184 : i32 to vector<16xi32>
      %and3A_2186 = arith.andi %get3A_2180, %and3A_2185 : vector<16xi32>
      tpu.vector_store_idx %arg15[%shift_right_logical3A_2183, %and3A_2186], %broadcast_in_dim3A_1 {add = true} : memref<80x128xf32, #tpu.memory_space<vmem>>[vector<16xi32>, vector<16xi32>], vector<16xf32>,
      %get3A_2187 = arith.index_cast %add3A_2159 : i32 to index
      %get3A_2188 = arith.constant 48 : index
      %get3A_2189 = tpu.vector_load %arg10[%get3A_2187, %get3A_2188] {strides = array<i32>} : memref<10x128xi32, #tpu.memory_space<vmem>>, vector<16xi32>,
      %shift_right_logical3A_2190 = arith.constant 7 : i32
      %shift_right_logical3A_2191 = vector.broadcast %shift_right_logical3A_2190 : i32 to vector<16xi32>
      %shift_right_logical3A_2192 = arith.shrui %get3A_2189, %shift_right_logical3A_2191 : vector<16xi32>
      %and3A_2193 = arith.constant 127 : i32
      %and3A_2194 = vector.broadcast %and3A_2193 : i32 to vector<16xi32>
      %and3A_2195 = arith.andi %get3A_2189, %and3A_2194 : vector<16xi32>
      tpu.vector_store_idx %arg15[%shift_right_logical3A_2192, %and3A_2195], %broadcast_in_dim3A_1 {add = true} : memref<80x128xf32, #tpu.memory_space<vmem>>[vector<16xi32>, vector<16xi32>], vector<16xf32>,
      %get3A_2196 = arith.index_cast %add3A_2159 : i32 to index
      %get3A_2197 = arith.constant 64 : index
      %get3A_2198 = tpu.vector_load %arg10[%get3A_2196, %get3A_2197] {strides = array<i32>} : memref<10x128xi32, #tpu.memory_space<vmem>>, vector<16xi32>,
      %shift_right_logical3A_2199 = arith.constant 7 : i32
      %shift_right_logical3A_2200 = vector.broadcast %shift_right_logical3A_2199 : i32 to vector<16xi32>
      %shift_right_logical3A_2201 = arith.shrui %get3A_2198, %shift_right_logical3A_2200 : vector<16xi32>
      %and3A_2202 = arith.constant 127 : i32
      %and3A_2203 = vector.broadcast %and3A_2202 : i32 to vector<16xi32>
      %and3A_2204 = arith.andi %get3A_2198, %and3A_2203 : vector<16xi32>
      tpu.vector_store_idx %arg15[%shift_right_logical3A_2201, %and3A_2204], %broadcast_in_dim3A_1 {add = true} : memref<80x128xf32, #tpu.memory_space<vmem>>[vector<16xi32>, vector<16xi32>], vector<16xf32>,
      %get3A_2205 = arith.index_cast %add3A_2159 : i32 to index
      %get3A_2206 = arith.constant 80 : index
      %get3A_2207 = tpu.vector_load %arg10[%get3A_2205, %get3A_2206] {strides = array<i32>} : memref<10x128xi32, #tpu.memory_space<vmem>>, vector<16xi32>,
      %shift_right_logical3A_2208 = arith.constant 7 : i32
      %shift_right_logical3A_2209 = vector.broadcast %shift_right_logical3A_2208 : i32 to vector<16xi32>
      %shift_right_logical3A_2210 = arith.shrui %get3A_2207, %shift_right_logical3A_2209 : vector<16xi32>
      %and3A_2211 = arith.constant 127 : i32
      %and3A_2212 = vector.broadcast %and3A_2211 : i32 to vector<16xi32>
      %and3A_2213 = arith.andi %get3A_2207, %and3A_2212 : vector<16xi32>
      tpu.vector_store_idx %arg15[%shift_right_logical3A_2210, %and3A_2213], %broadcast_in_dim3A_1 {add = true} : memref<80x128xf32, #tpu.memory_space<vmem>>[vector<16xi32>, vector<16xi32>], vector<16xf32>,
      %get3A_2214 = arith.index_cast %add3A_2159 : i32 to index
      %get3A_2215 = arith.constant 96 : index
      %get3A_2216 = tpu.vector_load %arg10[%get3A_2214, %get3A_2215] {strides = array<i32>} : memref<10x128xi32, #tpu.memory_space<vmem>>, vector<16xi32>,
      %shift_right_logical3A_2217 = arith.constant 7 : i32
      %shift_right_logical3A_2218 = vector.broadcast %shift_right_logical3A_2217 : i32 to vector<16xi32>
      %shift_right_logical3A_2219 = arith.shrui %get3A_2216, %shift_right_logical3A_2218 : vector<16xi32>
      %and3A_2220 = arith.constant 127 : i32
      %and3A_2221 = vector.broadcast %and3A_2220 : i32 to vector<16xi32>
      %and3A_2222 = arith.andi %get3A_2216, %and3A_2221 : vector<16xi32>
      tpu.vector_store_idx %arg15[%shift_right_logical3A_2219, %and3A_2222], %broadcast_in_dim3A_1 {add = true} : memref<80x128xf32, #tpu.memory_space<vmem>>[vector<16xi32>, vector<16xi32>], vector<16xf32>,
      %get3A_2223 = arith.index_cast %add3A_2159 : i32 to index
      %get3A_2224 = arith.constant 112 : index
      %get3A_2225 = tpu.vector_load %arg10[%get3A_2223, %get3A_2224] {strides = array<i32>} : memref<10x128xi32, #tpu.memory_space<vmem>>, vector<16xi32>,
      %shift_right_logical3A_2226 = arith.constant 7 : i32
      %shift_right_logical3A_2227 = vector.broadcast %shift_right_logical3A_2226 : i32 to vector<16xi32>
      %shift_right_logical3A_2228 = arith.shrui %get3A_2225, %shift_right_logical3A_2227 : vector<16xi32>
      %and3A_2229 = arith.constant 127 : i32
      %and3A_2230 = vector.broadcast %and3A_2229 : i32 to vector<16xi32>
      %and3A_2231 = arith.andi %get3A_2225, %and3A_2230 : vector<16xi32>
      tpu.vector_store_idx %arg15[%shift_right_logical3A_2228, %and3A_2231], %broadcast_in_dim3A_1 {add = true} : memref<80x128xf32, #tpu.memory_space<vmem>>[vector<16xi32>, vector<16xi32>], vector<16xf32>,
      %dma_wait3A_2232 = arith.constant 0 : i32
      %dma_wait3A_2233 = arith.constant 0 : i32
      %dma_wait3A_2234 = tpu.memref_slice %arg10[%dma_wait3A_2232, %dma_wait3A_2233] : memref<10x128xi32, #tpu.memory_space<vmem>> -> memref<1x128xi32, #tpu.memory_space<vmem>>
      %dma_wait3A_2235 = tpu.memref_squeeze %dma_wait3A_2234 : memref<1x128xi32, #tpu.memory_space<vmem>> -> memref<128xi32, #tpu.memory_space<vmem>>
      %dma_wait3A_2236 = arith.constant 0 : i32
      %dma_wait3A_2237 = arith.constant 0 : i32
      %dma_wait3A_2238 = tpu.memref_slice %arg17[%dma_wait3A_2236, %dma_wait3A_2237] : memref<10240x128xf32, #tpu.memory_space<vmem_shared>> -> memref<10240x128xf32, #tpu.memory_space<vmem_shared>>
      tpu.wait_indirect_dma semaphore(%arg21 : memref<!tpu.dma_semaphore, #tpu.memory_space<semaphore_mem>>) src(%arg13 : memref<128x128xf32, #tpu.memory_space<vmem>>) dst(%dma_wait3A_2238 : memref<10240x128xf32, #tpu.memory_space<vmem_shared>>)
      %add3A_2239 = arith.constant 2 : i32
      %add3A_2240 = arith.addi %add3A_2057, %add3A_2239 : i32
      %dma_start3A_2241 = arith.constant 0 : i32
      %dma_start3A_2242 = tpu.memref_slice %arg9[%add3A_2240, %dma_start3A_2241] : memref<10x128xi32, #tpu.memory_space<vmem>> -> memref<1x128xi32, #tpu.memory_space<vmem>>
      %dma_start3A_2243 = tpu.memref_squeeze %dma_start3A_2242 : memref<1x128xi32, #tpu.memory_space<vmem>> -> memref<128xi32, #tpu.memory_space<vmem>>
      %dma_start3A_2244 = arith.constant 0 : i32
      %dma_start3A_2245 = arith.constant 0 : i32
      %dma_start3A_2246 = tpu.memref_slice %arg2[%dma_start3A_2244, %dma_start3A_2245] : memref<10000x128xf32, #tpu.memory_space<hbm>> -> memref<10000x128xf32, #tpu.memory_space<hbm>>
      tpu.enqueue_indirect_dma source(%dma_start3A_2246 : memref<10000x128xf32, #tpu.memory_space<hbm>>) target(%arg13 : memref<128x128xf32, #tpu.memory_space<vmem>>) offsets(%dma_start3A_2243 : memref<128xi32, #tpu.memory_space<vmem>>) semaphore(%arg19 : memref<!tpu.dma_semaphore, #tpu.memory_space<semaphore_mem>>)
      %dma_wait3A_2247 = arith.constant 0 : i32
      %dma_wait3A_2248 = arith.constant 0 : i32
      %dma_wait3A_2249 = tpu.memref_slice %arg10[%dma_wait3A_2247, %dma_wait3A_2248] : memref<10x128xi32, #tpu.memory_space<vmem>> -> memref<1x128xi32, #tpu.memory_space<vmem>>
      %dma_wait3A_2250 = tpu.memref_squeeze %dma_wait3A_2249 : memref<1x128xi32, #tpu.memory_space<vmem>> -> memref<128xi32, #tpu.memory_space<vmem>>
      %dma_wait3A_2251 = arith.constant 0 : i32
      %dma_wait3A_2252 = arith.constant 0 : i32
      %dma_wait3A_2253 = tpu.memref_slice %arg17[%dma_wait3A_2251, %dma_wait3A_2252] : memref<10240x128xf32, #tpu.memory_space<vmem_shared>> -> memref<10240x128xf32, #tpu.memory_space<vmem_shared>>
      tpu.wait_indirect_dma semaphore(%arg22 : memref<!tpu.dma_semaphore, #tpu.memory_space<semaphore_mem>>) src(%arg14 : memref<128x128xf32, #tpu.memory_space<vmem>>) dst(%dma_wait3A_2253 : memref<10240x128xf32, #tpu.memory_space<vmem_shared>>)
      %add3A_2254 = arith.constant 3 : i32
      %add3A_2255 = arith.addi %add3A_2057, %add3A_2254 : i32
      %dma_start3A_2256 = arith.constant 0 : i32
      %dma_start3A_2257 = tpu.memref_slice %arg9[%add3A_2255, %dma_start3A_2256] : memref<10x128xi32, #tpu.memory_space<vmem>> -> memref<1x128xi32, #tpu.memory_space<vmem>>
      %dma_start3A_2258 = tpu.memref_squeeze %dma_start3A_2257 : memref<1x128xi32, #tpu.memory_space<vmem>> -> memref<128xi32, #tpu.memory_space<vmem>>
      %dma_start3A_2259 = arith.constant 0 : i32
      %dma_start3A_2260 = arith.constant 0 : i32
      %dma_start3A_2261 = tpu.memref_slice %arg2[%dma_start3A_2259, %dma_start3A_2260] : memref<10000x128xf32, #tpu.memory_space<hbm>> -> memref<10000x128xf32, #tpu.memory_space<hbm>>
      tpu.enqueue_indirect_dma source(%dma_start3A_2261 : memref<10000x128xf32, #tpu.memory_space<hbm>>) target(%arg14 : memref<128x128xf32, #tpu.memory_space<vmem>>) offsets(%dma_start3A_2258 : memref<128xi32, #tpu.memory_space<vmem>>) semaphore(%arg20 : memref<!tpu.dma_semaphore, #tpu.memory_space<semaphore_mem>>)
    }
    %scan3A_581 = arith.constant 4 : i32
    %dma_wait3A_582 = arith.constant 0 : i32
    %dma_wait3A_583 = arith.constant 0 : i32
    %dma_wait3A_584 = tpu.memref_slice %arg9[%dma_wait3A_582, %dma_wait3A_583] : memref<10x128xi32, #tpu.memory_space<vmem>> -> memref<1x128xi32, #tpu.memory_space<vmem>>
    %dma_wait3A_585 = tpu.memref_squeeze %dma_wait3A_584 : memref<1x128xi32, #tpu.memory_space<vmem>> -> memref<128xi32, #tpu.memory_space<vmem>>
    %dma_wait3A_586 = arith.constant 0 : i32
    %dma_wait3A_587 = arith.constant 0 : i32
    %dma_wait3A_588 = tpu.memref_slice %arg2[%dma_wait3A_586, %dma_wait3A_587] : memref<10000x128xf32, #tpu.memory_space<hbm>> -> memref<10000x128xf32, #tpu.memory_space<hbm>>
    tpu.wait_indirect_dma semaphore(%arg19 : memref<!tpu.dma_semaphore, #tpu.memory_space<semaphore_mem>>) src(%dma_wait3A_588 : memref<10000x128xf32, #tpu.memory_space<hbm>>) dst(%arg13 : memref<128x128xf32, #tpu.memory_space<vmem>>)
    %dma_start3A_589 = arith.constant 8 : i32
    %dma_start3A_590 = arith.constant 0 : i32
    %dma_start3A_591 = tpu.memref_slice %arg10[%dma_start3A_589, %dma_start3A_590] : memref<10x128xi32, #tpu.memory_space<vmem>> -> memref<1x128xi32, #tpu.memory_space<vmem>>
    %dma_start3A_592 = tpu.memref_squeeze %dma_start3A_591 : memref<1x128xi32, #tpu.memory_space<vmem>> -> memref<128xi32, #tpu.memory_space<vmem>>
    %dma_start3A_593 = arith.constant 0 : i32
    %dma_start3A_594 = arith.constant 0 : i32
    %dma_start3A_595 = tpu.memref_slice %arg17[%dma_start3A_593, %dma_start3A_594] : memref<10240x128xf32, #tpu.memory_space<vmem_shared>> -> memref<10240x128xf32, #tpu.memory_space<vmem_shared>>
    tpu.enqueue_indirect_dma source(%arg13 : memref<128x128xf32, #tpu.memory_space<vmem>>) target(%dma_start3A_595 : memref<10240x128xf32, #tpu.memory_space<vmem_shared>>) offsets(%dma_start3A_592 : memref<128xi32, #tpu.memory_space<vmem>>) semaphore(%arg21 : memref<!tpu.dma_semaphore, #tpu.memory_space<semaphore_mem>>) {add = true}
    %get3A_596 = arith.constant 8 : i32
    %get3A_597 = arith.index_cast %get3A_596 : i32 to index
    %get3A_598 = arith.constant 0 : index
    %get3A_599 = tpu.vector_load %arg10[%get3A_597, %get3A_598] {strides = array<i32>} : memref<10x128xi32, #tpu.memory_space<vmem>>, vector<16xi32>,
    %shift_right_logical3A_600 = arith.constant 7 : i32
    %shift_right_logical3A_601 = vector.broadcast %shift_right_logical3A_600 : i32 to vector<16xi32>
    %shift_right_logical3A_602 = arith.shrui %get3A_599, %shift_right_logical3A_601 : vector<16xi32>
    %and3A_603 = arith.constant 127 : i32
    %and3A_604 = vector.broadcast %and3A_603 : i32 to vector<16xi32>
    %and3A_605 = arith.andi %get3A_599, %and3A_604 : vector<16xi32>
    tpu.vector_store_idx %arg15[%shift_right_logical3A_602, %and3A_605], %broadcast_in_dim3A_1 {add = true} : memref<80x128xf32, #tpu.memory_space<vmem>>[vector<16xi32>, vector<16xi32>], vector<16xf32>,
    %get3A_606 = arith.constant 8 : i32
    %get3A_607 = arith.index_cast %get3A_606 : i32 to index
    %get3A_608 = arith.constant 16 : index
    %get3A_609 = tpu.vector_load %arg10[%get3A_607, %get3A_608] {strides = array<i32>} : memref<10x128xi32, #tpu.memory_space<vmem>>, vector<16xi32>,
    %shift_right_logical3A_610 = arith.constant 7 : i32
    %shift_right_logical3A_611 = vector.broadcast %shift_right_logical3A_610 : i32 to vector<16xi32>
    %shift_right_logical3A_612 = arith.shrui %get3A_609, %shift_right_logical3A_611 : vector<16xi32>
    %and3A_613 = arith.constant 127 : i32
    %and3A_614 = vector.broadcast %and3A_613 : i32 to vector<16xi32>
    %and3A_615 = arith.andi %get3A_609, %and3A_614 : vector<16xi32>
    tpu.vector_store_idx %arg15[%shift_right_logical3A_612, %and3A_615], %broadcast_in_dim3A_1 {add = true} : memref<80x128xf32, #tpu.memory_space<vmem>>[vector<16xi32>, vector<16xi32>], vector<16xf32>,
    %get3A_616 = arith.constant 8 : i32
    %get3A_617 = arith.index_cast %get3A_616 : i32 to index
    %get3A_618 = arith.constant 32 : index
    %get3A_619 = tpu.vector_load %arg10[%get3A_617, %get3A_618] {strides = array<i32>} : memref<10x128xi32, #tpu.memory_space<vmem>>, vector<16xi32>,
    %shift_right_logical3A_620 = arith.constant 7 : i32
    %shift_right_logical3A_621 = vector.broadcast %shift_right_logical3A_620 : i32 to vector<16xi32>
    %shift_right_logical3A_622 = arith.shrui %get3A_619, %shift_right_logical3A_621 : vector<16xi32>
    %and3A_623 = arith.constant 127 : i32
    %and3A_624 = vector.broadcast %and3A_623 : i32 to vector<16xi32>
    %and3A_625 = arith.andi %get3A_619, %and3A_624 : vector<16xi32>
    tpu.vector_store_idx %arg15[%shift_right_logical3A_622, %and3A_625], %broadcast_in_dim3A_1 {add = true} : memref<80x128xf32, #tpu.memory_space<vmem>>[vector<16xi32>, vector<16xi32>], vector<16xf32>,
    %get3A_626 = arith.constant 8 : i32
    %get3A_627 = arith.index_cast %get3A_626 : i32 to index
    %get3A_628 = arith.constant 48 : index
    %get3A_629 = tpu.vector_load %arg10[%get3A_627, %get3A_628] {strides = array<i32>} : memref<10x128xi32, #tpu.memory_space<vmem>>, vector<16xi32>,
    %shift_right_logical3A_630 = arith.constant 7 : i32
    %shift_right_logical3A_631 = vector.broadcast %shift_right_logical3A_630 : i32 to vector<16xi32>
    %shift_right_logical3A_632 = arith.shrui %get3A_629, %shift_right_logical3A_631 : vector<16xi32>
    %and3A_633 = arith.constant 127 : i32
    %and3A_634 = vector.broadcast %and3A_633 : i32 to vector<16xi32>
    %and3A_635 = arith.andi %get3A_629, %and3A_634 : vector<16xi32>
    tpu.vector_store_idx %arg15[%shift_right_logical3A_632, %and3A_635], %broadcast_in_dim3A_1 {add = true} : memref<80x128xf32, #tpu.memory_space<vmem>>[vector<16xi32>, vector<16xi32>], vector<16xf32>,
    %get3A_636 = arith.constant 8 : i32
    %get3A_637 = arith.index_cast %get3A_636 : i32 to index
    %get3A_638 = arith.constant 64 : index
    %get3A_639 = tpu.vector_load %arg10[%get3A_637, %get3A_638] {strides = array<i32>} : memref<10x128xi32, #tpu.memory_space<vmem>>, vector<16xi32>,
    %shift_right_logical3A_640 = arith.constant 7 : i32
    %shift_right_logical3A_641 = vector.broadcast %shift_right_logical3A_640 : i32 to vector<16xi32>
    %shift_right_logical3A_642 = arith.shrui %get3A_639, %shift_right_logical3A_641 : vector<16xi32>
    %and3A_643 = arith.constant 127 : i32
    %and3A_644 = vector.broadcast %and3A_643 : i32 to vector<16xi32>
    %and3A_645 = arith.andi %get3A_639, %and3A_644 : vector<16xi32>
    tpu.vector_store_idx %arg15[%shift_right_logical3A_642, %and3A_645], %broadcast_in_dim3A_1 {add = true} : memref<80x128xf32, #tpu.memory_space<vmem>>[vector<16xi32>, vector<16xi32>], vector<16xf32>,
    %get3A_646 = arith.constant 8 : i32
    %get3A_647 = arith.index_cast %get3A_646 : i32 to index
    %get3A_648 = arith.constant 80 : index
    %get3A_649 = tpu.vector_load %arg10[%get3A_647, %get3A_648] {strides = array<i32>} : memref<10x128xi32, #tpu.memory_space<vmem>>, vector<16xi32>,
    %shift_right_logical3A_650 = arith.constant 7 : i32
    %shift_right_logical3A_651 = vector.broadcast %shift_right_logical3A_650 : i32 to vector<16xi32>
    %shift_right_logical3A_652 = arith.shrui %get3A_649, %shift_right_logical3A_651 : vector<16xi32>
    %and3A_653 = arith.constant 127 : i32
    %and3A_654 = vector.broadcast %and3A_653 : i32 to vector<16xi32>
    %and3A_655 = arith.andi %get3A_649, %and3A_654 : vector<16xi32>
    tpu.vector_store_idx %arg15[%shift_right_logical3A_652, %and3A_655], %broadcast_in_dim3A_1 {add = true} : memref<80x128xf32, #tpu.memory_space<vmem>>[vector<16xi32>, vector<16xi32>], vector<16xf32>,
    %get3A_656 = arith.constant 8 : i32
    %get3A_657 = arith.index_cast %get3A_656 : i32 to index
    %get3A_658 = arith.constant 96 : index
    %get3A_659 = tpu.vector_load %arg10[%get3A_657, %get3A_658] {strides = array<i32>} : memref<10x128xi32, #tpu.memory_space<vmem>>, vector<16xi32>,
    %shift_right_logical3A_660 = arith.constant 7 : i32
    %shift_right_logical3A_661 = vector.broadcast %shift_right_logical3A_660 : i32 to vector<16xi32>
    %shift_right_logical3A_662 = arith.shrui %get3A_659, %shift_right_logical3A_661 : vector<16xi32>
    %and3A_663 = arith.constant 127 : i32
    %and3A_664 = vector.broadcast %and3A_663 : i32 to vector<16xi32>
    %and3A_665 = arith.andi %get3A_659, %and3A_664 : vector<16xi32>
    tpu.vector_store_idx %arg15[%shift_right_logical3A_662, %and3A_665], %broadcast_in_dim3A_1 {add = true} : memref<80x128xf32, #tpu.memory_space<vmem>>[vector<16xi32>, vector<16xi32>], vector<16xf32>,
    %get3A_666 = arith.constant 8 : i32
    %get3A_667 = arith.index_cast %get3A_666 : i32 to index
    %get3A_668 = arith.constant 112 : index
    %get3A_669 = tpu.vector_load %arg10[%get3A_667, %get3A_668] {strides = array<i32>} : memref<10x128xi32, #tpu.memory_space<vmem>>, vector<16xi32>,
    %shift_right_logical3A_670 = arith.constant 7 : i32
    %shift_right_logical3A_671 = vector.broadcast %shift_right_logical3A_670 : i32 to vector<16xi32>
    %shift_right_logical3A_672 = arith.shrui %get3A_669, %shift_right_logical3A_671 : vector<16xi32>
    %and3A_673 = arith.constant 127 : i32
    %and3A_674 = vector.broadcast %and3A_673 : i32 to vector<16xi32>
    %and3A_675 = arith.andi %get3A_669, %and3A_674 : vector<16xi32>
    tpu.vector_store_idx %arg15[%shift_right_logical3A_672, %and3A_675], %broadcast_in_dim3A_1 {add = true} : memref<80x128xf32, #tpu.memory_space<vmem>>[vector<16xi32>, vector<16xi32>], vector<16xf32>,
    %dma_wait3A_676 = arith.constant 0 : i32
    %dma_wait3A_677 = arith.constant 0 : i32
    %dma_wait3A_678 = tpu.memref_slice %arg9[%dma_wait3A_676, %dma_wait3A_677] : memref<10x128xi32, #tpu.memory_space<vmem>> -> memref<1x128xi32, #tpu.memory_space<vmem>>
    %dma_wait3A_679 = tpu.memref_squeeze %dma_wait3A_678 : memref<1x128xi32, #tpu.memory_space<vmem>> -> memref<128xi32, #tpu.memory_space<vmem>>
    %dma_wait3A_680 = arith.constant 0 : i32
    %dma_wait3A_681 = arith.constant 0 : i32
    %dma_wait3A_682 = tpu.memref_slice %arg2[%dma_wait3A_680, %dma_wait3A_681] : memref<10000x128xf32, #tpu.memory_space<hbm>> -> memref<10000x128xf32, #tpu.memory_space<hbm>>
    tpu.wait_indirect_dma semaphore(%arg20 : memref<!tpu.dma_semaphore, #tpu.memory_space<semaphore_mem>>) src(%dma_wait3A_682 : memref<10000x128xf32, #tpu.memory_space<hbm>>) dst(%arg14 : memref<128x128xf32, #tpu.memory_space<vmem>>)
    %dma_start3A_683 = arith.constant 9 : i32
    %dma_start3A_684 = arith.constant 0 : i32
    %dma_start3A_685 = tpu.memref_slice %arg10[%dma_start3A_683, %dma_start3A_684] : memref<10x128xi32, #tpu.memory_space<vmem>> -> memref<1x128xi32, #tpu.memory_space<vmem>>
    %dma_start3A_686 = tpu.memref_squeeze %dma_start3A_685 : memref<1x128xi32, #tpu.memory_space<vmem>> -> memref<128xi32, #tpu.memory_space<vmem>>
    %dma_start3A_687 = arith.constant 0 : i32
    %dma_start3A_688 = arith.constant 0 : i32
    %dma_start3A_689 = tpu.memref_slice %arg17[%dma_start3A_687, %dma_start3A_688] : memref<10240x128xf32, #tpu.memory_space<vmem_shared>> -> memref<10240x128xf32, #tpu.memory_space<vmem_shared>>
    tpu.enqueue_indirect_dma source(%arg14 : memref<128x128xf32, #tpu.memory_space<vmem>>) target(%dma_start3A_689 : memref<10240x128xf32, #tpu.memory_space<vmem_shared>>) offsets(%dma_start3A_686 : memref<128xi32, #tpu.memory_space<vmem>>) semaphore(%arg22 : memref<!tpu.dma_semaphore, #tpu.memory_space<semaphore_mem>>) {add = true}
    %get3A_690 = arith.constant 9 : i32
    %get3A_691 = arith.index_cast %get3A_690 : i32 to index
    %get3A_692 = arith.constant 0 : index
    %get3A_693 = tpu.vector_load %arg10[%get3A_691, %get3A_692] {strides = array<i32>} : memref<10x128xi32, #tpu.memory_space<vmem>>, vector<16xi32>,
    %shift_right_logical3A_694 = arith.constant 7 : i32
    %shift_right_logical3A_695 = vector.broadcast %shift_right_logical3A_694 : i32 to vector<16xi32>
    %shift_right_logical3A_696 = arith.shrui %get3A_693, %shift_right_logical3A_695 : vector<16xi32>
    %and3A_697 = arith.constant 127 : i32
    %and3A_698 = vector.broadcast %and3A_697 : i32 to vector<16xi32>
    %and3A_699 = arith.andi %get3A_693, %and3A_698 : vector<16xi32>
    tpu.vector_store_idx %arg15[%shift_right_logical3A_696, %and3A_699], %broadcast_in_dim3A_1 {add = true} : memref<80x128xf32, #tpu.memory_space<vmem>>[vector<16xi32>, vector<16xi32>], vector<16xf32>,
    %get3A_700 = arith.constant 9 : i32
    %get3A_701 = arith.index_cast %get3A_700 : i32 to index
    %get3A_702 = arith.constant 16 : index
    %get3A_703 = tpu.vector_load %arg10[%get3A_701, %get3A_702] {strides = array<i32>} : memref<10x128xi32, #tpu.memory_space<vmem>>, vector<16xi32>,
    %shift_right_logical3A_704 = arith.constant 7 : i32
    %shift_right_logical3A_705 = vector.broadcast %shift_right_logical3A_704 : i32 to vector<16xi32>
    %shift_right_logical3A_706 = arith.shrui %get3A_703, %shift_right_logical3A_705 : vector<16xi32>
    %and3A_707 = arith.constant 127 : i32
    %and3A_708 = vector.broadcast %and3A_707 : i32 to vector<16xi32>
    %and3A_709 = arith.andi %get3A_703, %and3A_708 : vector<16xi32>
    tpu.vector_store_idx %arg15[%shift_right_logical3A_706, %and3A_709], %broadcast_in_dim3A_1 {add = true} : memref<80x128xf32, #tpu.memory_space<vmem>>[vector<16xi32>, vector<16xi32>], vector<16xf32>,
    %get3A_710 = arith.constant 9 : i32
    %get3A_711 = arith.index_cast %get3A_710 : i32 to index
    %get3A_712 = arith.constant 32 : index
    %get3A_713 = tpu.vector_load %arg10[%get3A_711, %get3A_712] {strides = array<i32>} : memref<10x128xi32, #tpu.memory_space<vmem>>, vector<16xi32>,
    %shift_right_logical3A_714 = arith.constant 7 : i32
    %shift_right_logical3A_715 = vector.broadcast %shift_right_logical3A_714 : i32 to vector<16xi32>
    %shift_right_logical3A_716 = arith.shrui %get3A_713, %shift_right_logical3A_715 : vector<16xi32>
    %and3A_717 = arith.constant 127 : i32
    %and3A_718 = vector.broadcast %and3A_717 : i32 to vector<16xi32>
    %and3A_719 = arith.andi %get3A_713, %and3A_718 : vector<16xi32>
    tpu.vector_store_idx %arg15[%shift_right_logical3A_716, %and3A_719], %broadcast_in_dim3A_1 {add = true} : memref<80x128xf32, #tpu.memory_space<vmem>>[vector<16xi32>, vector<16xi32>], vector<16xf32>,
    %get3A_720 = arith.constant 9 : i32
    %get3A_721 = arith.index_cast %get3A_720 : i32 to index
    %get3A_722 = arith.constant 48 : index
    %get3A_723 = tpu.vector_load %arg10[%get3A_721, %get3A_722] {strides = array<i32>} : memref<10x128xi32, #tpu.memory_space<vmem>>, vector<16xi32>,
    %shift_right_logical3A_724 = arith.constant 7 : i32
    %shift_right_logical3A_725 = vector.broadcast %shift_right_logical3A_724 : i32 to vector<16xi32>
    %shift_right_logical3A_726 = arith.shrui %get3A_723, %shift_right_logical3A_725 : vector<16xi32>
    %and3A_727 = arith.constant 127 : i32
    %and3A_728 = vector.broadcast %and3A_727 : i32 to vector<16xi32>
    %and3A_729 = arith.andi %get3A_723, %and3A_728 : vector<16xi32>
    tpu.vector_store_idx %arg15[%shift_right_logical3A_726, %and3A_729], %broadcast_in_dim3A_1 {add = true} : memref<80x128xf32, #tpu.memory_space<vmem>>[vector<16xi32>, vector<16xi32>], vector<16xf32>,
    %get3A_730 = arith.constant 9 : i32
    %get3A_731 = arith.index_cast %get3A_730 : i32 to index
    %get3A_732 = arith.constant 64 : index
    %get3A_733 = tpu.vector_load %arg10[%get3A_731, %get3A_732] {strides = array<i32>} : memref<10x128xi32, #tpu.memory_space<vmem>>, vector<16xi32>,
    %shift_right_logical3A_734 = arith.constant 7 : i32
    %shift_right_logical3A_735 = vector.broadcast %shift_right_logical3A_734 : i32 to vector<16xi32>
    %shift_right_logical3A_736 = arith.shrui %get3A_733, %shift_right_logical3A_735 : vector<16xi32>
    %and3A_737 = arith.constant 127 : i32
    %and3A_738 = vector.broadcast %and3A_737 : i32 to vector<16xi32>
    %and3A_739 = arith.andi %get3A_733, %and3A_738 : vector<16xi32>
    tpu.vector_store_idx %arg15[%shift_right_logical3A_736, %and3A_739], %broadcast_in_dim3A_1 {add = true} : memref<80x128xf32, #tpu.memory_space<vmem>>[vector<16xi32>, vector<16xi32>], vector<16xf32>,
    %get3A_740 = arith.constant 9 : i32
    %get3A_741 = arith.index_cast %get3A_740 : i32 to index
    %get3A_742 = arith.constant 80 : index
    %get3A_743 = tpu.vector_load %arg10[%get3A_741, %get3A_742] {strides = array<i32>} : memref<10x128xi32, #tpu.memory_space<vmem>>, vector<16xi32>,
    %shift_right_logical3A_744 = arith.constant 7 : i32
    %shift_right_logical3A_745 = vector.broadcast %shift_right_logical3A_744 : i32 to vector<16xi32>
    %shift_right_logical3A_746 = arith.shrui %get3A_743, %shift_right_logical3A_745 : vector<16xi32>
    %and3A_747 = arith.constant 127 : i32
    %and3A_748 = vector.broadcast %and3A_747 : i32 to vector<16xi32>
    %and3A_749 = arith.andi %get3A_743, %and3A_748 : vector<16xi32>
    tpu.vector_store_idx %arg15[%shift_right_logical3A_746, %and3A_749], %broadcast_in_dim3A_1 {add = true} : memref<80x128xf32, #tpu.memory_space<vmem>>[vector<16xi32>, vector<16xi32>], vector<16xf32>,
    %get3A_750 = arith.constant 9 : i32
    %get3A_751 = arith.index_cast %get3A_750 : i32 to index
    %get3A_752 = arith.constant 96 : index
    %get3A_753 = tpu.vector_load %arg10[%get3A_751, %get3A_752] {strides = array<i32>} : memref<10x128xi32, #tpu.memory_space<vmem>>, vector<16xi32>,
    %shift_right_logical3A_754 = arith.constant 7 : i32
    %shift_right_logical3A_755 = vector.broadcast %shift_right_logical3A_754 : i32 to vector<16xi32>
    %shift_right_logical3A_756 = arith.shrui %get3A_753, %shift_right_logical3A_755 : vector<16xi32>
    %and3A_757 = arith.constant 127 : i32
    %and3A_758 = vector.broadcast %and3A_757 : i32 to vector<16xi32>
    %and3A_759 = arith.andi %get3A_753, %and3A_758 : vector<16xi32>
    tpu.vector_store_idx %arg15[%shift_right_logical3A_756, %and3A_759], %broadcast_in_dim3A_1 {add = true} : memref<80x128xf32, #tpu.memory_space<vmem>>[vector<16xi32>, vector<16xi32>], vector<16xf32>,
    %get3A_760 = arith.constant 9 : i32
    %get3A_761 = arith.index_cast %get3A_760 : i32 to index
    %get3A_762 = arith.constant 112 : index
    %get3A_763 = tpu.vector_load %arg10[%get3A_761, %get3A_762] {strides = array<i32>} : memref<10x128xi32, #tpu.memory_space<vmem>>, vector<16xi32>,
    %shift_right_logical3A_764 = arith.constant 7 : i32
    %shift_right_logical3A_765 = vector.broadcast %shift_right_logical3A_764 : i32 to vector<16xi32>
    %shift_right_logical3A_766 = arith.shrui %get3A_763, %shift_right_logical3A_765 : vector<16xi32>
    %and3A_767 = arith.constant 127 : i32
    %and3A_768 = vector.broadcast %and3A_767 : i32 to vector<16xi32>
    %and3A_769 = arith.andi %get3A_763, %and3A_768 : vector<16xi32>
    tpu.vector_store_idx %arg15[%shift_right_logical3A_766, %and3A_769], %broadcast_in_dim3A_1 {add = true} : memref<80x128xf32, #tpu.memory_space<vmem>>[vector<16xi32>, vector<16xi32>], vector<16xf32>,
    %dma_wait3A_770 = arith.constant 0 : i32
    %dma_wait3A_771 = arith.constant 0 : i32
    %dma_wait3A_772 = arith.constant 0 : i32
    %dma_wait3A_773 = tpu.memref_slice %arg3[%add3A, %dma_wait3A_770, %dma_wait3A_771, %dma_wait3A_772] : memref<32x8x10x128xi32, #tpu.memory_space<hbm>> -> memref<1x1x10x128xi32, #tpu.memory_space<hbm>>
    %dma_wait3A_774 = tpu.memref_squeeze %dma_wait3A_773 : memref<1x1x10x128xi32, #tpu.memory_space<hbm>> -> memref<10x128xi32, #tpu.memory_space<hbm>>
    %dma_wait3A_775 = arith.constant 0 : i32
    %dma_wait3A_776 = arith.constant 0 : i32
    %dma_wait3A_777 = tpu.memref_slice %arg3[%add3A, %dma_wait3A_770, %dma_wait3A_775, %dma_wait3A_776] : memref<32x8x10x128xi32, #tpu.memory_space<hbm>> -> memref<1x1x10x128xi32, #tpu.memory_space<hbm>>
    %dma_wait3A_778 = tpu.memref_squeeze %dma_wait3A_777 : memref<1x1x10x128xi32, #tpu.memory_space<hbm>> -> memref<10x128xi32, #tpu.memory_space<hbm>>
    tpu.wait_dma2 semaphore(%arg24 : memref<!tpu.dma_semaphore, #tpu.memory_space<semaphore_mem>>) src(%dma_wait3A_778 : memref<10x128xi32, #tpu.memory_space<hbm>>) dst(%arg9 : memref<10x128xi32, #tpu.memory_space<vmem>>)
    %dma_wait3A_779 = arith.constant 0 : i32
    %dma_wait3A_780 = arith.constant 0 : i32
    %dma_wait3A_781 = arith.constant 0 : i32
    %dma_wait3A_782 = tpu.memref_slice %arg4[%add3A, %dma_wait3A_779, %dma_wait3A_780, %dma_wait3A_781] : memref<32x8x10x128xi32, #tpu.memory_space<hbm>> -> memref<1x1x10x128xi32, #tpu.memory_space<hbm>>
    %dma_wait3A_783 = tpu.memref_squeeze %dma_wait3A_782 : memref<1x1x10x128xi32, #tpu.memory_space<hbm>> -> memref<10x128xi32, #tpu.memory_space<hbm>>
    %dma_wait3A_784 = arith.constant 0 : i32
    %dma_wait3A_785 = arith.constant 0 : i32
    %dma_wait3A_786 = tpu.memref_slice %arg4[%add3A, %dma_wait3A_779, %dma_wait3A_784, %dma_wait3A_785] : memref<32x8x10x128xi32, #tpu.memory_space<hbm>> -> memref<1x1x10x128xi32, #tpu.memory_space<hbm>>
    %dma_wait3A_787 = tpu.memref_squeeze %dma_wait3A_786 : memref<1x1x10x128xi32, #tpu.memory_space<hbm>> -> memref<10x128xi32, #tpu.memory_space<hbm>>
    tpu.wait_dma2 semaphore(%arg24 : memref<!tpu.dma_semaphore, #tpu.memory_space<semaphore_mem>>) src(%dma_wait3A_787 : memref<10x128xi32, #tpu.memory_space<hbm>>) dst(%arg10 : memref<10x128xi32, #tpu.memory_space<vmem>>)
    %dma_wait3A_788 = arith.constant 0 : i32
    %dma_wait3A_789 = arith.constant 0 : i32
    %dma_wait3A_790 = tpu.memref_slice %arg10[%dma_wait3A_788, %dma_wait3A_789] : memref<10x128xi32, #tpu.memory_space<vmem>> -> memref<1x128xi32, #tpu.memory_space<vmem>>
    %dma_wait3A_791 = tpu.memref_squeeze %dma_wait3A_790 : memref<1x128xi32, #tpu.memory_space<vmem>> -> memref<128xi32, #tpu.memory_space<vmem>>
    %dma_wait3A_792 = arith.constant 0 : i32
    %dma_wait3A_793 = arith.constant 0 : i32
    %dma_wait3A_794 = tpu.memref_slice %arg17[%dma_wait3A_792, %dma_wait3A_793] : memref<10240x128xf32, #tpu.memory_space<vmem_shared>> -> memref<10240x128xf32, #tpu.memory_space<vmem_shared>>
    tpu.wait_indirect_dma semaphore(%arg21 : memref<!tpu.dma_semaphore, #tpu.memory_space<semaphore_mem>>) src(%arg13 : memref<128x128xf32, #tpu.memory_space<vmem>>) dst(%dma_wait3A_794 : memref<10240x128xf32, #tpu.memory_space<vmem_shared>>)
    %dma_start3A_795 = arith.constant 0 : i32
    %dma_start3A_796 = arith.constant 0 : i32
    %dma_start3A_797 = tpu.memref_slice %arg11[%dma_start3A_795, %dma_start3A_796] : memref<10x128xi32, #tpu.memory_space<vmem>> -> memref<1x128xi32, #tpu.memory_space<vmem>>
    %dma_start3A_798 = tpu.memref_squeeze %dma_start3A_797 : memref<1x128xi32, #tpu.memory_space<vmem>> -> memref<128xi32, #tpu.memory_space<vmem>>
    %dma_start3A_799 = arith.constant 0 : i32
    %dma_start3A_800 = arith.constant 0 : i32
    %dma_start3A_801 = tpu.memref_slice %arg2[%dma_start3A_799, %dma_start3A_800] : memref<10000x128xf32, #tpu.memory_space<hbm>> -> memref<10000x128xf32, #tpu.memory_space<hbm>>
    tpu.enqueue_indirect_dma source(%dma_start3A_801 : memref<10000x128xf32, #tpu.memory_space<hbm>>) target(%arg13 : memref<128x128xf32, #tpu.memory_space<vmem>>) offsets(%dma_start3A_798 : memref<128xi32, #tpu.memory_space<vmem>>) semaphore(%arg19 : memref<!tpu.dma_semaphore, #tpu.memory_space<semaphore_mem>>)
    %dma_wait3A_802 = arith.constant 0 : i32
    %dma_wait3A_803 = arith.constant 0 : i32
    %dma_wait3A_804 = tpu.memref_slice %arg10[%dma_wait3A_802, %dma_wait3A_803] : memref<10x128xi32, #tpu.memory_space<vmem>> -> memref<1x128xi32, #tpu.memory_space<vmem>>
    %dma_wait3A_805 = tpu.memref_squeeze %dma_wait3A_804 : memref<1x128xi32, #tpu.memory_space<vmem>> -> memref<128xi32, #tpu.memory_space<vmem>>
    %dma_wait3A_806 = arith.constant 0 : i32
    %dma_wait3A_807 = arith.constant 0 : i32
    %dma_wait3A_808 = tpu.memref_slice %arg17[%dma_wait3A_806, %dma_wait3A_807] : memref<10240x128xf32, #tpu.memory_space<vmem_shared>> -> memref<10240x128xf32, #tpu.memory_space<vmem_shared>>
    tpu.wait_indirect_dma semaphore(%arg22 : memref<!tpu.dma_semaphore, #tpu.memory_space<semaphore_mem>>) src(%arg14 : memref<128x128xf32, #tpu.memory_space<vmem>>) dst(%dma_wait3A_808 : memref<10240x128xf32, #tpu.memory_space<vmem_shared>>)
    %dma_start3A_809 = arith.constant 1 : i32
    %dma_start3A_810 = arith.constant 0 : i32
    %dma_start3A_811 = tpu.memref_slice %arg11[%dma_start3A_809, %dma_start3A_810] : memref<10x128xi32, #tpu.memory_space<vmem>> -> memref<1x128xi32, #tpu.memory_space<vmem>>
    %dma_start3A_812 = tpu.memref_squeeze %dma_start3A_811 : memref<1x128xi32, #tpu.memory_space<vmem>> -> memref<128xi32, #tpu.memory_space<vmem>>
    %dma_start3A_813 = arith.constant 0 : i32
    %dma_start3A_814 = arith.constant 0 : i32
    %dma_start3A_815 = tpu.memref_slice %arg2[%dma_start3A_813, %dma_start3A_814] : memref<10000x128xf32, #tpu.memory_space<hbm>> -> memref<10000x128xf32, #tpu.memory_space<hbm>>
    tpu.enqueue_indirect_dma source(%dma_start3A_815 : memref<10000x128xf32, #tpu.memory_space<hbm>>) target(%arg14 : memref<128x128xf32, #tpu.memory_space<vmem>>) offsets(%dma_start3A_812 : memref<128xi32, #tpu.memory_space<vmem>>) semaphore(%arg20 : memref<!tpu.dma_semaphore, #tpu.memory_space<semaphore_mem>>)
    %dma_start3A_816 = arith.constant 4 : i32
    %dma_start3A_817 = arith.constant 0 : i32
    %dma_start3A_818 = arith.constant 0 : i32
    %dma_start3A_819 = tpu.memref_slice %arg3[%add3A, %dma_start3A_816, %dma_start3A_817, %dma_start3A_818] : memref<32x8x10x128xi32, #tpu.memory_space<hbm>> -> memref<1x1x10x128xi32, #tpu.memory_space<hbm>>
    %dma_start3A_820 = tpu.memref_squeeze %dma_start3A_819 : memref<1x1x10x128xi32, #tpu.memory_space<hbm>> -> memref<10x128xi32, #tpu.memory_space<hbm>>
    %dma_start3A_821 = arith.constant 0 : i32
    %dma_start3A_822 = arith.constant 0 : i32
    %dma_start3A_823 = tpu.memref_slice %arg3[%add3A, %dma_start3A_816, %dma_start3A_821, %dma_start3A_822] : memref<32x8x10x128xi32, #tpu.memory_space<hbm>> -> memref<1x1x10x128xi32, #tpu.memory_space<hbm>>
    %dma_start3A_824 = tpu.memref_squeeze %dma_start3A_823 : memref<1x1x10x128xi32, #tpu.memory_space<hbm>> -> memref<10x128xi32, #tpu.memory_space<hbm>>
    tpu.enqueue_dma source(%dma_start3A_824 : memref<10x128xi32, #tpu.memory_space<hbm>>) target(%arg9 : memref<10x128xi32, #tpu.memory_space<vmem>>) target_semaphore(%arg24 : memref<!tpu.dma_semaphore, #tpu.memory_space<semaphore_mem>>)
    %dma_start3A_825 = arith.constant 4 : i32
    %dma_start3A_826 = arith.constant 0 : i32
    %dma_start3A_827 = arith.constant 0 : i32
    %dma_start3A_828 = tpu.memref_slice %arg4[%add3A, %dma_start3A_825, %dma_start3A_826, %dma_start3A_827] : memref<32x8x10x128xi32, #tpu.memory_space<hbm>> -> memref<1x1x10x128xi32, #tpu.memory_space<hbm>>
    %dma_start3A_829 = tpu.memref_squeeze %dma_start3A_828 : memref<1x1x10x128xi32, #tpu.memory_space<hbm>> -> memref<10x128xi32, #tpu.memory_space<hbm>>
    %dma_start3A_830 = arith.constant 0 : i32
    %dma_start3A_831 = arith.constant 0 : i32
    %dma_start3A_832 = tpu.memref_slice %arg4[%add3A, %dma_start3A_825, %dma_start3A_830, %dma_start3A_831] : memref<32x8x10x128xi32, #tpu.memory_space<hbm>> -> memref<1x1x10x128xi32, #tpu.memory_space<hbm>>
    %dma_start3A_833 = tpu.memref_squeeze %dma_start3A_832 : memref<1x1x10x128xi32, #tpu.memory_space<hbm>> -> memref<10x128xi32, #tpu.memory_space<hbm>>
    tpu.enqueue_dma source(%dma_start3A_833 : memref<10x128xi32, #tpu.memory_space<hbm>>) target(%arg10 : memref<10x128xi32, #tpu.memory_space<vmem>>) target_semaphore(%arg24 : memref<!tpu.dma_semaphore, #tpu.memory_space<semaphore_mem>>)
    %scan3A_834 = arith.constant 0 : i32
    %scan3A_835 = arith.constant 4 : i32
    %scan3A_836 = arith.addi %scan3A_834, %scan3A_835 : i32
    %scan3A_837 = arith.constant 1 : i32
    scf.for %scan3A_2053 = %scan3A_834 to %scan3A_836 step %scan3A_837  : i32 {
      %mul3A_2054 = arith.constant 2 : i32
      %mul3A_2055 = arith.muli %scan3A_2053, %mul3A_2054 : i32
      %add3A_2056 = arith.constant 0 : i32
      %add3A_2057 = arith.addi %add3A_2056, %mul3A_2055 : i32
      %dma_wait3A_2058 = arith.constant 0 : i32
      %dma_wait3A_2059 = arith.constant 0 : i32
      %dma_wait3A_2060 = tpu.memref_slice %arg9[%dma_wait3A_2058, %dma_wait3A_2059] : memref<10x128xi32, #tpu.memory_space<vmem>> -> memref<1x128xi32, #tpu.memory_space<vmem>>
      %dma_wait3A_2061 = tpu.memref_squeeze %dma_wait3A_2060 : memref<1x128xi32, #tpu.memory_space<vmem>> -> memref<128xi32, #tpu.memory_space<vmem>>
      %dma_wait3A_2062 = arith.constant 0 : i32
      %dma_wait3A_2063 = arith.constant 0 : i32
      %dma_wait3A_2064 = tpu.memref_slice %arg2[%dma_wait3A_2062, %dma_wait3A_2063] : memref<10000x128xf32, #tpu.memory_space<hbm>> -> memref<10000x128xf32, #tpu.memory_space<hbm>>
      tpu.wait_indirect_dma semaphore(%arg19 : memref<!tpu.dma_semaphore, #tpu.memory_space<semaphore_mem>>) src(%dma_wait3A_2064 : memref<10000x128xf32, #tpu.memory_space<hbm>>) dst(%arg13 : memref<128x128xf32, #tpu.memory_space<vmem>>)
      %dma_start3A_2065 = arith.constant 0 : i32
      %dma_start3A_2066 = tpu.memref_slice %arg12[%add3A_2057, %dma_start3A_2065] : memref<10x128xi32, #tpu.memory_space<vmem>> -> memref<1x128xi32, #tpu.memory_space<vmem>>
      %dma_start3A_2067 = tpu.memref_squeeze %dma_start3A_2066 : memref<1x128xi32, #tpu.memory_space<vmem>> -> memref<128xi32, #tpu.memory_space<vmem>>
      %dma_start3A_2068 = arith.constant 0 : i32
      %dma_start3A_2069 = arith.constant 0 : i32
      %dma_start3A_2070 = tpu.memref_slice %arg17[%dma_start3A_2068, %dma_start3A_2069] : memref<10240x128xf32, #tpu.memory_space<vmem_shared>> -> memref<10240x128xf32, #tpu.memory_space<vmem_shared>>
      tpu.enqueue_indirect_dma source(%arg13 : memref<128x128xf32, #tpu.memory_space<vmem>>) target(%dma_start3A_2070 : memref<10240x128xf32, #tpu.memory_space<vmem_shared>>) offsets(%dma_start3A_2067 : memref<128xi32, #tpu.memory_space<vmem>>) semaphore(%arg21 : memref<!tpu.dma_semaphore, #tpu.memory_space<semaphore_mem>>) {add = true}
      %get3A_2071 = arith.index_cast %add3A_2057 : i32 to index
      %get3A_2072 = arith.constant 0 : index
      %get3A_2073 = tpu.vector_load %arg12[%get3A_2071, %get3A_2072] {strides = array<i32>} : memref<10x128xi32, #tpu.memory_space<vmem>>, vector<16xi32>,
      %shift_right_logical3A_2074 = arith.constant 7 : i32
      %shift_right_logical3A_2075 = vector.broadcast %shift_right_logical3A_2074 : i32 to vector<16xi32>
      %shift_right_logical3A_2076 = arith.shrui %get3A_2073, %shift_right_logical3A_2075 : vector<16xi32>
      %and3A_2077 = arith.constant 127 : i32
      %and3A_2078 = vector.broadcast %and3A_2077 : i32 to vector<16xi32>
      %and3A_2079 = arith.andi %get3A_2073, %and3A_2078 : vector<16xi32>
      tpu.vector_store_idx %arg15[%shift_right_logical3A_2076, %and3A_2079], %broadcast_in_dim3A_1 {add = true} : memref<80x128xf32, #tpu.memory_space<vmem>>[vector<16xi32>, vector<16xi32>], vector<16xf32>,
      %get3A_2080 = arith.index_cast %add3A_2057 : i32 to index
      %get3A_2081 = arith.constant 16 : index
      %get3A_2082 = tpu.vector_load %arg12[%get3A_2080, %get3A_2081] {strides = array<i32>} : memref<10x128xi32, #tpu.memory_space<vmem>>, vector<16xi32>,
      %shift_right_logical3A_2083 = arith.constant 7 : i32
      %shift_right_logical3A_2084 = vector.broadcast %shift_right_logical3A_2083 : i32 to vector<16xi32>
      %shift_right_logical3A_2085 = arith.shrui %get3A_2082, %shift_right_logical3A_2084 : vector<16xi32>
      %and3A_2086 = arith.constant 127 : i32
      %and3A_2087 = vector.broadcast %and3A_2086 : i32 to vector<16xi32>
      %and3A_2088 = arith.andi %get3A_2082, %and3A_2087 : vector<16xi32>
      tpu.vector_store_idx %arg15[%shift_right_logical3A_2085, %and3A_2088], %broadcast_in_dim3A_1 {add = true} : memref<80x128xf32, #tpu.memory_space<vmem>>[vector<16xi32>, vector<16xi32>], vector<16xf32>,
      %get3A_2089 = arith.index_cast %add3A_2057 : i32 to index
      %get3A_2090 = arith.constant 32 : index
      %get3A_2091 = tpu.vector_load %arg12[%get3A_2089, %get3A_2090] {strides = array<i32>} : memref<10x128xi32, #tpu.memory_space<vmem>>, vector<16xi32>,
      %shift_right_logical3A_2092 = arith.constant 7 : i32
      %shift_right_logical3A_2093 = vector.broadcast %shift_right_logical3A_2092 : i32 to vector<16xi32>
      %shift_right_logical3A_2094 = arith.shrui %get3A_2091, %shift_right_logical3A_2093 : vector<16xi32>
      %and3A_2095 = arith.constant 127 : i32
      %and3A_2096 = vector.broadcast %and3A_2095 : i32 to vector<16xi32>
      %and3A_2097 = arith.andi %get3A_2091, %and3A_2096 : vector<16xi32>
      tpu.vector_store_idx %arg15[%shift_right_logical3A_2094, %and3A_2097], %broadcast_in_dim3A_1 {add = true} : memref<80x128xf32, #tpu.memory_space<vmem>>[vector<16xi32>, vector<16xi32>], vector<16xf32>,
      %get3A_2098 = arith.index_cast %add3A_2057 : i32 to index
      %get3A_2099 = arith.constant 48 : index
      %get3A_2100 = tpu.vector_load %arg12[%get3A_2098, %get3A_2099] {strides = array<i32>} : memref<10x128xi32, #tpu.memory_space<vmem>>, vector<16xi32>,
      %shift_right_logical3A_2101 = arith.constant 7 : i32
      %shift_right_logical3A_2102 = vector.broadcast %shift_right_logical3A_2101 : i32 to vector<16xi32>
      %shift_right_logical3A_2103 = arith.shrui %get3A_2100, %shift_right_logical3A_2102 : vector<16xi32>
      %and3A_2104 = arith.constant 127 : i32
      %and3A_2105 = vector.broadcast %and3A_2104 : i32 to vector<16xi32>
      %and3A_2106 = arith.andi %get3A_2100, %and3A_2105 : vector<16xi32>
      tpu.vector_store_idx %arg15[%shift_right_logical3A_2103, %and3A_2106], %broadcast_in_dim3A_1 {add = true} : memref<80x128xf32, #tpu.memory_space<vmem>>[vector<16xi32>, vector<16xi32>], vector<16xf32>,
      %get3A_2107 = arith.index_cast %add3A_2057 : i32 to index
      %get3A_2108 = arith.constant 64 : index
      %get3A_2109 = tpu.vector_load %arg12[%get3A_2107, %get3A_2108] {strides = array<i32>} : memref<10x128xi32, #tpu.memory_space<vmem>>, vector<16xi32>,
      %shift_right_logical3A_2110 = arith.constant 7 : i32
      %shift_right_logical3A_2111 = vector.broadcast %shift_right_logical3A_2110 : i32 to vector<16xi32>
      %shift_right_logical3A_2112 = arith.shrui %get3A_2109, %shift_right_logical3A_2111 : vector<16xi32>
      %and3A_2113 = arith.constant 127 : i32
      %and3A_2114 = vector.broadcast %and3A_2113 : i32 to vector<16xi32>
      %and3A_2115 = arith.andi %get3A_2109, %and3A_2114 : vector<16xi32>
      tpu.vector_store_idx %arg15[%shift_right_logical3A_2112, %and3A_2115], %broadcast_in_dim3A_1 {add = true} : memref<80x128xf32, #tpu.memory_space<vmem>>[vector<16xi32>, vector<16xi32>], vector<16xf32>,
      %get3A_2116 = arith.index_cast %add3A_2057 : i32 to index
      %get3A_2117 = arith.constant 80 : index
      %get3A_2118 = tpu.vector_load %arg12[%get3A_2116, %get3A_2117] {strides = array<i32>} : memref<10x128xi32, #tpu.memory_space<vmem>>, vector<16xi32>,
      %shift_right_logical3A_2119 = arith.constant 7 : i32
      %shift_right_logical3A_2120 = vector.broadcast %shift_right_logical3A_2119 : i32 to vector<16xi32>
      %shift_right_logical3A_2121 = arith.shrui %get3A_2118, %shift_right_logical3A_2120 : vector<16xi32>
      %and3A_2122 = arith.constant 127 : i32
      %and3A_2123 = vector.broadcast %and3A_2122 : i32 to vector<16xi32>
      %and3A_2124 = arith.andi %get3A_2118, %and3A_2123 : vector<16xi32>
      tpu.vector_store_idx %arg15[%shift_right_logical3A_2121, %and3A_2124], %broadcast_in_dim3A_1 {add = true} : memref<80x128xf32, #tpu.memory_space<vmem>>[vector<16xi32>, vector<16xi32>], vector<16xf32>,
      %get3A_2125 = arith.index_cast %add3A_2057 : i32 to index
      %get3A_2126 = arith.constant 96 : index
      %get3A_2127 = tpu.vector_load %arg12[%get3A_2125, %get3A_2126] {strides = array<i32>} : memref<10x128xi32, #tpu.memory_space<vmem>>, vector<16xi32>,
      %shift_right_logical3A_2128 = arith.constant 7 : i32
      %shift_right_logical3A_2129 = vector.broadcast %shift_right_logical3A_2128 : i32 to vector<16xi32>
      %shift_right_logical3A_2130 = arith.shrui %get3A_2127, %shift_right_logical3A_2129 : vector<16xi32>
      %and3A_2131 = arith.constant 127 : i32
      %and3A_2132 = vector.broadcast %and3A_2131 : i32 to vector<16xi32>
      %and3A_2133 = arith.andi %get3A_2127, %and3A_2132 : vector<16xi32>
      tpu.vector_store_idx %arg15[%shift_right_logical3A_2130, %and3A_2133], %broadcast_in_dim3A_1 {add = true} : memref<80x128xf32, #tpu.memory_space<vmem>>[vector<16xi32>, vector<16xi32>], vector<16xf32>,
      %get3A_2134 = arith.index_cast %add3A_2057 : i32 to index
      %get3A_2135 = arith.constant 112 : index
      %get3A_2136 = tpu.vector_load %arg12[%get3A_2134, %get3A_2135] {strides = array<i32>} : memref<10x128xi32, #tpu.memory_space<vmem>>, vector<16xi32>,
      %shift_right_logical3A_2137 = arith.constant 7 : i32
      %shift_right_logical3A_2138 = vector.broadcast %shift_right_logical3A_2137 : i32 to vector<16xi32>
      %shift_right_logical3A_2139 = arith.shrui %get3A_2136, %shift_right_logical3A_2138 : vector<16xi32>
      %and3A_2140 = arith.constant 127 : i32
      %and3A_2141 = vector.broadcast %and3A_2140 : i32 to vector<16xi32>
      %and3A_2142 = arith.andi %get3A_2136, %and3A_2141 : vector<16xi32>
      tpu.vector_store_idx %arg15[%shift_right_logical3A_2139, %and3A_2142], %broadcast_in_dim3A_1 {add = true} : memref<80x128xf32, #tpu.memory_space<vmem>>[vector<16xi32>, vector<16xi32>], vector<16xf32>,
      %dma_wait3A_2143 = arith.constant 0 : i32
      %dma_wait3A_2144 = arith.constant 0 : i32
      %dma_wait3A_2145 = tpu.memref_slice %arg9[%dma_wait3A_2143, %dma_wait3A_2144] : memref<10x128xi32, #tpu.memory_space<vmem>> -> memref<1x128xi32, #tpu.memory_space<vmem>>
      %dma_wait3A_2146 = tpu.memref_squeeze %dma_wait3A_2145 : memref<1x128xi32, #tpu.memory_space<vmem>> -> memref<128xi32, #tpu.memory_space<vmem>>
      %dma_wait3A_2147 = arith.constant 0 : i32
      %dma_wait3A_2148 = arith.constant 0 : i32
      %dma_wait3A_2149 = tpu.memref_slice %arg2[%dma_wait3A_2147, %dma_wait3A_2148] : memref<10000x128xf32, #tpu.memory_space<hbm>> -> memref<10000x128xf32, #tpu.memory_space<hbm>>
      tpu.wait_indirect_dma semaphore(%arg20 : memref<!tpu.dma_semaphore, #tpu.memory_space<semaphore_mem>>) src(%dma_wait3A_2149 : memref<10000x128xf32, #tpu.memory_space<hbm>>) dst(%arg14 : memref<128x128xf32, #tpu.memory_space<vmem>>)
      %add3A_2150 = arith.constant 1 : i32
      %add3A_2151 = arith.addi %add3A_2057, %add3A_2150 : i32
      %dma_start3A_2152 = arith.constant 0 : i32
      %dma_start3A_2153 = tpu.memref_slice %arg12[%add3A_2151, %dma_start3A_2152] : memref<10x128xi32, #tpu.memory_space<vmem>> -> memref<1x128xi32, #tpu.memory_space<vmem>>
      %dma_start3A_2154 = tpu.memref_squeeze %dma_start3A_2153 : memref<1x128xi32, #tpu.memory_space<vmem>> -> memref<128xi32, #tpu.memory_space<vmem>>
      %dma_start3A_2155 = arith.constant 0 : i32
      %dma_start3A_2156 = arith.constant 0 : i32
      %dma_start3A_2157 = tpu.memref_slice %arg17[%dma_start3A_2155, %dma_start3A_2156] : memref<10240x128xf32, #tpu.memory_space<vmem_shared>> -> memref<10240x128xf32, #tpu.memory_space<vmem_shared>>
      tpu.enqueue_indirect_dma source(%arg14 : memref<128x128xf32, #tpu.memory_space<vmem>>) target(%dma_start3A_2157 : memref<10240x128xf32, #tpu.memory_space<vmem_shared>>) offsets(%dma_start3A_2154 : memref<128xi32, #tpu.memory_space<vmem>>) semaphore(%arg22 : memref<!tpu.dma_semaphore, #tpu.memory_space<semaphore_mem>>) {add = true}
      %add3A_2158 = arith.constant 1 : i32
      %add3A_2159 = arith.addi %add3A_2057, %add3A_2158 : i32
      %get3A_2160 = arith.index_cast %add3A_2159 : i32 to index
      %get3A_2161 = arith.constant 0 : index
      %get3A_2162 = tpu.vector_load %arg12[%get3A_2160, %get3A_2161] {strides = array<i32>} : memref<10x128xi32, #tpu.memory_space<vmem>>, vector<16xi32>,
      %shift_right_logical3A_2163 = arith.constant 7 : i32
      %shift_right_logical3A_2164 = vector.broadcast %shift_right_logical3A_2163 : i32 to vector<16xi32>
      %shift_right_logical3A_2165 = arith.shrui %get3A_2162, %shift_right_logical3A_2164 : vector<16xi32>
      %and3A_2166 = arith.constant 127 : i32
      %and3A_2167 = vector.broadcast %and3A_2166 : i32 to vector<16xi32>
      %and3A_2168 = arith.andi %get3A_2162, %and3A_2167 : vector<16xi32>
      tpu.vector_store_idx %arg15[%shift_right_logical3A_2165, %and3A_2168], %broadcast_in_dim3A_1 {add = true} : memref<80x128xf32, #tpu.memory_space<vmem>>[vector<16xi32>, vector<16xi32>], vector<16xf32>,
      %get3A_2169 = arith.index_cast %add3A_2159 : i32 to index
      %get3A_2170 = arith.constant 16 : index
      %get3A_2171 = tpu.vector_load %arg12[%get3A_2169, %get3A_2170] {strides = array<i32>} : memref<10x128xi32, #tpu.memory_space<vmem>>, vector<16xi32>,
      %shift_right_logical3A_2172 = arith.constant 7 : i32
      %shift_right_logical3A_2173 = vector.broadcast %shift_right_logical3A_2172 : i32 to vector<16xi32>
      %shift_right_logical3A_2174 = arith.shrui %get3A_2171, %shift_right_logical3A_2173 : vector<16xi32>
      %and3A_2175 = arith.constant 127 : i32
      %and3A_2176 = vector.broadcast %and3A_2175 : i32 to vector<16xi32>
      %and3A_2177 = arith.andi %get3A_2171, %and3A_2176 : vector<16xi32>
      tpu.vector_store_idx %arg15[%shift_right_logical3A_2174, %and3A_2177], %broadcast_in_dim3A_1 {add = true} : memref<80x128xf32, #tpu.memory_space<vmem>>[vector<16xi32>, vector<16xi32>], vector<16xf32>,
      %get3A_2178 = arith.index_cast %add3A_2159 : i32 to index
      %get3A_2179 = arith.constant 32 : index
      %get3A_2180 = tpu.vector_load %arg12[%get3A_2178, %get3A_2179] {strides = array<i32>} : memref<10x128xi32, #tpu.memory_space<vmem>>, vector<16xi32>,
      %shift_right_logical3A_2181 = arith.constant 7 : i32
      %shift_right_logical3A_2182 = vector.broadcast %shift_right_logical3A_2181 : i32 to vector<16xi32>
      %shift_right_logical3A_2183 = arith.shrui %get3A_2180, %shift_right_logical3A_2182 : vector<16xi32>
      %and3A_2184 = arith.constant 127 : i32
      %and3A_2185 = vector.broadcast %and3A_2184 : i32 to vector<16xi32>
      %and3A_2186 = arith.andi %get3A_2180, %and3A_2185 : vector<16xi32>
      tpu.vector_store_idx %arg15[%shift_right_logical3A_2183, %and3A_2186], %broadcast_in_dim3A_1 {add = true} : memref<80x128xf32, #tpu.memory_space<vmem>>[vector<16xi32>, vector<16xi32>], vector<16xf32>,
      %get3A_2187 = arith.index_cast %add3A_2159 : i32 to index
      %get3A_2188 = arith.constant 48 : index
      %get3A_2189 = tpu.vector_load %arg12[%get3A_2187, %get3A_2188] {strides = array<i32>} : memref<10x128xi32, #tpu.memory_space<vmem>>, vector<16xi32>,
      %shift_right_logical3A_2190 = arith.constant 7 : i32
      %shift_right_logical3A_2191 = vector.broadcast %shift_right_logical3A_2190 : i32 to vector<16xi32>
      %shift_right_logical3A_2192 = arith.shrui %get3A_2189, %shift_right_logical3A_2191 : vector<16xi32>
      %and3A_2193 = arith.constant 127 : i32
      %and3A_2194 = vector.broadcast %and3A_2193 : i32 to vector<16xi32>
      %and3A_2195 = arith.andi %get3A_2189, %and3A_2194 : vector<16xi32>
      tpu.vector_store_idx %arg15[%shift_right_logical3A_2192, %and3A_2195], %broadcast_in_dim3A_1 {add = true} : memref<80x128xf32, #tpu.memory_space<vmem>>[vector<16xi32>, vector<16xi32>], vector<16xf32>,
      %get3A_2196 = arith.index_cast %add3A_2159 : i32 to index
      %get3A_2197 = arith.constant 64 : index
      %get3A_2198 = tpu.vector_load %arg12[%get3A_2196, %get3A_2197] {strides = array<i32>} : memref<10x128xi32, #tpu.memory_space<vmem>>, vector<16xi32>,
      %shift_right_logical3A_2199 = arith.constant 7 : i32
      %shift_right_logical3A_2200 = vector.broadcast %shift_right_logical3A_2199 : i32 to vector<16xi32>
      %shift_right_logical3A_2201 = arith.shrui %get3A_2198, %shift_right_logical3A_2200 : vector<16xi32>
      %and3A_2202 = arith.constant 127 : i32
      %and3A_2203 = vector.broadcast %and3A_2202 : i32 to vector<16xi32>
      %and3A_2204 = arith.andi %get3A_2198, %and3A_2203 : vector<16xi32>
      tpu.vector_store_idx %arg15[%shift_right_logical3A_2201, %and3A_2204], %broadcast_in_dim3A_1 {add = true} : memref<80x128xf32, #tpu.memory_space<vmem>>[vector<16xi32>, vector<16xi32>], vector<16xf32>,
      %get3A_2205 = arith.index_cast %add3A_2159 : i32 to index
      %get3A_2206 = arith.constant 80 : index
      %get3A_2207 = tpu.vector_load %arg12[%get3A_2205, %get3A_2206] {strides = array<i32>} : memref<10x128xi32, #tpu.memory_space<vmem>>, vector<16xi32>,
      %shift_right_logical3A_2208 = arith.constant 7 : i32
      %shift_right_logical3A_2209 = vector.broadcast %shift_right_logical3A_2208 : i32 to vector<16xi32>
      %shift_right_logical3A_2210 = arith.shrui %get3A_2207, %shift_right_logical3A_2209 : vector<16xi32>
      %and3A_2211 = arith.constant 127 : i32
      %and3A_2212 = vector.broadcast %and3A_2211 : i32 to vector<16xi32>
      %and3A_2213 = arith.andi %get3A_2207, %and3A_2212 : vector<16xi32>
      tpu.vector_store_idx %arg15[%shift_right_logical3A_2210, %and3A_2213], %broadcast_in_dim3A_1 {add = true} : memref<80x128xf32, #tpu.memory_space<vmem>>[vector<16xi32>, vector<16xi32>], vector<16xf32>,
      %get3A_2214 = arith.index_cast %add3A_2159 : i32 to index
      %get3A_2215 = arith.constant 96 : index
      %get3A_2216 = tpu.vector_load %arg12[%get3A_2214, %get3A_2215] {strides = array<i32>} : memref<10x128xi32, #tpu.memory_space<vmem>>, vector<16xi32>,
      %shift_right_logical3A_2217 = arith.constant 7 : i32
      %shift_right_logical3A_2218 = vector.broadcast %shift_right_logical3A_2217 : i32 to vector<16xi32>
      %shift_right_logical3A_2219 = arith.shrui %get3A_2216, %shift_right_logical3A_2218 : vector<16xi32>
      %and3A_2220 = arith.constant 127 : i32
      %and3A_2221 = vector.broadcast %and3A_2220 : i32 to vector<16xi32>
      %and3A_2222 = arith.andi %get3A_2216, %and3A_2221 : vector<16xi32>
      tpu.vector_store_idx %arg15[%shift_right_logical3A_2219, %and3A_2222], %broadcast_in_dim3A_1 {add = true} : memref<80x128xf32, #tpu.memory_space<vmem>>[vector<16xi32>, vector<16xi32>], vector<16xf32>,
      %get3A_2223 = arith.index_cast %add3A_2159 : i32 to index
      %get3A_2224 = arith.constant 112 : index
      %get3A_2225 = tpu.vector_load %arg12[%get3A_2223, %get3A_2224] {strides = array<i32>} : memref<10x128xi32, #tpu.memory_space<vmem>>, vector<16xi32>,
      %shift_right_logical3A_2226 = arith.constant 7 : i32
      %shift_right_logical3A_2227 = vector.broadcast %shift_right_logical3A_2226 : i32 to vector<16xi32>
      %shift_right_logical3A_2228 = arith.shrui %get3A_2225, %shift_right_logical3A_2227 : vector<16xi32>
      %and3A_2229 = arith.constant 127 : i32
      %and3A_2230 = vector.broadcast %and3A_2229 : i32 to vector<16xi32>
      %and3A_2231 = arith.andi %get3A_2225, %and3A_2230 : vector<16xi32>
      tpu.vector_store_idx %arg15[%shift_right_logical3A_2228, %and3A_2231], %broadcast_in_dim3A_1 {add = true} : memref<80x128xf32, #tpu.memory_space<vmem>>[vector<16xi32>, vector<16xi32>], vector<16xf32>,
      %dma_wait3A_2232 = arith.constant 0 : i32
      %dma_wait3A_2233 = arith.constant 0 : i32
      %dma_wait3A_2234 = tpu.memref_slice %arg10[%dma_wait3A_2232, %dma_wait3A_2233] : memref<10x128xi32, #tpu.memory_space<vmem>> -> memref<1x128xi32, #tpu.memory_space<vmem>>
      %dma_wait3A_2235 = tpu.memref_squeeze %dma_wait3A_2234 : memref<1x128xi32, #tpu.memory_space<vmem>> -> memref<128xi32, #tpu.memory_space<vmem>>
      %dma_wait3A_2236 = arith.constant 0 : i32
      %dma_wait3A_2237 = arith.constant 0 : i32
      %dma_wait3A_2238 = tpu.memref_slice %arg17[%dma_wait3A_2236, %dma_wait3A_2237] : memref<10240x128xf32, #tpu.memory_space<vmem_shared>> -> memref<10240x128xf32, #tpu.memory_space<vmem_shared>>
      tpu.wait_indirect_dma semaphore(%arg21 : memref<!tpu.dma_semaphore, #tpu.memory_space<semaphore_mem>>) src(%arg13 : memref<128x128xf32, #tpu.memory_space<vmem>>) dst(%dma_wait3A_2238 : memref<10240x128xf32, #tpu.memory_space<vmem_shared>>)
      %add3A_2239 = arith.constant 2 : i32
      %add3A_2240 = arith.addi %add3A_2057, %add3A_2239 : i32
      %dma_start3A_2241 = arith.constant 0 : i32
      %dma_start3A_2242 = tpu.memref_slice %arg11[%add3A_2240, %dma_start3A_2241] : memref<10x128xi32, #tpu.memory_space<vmem>> -> memref<1x128xi32, #tpu.memory_space<vmem>>
      %dma_start3A_2243 = tpu.memref_squeeze %dma_start3A_2242 : memref<1x128xi32, #tpu.memory_space<vmem>> -> memref<128xi32, #tpu.memory_space<vmem>>
      %dma_start3A_2244 = arith.constant 0 : i32
      %dma_start3A_2245 = arith.constant 0 : i32
      %dma_start3A_2246 = tpu.memref_slice %arg2[%dma_start3A_2244, %dma_start3A_2245] : memref<10000x128xf32, #tpu.memory_space<hbm>> -> memref<10000x128xf32, #tpu.memory_space<hbm>>
      tpu.enqueue_indirect_dma source(%dma_start3A_2246 : memref<10000x128xf32, #tpu.memory_space<hbm>>) target(%arg13 : memref<128x128xf32, #tpu.memory_space<vmem>>) offsets(%dma_start3A_2243 : memref<128xi32, #tpu.memory_space<vmem>>) semaphore(%arg19 : memref<!tpu.dma_semaphore, #tpu.memory_space<semaphore_mem>>)
      %dma_wait3A_2247 = arith.constant 0 : i32
      %dma_wait3A_2248 = arith.constant 0 : i32
      %dma_wait3A_2249 = tpu.memref_slice %arg10[%dma_wait3A_2247, %dma_wait3A_2248] : memref<10x128xi32, #tpu.memory_space<vmem>> -> memref<1x128xi32, #tpu.memory_space<vmem>>
      %dma_wait3A_2250 = tpu.memref_squeeze %dma_wait3A_2249 : memref<1x128xi32, #tpu.memory_space<vmem>> -> memref<128xi32, #tpu.memory_space<vmem>>
      %dma_wait3A_2251 = arith.constant 0 : i32
      %dma_wait3A_2252 = arith.constant 0 : i32
      %dma_wait3A_2253 = tpu.memref_slice %arg17[%dma_wait3A_2251, %dma_wait3A_2252] : memref<10240x128xf32, #tpu.memory_space<vmem_shared>> -> memref<10240x128xf32, #tpu.memory_space<vmem_shared>>
      tpu.wait_indirect_dma semaphore(%arg22 : memref<!tpu.dma_semaphore, #tpu.memory_space<semaphore_mem>>) src(%arg14 : memref<128x128xf32, #tpu.memory_space<vmem>>) dst(%dma_wait3A_2253 : memref<10240x128xf32, #tpu.memory_space<vmem_shared>>)
      %add3A_2254 = arith.constant 3 : i32
      %add3A_2255 = arith.addi %add3A_2057, %add3A_2254 : i32
      %dma_start3A_2256 = arith.constant 0 : i32
      %dma_start3A_2257 = tpu.memref_slice %arg11[%add3A_2255, %dma_start3A_2256] : memref<10x128xi32, #tpu.memory_space<vmem>> -> memref<1x128xi32, #tpu.memory_space<vmem>>
      %dma_start3A_2258 = tpu.memref_squeeze %dma_start3A_2257 : memref<1x128xi32, #tpu.memory_space<vmem>> -> memref<128xi32, #tpu.memory_space<vmem>>
      %dma_start3A_2259 = arith.constant 0 : i32
      %dma_start3A_2260 = arith.constant 0 : i32
      %dma_start3A_2261 = tpu.memref_slice %arg2[%dma_start3A_2259, %dma_start3A_2260] : memref<10000x128xf32, #tpu.memory_space<hbm>> -> memref<10000x128xf32, #tpu.memory_space<hbm>>
      tpu.enqueue_indirect_dma source(%dma_start3A_2261 : memref<10000x128xf32, #tpu.memory_space<hbm>>) target(%arg14 : memref<128x128xf32, #tpu.memory_space<vmem>>) offsets(%dma_start3A_2258 : memref<128xi32, #tpu.memory_space<vmem>>) semaphore(%arg20 : memref<!tpu.dma_semaphore, #tpu.memory_space<semaphore_mem>>)
    }
    %scan3A_838 = arith.constant 4 : i32
    %dma_wait3A_839 = arith.constant 0 : i32
    %dma_wait3A_840 = arith.constant 0 : i32
    %dma_wait3A_841 = tpu.memref_slice %arg9[%dma_wait3A_839, %dma_wait3A_840] : memref<10x128xi32, #tpu.memory_space<vmem>> -> memref<1x128xi32, #tpu.memory_space<vmem>>
    %dma_wait3A_842 = tpu.memref_squeeze %dma_wait3A_841 : memref<1x128xi32, #tpu.memory_space<vmem>> -> memref<128xi32, #tpu.memory_space<vmem>>
    %dma_wait3A_843 = arith.constant 0 : i32
    %dma_wait3A_844 = arith.constant 0 : i32
    %dma_wait3A_845 = tpu.memref_slice %arg2[%dma_wait3A_843, %dma_wait3A_844] : memref<10000x128xf32, #tpu.memory_space<hbm>> -> memref<10000x128xf32, #tpu.memory_space<hbm>>
    tpu.wait_indirect_dma semaphore(%arg19 : memref<!tpu.dma_semaphore, #tpu.memory_space<semaphore_mem>>) src(%dma_wait3A_845 : memref<10000x128xf32, #tpu.memory_space<hbm>>) dst(%arg13 : memref<128x128xf32, #tpu.memory_space<vmem>>)
    %dma_start3A_846 = arith.constant 8 : i32
    %dma_start3A_847 = arith.constant 0 : i32
    %dma_start3A_848 = tpu.memref_slice %arg12[%dma_start3A_846, %dma_start3A_847] : memref<10x128xi32, #tpu.memory_space<vmem>> -> memref<1x128xi32, #tpu.memory_space<vmem>>
    %dma_start3A_849 = tpu.memref_squeeze %dma_start3A_848 : memref<1x128xi32, #tpu.memory_space<vmem>> -> memref<128xi32, #tpu.memory_space<vmem>>
    %dma_start3A_850 = arith.constant 0 : i32
    %dma_start3A_851 = arith.constant 0 : i32
    %dma_start3A_852 = tpu.memref_slice %arg17[%dma_start3A_850, %dma_start3A_851] : memref<10240x128xf32, #tpu.memory_space<vmem_shared>> -> memref<10240x128xf32, #tpu.memory_space<vmem_shared>>
    tpu.enqueue_indirect_dma source(%arg13 : memref<128x128xf32, #tpu.memory_space<vmem>>) target(%dma_start3A_852 : memref<10240x128xf32, #tpu.memory_space<vmem_shared>>) offsets(%dma_start3A_849 : memref<128xi32, #tpu.memory_space<vmem>>) semaphore(%arg21 : memref<!tpu.dma_semaphore, #tpu.memory_space<semaphore_mem>>) {add = true}
    %get3A_853 = arith.constant 8 : i32
    %get3A_854 = arith.index_cast %get3A_853 : i32 to index
    %get3A_855 = arith.constant 0 : index
    %get3A_856 = tpu.vector_load %arg12[%get3A_854, %get3A_855] {strides = array<i32>} : memref<10x128xi32, #tpu.memory_space<vmem>>, vector<16xi32>,
    %shift_right_logical3A_857 = arith.constant 7 : i32
    %shift_right_logical3A_858 = vector.broadcast %shift_right_logical3A_857 : i32 to vector<16xi32>
    %shift_right_logical3A_859 = arith.shrui %get3A_856, %shift_right_logical3A_858 : vector<16xi32>
    %and3A_860 = arith.constant 127 : i32
    %and3A_861 = vector.broadcast %and3A_860 : i32 to vector<16xi32>
    %and3A_862 = arith.andi %get3A_856, %and3A_861 : vector<16xi32>
    tpu.vector_store_idx %arg15[%shift_right_logical3A_859, %and3A_862], %broadcast_in_dim3A_1 {add = true} : memref<80x128xf32, #tpu.memory_space<vmem>>[vector<16xi32>, vector<16xi32>], vector<16xf32>,
    %get3A_863 = arith.constant 8 : i32
    %get3A_864 = arith.index_cast %get3A_863 : i32 to index
    %get3A_865 = arith.constant 16 : index
    %get3A_866 = tpu.vector_load %arg12[%get3A_864, %get3A_865] {strides = array<i32>} : memref<10x128xi32, #tpu.memory_space<vmem>>, vector<16xi32>,
    %shift_right_logical3A_867 = arith.constant 7 : i32
    %shift_right_logical3A_868 = vector.broadcast %shift_right_logical3A_867 : i32 to vector<16xi32>
    %shift_right_logical3A_869 = arith.shrui %get3A_866, %shift_right_logical3A_868 : vector<16xi32>
    %and3A_870 = arith.constant 127 : i32
    %and3A_871 = vector.broadcast %and3A_870 : i32 to vector<16xi32>
    %and3A_872 = arith.andi %get3A_866, %and3A_871 : vector<16xi32>
    tpu.vector_store_idx %arg15[%shift_right_logical3A_869, %and3A_872], %broadcast_in_dim3A_1 {add = true} : memref<80x128xf32, #tpu.memory_space<vmem>>[vector<16xi32>, vector<16xi32>], vector<16xf32>,
    %get3A_873 = arith.constant 8 : i32
    %get3A_874 = arith.index_cast %get3A_873 : i32 to index
    %get3A_875 = arith.constant 32 : index
    %get3A_876 = tpu.vector_load %arg12[%get3A_874, %get3A_875] {strides = array<i32>} : memref<10x128xi32, #tpu.memory_space<vmem>>, vector<16xi32>,
    %shift_right_logical3A_877 = arith.constant 7 : i32
    %shift_right_logical3A_878 = vector.broadcast %shift_right_logical3A_877 : i32 to vector<16xi32>
    %shift_right_logical3A_879 = arith.shrui %get3A_876, %shift_right_logical3A_878 : vector<16xi32>
    %and3A_880 = arith.constant 127 : i32
    %and3A_881 = vector.broadcast %and3A_880 : i32 to vector<16xi32>
    %and3A_882 = arith.andi %get3A_876, %and3A_881 : vector<16xi32>
    tpu.vector_store_idx %arg15[%shift_right_logical3A_879, %and3A_882], %broadcast_in_dim3A_1 {add = true} : memref<80x128xf32, #tpu.memory_space<vmem>>[vector<16xi32>, vector<16xi32>], vector<16xf32>,
    %get3A_883 = arith.constant 8 : i32
    %get3A_884 = arith.index_cast %get3A_883 : i32 to index
    %get3A_885 = arith.constant 48 : index
    %get3A_886 = tpu.vector_load %arg12[%get3A_884, %get3A_885] {strides = array<i32>} : memref<10x128xi32, #tpu.memory_space<vmem>>, vector<16xi32>,
    %shift_right_logical3A_887 = arith.constant 7 : i32
    %shift_right_logical3A_888 = vector.broadcast %shift_right_logical3A_887 : i32 to vector<16xi32>
    %shift_right_logical3A_889 = arith.shrui %get3A_886, %shift_right_logical3A_888 : vector<16xi32>
    %and3A_890 = arith.constant 127 : i32
    %and3A_891 = vector.broadcast %and3A_890 : i32 to vector<16xi32>
    %and3A_892 = arith.andi %get3A_886, %and3A_891 : vector<16xi32>
    tpu.vector_store_idx %arg15[%shift_right_logical3A_889, %and3A_892], %broadcast_in_dim3A_1 {add = true} : memref<80x128xf32, #tpu.memory_space<vmem>>[vector<16xi32>, vector<16xi32>], vector<16xf32>,
    %get3A_893 = arith.constant 8 : i32
    %get3A_894 = arith.index_cast %get3A_893 : i32 to index
    %get3A_895 = arith.constant 64 : index
    %get3A_896 = tpu.vector_load %arg12[%get3A_894, %get3A_895] {strides = array<i32>} : memref<10x128xi32, #tpu.memory_space<vmem>>, vector<16xi32>,
    %shift_right_logical3A_897 = arith.constant 7 : i32
    %shift_right_logical3A_898 = vector.broadcast %shift_right_logical3A_897 : i32 to vector<16xi32>
    %shift_right_logical3A_899 = arith.shrui %get3A_896, %shift_right_logical3A_898 : vector<16xi32>
    %and3A_900 = arith.constant 127 : i32
    %and3A_901 = vector.broadcast %and3A_900 : i32 to vector<16xi32>
    %and3A_902 = arith.andi %get3A_896, %and3A_901 : vector<16xi32>
    tpu.vector_store_idx %arg15[%shift_right_logical3A_899, %and3A_902], %broadcast_in_dim3A_1 {add = true} : memref<80x128xf32, #tpu.memory_space<vmem>>[vector<16xi32>, vector<16xi32>], vector<16xf32>,
    %get3A_903 = arith.constant 8 : i32
    %get3A_904 = arith.index_cast %get3A_903 : i32 to index
    %get3A_905 = arith.constant 80 : index
    %get3A_906 = tpu.vector_load %arg12[%get3A_904, %get3A_905] {strides = array<i32>} : memref<10x128xi32, #tpu.memory_space<vmem>>, vector<16xi32>,
    %shift_right_logical3A_907 = arith.constant 7 : i32
    %shift_right_logical3A_908 = vector.broadcast %shift_right_logical3A_907 : i32 to vector<16xi32>
    %shift_right_logical3A_909 = arith.shrui %get3A_906, %shift_right_logical3A_908 : vector<16xi32>
    %and3A_910 = arith.constant 127 : i32
    %and3A_911 = vector.broadcast %and3A_910 : i32 to vector<16xi32>
    %and3A_912 = arith.andi %get3A_906, %and3A_911 : vector<16xi32>
    tpu.vector_store_idx %arg15[%shift_right_logical3A_909, %and3A_912], %broadcast_in_dim3A_1 {add = true} : memref<80x128xf32, #tpu.memory_space<vmem>>[vector<16xi32>, vector<16xi32>], vector<16xf32>,
    %get3A_913 = arith.constant 8 : i32
    %get3A_914 = arith.index_cast %get3A_913 : i32 to index
    %get3A_915 = arith.constant 96 : index
    %get3A_916 = tpu.vector_load %arg12[%get3A_914, %get3A_915] {strides = array<i32>} : memref<10x128xi32, #tpu.memory_space<vmem>>, vector<16xi32>,
    %shift_right_logical3A_917 = arith.constant 7 : i32
    %shift_right_logical3A_918 = vector.broadcast %shift_right_logical3A_917 : i32 to vector<16xi32>
    %shift_right_logical3A_919 = arith.shrui %get3A_916, %shift_right_logical3A_918 : vector<16xi32>
    %and3A_920 = arith.constant 127 : i32
    %and3A_921 = vector.broadcast %and3A_920 : i32 to vector<16xi32>
    %and3A_922 = arith.andi %get3A_916, %and3A_921 : vector<16xi32>
    tpu.vector_store_idx %arg15[%shift_right_logical3A_919, %and3A_922], %broadcast_in_dim3A_1 {add = true} : memref<80x128xf32, #tpu.memory_space<vmem>>[vector<16xi32>, vector<16xi32>], vector<16xf32>,
    %get3A_923 = arith.constant 8 : i32
    %get3A_924 = arith.index_cast %get3A_923 : i32 to index
    %get3A_925 = arith.constant 112 : index
    %get3A_926 = tpu.vector_load %arg12[%get3A_924, %get3A_925] {strides = array<i32>} : memref<10x128xi32, #tpu.memory_space<vmem>>, vector<16xi32>,
    %shift_right_logical3A_927 = arith.constant 7 : i32
    %shift_right_logical3A_928 = vector.broadcast %shift_right_logical3A_927 : i32 to vector<16xi32>
    %shift_right_logical3A_929 = arith.shrui %get3A_926, %shift_right_logical3A_928 : vector<16xi32>
    %and3A_930 = arith.constant 127 : i32
    %and3A_931 = vector.broadcast %and3A_930 : i32 to vector<16xi32>
    %and3A_932 = arith.andi %get3A_926, %and3A_931 : vector<16xi32>
    tpu.vector_store_idx %arg15[%shift_right_logical3A_929, %and3A_932], %broadcast_in_dim3A_1 {add = true} : memref<80x128xf32, #tpu.memory_space<vmem>>[vector<16xi32>, vector<16xi32>], vector<16xf32>,
    %dma_wait3A_933 = arith.constant 0 : i32
    %dma_wait3A_934 = arith.constant 0 : i32
    %dma_wait3A_935 = tpu.memref_slice %arg9[%dma_wait3A_933, %dma_wait3A_934] : memref<10x128xi32, #tpu.memory_space<vmem>> -> memref<1x128xi32, #tpu.memory_space<vmem>>
    %dma_wait3A_936 = tpu.memref_squeeze %dma_wait3A_935 : memref<1x128xi32, #tpu.memory_space<vmem>> -> memref<128xi32, #tpu.memory_space<vmem>>
    %dma_wait3A_937 = arith.constant 0 : i32
    %dma_wait3A_938 = arith.constant 0 : i32
    %dma_wait3A_939 = tpu.memref_slice %arg2[%dma_wait3A_937, %dma_wait3A_938] : memref<10000x128xf32, #tpu.memory_space<hbm>> -> memref<10000x128xf32, #tpu.memory_space<hbm>>
    tpu.wait_indirect_dma semaphore(%arg20 : memref<!tpu.dma_semaphore, #tpu.memory_space<semaphore_mem>>) src(%dma_wait3A_939 : memref<10000x128xf32, #tpu.memory_space<hbm>>) dst(%arg14 : memref<128x128xf32, #tpu.memory_space<vmem>>)
    %dma_start3A_940 = arith.constant 9 : i32
    %dma_start3A_941 = arith.constant 0 : i32
    %dma_start3A_942 = tpu.memref_slice %arg12[%dma_start3A_940, %dma_start3A_941] : memref<10x128xi32, #tpu.memory_space<vmem>> -> memref<1x128xi32, #tpu.memory_space<vmem>>
    %dma_start3A_943 = tpu.memref_squeeze %dma_start3A_942 : memref<1x128xi32, #tpu.memory_space<vmem>> -> memref<128xi32, #tpu.memory_space<vmem>>
    %dma_start3A_944 = arith.constant 0 : i32
    %dma_start3A_945 = arith.constant 0 : i32
    %dma_start3A_946 = tpu.memref_slice %arg17[%dma_start3A_944, %dma_start3A_945] : memref<10240x128xf32, #tpu.memory_space<vmem_shared>> -> memref<10240x128xf32, #tpu.memory_space<vmem_shared>>
    tpu.enqueue_indirect_dma source(%arg14 : memref<128x128xf32, #tpu.memory_space<vmem>>) target(%dma_start3A_946 : memref<10240x128xf32, #tpu.memory_space<vmem_shared>>) offsets(%dma_start3A_943 : memref<128xi32, #tpu.memory_space<vmem>>) semaphore(%arg22 : memref<!tpu.dma_semaphore, #tpu.memory_space<semaphore_mem>>) {add = true}
    %get3A_947 = arith.constant 9 : i32
    %get3A_948 = arith.index_cast %get3A_947 : i32 to index
    %get3A_949 = arith.constant 0 : index
    %get3A_950 = tpu.vector_load %arg12[%get3A_948, %get3A_949] {strides = array<i32>} : memref<10x128xi32, #tpu.memory_space<vmem>>, vector<16xi32>,
    %shift_right_logical3A_951 = arith.constant 7 : i32
    %shift_right_logical3A_952 = vector.broadcast %shift_right_logical3A_951 : i32 to vector<16xi32>
    %shift_right_logical3A_953 = arith.shrui %get3A_950, %shift_right_logical3A_952 : vector<16xi32>
    %and3A_954 = arith.constant 127 : i32
    %and3A_955 = vector.broadcast %and3A_954 : i32 to vector<16xi32>
    %and3A_956 = arith.andi %get3A_950, %and3A_955 : vector<16xi32>
    tpu.vector_store_idx %arg15[%shift_right_logical3A_953, %and3A_956], %broadcast_in_dim3A_1 {add = true} : memref<80x128xf32, #tpu.memory_space<vmem>>[vector<16xi32>, vector<16xi32>], vector<16xf32>,
    %get3A_957 = arith.constant 9 : i32
    %get3A_958 = arith.index_cast %get3A_957 : i32 to index
    %get3A_959 = arith.constant 16 : index
    %get3A_960 = tpu.vector_load %arg12[%get3A_958, %get3A_959] {strides = array<i32>} : memref<10x128xi32, #tpu.memory_space<vmem>>, vector<16xi32>,
    %shift_right_logical3A_961 = arith.constant 7 : i32
    %shift_right_logical3A_962 = vector.broadcast %shift_right_logical3A_961 : i32 to vector<16xi32>
    %shift_right_logical3A_963 = arith.shrui %get3A_960, %shift_right_logical3A_962 : vector<16xi32>
    %and3A_964 = arith.constant 127 : i32
    %and3A_965 = vector.broadcast %and3A_964 : i32 to vector<16xi32>
    %and3A_966 = arith.andi %get3A_960, %and3A_965 : vector<16xi32>
    tpu.vector_store_idx %arg15[%shift_right_logical3A_963, %and3A_966], %broadcast_in_dim3A_1 {add = true} : memref<80x128xf32, #tpu.memory_space<vmem>>[vector<16xi32>, vector<16xi32>], vector<16xf32>,
    %get3A_967 = arith.constant 9 : i32
    %get3A_968 = arith.index_cast %get3A_967 : i32 to index
    %get3A_969 = arith.constant 32 : index
    %get3A_970 = tpu.vector_load %arg12[%get3A_968, %get3A_969] {strides = array<i32>} : memref<10x128xi32, #tpu.memory_space<vmem>>, vector<16xi32>,
    %shift_right_logical3A_971 = arith.constant 7 : i32
    %shift_right_logical3A_972 = vector.broadcast %shift_right_logical3A_971 : i32 to vector<16xi32>
    %shift_right_logical3A_973 = arith.shrui %get3A_970, %shift_right_logical3A_972 : vector<16xi32>
    %and3A_974 = arith.constant 127 : i32
    %and3A_975 = vector.broadcast %and3A_974 : i32 to vector<16xi32>
    %and3A_976 = arith.andi %get3A_970, %and3A_975 : vector<16xi32>
    tpu.vector_store_idx %arg15[%shift_right_logical3A_973, %and3A_976], %broadcast_in_dim3A_1 {add = true} : memref<80x128xf32, #tpu.memory_space<vmem>>[vector<16xi32>, vector<16xi32>], vector<16xf32>,
    %get3A_977 = arith.constant 9 : i32
    %get3A_978 = arith.index_cast %get3A_977 : i32 to index
    %get3A_979 = arith.constant 48 : index
    %get3A_980 = tpu.vector_load %arg12[%get3A_978, %get3A_979] {strides = array<i32>} : memref<10x128xi32, #tpu.memory_space<vmem>>, vector<16xi32>,
    %shift_right_logical3A_981 = arith.constant 7 : i32
    %shift_right_logical3A_982 = vector.broadcast %shift_right_logical3A_981 : i32 to vector<16xi32>
    %shift_right_logical3A_983 = arith.shrui %get3A_980, %shift_right_logical3A_982 : vector<16xi32>
    %and3A_984 = arith.constant 127 : i32
    %and3A_985 = vector.broadcast %and3A_984 : i32 to vector<16xi32>
    %and3A_986 = arith.andi %get3A_980, %and3A_985 : vector<16xi32>
    tpu.vector_store_idx %arg15[%shift_right_logical3A_983, %and3A_986], %broadcast_in_dim3A_1 {add = true} : memref<80x128xf32, #tpu.memory_space<vmem>>[vector<16xi32>, vector<16xi32>], vector<16xf32>,
    %get3A_987 = arith.constant 9 : i32
    %get3A_988 = arith.index_cast %get3A_987 : i32 to index
    %get3A_989 = arith.constant 64 : index
    %get3A_990 = tpu.vector_load %arg12[%get3A_988, %get3A_989] {strides = array<i32>} : memref<10x128xi32, #tpu.memory_space<vmem>>, vector<16xi32>,
    %shift_right_logical3A_991 = arith.constant 7 : i32
    %shift_right_logical3A_992 = vector.broadcast %shift_right_logical3A_991 : i32 to vector<16xi32>
    %shift_right_logical3A_993 = arith.shrui %get3A_990, %shift_right_logical3A_992 : vector<16xi32>
    %and3A_994 = arith.constant 127 : i32
    %and3A_995 = vector.broadcast %and3A_994 : i32 to vector<16xi32>
    %and3A_996 = arith.andi %get3A_990, %and3A_995 : vector<16xi32>
    tpu.vector_store_idx %arg15[%shift_right_logical3A_993, %and3A_996], %broadcast_in_dim3A_1 {add = true} : memref<80x128xf32, #tpu.memory_space<vmem>>[vector<16xi32>, vector<16xi32>], vector<16xf32>,
    %get3A_997 = arith.constant 9 : i32
    %get3A_998 = arith.index_cast %get3A_997 : i32 to index
    %get3A_999 = arith.constant 80 : index
    %get3A_1000 = tpu.vector_load %arg12[%get3A_998, %get3A_999] {strides = array<i32>} : memref<10x128xi32, #tpu.memory_space<vmem>>, vector<16xi32>,
    %shift_right_logical3A_1001 = arith.constant 7 : i32
    %shift_right_logical3A_1002 = vector.broadcast %shift_right_logical3A_1001 : i32 to vector<16xi32>
    %shift_right_logical3A_1003 = arith.shrui %get3A_1000, %shift_right_logical3A_1002 : vector<16xi32>
    %and3A_1004 = arith.constant 127 : i32
    %and3A_1005 = vector.broadcast %and3A_1004 : i32 to vector<16xi32>
    %and3A_1006 = arith.andi %get3A_1000, %and3A_1005 : vector<16xi32>
    tpu.vector_store_idx %arg15[%shift_right_logical3A_1003, %and3A_1006], %broadcast_in_dim3A_1 {add = true} : memref<80x128xf32, #tpu.memory_space<vmem>>[vector<16xi32>, vector<16xi32>], vector<16xf32>,
    %get3A_1007 = arith.constant 9 : i32
    %get3A_1008 = arith.index_cast %get3A_1007 : i32 to index
    %get3A_1009 = arith.constant 96 : index
    %get3A_1010 = tpu.vector_load %arg12[%get3A_1008, %get3A_1009] {strides = array<i32>} : memref<10x128xi32, #tpu.memory_space<vmem>>, vector<16xi32>,
    %shift_right_logical3A_1011 = arith.constant 7 : i32
    %shift_right_logical3A_1012 = vector.broadcast %shift_right_logical3A_1011 : i32 to vector<16xi32>
    %shift_right_logical3A_1013 = arith.shrui %get3A_1010, %shift_right_logical3A_1012 : vector<16xi32>
    %and3A_1014 = arith.constant 127 : i32
    %and3A_1015 = vector.broadcast %and3A_1014 : i32 to vector<16xi32>
    %and3A_1016 = arith.andi %get3A_1010, %and3A_1015 : vector<16xi32>
    tpu.vector_store_idx %arg15[%shift_right_logical3A_1013, %and3A_1016], %broadcast_in_dim3A_1 {add = true} : memref<80x128xf32, #tpu.memory_space<vmem>>[vector<16xi32>, vector<16xi32>], vector<16xf32>,
    %get3A_1017 = arith.constant 9 : i32
    %get3A_1018 = arith.index_cast %get3A_1017 : i32 to index
    %get3A_1019 = arith.constant 112 : index
    %get3A_1020 = tpu.vector_load %arg12[%get3A_1018, %get3A_1019] {strides = array<i32>} : memref<10x128xi32, #tpu.memory_space<vmem>>, vector<16xi32>,
    %shift_right_logical3A_1021 = arith.constant 7 : i32
    %shift_right_logical3A_1022 = vector.broadcast %shift_right_logical3A_1021 : i32 to vector<16xi32>
    %shift_right_logical3A_1023 = arith.shrui %get3A_1020, %shift_right_logical3A_1022 : vector<16xi32>
    %and3A_1024 = arith.constant 127 : i32
    %and3A_1025 = vector.broadcast %and3A_1024 : i32 to vector<16xi32>
    %and3A_1026 = arith.andi %get3A_1020, %and3A_1025 : vector<16xi32>
    tpu.vector_store_idx %arg15[%shift_right_logical3A_1023, %and3A_1026], %broadcast_in_dim3A_1 {add = true} : memref<80x128xf32, #tpu.memory_space<vmem>>[vector<16xi32>, vector<16xi32>], vector<16xf32>,
    %dma_wait3A_1027 = arith.constant 0 : i32
    %dma_wait3A_1028 = arith.constant 0 : i32
    %dma_wait3A_1029 = arith.constant 0 : i32
    %dma_wait3A_1030 = tpu.memref_slice %arg3[%add3A, %dma_wait3A_1027, %dma_wait3A_1028, %dma_wait3A_1029] : memref<32x8x10x128xi32, #tpu.memory_space<hbm>> -> memref<1x1x10x128xi32, #tpu.memory_space<hbm>>
    %dma_wait3A_1031 = tpu.memref_squeeze %dma_wait3A_1030 : memref<1x1x10x128xi32, #tpu.memory_space<hbm>> -> memref<10x128xi32, #tpu.memory_space<hbm>>
    %dma_wait3A_1032 = arith.constant 0 : i32
    %dma_wait3A_1033 = arith.constant 0 : i32
    %dma_wait3A_1034 = tpu.memref_slice %arg3[%add3A, %dma_wait3A_1027, %dma_wait3A_1032, %dma_wait3A_1033] : memref<32x8x10x128xi32, #tpu.memory_space<hbm>> -> memref<1x1x10x128xi32, #tpu.memory_space<hbm>>
    %dma_wait3A_1035 = tpu.memref_squeeze %dma_wait3A_1034 : memref<1x1x10x128xi32, #tpu.memory_space<hbm>> -> memref<10x128xi32, #tpu.memory_space<hbm>>
    tpu.wait_dma2 semaphore(%arg24 : memref<!tpu.dma_semaphore, #tpu.memory_space<semaphore_mem>>) src(%dma_wait3A_1035 : memref<10x128xi32, #tpu.memory_space<hbm>>) dst(%arg9 : memref<10x128xi32, #tpu.memory_space<vmem>>)
    %dma_wait3A_1036 = arith.constant 0 : i32
    %dma_wait3A_1037 = arith.constant 0 : i32
    %dma_wait3A_1038 = arith.constant 0 : i32
    %dma_wait3A_1039 = tpu.memref_slice %arg4[%add3A, %dma_wait3A_1036, %dma_wait3A_1037, %dma_wait3A_1038] : memref<32x8x10x128xi32, #tpu.memory_space<hbm>> -> memref<1x1x10x128xi32, #tpu.memory_space<hbm>>
    %dma_wait3A_1040 = tpu.memref_squeeze %dma_wait3A_1039 : memref<1x1x10x128xi32, #tpu.memory_space<hbm>> -> memref<10x128xi32, #tpu.memory_space<hbm>>
    %dma_wait3A_1041 = arith.constant 0 : i32
    %dma_wait3A_1042 = arith.constant 0 : i32
    %dma_wait3A_1043 = tpu.memref_slice %arg4[%add3A, %dma_wait3A_1036, %dma_wait3A_1041, %dma_wait3A_1042] : memref<32x8x10x128xi32, #tpu.memory_space<hbm>> -> memref<1x1x10x128xi32, #tpu.memory_space<hbm>>
    %dma_wait3A_1044 = tpu.memref_squeeze %dma_wait3A_1043 : memref<1x1x10x128xi32, #tpu.memory_space<hbm>> -> memref<10x128xi32, #tpu.memory_space<hbm>>
    tpu.wait_dma2 semaphore(%arg24 : memref<!tpu.dma_semaphore, #tpu.memory_space<semaphore_mem>>) src(%dma_wait3A_1044 : memref<10x128xi32, #tpu.memory_space<hbm>>) dst(%arg10 : memref<10x128xi32, #tpu.memory_space<vmem>>)
    %dma_wait3A_1045 = arith.constant 0 : i32
    %dma_wait3A_1046 = arith.constant 0 : i32
    %dma_wait3A_1047 = tpu.memref_slice %arg10[%dma_wait3A_1045, %dma_wait3A_1046] : memref<10x128xi32, #tpu.memory_space<vmem>> -> memref<1x128xi32, #tpu.memory_space<vmem>>
    %dma_wait3A_1048 = tpu.memref_squeeze %dma_wait3A_1047 : memref<1x128xi32, #tpu.memory_space<vmem>> -> memref<128xi32, #tpu.memory_space<vmem>>
    %dma_wait3A_1049 = arith.constant 0 : i32
    %dma_wait3A_1050 = arith.constant 0 : i32
    %dma_wait3A_1051 = tpu.memref_slice %arg17[%dma_wait3A_1049, %dma_wait3A_1050] : memref<10240x128xf32, #tpu.memory_space<vmem_shared>> -> memref<10240x128xf32, #tpu.memory_space<vmem_shared>>
    tpu.wait_indirect_dma semaphore(%arg21 : memref<!tpu.dma_semaphore, #tpu.memory_space<semaphore_mem>>) src(%arg13 : memref<128x128xf32, #tpu.memory_space<vmem>>) dst(%dma_wait3A_1051 : memref<10240x128xf32, #tpu.memory_space<vmem_shared>>)
    %dma_start3A_1052 = arith.constant 0 : i32
    %dma_start3A_1053 = arith.constant 0 : i32
    %dma_start3A_1054 = tpu.memref_slice %arg9[%dma_start3A_1052, %dma_start3A_1053] : memref<10x128xi32, #tpu.memory_space<vmem>> -> memref<1x128xi32, #tpu.memory_space<vmem>>
    %dma_start3A_1055 = tpu.memref_squeeze %dma_start3A_1054 : memref<1x128xi32, #tpu.memory_space<vmem>> -> memref<128xi32, #tpu.memory_space<vmem>>
    %dma_start3A_1056 = arith.constant 0 : i32
    %dma_start3A_1057 = arith.constant 0 : i32
    %dma_start3A_1058 = tpu.memref_slice %arg2[%dma_start3A_1056, %dma_start3A_1057] : memref<10000x128xf32, #tpu.memory_space<hbm>> -> memref<10000x128xf32, #tpu.memory_space<hbm>>
    tpu.enqueue_indirect_dma source(%dma_start3A_1058 : memref<10000x128xf32, #tpu.memory_space<hbm>>) target(%arg13 : memref<128x128xf32, #tpu.memory_space<vmem>>) offsets(%dma_start3A_1055 : memref<128xi32, #tpu.memory_space<vmem>>) semaphore(%arg19 : memref<!tpu.dma_semaphore, #tpu.memory_space<semaphore_mem>>)
    %dma_wait3A_1059 = arith.constant 0 : i32
    %dma_wait3A_1060 = arith.constant 0 : i32
    %dma_wait3A_1061 = tpu.memref_slice %arg10[%dma_wait3A_1059, %dma_wait3A_1060] : memref<10x128xi32, #tpu.memory_space<vmem>> -> memref<1x128xi32, #tpu.memory_space<vmem>>
    %dma_wait3A_1062 = tpu.memref_squeeze %dma_wait3A_1061 : memref<1x128xi32, #tpu.memory_space<vmem>> -> memref<128xi32, #tpu.memory_space<vmem>>
    %dma_wait3A_1063 = arith.constant 0 : i32
    %dma_wait3A_1064 = arith.constant 0 : i32
    %dma_wait3A_1065 = tpu.memref_slice %arg17[%dma_wait3A_1063, %dma_wait3A_1064] : memref<10240x128xf32, #tpu.memory_space<vmem_shared>> -> memref<10240x128xf32, #tpu.memory_space<vmem_shared>>
    tpu.wait_indirect_dma semaphore(%arg22 : memref<!tpu.dma_semaphore, #tpu.memory_space<semaphore_mem>>) src(%arg14 : memref<128x128xf32, #tpu.memory_space<vmem>>) dst(%dma_wait3A_1065 : memref<10240x128xf32, #tpu.memory_space<vmem_shared>>)
    %dma_start3A_1066 = arith.constant 1 : i32
    %dma_start3A_1067 = arith.constant 0 : i32
    %dma_start3A_1068 = tpu.memref_slice %arg9[%dma_start3A_1066, %dma_start3A_1067] : memref<10x128xi32, #tpu.memory_space<vmem>> -> memref<1x128xi32, #tpu.memory_space<vmem>>
    %dma_start3A_1069 = tpu.memref_squeeze %dma_start3A_1068 : memref<1x128xi32, #tpu.memory_space<vmem>> -> memref<128xi32, #tpu.memory_space<vmem>>
    %dma_start3A_1070 = arith.constant 0 : i32
    %dma_start3A_1071 = arith.constant 0 : i32
    %dma_start3A_1072 = tpu.memref_slice %arg2[%dma_start3A_1070, %dma_start3A_1071] : memref<10000x128xf32, #tpu.memory_space<hbm>> -> memref<10000x128xf32, #tpu.memory_space<hbm>>
    tpu.enqueue_indirect_dma source(%dma_start3A_1072 : memref<10000x128xf32, #tpu.memory_space<hbm>>) target(%arg14 : memref<128x128xf32, #tpu.memory_space<vmem>>) offsets(%dma_start3A_1069 : memref<128xi32, #tpu.memory_space<vmem>>) semaphore(%arg20 : memref<!tpu.dma_semaphore, #tpu.memory_space<semaphore_mem>>)
    %dma_start3A_1073 = arith.constant 5 : i32
    %dma_start3A_1074 = arith.constant 0 : i32
    %dma_start3A_1075 = arith.constant 0 : i32
    %dma_start3A_1076 = tpu.memref_slice %arg3[%add3A, %dma_start3A_1073, %dma_start3A_1074, %dma_start3A_1075] : memref<32x8x10x128xi32, #tpu.memory_space<hbm>> -> memref<1x1x10x128xi32, #tpu.memory_space<hbm>>
    %dma_start3A_1077 = tpu.memref_squeeze %dma_start3A_1076 : memref<1x1x10x128xi32, #tpu.memory_space<hbm>> -> memref<10x128xi32, #tpu.memory_space<hbm>>
    %dma_start3A_1078 = arith.constant 0 : i32
    %dma_start3A_1079 = arith.constant 0 : i32
    %dma_start3A_1080 = tpu.memref_slice %arg3[%add3A, %dma_start3A_1073, %dma_start3A_1078, %dma_start3A_1079] : memref<32x8x10x128xi32, #tpu.memory_space<hbm>> -> memref<1x1x10x128xi32, #tpu.memory_space<hbm>>
    %dma_start3A_1081 = tpu.memref_squeeze %dma_start3A_1080 : memref<1x1x10x128xi32, #tpu.memory_space<hbm>> -> memref<10x128xi32, #tpu.memory_space<hbm>>
    tpu.enqueue_dma source(%dma_start3A_1081 : memref<10x128xi32, #tpu.memory_space<hbm>>) target(%arg11 : memref<10x128xi32, #tpu.memory_space<vmem>>) target_semaphore(%arg24 : memref<!tpu.dma_semaphore, #tpu.memory_space<semaphore_mem>>)
    %dma_start3A_1082 = arith.constant 5 : i32
    %dma_start3A_1083 = arith.constant 0 : i32
    %dma_start3A_1084 = arith.constant 0 : i32
    %dma_start3A_1085 = tpu.memref_slice %arg4[%add3A, %dma_start3A_1082, %dma_start3A_1083, %dma_start3A_1084] : memref<32x8x10x128xi32, #tpu.memory_space<hbm>> -> memref<1x1x10x128xi32, #tpu.memory_space<hbm>>
    %dma_start3A_1086 = tpu.memref_squeeze %dma_start3A_1085 : memref<1x1x10x128xi32, #tpu.memory_space<hbm>> -> memref<10x128xi32, #tpu.memory_space<hbm>>
    %dma_start3A_1087 = arith.constant 0 : i32
    %dma_start3A_1088 = arith.constant 0 : i32
    %dma_start3A_1089 = tpu.memref_slice %arg4[%add3A, %dma_start3A_1082, %dma_start3A_1087, %dma_start3A_1088] : memref<32x8x10x128xi32, #tpu.memory_space<hbm>> -> memref<1x1x10x128xi32, #tpu.memory_space<hbm>>
    %dma_start3A_1090 = tpu.memref_squeeze %dma_start3A_1089 : memref<1x1x10x128xi32, #tpu.memory_space<hbm>> -> memref<10x128xi32, #tpu.memory_space<hbm>>
    tpu.enqueue_dma source(%dma_start3A_1090 : memref<10x128xi32, #tpu.memory_space<hbm>>) target(%arg12 : memref<10x128xi32, #tpu.memory_space<vmem>>) target_semaphore(%arg24 : memref<!tpu.dma_semaphore, #tpu.memory_space<semaphore_mem>>)
    %scan3A_1091 = arith.constant 0 : i32
    %scan3A_1092 = arith.constant 4 : i32
    %scan3A_1093 = arith.addi %scan3A_1091, %scan3A_1092 : i32
    %scan3A_1094 = arith.constant 1 : i32
    scf.for %scan3A_2053 = %scan3A_1091 to %scan3A_1093 step %scan3A_1094  : i32 {
      %mul3A_2054 = arith.constant 2 : i32
      %mul3A_2055 = arith.muli %scan3A_2053, %mul3A_2054 : i32
      %add3A_2056 = arith.constant 0 : i32
      %add3A_2057 = arith.addi %add3A_2056, %mul3A_2055 : i32
      %dma_wait3A_2058 = arith.constant 0 : i32
      %dma_wait3A_2059 = arith.constant 0 : i32
      %dma_wait3A_2060 = tpu.memref_slice %arg9[%dma_wait3A_2058, %dma_wait3A_2059] : memref<10x128xi32, #tpu.memory_space<vmem>> -> memref<1x128xi32, #tpu.memory_space<vmem>>
      %dma_wait3A_2061 = tpu.memref_squeeze %dma_wait3A_2060 : memref<1x128xi32, #tpu.memory_space<vmem>> -> memref<128xi32, #tpu.memory_space<vmem>>
      %dma_wait3A_2062 = arith.constant 0 : i32
      %dma_wait3A_2063 = arith.constant 0 : i32
      %dma_wait3A_2064 = tpu.memref_slice %arg2[%dma_wait3A_2062, %dma_wait3A_2063] : memref<10000x128xf32, #tpu.memory_space<hbm>> -> memref<10000x128xf32, #tpu.memory_space<hbm>>
      tpu.wait_indirect_dma semaphore(%arg19 : memref<!tpu.dma_semaphore, #tpu.memory_space<semaphore_mem>>) src(%dma_wait3A_2064 : memref<10000x128xf32, #tpu.memory_space<hbm>>) dst(%arg13 : memref<128x128xf32, #tpu.memory_space<vmem>>)
      %dma_start3A_2065 = arith.constant 0 : i32
      %dma_start3A_2066 = tpu.memref_slice %arg10[%add3A_2057, %dma_start3A_2065] : memref<10x128xi32, #tpu.memory_space<vmem>> -> memref<1x128xi32, #tpu.memory_space<vmem>>
      %dma_start3A_2067 = tpu.memref_squeeze %dma_start3A_2066 : memref<1x128xi32, #tpu.memory_space<vmem>> -> memref<128xi32, #tpu.memory_space<vmem>>
      %dma_start3A_2068 = arith.constant 0 : i32
      %dma_start3A_2069 = arith.constant 0 : i32
      %dma_start3A_2070 = tpu.memref_slice %arg17[%dma_start3A_2068, %dma_start3A_2069] : memref<10240x128xf32, #tpu.memory_space<vmem_shared>> -> memref<10240x128xf32, #tpu.memory_space<vmem_shared>>
      tpu.enqueue_indirect_dma source(%arg13 : memref<128x128xf32, #tpu.memory_space<vmem>>) target(%dma_start3A_2070 : memref<10240x128xf32, #tpu.memory_space<vmem_shared>>) offsets(%dma_start3A_2067 : memref<128xi32, #tpu.memory_space<vmem>>) semaphore(%arg21 : memref<!tpu.dma_semaphore, #tpu.memory_space<semaphore_mem>>) {add = true}
      %get3A_2071 = arith.index_cast %add3A_2057 : i32 to index
      %get3A_2072 = arith.constant 0 : index
      %get3A_2073 = tpu.vector_load %arg10[%get3A_2071, %get3A_2072] {strides = array<i32>} : memref<10x128xi32, #tpu.memory_space<vmem>>, vector<16xi32>,
      %shift_right_logical3A_2074 = arith.constant 7 : i32
      %shift_right_logical3A_2075 = vector.broadcast %shift_right_logical3A_2074 : i32 to vector<16xi32>
      %shift_right_logical3A_2076 = arith.shrui %get3A_2073, %shift_right_logical3A_2075 : vector<16xi32>
      %and3A_2077 = arith.constant 127 : i32
      %and3A_2078 = vector.broadcast %and3A_2077 : i32 to vector<16xi32>
      %and3A_2079 = arith.andi %get3A_2073, %and3A_2078 : vector<16xi32>
      tpu.vector_store_idx %arg15[%shift_right_logical3A_2076, %and3A_2079], %broadcast_in_dim3A_1 {add = true} : memref<80x128xf32, #tpu.memory_space<vmem>>[vector<16xi32>, vector<16xi32>], vector<16xf32>,
      %get3A_2080 = arith.index_cast %add3A_2057 : i32 to index
      %get3A_2081 = arith.constant 16 : index
      %get3A_2082 = tpu.vector_load %arg10[%get3A_2080, %get3A_2081] {strides = array<i32>} : memref<10x128xi32, #tpu.memory_space<vmem>>, vector<16xi32>,
      %shift_right_logical3A_2083 = arith.constant 7 : i32
      %shift_right_logical3A_2084 = vector.broadcast %shift_right_logical3A_2083 : i32 to vector<16xi32>
      %shift_right_logical3A_2085 = arith.shrui %get3A_2082, %shift_right_logical3A_2084 : vector<16xi32>
      %and3A_2086 = arith.constant 127 : i32
      %and3A_2087 = vector.broadcast %and3A_2086 : i32 to vector<16xi32>
      %and3A_2088 = arith.andi %get3A_2082, %and3A_2087 : vector<16xi32>
      tpu.vector_store_idx %arg15[%shift_right_logical3A_2085, %and3A_2088], %broadcast_in_dim3A_1 {add = true} : memref<80x128xf32, #tpu.memory_space<vmem>>[vector<16xi32>, vector<16xi32>], vector<16xf32>,
      %get3A_2089 = arith.index_cast %add3A_2057 : i32 to index
      %get3A_2090 = arith.constant 32 : index
      %get3A_2091 = tpu.vector_load %arg10[%get3A_2089, %get3A_2090] {strides = array<i32>} : memref<10x128xi32, #tpu.memory_space<vmem>>, vector<16xi32>,
      %shift_right_logical3A_2092 = arith.constant 7 : i32
      %shift_right_logical3A_2093 = vector.broadcast %shift_right_logical3A_2092 : i32 to vector<16xi32>
      %shift_right_logical3A_2094 = arith.shrui %get3A_2091, %shift_right_logical3A_2093 : vector<16xi32>
      %and3A_2095 = arith.constant 127 : i32
      %and3A_2096 = vector.broadcast %and3A_2095 : i32 to vector<16xi32>
      %and3A_2097 = arith.andi %get3A_2091, %and3A_2096 : vector<16xi32>
      tpu.vector_store_idx %arg15[%shift_right_logical3A_2094, %and3A_2097], %broadcast_in_dim3A_1 {add = true} : memref<80x128xf32, #tpu.memory_space<vmem>>[vector<16xi32>, vector<16xi32>], vector<16xf32>,
      %get3A_2098 = arith.index_cast %add3A_2057 : i32 to index
      %get3A_2099 = arith.constant 48 : index
      %get3A_2100 = tpu.vector_load %arg10[%get3A_2098, %get3A_2099] {strides = array<i32>} : memref<10x128xi32, #tpu.memory_space<vmem>>, vector<16xi32>,
      %shift_right_logical3A_2101 = arith.constant 7 : i32
      %shift_right_logical3A_2102 = vector.broadcast %shift_right_logical3A_2101 : i32 to vector<16xi32>
      %shift_right_logical3A_2103 = arith.shrui %get3A_2100, %shift_right_logical3A_2102 : vector<16xi32>
      %and3A_2104 = arith.constant 127 : i32
      %and3A_2105 = vector.broadcast %and3A_2104 : i32 to vector<16xi32>
      %and3A_2106 = arith.andi %get3A_2100, %and3A_2105 : vector<16xi32>
      tpu.vector_store_idx %arg15[%shift_right_logical3A_2103, %and3A_2106], %broadcast_in_dim3A_1 {add = true} : memref<80x128xf32, #tpu.memory_space<vmem>>[vector<16xi32>, vector<16xi32>], vector<16xf32>,
      %get3A_2107 = arith.index_cast %add3A_2057 : i32 to index
      %get3A_2108 = arith.constant 64 : index
      %get3A_2109 = tpu.vector_load %arg10[%get3A_2107, %get3A_2108] {strides = array<i32>} : memref<10x128xi32, #tpu.memory_space<vmem>>, vector<16xi32>,
      %shift_right_logical3A_2110 = arith.constant 7 : i32
      %shift_right_logical3A_2111 = vector.broadcast %shift_right_logical3A_2110 : i32 to vector<16xi32>
      %shift_right_logical3A_2112 = arith.shrui %get3A_2109, %shift_right_logical3A_2111 : vector<16xi32>
      %and3A_2113 = arith.constant 127 : i32
      %and3A_2114 = vector.broadcast %and3A_2113 : i32 to vector<16xi32>
      %and3A_2115 = arith.andi %get3A_2109, %and3A_2114 : vector<16xi32>
      tpu.vector_store_idx %arg15[%shift_right_logical3A_2112, %and3A_2115], %broadcast_in_dim3A_1 {add = true} : memref<80x128xf32, #tpu.memory_space<vmem>>[vector<16xi32>, vector<16xi32>], vector<16xf32>,
      %get3A_2116 = arith.index_cast %add3A_2057 : i32 to index
      %get3A_2117 = arith.constant 80 : index
      %get3A_2118 = tpu.vector_load %arg10[%get3A_2116, %get3A_2117] {strides = array<i32>} : memref<10x128xi32, #tpu.memory_space<vmem>>, vector<16xi32>,
      %shift_right_logical3A_2119 = arith.constant 7 : i32
      %shift_right_logical3A_2120 = vector.broadcast %shift_right_logical3A_2119 : i32 to vector<16xi32>
      %shift_right_logical3A_2121 = arith.shrui %get3A_2118, %shift_right_logical3A_2120 : vector<16xi32>
      %and3A_2122 = arith.constant 127 : i32
      %and3A_2123 = vector.broadcast %and3A_2122 : i32 to vector<16xi32>
      %and3A_2124 = arith.andi %get3A_2118, %and3A_2123 : vector<16xi32>
      tpu.vector_store_idx %arg15[%shift_right_logical3A_2121, %and3A_2124], %broadcast_in_dim3A_1 {add = true} : memref<80x128xf32, #tpu.memory_space<vmem>>[vector<16xi32>, vector<16xi32>], vector<16xf32>,
      %get3A_2125 = arith.index_cast %add3A_2057 : i32 to index
      %get3A_2126 = arith.constant 96 : index
      %get3A_2127 = tpu.vector_load %arg10[%get3A_2125, %get3A_2126] {strides = array<i32>} : memref<10x128xi32, #tpu.memory_space<vmem>>, vector<16xi32>,
      %shift_right_logical3A_2128 = arith.constant 7 : i32
      %shift_right_logical3A_2129 = vector.broadcast %shift_right_logical3A_2128 : i32 to vector<16xi32>
      %shift_right_logical3A_2130 = arith.shrui %get3A_2127, %shift_right_logical3A_2129 : vector<16xi32>
      %and3A_2131 = arith.constant 127 : i32
      %and3A_2132 = vector.broadcast %and3A_2131 : i32 to vector<16xi32>
      %and3A_2133 = arith.andi %get3A_2127, %and3A_2132 : vector<16xi32>
      tpu.vector_store_idx %arg15[%shift_right_logical3A_2130, %and3A_2133], %broadcast_in_dim3A_1 {add = true} : memref<80x128xf32, #tpu.memory_space<vmem>>[vector<16xi32>, vector<16xi32>], vector<16xf32>,
      %get3A_2134 = arith.index_cast %add3A_2057 : i32 to index
      %get3A_2135 = arith.constant 112 : index
      %get3A_2136 = tpu.vector_load %arg10[%get3A_2134, %get3A_2135] {strides = array<i32>} : memref<10x128xi32, #tpu.memory_space<vmem>>, vector<16xi32>,
      %shift_right_logical3A_2137 = arith.constant 7 : i32
      %shift_right_logical3A_2138 = vector.broadcast %shift_right_logical3A_2137 : i32 to vector<16xi32>
      %shift_right_logical3A_2139 = arith.shrui %get3A_2136, %shift_right_logical3A_2138 : vector<16xi32>
      %and3A_2140 = arith.constant 127 : i32
      %and3A_2141 = vector.broadcast %and3A_2140 : i32 to vector<16xi32>
      %and3A_2142 = arith.andi %get3A_2136, %and3A_2141 : vector<16xi32>
      tpu.vector_store_idx %arg15[%shift_right_logical3A_2139, %and3A_2142], %broadcast_in_dim3A_1 {add = true} : memref<80x128xf32, #tpu.memory_space<vmem>>[vector<16xi32>, vector<16xi32>], vector<16xf32>,
      %dma_wait3A_2143 = arith.constant 0 : i32
      %dma_wait3A_2144 = arith.constant 0 : i32
      %dma_wait3A_2145 = tpu.memref_slice %arg9[%dma_wait3A_2143, %dma_wait3A_2144] : memref<10x128xi32, #tpu.memory_space<vmem>> -> memref<1x128xi32, #tpu.memory_space<vmem>>
      %dma_wait3A_2146 = tpu.memref_squeeze %dma_wait3A_2145 : memref<1x128xi32, #tpu.memory_space<vmem>> -> memref<128xi32, #tpu.memory_space<vmem>>
      %dma_wait3A_2147 = arith.constant 0 : i32
      %dma_wait3A_2148 = arith.constant 0 : i32
      %dma_wait3A_2149 = tpu.memref_slice %arg2[%dma_wait3A_2147, %dma_wait3A_2148] : memref<10000x128xf32, #tpu.memory_space<hbm>> -> memref<10000x128xf32, #tpu.memory_space<hbm>>
      tpu.wait_indirect_dma semaphore(%arg20 : memref<!tpu.dma_semaphore, #tpu.memory_space<semaphore_mem>>) src(%dma_wait3A_2149 : memref<10000x128xf32, #tpu.memory_space<hbm>>) dst(%arg14 : memref<128x128xf32, #tpu.memory_space<vmem>>)
      %add3A_2150 = arith.constant 1 : i32
      %add3A_2151 = arith.addi %add3A_2057, %add3A_2150 : i32
      %dma_start3A_2152 = arith.constant 0 : i32
      %dma_start3A_2153 = tpu.memref_slice %arg10[%add3A_2151, %dma_start3A_2152] : memref<10x128xi32, #tpu.memory_space<vmem>> -> memref<1x128xi32, #tpu.memory_space<vmem>>
      %dma_start3A_2154 = tpu.memref_squeeze %dma_start3A_2153 : memref<1x128xi32, #tpu.memory_space<vmem>> -> memref<128xi32, #tpu.memory_space<vmem>>
      %dma_start3A_2155 = arith.constant 0 : i32
      %dma_start3A_2156 = arith.constant 0 : i32
      %dma_start3A_2157 = tpu.memref_slice %arg17[%dma_start3A_2155, %dma_start3A_2156] : memref<10240x128xf32, #tpu.memory_space<vmem_shared>> -> memref<10240x128xf32, #tpu.memory_space<vmem_shared>>
      tpu.enqueue_indirect_dma source(%arg14 : memref<128x128xf32, #tpu.memory_space<vmem>>) target(%dma_start3A_2157 : memref<10240x128xf32, #tpu.memory_space<vmem_shared>>) offsets(%dma_start3A_2154 : memref<128xi32, #tpu.memory_space<vmem>>) semaphore(%arg22 : memref<!tpu.dma_semaphore, #tpu.memory_space<semaphore_mem>>) {add = true}
      %add3A_2158 = arith.constant 1 : i32
      %add3A_2159 = arith.addi %add3A_2057, %add3A_2158 : i32
      %get3A_2160 = arith.index_cast %add3A_2159 : i32 to index
      %get3A_2161 = arith.constant 0 : index
      %get3A_2162 = tpu.vector_load %arg10[%get3A_2160, %get3A_2161] {strides = array<i32>} : memref<10x128xi32, #tpu.memory_space<vmem>>, vector<16xi32>,
      %shift_right_logical3A_2163 = arith.constant 7 : i32
      %shift_right_logical3A_2164 = vector.broadcast %shift_right_logical3A_2163 : i32 to vector<16xi32>
      %shift_right_logical3A_2165 = arith.shrui %get3A_2162, %shift_right_logical3A_2164 : vector<16xi32>
      %and3A_2166 = arith.constant 127 : i32
      %and3A_2167 = vector.broadcast %and3A_2166 : i32 to vector<16xi32>
      %and3A_2168 = arith.andi %get3A_2162, %and3A_2167 : vector<16xi32>
      tpu.vector_store_idx %arg15[%shift_right_logical3A_2165, %and3A_2168], %broadcast_in_dim3A_1 {add = true} : memref<80x128xf32, #tpu.memory_space<vmem>>[vector<16xi32>, vector<16xi32>], vector<16xf32>,
      %get3A_2169 = arith.index_cast %add3A_2159 : i32 to index
      %get3A_2170 = arith.constant 16 : index
      %get3A_2171 = tpu.vector_load %arg10[%get3A_2169, %get3A_2170] {strides = array<i32>} : memref<10x128xi32, #tpu.memory_space<vmem>>, vector<16xi32>,
      %shift_right_logical3A_2172 = arith.constant 7 : i32
      %shift_right_logical3A_2173 = vector.broadcast %shift_right_logical3A_2172 : i32 to vector<16xi32>
      %shift_right_logical3A_2174 = arith.shrui %get3A_2171, %shift_right_logical3A_2173 : vector<16xi32>
      %and3A_2175 = arith.constant 127 : i32
      %and3A_2176 = vector.broadcast %and3A_2175 : i32 to vector<16xi32>
      %and3A_2177 = arith.andi %get3A_2171, %and3A_2176 : vector<16xi32>
      tpu.vector_store_idx %arg15[%shift_right_logical3A_2174, %and3A_2177], %broadcast_in_dim3A_1 {add = true} : memref<80x128xf32, #tpu.memory_space<vmem>>[vector<16xi32>, vector<16xi32>], vector<16xf32>,
      %get3A_2178 = arith.index_cast %add3A_2159 : i32 to index
      %get3A_2179 = arith.constant 32 : index
      %get3A_2180 = tpu.vector_load %arg10[%get3A_2178, %get3A_2179] {strides = array<i32>} : memref<10x128xi32, #tpu.memory_space<vmem>>, vector<16xi32>,
      %shift_right_logical3A_2181 = arith.constant 7 : i32
      %shift_right_logical3A_2182 = vector.broadcast %shift_right_logical3A_2181 : i32 to vector<16xi32>
      %shift_right_logical3A_2183 = arith.shrui %get3A_2180, %shift_right_logical3A_2182 : vector<16xi32>
      %and3A_2184 = arith.constant 127 : i32
      %and3A_2185 = vector.broadcast %and3A_2184 : i32 to vector<16xi32>
      %and3A_2186 = arith.andi %get3A_2180, %and3A_2185 : vector<16xi32>
      tpu.vector_store_idx %arg15[%shift_right_logical3A_2183, %and3A_2186], %broadcast_in_dim3A_1 {add = true} : memref<80x128xf32, #tpu.memory_space<vmem>>[vector<16xi32>, vector<16xi32>], vector<16xf32>,
      %get3A_2187 = arith.index_cast %add3A_2159 : i32 to index
      %get3A_2188 = arith.constant 48 : index
      %get3A_2189 = tpu.vector_load %arg10[%get3A_2187, %get3A_2188] {strides = array<i32>} : memref<10x128xi32, #tpu.memory_space<vmem>>, vector<16xi32>,
      %shift_right_logical3A_2190 = arith.constant 7 : i32
      %shift_right_logical3A_2191 = vector.broadcast %shift_right_logical3A_2190 : i32 to vector<16xi32>
      %shift_right_logical3A_2192 = arith.shrui %get3A_2189, %shift_right_logical3A_2191 : vector<16xi32>
      %and3A_2193 = arith.constant 127 : i32
      %and3A_2194 = vector.broadcast %and3A_2193 : i32 to vector<16xi32>
      %and3A_2195 = arith.andi %get3A_2189, %and3A_2194 : vector<16xi32>
      tpu.vector_store_idx %arg15[%shift_right_logical3A_2192, %and3A_2195], %broadcast_in_dim3A_1 {add = true} : memref<80x128xf32, #tpu.memory_space<vmem>>[vector<16xi32>, vector<16xi32>], vector<16xf32>,
      %get3A_2196 = arith.index_cast %add3A_2159 : i32 to index
      %get3A_2197 = arith.constant 64 : index
      %get3A_2198 = tpu.vector_load %arg10[%get3A_2196, %get3A_2197] {strides = array<i32>} : memref<10x128xi32, #tpu.memory_space<vmem>>, vector<16xi32>,
      %shift_right_logical3A_2199 = arith.constant 7 : i32
      %shift_right_logical3A_2200 = vector.broadcast %shift_right_logical3A_2199 : i32 to vector<16xi32>
      %shift_right_logical3A_2201 = arith.shrui %get3A_2198, %shift_right_logical3A_2200 : vector<16xi32>
      %and3A_2202 = arith.constant 127 : i32
      %and3A_2203 = vector.broadcast %and3A_2202 : i32 to vector<16xi32>
      %and3A_2204 = arith.andi %get3A_2198, %and3A_2203 : vector<16xi32>
      tpu.vector_store_idx %arg15[%shift_right_logical3A_2201, %and3A_2204], %broadcast_in_dim3A_1 {add = true} : memref<80x128xf32, #tpu.memory_space<vmem>>[vector<16xi32>, vector<16xi32>], vector<16xf32>,
      %get3A_2205 = arith.index_cast %add3A_2159 : i32 to index
      %get3A_2206 = arith.constant 80 : index
      %get3A_2207 = tpu.vector_load %arg10[%get3A_2205, %get3A_2206] {strides = array<i32>} : memref<10x128xi32, #tpu.memory_space<vmem>>, vector<16xi32>,
      %shift_right_logical3A_2208 = arith.constant 7 : i32
      %shift_right_logical3A_2209 = vector.broadcast %shift_right_logical3A_2208 : i32 to vector<16xi32>
      %shift_right_logical3A_2210 = arith.shrui %get3A_2207, %shift_right_logical3A_2209 : vector<16xi32>
      %and3A_2211 = arith.constant 127 : i32
      %and3A_2212 = vector.broadcast %and3A_2211 : i32 to vector<16xi32>
      %and3A_2213 = arith.andi %get3A_2207, %and3A_2212 : vector<16xi32>
      tpu.vector_store_idx %arg15[%shift_right_logical3A_2210, %and3A_2213], %broadcast_in_dim3A_1 {add = true} : memref<80x128xf32, #tpu.memory_space<vmem>>[vector<16xi32>, vector<16xi32>], vector<16xf32>,
      %get3A_2214 = arith.index_cast %add3A_2159 : i32 to index
      %get3A_2215 = arith.constant 96 : index
      %get3A_2216 = tpu.vector_load %arg10[%get3A_2214, %get3A_2215] {strides = array<i32>} : memref<10x128xi32, #tpu.memory_space<vmem>>, vector<16xi32>,
      %shift_right_logical3A_2217 = arith.constant 7 : i32
      %shift_right_logical3A_2218 = vector.broadcast %shift_right_logical3A_2217 : i32 to vector<16xi32>
      %shift_right_logical3A_2219 = arith.shrui %get3A_2216, %shift_right_logical3A_2218 : vector<16xi32>
      %and3A_2220 = arith.constant 127 : i32
      %and3A_2221 = vector.broadcast %and3A_2220 : i32 to vector<16xi32>
      %and3A_2222 = arith.andi %get3A_2216, %and3A_2221 : vector<16xi32>
      tpu.vector_store_idx %arg15[%shift_right_logical3A_2219, %and3A_2222], %broadcast_in_dim3A_1 {add = true} : memref<80x128xf32, #tpu.memory_space<vmem>>[vector<16xi32>, vector<16xi32>], vector<16xf32>,
      %get3A_2223 = arith.index_cast %add3A_2159 : i32 to index
      %get3A_2224 = arith.constant 112 : index
      %get3A_2225 = tpu.vector_load %arg10[%get3A_2223, %get3A_2224] {strides = array<i32>} : memref<10x128xi32, #tpu.memory_space<vmem>>, vector<16xi32>,
      %shift_right_logical3A_2226 = arith.constant 7 : i32
      %shift_right_logical3A_2227 = vector.broadcast %shift_right_logical3A_2226 : i32 to vector<16xi32>
      %shift_right_logical3A_2228 = arith.shrui %get3A_2225, %shift_right_logical3A_2227 : vector<16xi32>
      %and3A_2229 = arith.constant 127 : i32
      %and3A_2230 = vector.broadcast %and3A_2229 : i32 to vector<16xi32>
      %and3A_2231 = arith.andi %get3A_2225, %and3A_2230 : vector<16xi32>
      tpu.vector_store_idx %arg15[%shift_right_logical3A_2228, %and3A_2231], %broadcast_in_dim3A_1 {add = true} : memref<80x128xf32, #tpu.memory_space<vmem>>[vector<16xi32>, vector<16xi32>], vector<16xf32>,
      %dma_wait3A_2232 = arith.constant 0 : i32
      %dma_wait3A_2233 = arith.constant 0 : i32
      %dma_wait3A_2234 = tpu.memref_slice %arg10[%dma_wait3A_2232, %dma_wait3A_2233] : memref<10x128xi32, #tpu.memory_space<vmem>> -> memref<1x128xi32, #tpu.memory_space<vmem>>
      %dma_wait3A_2235 = tpu.memref_squeeze %dma_wait3A_2234 : memref<1x128xi32, #tpu.memory_space<vmem>> -> memref<128xi32, #tpu.memory_space<vmem>>
      %dma_wait3A_2236 = arith.constant 0 : i32
      %dma_wait3A_2237 = arith.constant 0 : i32
      %dma_wait3A_2238 = tpu.memref_slice %arg17[%dma_wait3A_2236, %dma_wait3A_2237] : memref<10240x128xf32, #tpu.memory_space<vmem_shared>> -> memref<10240x128xf32, #tpu.memory_space<vmem_shared>>
      tpu.wait_indirect_dma semaphore(%arg21 : memref<!tpu.dma_semaphore, #tpu.memory_space<semaphore_mem>>) src(%arg13 : memref<128x128xf32, #tpu.memory_space<vmem>>) dst(%dma_wait3A_2238 : memref<10240x128xf32, #tpu.memory_space<vmem_shared>>)
      %add3A_2239 = arith.constant 2 : i32
      %add3A_2240 = arith.addi %add3A_2057, %add3A_2239 : i32
      %dma_start3A_2241 = arith.constant 0 : i32
      %dma_start3A_2242 = tpu.memref_slice %arg9[%add3A_2240, %dma_start3A_2241] : memref<10x128xi32, #tpu.memory_space<vmem>> -> memref<1x128xi32, #tpu.memory_space<vmem>>
      %dma_start3A_2243 = tpu.memref_squeeze %dma_start3A_2242 : memref<1x128xi32, #tpu.memory_space<vmem>> -> memref<128xi32, #tpu.memory_space<vmem>>
      %dma_start3A_2244 = arith.constant 0 : i32
      %dma_start3A_2245 = arith.constant 0 : i32
      %dma_start3A_2246 = tpu.memref_slice %arg2[%dma_start3A_2244, %dma_start3A_2245] : memref<10000x128xf32, #tpu.memory_space<hbm>> -> memref<10000x128xf32, #tpu.memory_space<hbm>>
      tpu.enqueue_indirect_dma source(%dma_start3A_2246 : memref<10000x128xf32, #tpu.memory_space<hbm>>) target(%arg13 : memref<128x128xf32, #tpu.memory_space<vmem>>) offsets(%dma_start3A_2243 : memref<128xi32, #tpu.memory_space<vmem>>) semaphore(%arg19 : memref<!tpu.dma_semaphore, #tpu.memory_space<semaphore_mem>>)
      %dma_wait3A_2247 = arith.constant 0 : i32
      %dma_wait3A_2248 = arith.constant 0 : i32
      %dma_wait3A_2249 = tpu.memref_slice %arg10[%dma_wait3A_2247, %dma_wait3A_2248] : memref<10x128xi32, #tpu.memory_space<vmem>> -> memref<1x128xi32, #tpu.memory_space<vmem>>
      %dma_wait3A_2250 = tpu.memref_squeeze %dma_wait3A_2249 : memref<1x128xi32, #tpu.memory_space<vmem>> -> memref<128xi32, #tpu.memory_space<vmem>>
      %dma_wait3A_2251 = arith.constant 0 : i32
      %dma_wait3A_2252 = arith.constant 0 : i32
      %dma_wait3A_2253 = tpu.memref_slice %arg17[%dma_wait3A_2251, %dma_wait3A_2252] : memref<10240x128xf32, #tpu.memory_space<vmem_shared>> -> memref<10240x128xf32, #tpu.memory_space<vmem_shared>>
      tpu.wait_indirect_dma semaphore(%arg22 : memref<!tpu.dma_semaphore, #tpu.memory_space<semaphore_mem>>) src(%arg14 : memref<128x128xf32, #tpu.memory_space<vmem>>) dst(%dma_wait3A_2253 : memref<10240x128xf32, #tpu.memory_space<vmem_shared>>)
      %add3A_2254 = arith.constant 3 : i32
      %add3A_2255 = arith.addi %add3A_2057, %add3A_2254 : i32
      %dma_start3A_2256 = arith.constant 0 : i32
      %dma_start3A_2257 = tpu.memref_slice %arg9[%add3A_2255, %dma_start3A_2256] : memref<10x128xi32, #tpu.memory_space<vmem>> -> memref<1x128xi32, #tpu.memory_space<vmem>>
      %dma_start3A_2258 = tpu.memref_squeeze %dma_start3A_2257 : memref<1x128xi32, #tpu.memory_space<vmem>> -> memref<128xi32, #tpu.memory_space<vmem>>
      %dma_start3A_2259 = arith.constant 0 : i32
      %dma_start3A_2260 = arith.constant 0 : i32
      %dma_start3A_2261 = tpu.memref_slice %arg2[%dma_start3A_2259, %dma_start3A_2260] : memref<10000x128xf32, #tpu.memory_space<hbm>> -> memref<10000x128xf32, #tpu.memory_space<hbm>>
      tpu.enqueue_indirect_dma source(%dma_start3A_2261 : memref<10000x128xf32, #tpu.memory_space<hbm>>) target(%arg14 : memref<128x128xf32, #tpu.memory_space<vmem>>) offsets(%dma_start3A_2258 : memref<128xi32, #tpu.memory_space<vmem>>) semaphore(%arg20 : memref<!tpu.dma_semaphore, #tpu.memory_space<semaphore_mem>>)
    }
    %scan3A_1095 = arith.constant 4 : i32
    %dma_wait3A_1096 = arith.constant 0 : i32
    %dma_wait3A_1097 = arith.constant 0 : i32
    %dma_wait3A_1098 = tpu.memref_slice %arg9[%dma_wait3A_1096, %dma_wait3A_1097] : memref<10x128xi32, #tpu.memory_space<vmem>> -> memref<1x128xi32, #tpu.memory_space<vmem>>
    %dma_wait3A_1099 = tpu.memref_squeeze %dma_wait3A_1098 : memref<1x128xi32, #tpu.memory_space<vmem>> -> memref<128xi32, #tpu.memory_space<vmem>>
    %dma_wait3A_1100 = arith.constant 0 : i32
    %dma_wait3A_1101 = arith.constant 0 : i32
    %dma_wait3A_1102 = tpu.memref_slice %arg2[%dma_wait3A_1100, %dma_wait3A_1101] : memref<10000x128xf32, #tpu.memory_space<hbm>> -> memref<10000x128xf32, #tpu.memory_space<hbm>>
    tpu.wait_indirect_dma semaphore(%arg19 : memref<!tpu.dma_semaphore, #tpu.memory_space<semaphore_mem>>) src(%dma_wait3A_1102 : memref<10000x128xf32, #tpu.memory_space<hbm>>) dst(%arg13 : memref<128x128xf32, #tpu.memory_space<vmem>>)
    %dma_start3A_1103 = arith.constant 8 : i32
    %dma_start3A_1104 = arith.constant 0 : i32
    %dma_start3A_1105 = tpu.memref_slice %arg10[%dma_start3A_1103, %dma_start3A_1104] : memref<10x128xi32, #tpu.memory_space<vmem>> -> memref<1x128xi32, #tpu.memory_space<vmem>>
    %dma_start3A_1106 = tpu.memref_squeeze %dma_start3A_1105 : memref<1x128xi32, #tpu.memory_space<vmem>> -> memref<128xi32, #tpu.memory_space<vmem>>
    %dma_start3A_1107 = arith.constant 0 : i32
    %dma_start3A_1108 = arith.constant 0 : i32
    %dma_start3A_1109 = tpu.memref_slice %arg17[%dma_start3A_1107, %dma_start3A_1108] : memref<10240x128xf32, #tpu.memory_space<vmem_shared>> -> memref<10240x128xf32, #tpu.memory_space<vmem_shared>>
    tpu.enqueue_indirect_dma source(%arg13 : memref<128x128xf32, #tpu.memory_space<vmem>>) target(%dma_start3A_1109 : memref<10240x128xf32, #tpu.memory_space<vmem_shared>>) offsets(%dma_start3A_1106 : memref<128xi32, #tpu.memory_space<vmem>>) semaphore(%arg21 : memref<!tpu.dma_semaphore, #tpu.memory_space<semaphore_mem>>) {add = true}
    %get3A_1110 = arith.constant 8 : i32
    %get3A_1111 = arith.index_cast %get3A_1110 : i32 to index
    %get3A_1112 = arith.constant 0 : index
    %get3A_1113 = tpu.vector_load %arg10[%get3A_1111, %get3A_1112] {strides = array<i32>} : memref<10x128xi32, #tpu.memory_space<vmem>>, vector<16xi32>,
    %shift_right_logical3A_1114 = arith.constant 7 : i32
    %shift_right_logical3A_1115 = vector.broadcast %shift_right_logical3A_1114 : i32 to vector<16xi32>
    %shift_right_logical3A_1116 = arith.shrui %get3A_1113, %shift_right_logical3A_1115 : vector<16xi32>
    %and3A_1117 = arith.constant 127 : i32
    %and3A_1118 = vector.broadcast %and3A_1117 : i32 to vector<16xi32>
    %and3A_1119 = arith.andi %get3A_1113, %and3A_1118 : vector<16xi32>
    tpu.vector_store_idx %arg15[%shift_right_logical3A_1116, %and3A_1119], %broadcast_in_dim3A_1 {add = true} : memref<80x128xf32, #tpu.memory_space<vmem>>[vector<16xi32>, vector<16xi32>], vector<16xf32>,
    %get3A_1120 = arith.constant 8 : i32
    %get3A_1121 = arith.index_cast %get3A_1120 : i32 to index
    %get3A_1122 = arith.constant 16 : index
    %get3A_1123 = tpu.vector_load %arg10[%get3A_1121, %get3A_1122] {strides = array<i32>} : memref<10x128xi32, #tpu.memory_space<vmem>>, vector<16xi32>,
    %shift_right_logical3A_1124 = arith.constant 7 : i32
    %shift_right_logical3A_1125 = vector.broadcast %shift_right_logical3A_1124 : i32 to vector<16xi32>
    %shift_right_logical3A_1126 = arith.shrui %get3A_1123, %shift_right_logical3A_1125 : vector<16xi32>
    %and3A_1127 = arith.constant 127 : i32
    %and3A_1128 = vector.broadcast %and3A_1127 : i32 to vector<16xi32>
    %and3A_1129 = arith.andi %get3A_1123, %and3A_1128 : vector<16xi32>
    tpu.vector_store_idx %arg15[%shift_right_logical3A_1126, %and3A_1129], %broadcast_in_dim3A_1 {add = true} : memref<80x128xf32, #tpu.memory_space<vmem>>[vector<16xi32>, vector<16xi32>], vector<16xf32>,
    %get3A_1130 = arith.constant 8 : i32
    %get3A_1131 = arith.index_cast %get3A_1130 : i32 to index
    %get3A_1132 = arith.constant 32 : index
    %get3A_1133 = tpu.vector_load %arg10[%get3A_1131, %get3A_1132] {strides = array<i32>} : memref<10x128xi32, #tpu.memory_space<vmem>>, vector<16xi32>,
    %shift_right_logical3A_1134 = arith.constant 7 : i32
    %shift_right_logical3A_1135 = vector.broadcast %shift_right_logical3A_1134 : i32 to vector<16xi32>
    %shift_right_logical3A_1136 = arith.shrui %get3A_1133, %shift_right_logical3A_1135 : vector<16xi32>
    %and3A_1137 = arith.constant 127 : i32
    %and3A_1138 = vector.broadcast %and3A_1137 : i32 to vector<16xi32>
    %and3A_1139 = arith.andi %get3A_1133, %and3A_1138 : vector<16xi32>
    tpu.vector_store_idx %arg15[%shift_right_logical3A_1136, %and3A_1139], %broadcast_in_dim3A_1 {add = true} : memref<80x128xf32, #tpu.memory_space<vmem>>[vector<16xi32>, vector<16xi32>], vector<16xf32>,
    %get3A_1140 = arith.constant 8 : i32
    %get3A_1141 = arith.index_cast %get3A_1140 : i32 to index
    %get3A_1142 = arith.constant 48 : index
    %get3A_1143 = tpu.vector_load %arg10[%get3A_1141, %get3A_1142] {strides = array<i32>} : memref<10x128xi32, #tpu.memory_space<vmem>>, vector<16xi32>,
    %shift_right_logical3A_1144 = arith.constant 7 : i32
    %shift_right_logical3A_1145 = vector.broadcast %shift_right_logical3A_1144 : i32 to vector<16xi32>
    %shift_right_logical3A_1146 = arith.shrui %get3A_1143, %shift_right_logical3A_1145 : vector<16xi32>
    %and3A_1147 = arith.constant 127 : i32
    %and3A_1148 = vector.broadcast %and3A_1147 : i32 to vector<16xi32>
    %and3A_1149 = arith.andi %get3A_1143, %and3A_1148 : vector<16xi32>
    tpu.vector_store_idx %arg15[%shift_right_logical3A_1146, %and3A_1149], %broadcast_in_dim3A_1 {add = true} : memref<80x128xf32, #tpu.memory_space<vmem>>[vector<16xi32>, vector<16xi32>], vector<16xf32>,
    %get3A_1150 = arith.constant 8 : i32
    %get3A_1151 = arith.index_cast %get3A_1150 : i32 to index
    %get3A_1152 = arith.constant 64 : index
    %get3A_1153 = tpu.vector_load %arg10[%get3A_1151, %get3A_1152] {strides = array<i32>} : memref<10x128xi32, #tpu.memory_space<vmem>>, vector<16xi32>,
    %shift_right_logical3A_1154 = arith.constant 7 : i32
    %shift_right_logical3A_1155 = vector.broadcast %shift_right_logical3A_1154 : i32 to vector<16xi32>
    %shift_right_logical3A_1156 = arith.shrui %get3A_1153, %shift_right_logical3A_1155 : vector<16xi32>
    %and3A_1157 = arith.constant 127 : i32
    %and3A_1158 = vector.broadcast %and3A_1157 : i32 to vector<16xi32>
    %and3A_1159 = arith.andi %get3A_1153, %and3A_1158 : vector<16xi32>
    tpu.vector_store_idx %arg15[%shift_right_logical3A_1156, %and3A_1159], %broadcast_in_dim3A_1 {add = true} : memref<80x128xf32, #tpu.memory_space<vmem>>[vector<16xi32>, vector<16xi32>], vector<16xf32>,
    %get3A_1160 = arith.constant 8 : i32
    %get3A_1161 = arith.index_cast %get3A_1160 : i32 to index
    %get3A_1162 = arith.constant 80 : index
    %get3A_1163 = tpu.vector_load %arg10[%get3A_1161, %get3A_1162] {strides = array<i32>} : memref<10x128xi32, #tpu.memory_space<vmem>>, vector<16xi32>,
    %shift_right_logical3A_1164 = arith.constant 7 : i32
    %shift_right_logical3A_1165 = vector.broadcast %shift_right_logical3A_1164 : i32 to vector<16xi32>
    %shift_right_logical3A_1166 = arith.shrui %get3A_1163, %shift_right_logical3A_1165 : vector<16xi32>
    %and3A_1167 = arith.constant 127 : i32
    %and3A_1168 = vector.broadcast %and3A_1167 : i32 to vector<16xi32>
    %and3A_1169 = arith.andi %get3A_1163, %and3A_1168 : vector<16xi32>
    tpu.vector_store_idx %arg15[%shift_right_logical3A_1166, %and3A_1169], %broadcast_in_dim3A_1 {add = true} : memref<80x128xf32, #tpu.memory_space<vmem>>[vector<16xi32>, vector<16xi32>], vector<16xf32>,
    %get3A_1170 = arith.constant 8 : i32
    %get3A_1171 = arith.index_cast %get3A_1170 : i32 to index
    %get3A_1172 = arith.constant 96 : index
    %get3A_1173 = tpu.vector_load %arg10[%get3A_1171, %get3A_1172] {strides = array<i32>} : memref<10x128xi32, #tpu.memory_space<vmem>>, vector<16xi32>,
    %shift_right_logical3A_1174 = arith.constant 7 : i32
    %shift_right_logical3A_1175 = vector.broadcast %shift_right_logical3A_1174 : i32 to vector<16xi32>
    %shift_right_logical3A_1176 = arith.shrui %get3A_1173, %shift_right_logical3A_1175 : vector<16xi32>
    %and3A_1177 = arith.constant 127 : i32
    %and3A_1178 = vector.broadcast %and3A_1177 : i32 to vector<16xi32>
    %and3A_1179 = arith.andi %get3A_1173, %and3A_1178 : vector<16xi32>
    tpu.vector_store_idx %arg15[%shift_right_logical3A_1176, %and3A_1179], %broadcast_in_dim3A_1 {add = true} : memref<80x128xf32, #tpu.memory_space<vmem>>[vector<16xi32>, vector<16xi32>], vector<16xf32>,
    %get3A_1180 = arith.constant 8 : i32
    %get3A_1181 = arith.index_cast %get3A_1180 : i32 to index
    %get3A_1182 = arith.constant 112 : index
    %get3A_1183 = tpu.vector_load %arg10[%get3A_1181, %get3A_1182] {strides = array<i32>} : memref<10x128xi32, #tpu.memory_space<vmem>>, vector<16xi32>,
    %shift_right_logical3A_1184 = arith.constant 7 : i32
    %shift_right_logical3A_1185 = vector.broadcast %shift_right_logical3A_1184 : i32 to vector<16xi32>
    %shift_right_logical3A_1186 = arith.shrui %get3A_1183, %shift_right_logical3A_1185 : vector<16xi32>
    %and3A_1187 = arith.constant 127 : i32
    %and3A_1188 = vector.broadcast %and3A_1187 : i32 to vector<16xi32>
    %and3A_1189 = arith.andi %get3A_1183, %and3A_1188 : vector<16xi32>
    tpu.vector_store_idx %arg15[%shift_right_logical3A_1186, %and3A_1189], %broadcast_in_dim3A_1 {add = true} : memref<80x128xf32, #tpu.memory_space<vmem>>[vector<16xi32>, vector<16xi32>], vector<16xf32>,
    %dma_wait3A_1190 = arith.constant 0 : i32
    %dma_wait3A_1191 = arith.constant 0 : i32
    %dma_wait3A_1192 = tpu.memref_slice %arg9[%dma_wait3A_1190, %dma_wait3A_1191] : memref<10x128xi32, #tpu.memory_space<vmem>> -> memref<1x128xi32, #tpu.memory_space<vmem>>
    %dma_wait3A_1193 = tpu.memref_squeeze %dma_wait3A_1192 : memref<1x128xi32, #tpu.memory_space<vmem>> -> memref<128xi32, #tpu.memory_space<vmem>>
    %dma_wait3A_1194 = arith.constant 0 : i32
    %dma_wait3A_1195 = arith.constant 0 : i32
    %dma_wait3A_1196 = tpu.memref_slice %arg2[%dma_wait3A_1194, %dma_wait3A_1195] : memref<10000x128xf32, #tpu.memory_space<hbm>> -> memref<10000x128xf32, #tpu.memory_space<hbm>>
    tpu.wait_indirect_dma semaphore(%arg20 : memref<!tpu.dma_semaphore, #tpu.memory_space<semaphore_mem>>) src(%dma_wait3A_1196 : memref<10000x128xf32, #tpu.memory_space<hbm>>) dst(%arg14 : memref<128x128xf32, #tpu.memory_space<vmem>>)
    %dma_start3A_1197 = arith.constant 9 : i32
    %dma_start3A_1198 = arith.constant 0 : i32
    %dma_start3A_1199 = tpu.memref_slice %arg10[%dma_start3A_1197, %dma_start3A_1198] : memref<10x128xi32, #tpu.memory_space<vmem>> -> memref<1x128xi32, #tpu.memory_space<vmem>>
    %dma_start3A_1200 = tpu.memref_squeeze %dma_start3A_1199 : memref<1x128xi32, #tpu.memory_space<vmem>> -> memref<128xi32, #tpu.memory_space<vmem>>
    %dma_start3A_1201 = arith.constant 0 : i32
    %dma_start3A_1202 = arith.constant 0 : i32
    %dma_start3A_1203 = tpu.memref_slice %arg17[%dma_start3A_1201, %dma_start3A_1202] : memref<10240x128xf32, #tpu.memory_space<vmem_shared>> -> memref<10240x128xf32, #tpu.memory_space<vmem_shared>>
    tpu.enqueue_indirect_dma source(%arg14 : memref<128x128xf32, #tpu.memory_space<vmem>>) target(%dma_start3A_1203 : memref<10240x128xf32, #tpu.memory_space<vmem_shared>>) offsets(%dma_start3A_1200 : memref<128xi32, #tpu.memory_space<vmem>>) semaphore(%arg22 : memref<!tpu.dma_semaphore, #tpu.memory_space<semaphore_mem>>) {add = true}
    %get3A_1204 = arith.constant 9 : i32
    %get3A_1205 = arith.index_cast %get3A_1204 : i32 to index
    %get3A_1206 = arith.constant 0 : index
    %get3A_1207 = tpu.vector_load %arg10[%get3A_1205, %get3A_1206] {strides = array<i32>} : memref<10x128xi32, #tpu.memory_space<vmem>>, vector<16xi32>,
    %shift_right_logical3A_1208 = arith.constant 7 : i32
    %shift_right_logical3A_1209 = vector.broadcast %shift_right_logical3A_1208 : i32 to vector<16xi32>
    %shift_right_logical3A_1210 = arith.shrui %get3A_1207, %shift_right_logical3A_1209 : vector<16xi32>
    %and3A_1211 = arith.constant 127 : i32
    %and3A_1212 = vector.broadcast %and3A_1211 : i32 to vector<16xi32>
    %and3A_1213 = arith.andi %get3A_1207, %and3A_1212 : vector<16xi32>
    tpu.vector_store_idx %arg15[%shift_right_logical3A_1210, %and3A_1213], %broadcast_in_dim3A_1 {add = true} : memref<80x128xf32, #tpu.memory_space<vmem>>[vector<16xi32>, vector<16xi32>], vector<16xf32>,
    %get3A_1214 = arith.constant 9 : i32
    %get3A_1215 = arith.index_cast %get3A_1214 : i32 to index
    %get3A_1216 = arith.constant 16 : index
    %get3A_1217 = tpu.vector_load %arg10[%get3A_1215, %get3A_1216] {strides = array<i32>} : memref<10x128xi32, #tpu.memory_space<vmem>>, vector<16xi32>,
    %shift_right_logical3A_1218 = arith.constant 7 : i32
    %shift_right_logical3A_1219 = vector.broadcast %shift_right_logical3A_1218 : i32 to vector<16xi32>
    %shift_right_logical3A_1220 = arith.shrui %get3A_1217, %shift_right_logical3A_1219 : vector<16xi32>
    %and3A_1221 = arith.constant 127 : i32
    %and3A_1222 = vector.broadcast %and3A_1221 : i32 to vector<16xi32>
    %and3A_1223 = arith.andi %get3A_1217, %and3A_1222 : vector<16xi32>
    tpu.vector_store_idx %arg15[%shift_right_logical3A_1220, %and3A_1223], %broadcast_in_dim3A_1 {add = true} : memref<80x128xf32, #tpu.memory_space<vmem>>[vector<16xi32>, vector<16xi32>], vector<16xf32>,
    %get3A_1224 = arith.constant 9 : i32
    %get3A_1225 = arith.index_cast %get3A_1224 : i32 to index
    %get3A_1226 = arith.constant 32 : index
    %get3A_1227 = tpu.vector_load %arg10[%get3A_1225, %get3A_1226] {strides = array<i32>} : memref<10x128xi32, #tpu.memory_space<vmem>>, vector<16xi32>,
    %shift_right_logical3A_1228 = arith.constant 7 : i32
    %shift_right_logical3A_1229 = vector.broadcast %shift_right_logical3A_1228 : i32 to vector<16xi32>
    %shift_right_logical3A_1230 = arith.shrui %get3A_1227, %shift_right_logical3A_1229 : vector<16xi32>
    %and3A_1231 = arith.constant 127 : i32
    %and3A_1232 = vector.broadcast %and3A_1231 : i32 to vector<16xi32>
    %and3A_1233 = arith.andi %get3A_1227, %and3A_1232 : vector<16xi32>
    tpu.vector_store_idx %arg15[%shift_right_logical3A_1230, %and3A_1233], %broadcast_in_dim3A_1 {add = true} : memref<80x128xf32, #tpu.memory_space<vmem>>[vector<16xi32>, vector<16xi32>], vector<16xf32>,
    %get3A_1234 = arith.constant 9 : i32
    %get3A_1235 = arith.index_cast %get3A_1234 : i32 to index
    %get3A_1236 = arith.constant 48 : index
    %get3A_1237 = tpu.vector_load %arg10[%get3A_1235, %get3A_1236] {strides = array<i32>} : memref<10x128xi32, #tpu.memory_space<vmem>>, vector<16xi32>,
    %shift_right_logical3A_1238 = arith.constant 7 : i32
    %shift_right_logical3A_1239 = vector.broadcast %shift_right_logical3A_1238 : i32 to vector<16xi32>
    %shift_right_logical3A_1240 = arith.shrui %get3A_1237, %shift_right_logical3A_1239 : vector<16xi32>
    %and3A_1241 = arith.constant 127 : i32
    %and3A_1242 = vector.broadcast %and3A_1241 : i32 to vector<16xi32>
    %and3A_1243 = arith.andi %get3A_1237, %and3A_1242 : vector<16xi32>
    tpu.vector_store_idx %arg15[%shift_right_logical3A_1240, %and3A_1243], %broadcast_in_dim3A_1 {add = true} : memref<80x128xf32, #tpu.memory_space<vmem>>[vector<16xi32>, vector<16xi32>], vector<16xf32>,
    %get3A_1244 = arith.constant 9 : i32
    %get3A_1245 = arith.index_cast %get3A_1244 : i32 to index
    %get3A_1246 = arith.constant 64 : index
    %get3A_1247 = tpu.vector_load %arg10[%get3A_1245, %get3A_1246] {strides = array<i32>} : memref<10x128xi32, #tpu.memory_space<vmem>>, vector<16xi32>,
    %shift_right_logical3A_1248 = arith.constant 7 : i32
    %shift_right_logical3A_1249 = vector.broadcast %shift_right_logical3A_1248 : i32 to vector<16xi32>
    %shift_right_logical3A_1250 = arith.shrui %get3A_1247, %shift_right_logical3A_1249 : vector<16xi32>
    %and3A_1251 = arith.constant 127 : i32
    %and3A_1252 = vector.broadcast %and3A_1251 : i32 to vector<16xi32>
    %and3A_1253 = arith.andi %get3A_1247, %and3A_1252 : vector<16xi32>
    tpu.vector_store_idx %arg15[%shift_right_logical3A_1250, %and3A_1253], %broadcast_in_dim3A_1 {add = true} : memref<80x128xf32, #tpu.memory_space<vmem>>[vector<16xi32>, vector<16xi32>], vector<16xf32>,
    %get3A_1254 = arith.constant 9 : i32
    %get3A_1255 = arith.index_cast %get3A_1254 : i32 to index
    %get3A_1256 = arith.constant 80 : index
    %get3A_1257 = tpu.vector_load %arg10[%get3A_1255, %get3A_1256] {strides = array<i32>} : memref<10x128xi32, #tpu.memory_space<vmem>>, vector<16xi32>,
    %shift_right_logical3A_1258 = arith.constant 7 : i32
    %shift_right_logical3A_1259 = vector.broadcast %shift_right_logical3A_1258 : i32 to vector<16xi32>
    %shift_right_logical3A_1260 = arith.shrui %get3A_1257, %shift_right_logical3A_1259 : vector<16xi32>
    %and3A_1261 = arith.constant 127 : i32
    %and3A_1262 = vector.broadcast %and3A_1261 : i32 to vector<16xi32>
    %and3A_1263 = arith.andi %get3A_1257, %and3A_1262 : vector<16xi32>
    tpu.vector_store_idx %arg15[%shift_right_logical3A_1260, %and3A_1263], %broadcast_in_dim3A_1 {add = true} : memref<80x128xf32, #tpu.memory_space<vmem>>[vector<16xi32>, vector<16xi32>], vector<16xf32>,
    %get3A_1264 = arith.constant 9 : i32
    %get3A_1265 = arith.index_cast %get3A_1264 : i32 to index
    %get3A_1266 = arith.constant 96 : index
    %get3A_1267 = tpu.vector_load %arg10[%get3A_1265, %get3A_1266] {strides = array<i32>} : memref<10x128xi32, #tpu.memory_space<vmem>>, vector<16xi32>,
    %shift_right_logical3A_1268 = arith.constant 7 : i32
    %shift_right_logical3A_1269 = vector.broadcast %shift_right_logical3A_1268 : i32 to vector<16xi32>
    %shift_right_logical3A_1270 = arith.shrui %get3A_1267, %shift_right_logical3A_1269 : vector<16xi32>
    %and3A_1271 = arith.constant 127 : i32
    %and3A_1272 = vector.broadcast %and3A_1271 : i32 to vector<16xi32>
    %and3A_1273 = arith.andi %get3A_1267, %and3A_1272 : vector<16xi32>
    tpu.vector_store_idx %arg15[%shift_right_logical3A_1270, %and3A_1273], %broadcast_in_dim3A_1 {add = true} : memref<80x128xf32, #tpu.memory_space<vmem>>[vector<16xi32>, vector<16xi32>], vector<16xf32>,
    %get3A_1274 = arith.constant 9 : i32
    %get3A_1275 = arith.index_cast %get3A_1274 : i32 to index
    %get3A_1276 = arith.constant 112 : index
    %get3A_1277 = tpu.vector_load %arg10[%get3A_1275, %get3A_1276] {strides = array<i32>} : memref<10x128xi32, #tpu.memory_space<vmem>>, vector<16xi32>,
    %shift_right_logical3A_1278 = arith.constant 7 : i32
    %shift_right_logical3A_1279 = vector.broadcast %shift_right_logical3A_1278 : i32 to vector<16xi32>
    %shift_right_logical3A_1280 = arith.shrui %get3A_1277, %shift_right_logical3A_1279 : vector<16xi32>
    %and3A_1281 = arith.constant 127 : i32
    %and3A_1282 = vector.broadcast %and3A_1281 : i32 to vector<16xi32>
    %and3A_1283 = arith.andi %get3A_1277, %and3A_1282 : vector<16xi32>
    tpu.vector_store_idx %arg15[%shift_right_logical3A_1280, %and3A_1283], %broadcast_in_dim3A_1 {add = true} : memref<80x128xf32, #tpu.memory_space<vmem>>[vector<16xi32>, vector<16xi32>], vector<16xf32>,
    %dma_wait3A_1284 = arith.constant 0 : i32
    %dma_wait3A_1285 = arith.constant 0 : i32
    %dma_wait3A_1286 = arith.constant 0 : i32
    %dma_wait3A_1287 = tpu.memref_slice %arg3[%add3A, %dma_wait3A_1284, %dma_wait3A_1285, %dma_wait3A_1286] : memref<32x8x10x128xi32, #tpu.memory_space<hbm>> -> memref<1x1x10x128xi32, #tpu.memory_space<hbm>>
    %dma_wait3A_1288 = tpu.memref_squeeze %dma_wait3A_1287 : memref<1x1x10x128xi32, #tpu.memory_space<hbm>> -> memref<10x128xi32, #tpu.memory_space<hbm>>
    %dma_wait3A_1289 = arith.constant 0 : i32
    %dma_wait3A_1290 = arith.constant 0 : i32
    %dma_wait3A_1291 = tpu.memref_slice %arg3[%add3A, %dma_wait3A_1284, %dma_wait3A_1289, %dma_wait3A_1290] : memref<32x8x10x128xi32, #tpu.memory_space<hbm>> -> memref<1x1x10x128xi32, #tpu.memory_space<hbm>>
    %dma_wait3A_1292 = tpu.memref_squeeze %dma_wait3A_1291 : memref<1x1x10x128xi32, #tpu.memory_space<hbm>> -> memref<10x128xi32, #tpu.memory_space<hbm>>
    tpu.wait_dma2 semaphore(%arg24 : memref<!tpu.dma_semaphore, #tpu.memory_space<semaphore_mem>>) src(%dma_wait3A_1292 : memref<10x128xi32, #tpu.memory_space<hbm>>) dst(%arg9 : memref<10x128xi32, #tpu.memory_space<vmem>>)
    %dma_wait3A_1293 = arith.constant 0 : i32
    %dma_wait3A_1294 = arith.constant 0 : i32
    %dma_wait3A_1295 = arith.constant 0 : i32
    %dma_wait3A_1296 = tpu.memref_slice %arg4[%add3A, %dma_wait3A_1293, %dma_wait3A_1294, %dma_wait3A_1295] : memref<32x8x10x128xi32, #tpu.memory_space<hbm>> -> memref<1x1x10x128xi32, #tpu.memory_space<hbm>>
    %dma_wait3A_1297 = tpu.memref_squeeze %dma_wait3A_1296 : memref<1x1x10x128xi32, #tpu.memory_space<hbm>> -> memref<10x128xi32, #tpu.memory_space<hbm>>
    %dma_wait3A_1298 = arith.constant 0 : i32
    %dma_wait3A_1299 = arith.constant 0 : i32
    %dma_wait3A_1300 = tpu.memref_slice %arg4[%add3A, %dma_wait3A_1293, %dma_wait3A_1298, %dma_wait3A_1299] : memref<32x8x10x128xi32, #tpu.memory_space<hbm>> -> memref<1x1x10x128xi32, #tpu.memory_space<hbm>>
    %dma_wait3A_1301 = tpu.memref_squeeze %dma_wait3A_1300 : memref<1x1x10x128xi32, #tpu.memory_space<hbm>> -> memref<10x128xi32, #tpu.memory_space<hbm>>
    tpu.wait_dma2 semaphore(%arg24 : memref<!tpu.dma_semaphore, #tpu.memory_space<semaphore_mem>>) src(%dma_wait3A_1301 : memref<10x128xi32, #tpu.memory_space<hbm>>) dst(%arg10 : memref<10x128xi32, #tpu.memory_space<vmem>>)
    %dma_wait3A_1302 = arith.constant 0 : i32
    %dma_wait3A_1303 = arith.constant 0 : i32
    %dma_wait3A_1304 = tpu.memref_slice %arg10[%dma_wait3A_1302, %dma_wait3A_1303] : memref<10x128xi32, #tpu.memory_space<vmem>> -> memref<1x128xi32, #tpu.memory_space<vmem>>
    %dma_wait3A_1305 = tpu.memref_squeeze %dma_wait3A_1304 : memref<1x128xi32, #tpu.memory_space<vmem>> -> memref<128xi32, #tpu.memory_space<vmem>>
    %dma_wait3A_1306 = arith.constant 0 : i32
    %dma_wait3A_1307 = arith.constant 0 : i32
    %dma_wait3A_1308 = tpu.memref_slice %arg17[%dma_wait3A_1306, %dma_wait3A_1307] : memref<10240x128xf32, #tpu.memory_space<vmem_shared>> -> memref<10240x128xf32, #tpu.memory_space<vmem_shared>>
    tpu.wait_indirect_dma semaphore(%arg21 : memref<!tpu.dma_semaphore, #tpu.memory_space<semaphore_mem>>) src(%arg13 : memref<128x128xf32, #tpu.memory_space<vmem>>) dst(%dma_wait3A_1308 : memref<10240x128xf32, #tpu.memory_space<vmem_shared>>)
    %dma_start3A_1309 = arith.constant 0 : i32
    %dma_start3A_1310 = arith.constant 0 : i32
    %dma_start3A_1311 = tpu.memref_slice %arg11[%dma_start3A_1309, %dma_start3A_1310] : memref<10x128xi32, #tpu.memory_space<vmem>> -> memref<1x128xi32, #tpu.memory_space<vmem>>
    %dma_start3A_1312 = tpu.memref_squeeze %dma_start3A_1311 : memref<1x128xi32, #tpu.memory_space<vmem>> -> memref<128xi32, #tpu.memory_space<vmem>>
    %dma_start3A_1313 = arith.constant 0 : i32
    %dma_start3A_1314 = arith.constant 0 : i32
    %dma_start3A_1315 = tpu.memref_slice %arg2[%dma_start3A_1313, %dma_start3A_1314] : memref<10000x128xf32, #tpu.memory_space<hbm>> -> memref<10000x128xf32, #tpu.memory_space<hbm>>
    tpu.enqueue_indirect_dma source(%dma_start3A_1315 : memref<10000x128xf32, #tpu.memory_space<hbm>>) target(%arg13 : memref<128x128xf32, #tpu.memory_space<vmem>>) offsets(%dma_start3A_1312 : memref<128xi32, #tpu.memory_space<vmem>>) semaphore(%arg19 : memref<!tpu.dma_semaphore, #tpu.memory_space<semaphore_mem>>)
    %dma_wait3A_1316 = arith.constant 0 : i32
    %dma_wait3A_1317 = arith.constant 0 : i32
    %dma_wait3A_1318 = tpu.memref_slice %arg10[%dma_wait3A_1316, %dma_wait3A_1317] : memref<10x128xi32, #tpu.memory_space<vmem>> -> memref<1x128xi32, #tpu.memory_space<vmem>>
    %dma_wait3A_1319 = tpu.memref_squeeze %dma_wait3A_1318 : memref<1x128xi32, #tpu.memory_space<vmem>> -> memref<128xi32, #tpu.memory_space<vmem>>
    %dma_wait3A_1320 = arith.constant 0 : i32
    %dma_wait3A_1321 = arith.constant 0 : i32
    %dma_wait3A_1322 = tpu.memref_slice %arg17[%dma_wait3A_1320, %dma_wait3A_1321] : memref<10240x128xf32, #tpu.memory_space<vmem_shared>> -> memref<10240x128xf32, #tpu.memory_space<vmem_shared>>
    tpu.wait_indirect_dma semaphore(%arg22 : memref<!tpu.dma_semaphore, #tpu.memory_space<semaphore_mem>>) src(%arg14 : memref<128x128xf32, #tpu.memory_space<vmem>>) dst(%dma_wait3A_1322 : memref<10240x128xf32, #tpu.memory_space<vmem_shared>>)
    %dma_start3A_1323 = arith.constant 1 : i32
    %dma_start3A_1324 = arith.constant 0 : i32
    %dma_start3A_1325 = tpu.memref_slice %arg11[%dma_start3A_1323, %dma_start3A_1324] : memref<10x128xi32, #tpu.memory_space<vmem>> -> memref<1x128xi32, #tpu.memory_space<vmem>>
    %dma_start3A_1326 = tpu.memref_squeeze %dma_start3A_1325 : memref<1x128xi32, #tpu.memory_space<vmem>> -> memref<128xi32, #tpu.memory_space<vmem>>
    %dma_start3A_1327 = arith.constant 0 : i32
    %dma_start3A_1328 = arith.constant 0 : i32
    %dma_start3A_1329 = tpu.memref_slice %arg2[%dma_start3A_1327, %dma_start3A_1328] : memref<10000x128xf32, #tpu.memory_space<hbm>> -> memref<10000x128xf32, #tpu.memory_space<hbm>>
    tpu.enqueue_indirect_dma source(%dma_start3A_1329 : memref<10000x128xf32, #tpu.memory_space<hbm>>) target(%arg14 : memref<128x128xf32, #tpu.memory_space<vmem>>) offsets(%dma_start3A_1326 : memref<128xi32, #tpu.memory_space<vmem>>) semaphore(%arg20 : memref<!tpu.dma_semaphore, #tpu.memory_space<semaphore_mem>>)
    %dma_start3A_1330 = arith.constant 6 : i32
    %dma_start3A_1331 = arith.constant 0 : i32
    %dma_start3A_1332 = arith.constant 0 : i32
    %dma_start3A_1333 = tpu.memref_slice %arg3[%add3A, %dma_start3A_1330, %dma_start3A_1331, %dma_start3A_1332] : memref<32x8x10x128xi32, #tpu.memory_space<hbm>> -> memref<1x1x10x128xi32, #tpu.memory_space<hbm>>
    %dma_start3A_1334 = tpu.memref_squeeze %dma_start3A_1333 : memref<1x1x10x128xi32, #tpu.memory_space<hbm>> -> memref<10x128xi32, #tpu.memory_space<hbm>>
    %dma_start3A_1335 = arith.constant 0 : i32
    %dma_start3A_1336 = arith.constant 0 : i32
    %dma_start3A_1337 = tpu.memref_slice %arg3[%add3A, %dma_start3A_1330, %dma_start3A_1335, %dma_start3A_1336] : memref<32x8x10x128xi32, #tpu.memory_space<hbm>> -> memref<1x1x10x128xi32, #tpu.memory_space<hbm>>
    %dma_start3A_1338 = tpu.memref_squeeze %dma_start3A_1337 : memref<1x1x10x128xi32, #tpu.memory_space<hbm>> -> memref<10x128xi32, #tpu.memory_space<hbm>>
    tpu.enqueue_dma source(%dma_start3A_1338 : memref<10x128xi32, #tpu.memory_space<hbm>>) target(%arg9 : memref<10x128xi32, #tpu.memory_space<vmem>>) target_semaphore(%arg24 : memref<!tpu.dma_semaphore, #tpu.memory_space<semaphore_mem>>)
    %dma_start3A_1339 = arith.constant 6 : i32
    %dma_start3A_1340 = arith.constant 0 : i32
    %dma_start3A_1341 = arith.constant 0 : i32
    %dma_start3A_1342 = tpu.memref_slice %arg4[%add3A, %dma_start3A_1339, %dma_start3A_1340, %dma_start3A_1341] : memref<32x8x10x128xi32, #tpu.memory_space<hbm>> -> memref<1x1x10x128xi32, #tpu.memory_space<hbm>>
    %dma_start3A_1343 = tpu.memref_squeeze %dma_start3A_1342 : memref<1x1x10x128xi32, #tpu.memory_space<hbm>> -> memref<10x128xi32, #tpu.memory_space<hbm>>
    %dma_start3A_1344 = arith.constant 0 : i32
    %dma_start3A_1345 = arith.constant 0 : i32
    %dma_start3A_1346 = tpu.memref_slice %arg4[%add3A, %dma_start3A_1339, %dma_start3A_1344, %dma_start3A_1345] : memref<32x8x10x128xi32, #tpu.memory_space<hbm>> -> memref<1x1x10x128xi32, #tpu.memory_space<hbm>>
    %dma_start3A_1347 = tpu.memref_squeeze %dma_start3A_1346 : memref<1x1x10x128xi32, #tpu.memory_space<hbm>> -> memref<10x128xi32, #tpu.memory_space<hbm>>
    tpu.enqueue_dma source(%dma_start3A_1347 : memref<10x128xi32, #tpu.memory_space<hbm>>) target(%arg10 : memref<10x128xi32, #tpu.memory_space<vmem>>) target_semaphore(%arg24 : memref<!tpu.dma_semaphore, #tpu.memory_space<semaphore_mem>>)
    %scan3A_1348 = arith.constant 0 : i32
    %scan3A_1349 = arith.constant 4 : i32
    %scan3A_1350 = arith.addi %scan3A_1348, %scan3A_1349 : i32
    %scan3A_1351 = arith.constant 1 : i32
    scf.for %scan3A_2053 = %scan3A_1348 to %scan3A_1350 step %scan3A_1351  : i32 {
      %mul3A_2054 = arith.constant 2 : i32
      %mul3A_2055 = arith.muli %scan3A_2053, %mul3A_2054 : i32
      %add3A_2056 = arith.constant 0 : i32
      %add3A_2057 = arith.addi %add3A_2056, %mul3A_2055 : i32
      %dma_wait3A_2058 = arith.constant 0 : i32
      %dma_wait3A_2059 = arith.constant 0 : i32
      %dma_wait3A_2060 = tpu.memref_slice %arg9[%dma_wait3A_2058, %dma_wait3A_2059] : memref<10x128xi32, #tpu.memory_space<vmem>> -> memref<1x128xi32, #tpu.memory_space<vmem>>
      %dma_wait3A_2061 = tpu.memref_squeeze %dma_wait3A_2060 : memref<1x128xi32, #tpu.memory_space<vmem>> -> memref<128xi32, #tpu.memory_space<vmem>>
      %dma_wait3A_2062 = arith.constant 0 : i32
      %dma_wait3A_2063 = arith.constant 0 : i32
      %dma_wait3A_2064 = tpu.memref_slice %arg2[%dma_wait3A_2062, %dma_wait3A_2063] : memref<10000x128xf32, #tpu.memory_space<hbm>> -> memref<10000x128xf32, #tpu.memory_space<hbm>>
      tpu.wait_indirect_dma semaphore(%arg19 : memref<!tpu.dma_semaphore, #tpu.memory_space<semaphore_mem>>) src(%dma_wait3A_2064 : memref<10000x128xf32, #tpu.memory_space<hbm>>) dst(%arg13 : memref<128x128xf32, #tpu.memory_space<vmem>>)
      %dma_start3A_2065 = arith.constant 0 : i32
      %dma_start3A_2066 = tpu.memref_slice %arg12[%add3A_2057, %dma_start3A_2065] : memref<10x128xi32, #tpu.memory_space<vmem>> -> memref<1x128xi32, #tpu.memory_space<vmem>>
      %dma_start3A_2067 = tpu.memref_squeeze %dma_start3A_2066 : memref<1x128xi32, #tpu.memory_space<vmem>> -> memref<128xi32, #tpu.memory_space<vmem>>
      %dma_start3A_2068 = arith.constant 0 : i32
      %dma_start3A_2069 = arith.constant 0 : i32
      %dma_start3A_2070 = tpu.memref_slice %arg17[%dma_start3A_2068, %dma_start3A_2069] : memref<10240x128xf32, #tpu.memory_space<vmem_shared>> -> memref<10240x128xf32, #tpu.memory_space<vmem_shared>>
      tpu.enqueue_indirect_dma source(%arg13 : memref<128x128xf32, #tpu.memory_space<vmem>>) target(%dma_start3A_2070 : memref<10240x128xf32, #tpu.memory_space<vmem_shared>>) offsets(%dma_start3A_2067 : memref<128xi32, #tpu.memory_space<vmem>>) semaphore(%arg21 : memref<!tpu.dma_semaphore, #tpu.memory_space<semaphore_mem>>) {add = true}
      %get3A_2071 = arith.index_cast %add3A_2057 : i32 to index
      %get3A_2072 = arith.constant 0 : index
      %get3A_2073 = tpu.vector_load %arg12[%get3A_2071, %get3A_2072] {strides = array<i32>} : memref<10x128xi32, #tpu.memory_space<vmem>>, vector<16xi32>,
      %shift_right_logical3A_2074 = arith.constant 7 : i32
      %shift_right_logical3A_2075 = vector.broadcast %shift_right_logical3A_2074 : i32 to vector<16xi32>
      %shift_right_logical3A_2076 = arith.shrui %get3A_2073, %shift_right_logical3A_2075 : vector<16xi32>
      %and3A_2077 = arith.constant 127 : i32
      %and3A_2078 = vector.broadcast %and3A_2077 : i32 to vector<16xi32>
      %and3A_2079 = arith.andi %get3A_2073, %and3A_2078 : vector<16xi32>
      tpu.vector_store_idx %arg15[%shift_right_logical3A_2076, %and3A_2079], %broadcast_in_dim3A_1 {add = true} : memref<80x128xf32, #tpu.memory_space<vmem>>[vector<16xi32>, vector<16xi32>], vector<16xf32>,
      %get3A_2080 = arith.index_cast %add3A_2057 : i32 to index
      %get3A_2081 = arith.constant 16 : index
      %get3A_2082 = tpu.vector_load %arg12[%get3A_2080, %get3A_2081] {strides = array<i32>} : memref<10x128xi32, #tpu.memory_space<vmem>>, vector<16xi32>,
      %shift_right_logical3A_2083 = arith.constant 7 : i32
      %shift_right_logical3A_2084 = vector.broadcast %shift_right_logical3A_2083 : i32 to vector<16xi32>
      %shift_right_logical3A_2085 = arith.shrui %get3A_2082, %shift_right_logical3A_2084 : vector<16xi32>
      %and3A_2086 = arith.constant 127 : i32
      %and3A_2087 = vector.broadcast %and3A_2086 : i32 to vector<16xi32>
      %and3A_2088 = arith.andi %get3A_2082, %and3A_2087 : vector<16xi32>
      tpu.vector_store_idx %arg15[%shift_right_logical3A_2085, %and3A_2088], %broadcast_in_dim3A_1 {add = true} : memref<80x128xf32, #tpu.memory_space<vmem>>[vector<16xi32>, vector<16xi32>], vector<16xf32>,
      %get3A_2089 = arith.index_cast %add3A_2057 : i32 to index
      %get3A_2090 = arith.constant 32 : index
      %get3A_2091 = tpu.vector_load %arg12[%get3A_2089, %get3A_2090] {strides = array<i32>} : memref<10x128xi32, #tpu.memory_space<vmem>>, vector<16xi32>,
      %shift_right_logical3A_2092 = arith.constant 7 : i32
      %shift_right_logical3A_2093 = vector.broadcast %shift_right_logical3A_2092 : i32 to vector<16xi32>
      %shift_right_logical3A_2094 = arith.shrui %get3A_2091, %shift_right_logical3A_2093 : vector<16xi32>
      %and3A_2095 = arith.constant 127 : i32
      %and3A_2096 = vector.broadcast %and3A_2095 : i32 to vector<16xi32>
      %and3A_2097 = arith.andi %get3A_2091, %and3A_2096 : vector<16xi32>
      tpu.vector_store_idx %arg15[%shift_right_logical3A_2094, %and3A_2097], %broadcast_in_dim3A_1 {add = true} : memref<80x128xf32, #tpu.memory_space<vmem>>[vector<16xi32>, vector<16xi32>], vector<16xf32>,
      %get3A_2098 = arith.index_cast %add3A_2057 : i32 to index
      %get3A_2099 = arith.constant 48 : index
      %get3A_2100 = tpu.vector_load %arg12[%get3A_2098, %get3A_2099] {strides = array<i32>} : memref<10x128xi32, #tpu.memory_space<vmem>>, vector<16xi32>,
      %shift_right_logical3A_2101 = arith.constant 7 : i32
      %shift_right_logical3A_2102 = vector.broadcast %shift_right_logical3A_2101 : i32 to vector<16xi32>
      %shift_right_logical3A_2103 = arith.shrui %get3A_2100, %shift_right_logical3A_2102 : vector<16xi32>
      %and3A_2104 = arith.constant 127 : i32
      %and3A_2105 = vector.broadcast %and3A_2104 : i32 to vector<16xi32>
      %and3A_2106 = arith.andi %get3A_2100, %and3A_2105 : vector<16xi32>
      tpu.vector_store_idx %arg15[%shift_right_logical3A_2103, %and3A_2106], %broadcast_in_dim3A_1 {add = true} : memref<80x128xf32, #tpu.memory_space<vmem>>[vector<16xi32>, vector<16xi32>], vector<16xf32>,
      %get3A_2107 = arith.index_cast %add3A_2057 : i32 to index
      %get3A_2108 = arith.constant 64 : index
      %get3A_2109 = tpu.vector_load %arg12[%get3A_2107, %get3A_2108] {strides = array<i32>} : memref<10x128xi32, #tpu.memory_space<vmem>>, vector<16xi32>,
      %shift_right_logical3A_2110 = arith.constant 7 : i32
      %shift_right_logical3A_2111 = vector.broadcast %shift_right_logical3A_2110 : i32 to vector<16xi32>
      %shift_right_logical3A_2112 = arith.shrui %get3A_2109, %shift_right_logical3A_2111 : vector<16xi32>
      %and3A_2113 = arith.constant 127 : i32
      %and3A_2114 = vector.broadcast %and3A_2113 : i32 to vector<16xi32>
      %and3A_2115 = arith.andi %get3A_2109, %and3A_2114 : vector<16xi32>
      tpu.vector_store_idx %arg15[%shift_right_logical3A_2112, %and3A_2115], %broadcast_in_dim3A_1 {add = true} : memref<80x128xf32, #tpu.memory_space<vmem>>[vector<16xi32>, vector<16xi32>], vector<16xf32>,
      %get3A_2116 = arith.index_cast %add3A_2057 : i32 to index
      %get3A_2117 = arith.constant 80 : index
      %get3A_2118 = tpu.vector_load %arg12[%get3A_2116, %get3A_2117] {strides = array<i32>} : memref<10x128xi32, #tpu.memory_space<vmem>>, vector<16xi32>,
      %shift_right_logical3A_2119 = arith.constant 7 : i32
      %shift_right_logical3A_2120 = vector.broadcast %shift_right_logical3A_2119 : i32 to vector<16xi32>
      %shift_right_logical3A_2121 = arith.shrui %get3A_2118, %shift_right_logical3A_2120 : vector<16xi32>
      %and3A_2122 = arith.constant 127 : i32
      %and3A_2123 = vector.broadcast %and3A_2122 : i32 to vector<16xi32>
      %and3A_2124 = arith.andi %get3A_2118, %and3A_2123 : vector<16xi32>
      tpu.vector_store_idx %arg15[%shift_right_logical3A_2121, %and3A_2124], %broadcast_in_dim3A_1 {add = true} : memref<80x128xf32, #tpu.memory_space<vmem>>[vector<16xi32>, vector<16xi32>], vector<16xf32>,
      %get3A_2125 = arith.index_cast %add3A_2057 : i32 to index
      %get3A_2126 = arith.constant 96 : index
      %get3A_2127 = tpu.vector_load %arg12[%get3A_2125, %get3A_2126] {strides = array<i32>} : memref<10x128xi32, #tpu.memory_space<vmem>>, vector<16xi32>,
      %shift_right_logical3A_2128 = arith.constant 7 : i32
      %shift_right_logical3A_2129 = vector.broadcast %shift_right_logical3A_2128 : i32 to vector<16xi32>
      %shift_right_logical3A_2130 = arith.shrui %get3A_2127, %shift_right_logical3A_2129 : vector<16xi32>
      %and3A_2131 = arith.constant 127 : i32
      %and3A_2132 = vector.broadcast %and3A_2131 : i32 to vector<16xi32>
      %and3A_2133 = arith.andi %get3A_2127, %and3A_2132 : vector<16xi32>
      tpu.vector_store_idx %arg15[%shift_right_logical3A_2130, %and3A_2133], %broadcast_in_dim3A_1 {add = true} : memref<80x128xf32, #tpu.memory_space<vmem>>[vector<16xi32>, vector<16xi32>], vector<16xf32>,
      %get3A_2134 = arith.index_cast %add3A_2057 : i32 to index
      %get3A_2135 = arith.constant 112 : index
      %get3A_2136 = tpu.vector_load %arg12[%get3A_2134, %get3A_2135] {strides = array<i32>} : memref<10x128xi32, #tpu.memory_space<vmem>>, vector<16xi32>,
      %shift_right_logical3A_2137 = arith.constant 7 : i32
      %shift_right_logical3A_2138 = vector.broadcast %shift_right_logical3A_2137 : i32 to vector<16xi32>
      %shift_right_logical3A_2139 = arith.shrui %get3A_2136, %shift_right_logical3A_2138 : vector<16xi32>
      %and3A_2140 = arith.constant 127 : i32
      %and3A_2141 = vector.broadcast %and3A_2140 : i32 to vector<16xi32>
      %and3A_2142 = arith.andi %get3A_2136, %and3A_2141 : vector<16xi32>
      tpu.vector_store_idx %arg15[%shift_right_logical3A_2139, %and3A_2142], %broadcast_in_dim3A_1 {add = true} : memref<80x128xf32, #tpu.memory_space<vmem>>[vector<16xi32>, vector<16xi32>], vector<16xf32>,
      %dma_wait3A_2143 = arith.constant 0 : i32
      %dma_wait3A_2144 = arith.constant 0 : i32
      %dma_wait3A_2145 = tpu.memref_slice %arg9[%dma_wait3A_2143, %dma_wait3A_2144] : memref<10x128xi32, #tpu.memory_space<vmem>> -> memref<1x128xi32, #tpu.memory_space<vmem>>
      %dma_wait3A_2146 = tpu.memref_squeeze %dma_wait3A_2145 : memref<1x128xi32, #tpu.memory_space<vmem>> -> memref<128xi32, #tpu.memory_space<vmem>>
      %dma_wait3A_2147 = arith.constant 0 : i32
      %dma_wait3A_2148 = arith.constant 0 : i32
      %dma_wait3A_2149 = tpu.memref_slice %arg2[%dma_wait3A_2147, %dma_wait3A_2148] : memref<10000x128xf32, #tpu.memory_space<hbm>> -> memref<10000x128xf32, #tpu.memory_space<hbm>>
      tpu.wait_indirect_dma semaphore(%arg20 : memref<!tpu.dma_semaphore, #tpu.memory_space<semaphore_mem>>) src(%dma_wait3A_2149 : memref<10000x128xf32, #tpu.memory_space<hbm>>) dst(%arg14 : memref<128x128xf32, #tpu.memory_space<vmem>>)
      %add3A_2150 = arith.constant 1 : i32
      %add3A_2151 = arith.addi %add3A_2057, %add3A_2150 : i32
      %dma_start3A_2152 = arith.constant 0 : i32
      %dma_start3A_2153 = tpu.memref_slice %arg12[%add3A_2151, %dma_start3A_2152] : memref<10x128xi32, #tpu.memory_space<vmem>> -> memref<1x128xi32, #tpu.memory_space<vmem>>
      %dma_start3A_2154 = tpu.memref_squeeze %dma_start3A_2153 : memref<1x128xi32, #tpu.memory_space<vmem>> -> memref<128xi32, #tpu.memory_space<vmem>>
      %dma_start3A_2155 = arith.constant 0 : i32
      %dma_start3A_2156 = arith.constant 0 : i32
      %dma_start3A_2157 = tpu.memref_slice %arg17[%dma_start3A_2155, %dma_start3A_2156] : memref<10240x128xf32, #tpu.memory_space<vmem_shared>> -> memref<10240x128xf32, #tpu.memory_space<vmem_shared>>
      tpu.enqueue_indirect_dma source(%arg14 : memref<128x128xf32, #tpu.memory_space<vmem>>) target(%dma_start3A_2157 : memref<10240x128xf32, #tpu.memory_space<vmem_shared>>) offsets(%dma_start3A_2154 : memref<128xi32, #tpu.memory_space<vmem>>) semaphore(%arg22 : memref<!tpu.dma_semaphore, #tpu.memory_space<semaphore_mem>>) {add = true}
      %add3A_2158 = arith.constant 1 : i32
      %add3A_2159 = arith.addi %add3A_2057, %add3A_2158 : i32
      %get3A_2160 = arith.index_cast %add3A_2159 : i32 to index
      %get3A_2161 = arith.constant 0 : index
      %get3A_2162 = tpu.vector_load %arg12[%get3A_2160, %get3A_2161] {strides = array<i32>} : memref<10x128xi32, #tpu.memory_space<vmem>>, vector<16xi32>,
      %shift_right_logical3A_2163 = arith.constant 7 : i32
      %shift_right_logical3A_2164 = vector.broadcast %shift_right_logical3A_2163 : i32 to vector<16xi32>
      %shift_right_logical3A_2165 = arith.shrui %get3A_2162, %shift_right_logical3A_2164 : vector<16xi32>
      %and3A_2166 = arith.constant 127 : i32
      %and3A_2167 = vector.broadcast %and3A_2166 : i32 to vector<16xi32>
      %and3A_2168 = arith.andi %get3A_2162, %and3A_2167 : vector<16xi32>
      tpu.vector_store_idx %arg15[%shift_right_logical3A_2165, %and3A_2168], %broadcast_in_dim3A_1 {add = true} : memref<80x128xf32, #tpu.memory_space<vmem>>[vector<16xi32>, vector<16xi32>], vector<16xf32>,
      %get3A_2169 = arith.index_cast %add3A_2159 : i32 to index
      %get3A_2170 = arith.constant 16 : index
      %get3A_2171 = tpu.vector_load %arg12[%get3A_2169, %get3A_2170] {strides = array<i32>} : memref<10x128xi32, #tpu.memory_space<vmem>>, vector<16xi32>,
      %shift_right_logical3A_2172 = arith.constant 7 : i32
      %shift_right_logical3A_2173 = vector.broadcast %shift_right_logical3A_2172 : i32 to vector<16xi32>
      %shift_right_logical3A_2174 = arith.shrui %get3A_2171, %shift_right_logical3A_2173 : vector<16xi32>
      %and3A_2175 = arith.constant 127 : i32
      %and3A_2176 = vector.broadcast %and3A_2175 : i32 to vector<16xi32>
      %and3A_2177 = arith.andi %get3A_2171, %and3A_2176 : vector<16xi32>
      tpu.vector_store_idx %arg15[%shift_right_logical3A_2174, %and3A_2177], %broadcast_in_dim3A_1 {add = true} : memref<80x128xf32, #tpu.memory_space<vmem>>[vector<16xi32>, vector<16xi32>], vector<16xf32>,
      %get3A_2178 = arith.index_cast %add3A_2159 : i32 to index
      %get3A_2179 = arith.constant 32 : index
      %get3A_2180 = tpu.vector_load %arg12[%get3A_2178, %get3A_2179] {strides = array<i32>} : memref<10x128xi32, #tpu.memory_space<vmem>>, vector<16xi32>,
      %shift_right_logical3A_2181 = arith.constant 7 : i32
      %shift_right_logical3A_2182 = vector.broadcast %shift_right_logical3A_2181 : i32 to vector<16xi32>
      %shift_right_logical3A_2183 = arith.shrui %get3A_2180, %shift_right_logical3A_2182 : vector<16xi32>
      %and3A_2184 = arith.constant 127 : i32
      %and3A_2185 = vector.broadcast %and3A_2184 : i32 to vector<16xi32>
      %and3A_2186 = arith.andi %get3A_2180, %and3A_2185 : vector<16xi32>
      tpu.vector_store_idx %arg15[%shift_right_logical3A_2183, %and3A_2186], %broadcast_in_dim3A_1 {add = true} : memref<80x128xf32, #tpu.memory_space<vmem>>[vector<16xi32>, vector<16xi32>], vector<16xf32>,
      %get3A_2187 = arith.index_cast %add3A_2159 : i32 to index
      %get3A_2188 = arith.constant 48 : index
      %get3A_2189 = tpu.vector_load %arg12[%get3A_2187, %get3A_2188] {strides = array<i32>} : memref<10x128xi32, #tpu.memory_space<vmem>>, vector<16xi32>,
      %shift_right_logical3A_2190 = arith.constant 7 : i32
      %shift_right_logical3A_2191 = vector.broadcast %shift_right_logical3A_2190 : i32 to vector<16xi32>
      %shift_right_logical3A_2192 = arith.shrui %get3A_2189, %shift_right_logical3A_2191 : vector<16xi32>
      %and3A_2193 = arith.constant 127 : i32
      %and3A_2194 = vector.broadcast %and3A_2193 : i32 to vector<16xi32>
      %and3A_2195 = arith.andi %get3A_2189, %and3A_2194 : vector<16xi32>
      tpu.vector_store_idx %arg15[%shift_right_logical3A_2192, %and3A_2195], %broadcast_in_dim3A_1 {add = true} : memref<80x128xf32, #tpu.memory_space<vmem>>[vector<16xi32>, vector<16xi32>], vector<16xf32>,
      %get3A_2196 = arith.index_cast %add3A_2159 : i32 to index
      %get3A_2197 = arith.constant 64 : index
      %get3A_2198 = tpu.vector_load %arg12[%get3A_2196, %get3A_2197] {strides = array<i32>} : memref<10x128xi32, #tpu.memory_space<vmem>>, vector<16xi32>,
      %shift_right_logical3A_2199 = arith.constant 7 : i32
      %shift_right_logical3A_2200 = vector.broadcast %shift_right_logical3A_2199 : i32 to vector<16xi32>
      %shift_right_logical3A_2201 = arith.shrui %get3A_2198, %shift_right_logical3A_2200 : vector<16xi32>
      %and3A_2202 = arith.constant 127 : i32
      %and3A_2203 = vector.broadcast %and3A_2202 : i32 to vector<16xi32>
      %and3A_2204 = arith.andi %get3A_2198, %and3A_2203 : vector<16xi32>
      tpu.vector_store_idx %arg15[%shift_right_logical3A_2201, %and3A_2204], %broadcast_in_dim3A_1 {add = true} : memref<80x128xf32, #tpu.memory_space<vmem>>[vector<16xi32>, vector<16xi32>], vector<16xf32>,
      %get3A_2205 = arith.index_cast %add3A_2159 : i32 to index
      %get3A_2206 = arith.constant 80 : index
      %get3A_2207 = tpu.vector_load %arg12[%get3A_2205, %get3A_2206] {strides = array<i32>} : memref<10x128xi32, #tpu.memory_space<vmem>>, vector<16xi32>,
      %shift_right_logical3A_2208 = arith.constant 7 : i32
      %shift_right_logical3A_2209 = vector.broadcast %shift_right_logical3A_2208 : i32 to vector<16xi32>
      %shift_right_logical3A_2210 = arith.shrui %get3A_2207, %shift_right_logical3A_2209 : vector<16xi32>
      %and3A_2211 = arith.constant 127 : i32
      %and3A_2212 = vector.broadcast %and3A_2211 : i32 to vector<16xi32>
      %and3A_2213 = arith.andi %get3A_2207, %and3A_2212 : vector<16xi32>
      tpu.vector_store_idx %arg15[%shift_right_logical3A_2210, %and3A_2213], %broadcast_in_dim3A_1 {add = true} : memref<80x128xf32, #tpu.memory_space<vmem>>[vector<16xi32>, vector<16xi32>], vector<16xf32>,
      %get3A_2214 = arith.index_cast %add3A_2159 : i32 to index
      %get3A_2215 = arith.constant 96 : index
      %get3A_2216 = tpu.vector_load %arg12[%get3A_2214, %get3A_2215] {strides = array<i32>} : memref<10x128xi32, #tpu.memory_space<vmem>>, vector<16xi32>,
      %shift_right_logical3A_2217 = arith.constant 7 : i32
      %shift_right_logical3A_2218 = vector.broadcast %shift_right_logical3A_2217 : i32 to vector<16xi32>
      %shift_right_logical3A_2219 = arith.shrui %get3A_2216, %shift_right_logical3A_2218 : vector<16xi32>
      %and3A_2220 = arith.constant 127 : i32
      %and3A_2221 = vector.broadcast %and3A_2220 : i32 to vector<16xi32>
      %and3A_2222 = arith.andi %get3A_2216, %and3A_2221 : vector<16xi32>
      tpu.vector_store_idx %arg15[%shift_right_logical3A_2219, %and3A_2222], %broadcast_in_dim3A_1 {add = true} : memref<80x128xf32, #tpu.memory_space<vmem>>[vector<16xi32>, vector<16xi32>], vector<16xf32>,
      %get3A_2223 = arith.index_cast %add3A_2159 : i32 to index
      %get3A_2224 = arith.constant 112 : index
      %get3A_2225 = tpu.vector_load %arg12[%get3A_2223, %get3A_2224] {strides = array<i32>} : memref<10x128xi32, #tpu.memory_space<vmem>>, vector<16xi32>,
      %shift_right_logical3A_2226 = arith.constant 7 : i32
      %shift_right_logical3A_2227 = vector.broadcast %shift_right_logical3A_2226 : i32 to vector<16xi32>
      %shift_right_logical3A_2228 = arith.shrui %get3A_2225, %shift_right_logical3A_2227 : vector<16xi32>
      %and3A_2229 = arith.constant 127 : i32
      %and3A_2230 = vector.broadcast %and3A_2229 : i32 to vector<16xi32>
      %and3A_2231 = arith.andi %get3A_2225, %and3A_2230 : vector<16xi32>
      tpu.vector_store_idx %arg15[%shift_right_logical3A_2228, %and3A_2231], %broadcast_in_dim3A_1 {add = true} : memref<80x128xf32, #tpu.memory_space<vmem>>[vector<16xi32>, vector<16xi32>], vector<16xf32>,
      %dma_wait3A_2232 = arith.constant 0 : i32
      %dma_wait3A_2233 = arith.constant 0 : i32
      %dma_wait3A_2234 = tpu.memref_slice %arg10[%dma_wait3A_2232, %dma_wait3A_2233] : memref<10x128xi32, #tpu.memory_space<vmem>> -> memref<1x128xi32, #tpu.memory_space<vmem>>
      %dma_wait3A_2235 = tpu.memref_squeeze %dma_wait3A_2234 : memref<1x128xi32, #tpu.memory_space<vmem>> -> memref<128xi32, #tpu.memory_space<vmem>>
      %dma_wait3A_2236 = arith.constant 0 : i32
      %dma_wait3A_2237 = arith.constant 0 : i32
      %dma_wait3A_2238 = tpu.memref_slice %arg17[%dma_wait3A_2236, %dma_wait3A_2237] : memref<10240x128xf32, #tpu.memory_space<vmem_shared>> -> memref<10240x128xf32, #tpu.memory_space<vmem_shared>>
      tpu.wait_indirect_dma semaphore(%arg21 : memref<!tpu.dma_semaphore, #tpu.memory_space<semaphore_mem>>) src(%arg13 : memref<128x128xf32, #tpu.memory_space<vmem>>) dst(%dma_wait3A_2238 : memref<10240x128xf32, #tpu.memory_space<vmem_shared>>)
      %add3A_2239 = arith.constant 2 : i32
      %add3A_2240 = arith.addi %add3A_2057, %add3A_2239 : i32
      %dma_start3A_2241 = arith.constant 0 : i32
      %dma_start3A_2242 = tpu.memref_slice %arg11[%add3A_2240, %dma_start3A_2241] : memref<10x128xi32, #tpu.memory_space<vmem>> -> memref<1x128xi32, #tpu.memory_space<vmem>>
      %dma_start3A_2243 = tpu.memref_squeeze %dma_start3A_2242 : memref<1x128xi32, #tpu.memory_space<vmem>> -> memref<128xi32, #tpu.memory_space<vmem>>
      %dma_start3A_2244 = arith.constant 0 : i32
      %dma_start3A_2245 = arith.constant 0 : i32
      %dma_start3A_2246 = tpu.memref_slice %arg2[%dma_start3A_2244, %dma_start3A_2245] : memref<10000x128xf32, #tpu.memory_space<hbm>> -> memref<10000x128xf32, #tpu.memory_space<hbm>>
      tpu.enqueue_indirect_dma source(%dma_start3A_2246 : memref<10000x128xf32, #tpu.memory_space<hbm>>) target(%arg13 : memref<128x128xf32, #tpu.memory_space<vmem>>) offsets(%dma_start3A_2243 : memref<128xi32, #tpu.memory_space<vmem>>) semaphore(%arg19 : memref<!tpu.dma_semaphore, #tpu.memory_space<semaphore_mem>>)
      %dma_wait3A_2247 = arith.constant 0 : i32
      %dma_wait3A_2248 = arith.constant 0 : i32
      %dma_wait3A_2249 = tpu.memref_slice %arg10[%dma_wait3A_2247, %dma_wait3A_2248] : memref<10x128xi32, #tpu.memory_space<vmem>> -> memref<1x128xi32, #tpu.memory_space<vmem>>
      %dma_wait3A_2250 = tpu.memref_squeeze %dma_wait3A_2249 : memref<1x128xi32, #tpu.memory_space<vmem>> -> memref<128xi32, #tpu.memory_space<vmem>>
      %dma_wait3A_2251 = arith.constant 0 : i32
      %dma_wait3A_2252 = arith.constant 0 : i32
      %dma_wait3A_2253 = tpu.memref_slice %arg17[%dma_wait3A_2251, %dma_wait3A_2252] : memref<10240x128xf32, #tpu.memory_space<vmem_shared>> -> memref<10240x128xf32, #tpu.memory_space<vmem_shared>>
      tpu.wait_indirect_dma semaphore(%arg22 : memref<!tpu.dma_semaphore, #tpu.memory_space<semaphore_mem>>) src(%arg14 : memref<128x128xf32, #tpu.memory_space<vmem>>) dst(%dma_wait3A_2253 : memref<10240x128xf32, #tpu.memory_space<vmem_shared>>)
      %add3A_2254 = arith.constant 3 : i32
      %add3A_2255 = arith.addi %add3A_2057, %add3A_2254 : i32
      %dma_start3A_2256 = arith.constant 0 : i32
      %dma_start3A_2257 = tpu.memref_slice %arg11[%add3A_2255, %dma_start3A_2256] : memref<10x128xi32, #tpu.memory_space<vmem>> -> memref<1x128xi32, #tpu.memory_space<vmem>>
      %dma_start3A_2258 = tpu.memref_squeeze %dma_start3A_2257 : memref<1x128xi32, #tpu.memory_space<vmem>> -> memref<128xi32, #tpu.memory_space<vmem>>
      %dma_start3A_2259 = arith.constant 0 : i32
      %dma_start3A_2260 = arith.constant 0 : i32
      %dma_start3A_2261 = tpu.memref_slice %arg2[%dma_start3A_2259, %dma_start3A_2260] : memref<10000x128xf32, #tpu.memory_space<hbm>> -> memref<10000x128xf32, #tpu.memory_space<hbm>>
      tpu.enqueue_indirect_dma source(%dma_start3A_2261 : memref<10000x128xf32, #tpu.memory_space<hbm>>) target(%arg14 : memref<128x128xf32, #tpu.memory_space<vmem>>) offsets(%dma_start3A_2258 : memref<128xi32, #tpu.memory_space<vmem>>) semaphore(%arg20 : memref<!tpu.dma_semaphore, #tpu.memory_space<semaphore_mem>>)
    }
    %scan3A_1352 = arith.constant 4 : i32
    %dma_wait3A_1353 = arith.constant 0 : i32
    %dma_wait3A_1354 = arith.constant 0 : i32
    %dma_wait3A_1355 = tpu.memref_slice %arg9[%dma_wait3A_1353, %dma_wait3A_1354] : memref<10x128xi32, #tpu.memory_space<vmem>> -> memref<1x128xi32, #tpu.memory_space<vmem>>
    %dma_wait3A_1356 = tpu.memref_squeeze %dma_wait3A_1355 : memref<1x128xi32, #tpu.memory_space<vmem>> -> memref<128xi32, #tpu.memory_space<vmem>>
    %dma_wait3A_1357 = arith.constant 0 : i32
    %dma_wait3A_1358 = arith.constant 0 : i32
    %dma_wait3A_1359 = tpu.memref_slice %arg2[%dma_wait3A_1357, %dma_wait3A_1358] : memref<10000x128xf32, #tpu.memory_space<hbm>> -> memref<10000x128xf32, #tpu.memory_space<hbm>>
    tpu.wait_indirect_dma semaphore(%arg19 : memref<!tpu.dma_semaphore, #tpu.memory_space<semaphore_mem>>) src(%dma_wait3A_1359 : memref<10000x128xf32, #tpu.memory_space<hbm>>) dst(%arg13 : memref<128x128xf32, #tpu.memory_space<vmem>>)
    %dma_start3A_1360 = arith.constant 8 : i32
    %dma_start3A_1361 = arith.constant 0 : i32
    %dma_start3A_1362 = tpu.memref_slice %arg12[%dma_start3A_1360, %dma_start3A_1361] : memref<10x128xi32, #tpu.memory_space<vmem>> -> memref<1x128xi32, #tpu.memory_space<vmem>>
    %dma_start3A_1363 = tpu.memref_squeeze %dma_start3A_1362 : memref<1x128xi32, #tpu.memory_space<vmem>> -> memref<128xi32, #tpu.memory_space<vmem>>
    %dma_start3A_1364 = arith.constant 0 : i32
    %dma_start3A_1365 = arith.constant 0 : i32
    %dma_start3A_1366 = tpu.memref_slice %arg17[%dma_start3A_1364, %dma_start3A_1365] : memref<10240x128xf32, #tpu.memory_space<vmem_shared>> -> memref<10240x128xf32, #tpu.memory_space<vmem_shared>>
    tpu.enqueue_indirect_dma source(%arg13 : memref<128x128xf32, #tpu.memory_space<vmem>>) target(%dma_start3A_1366 : memref<10240x128xf32, #tpu.memory_space<vmem_shared>>) offsets(%dma_start3A_1363 : memref<128xi32, #tpu.memory_space<vmem>>) semaphore(%arg21 : memref<!tpu.dma_semaphore, #tpu.memory_space<semaphore_mem>>) {add = true}
    %get3A_1367 = arith.constant 8 : i32
    %get3A_1368 = arith.index_cast %get3A_1367 : i32 to index
    %get3A_1369 = arith.constant 0 : index
    %get3A_1370 = tpu.vector_load %arg12[%get3A_1368, %get3A_1369] {strides = array<i32>} : memref<10x128xi32, #tpu.memory_space<vmem>>, vector<16xi32>,
    %shift_right_logical3A_1371 = arith.constant 7 : i32
    %shift_right_logical3A_1372 = vector.broadcast %shift_right_logical3A_1371 : i32 to vector<16xi32>
    %shift_right_logical3A_1373 = arith.shrui %get3A_1370, %shift_right_logical3A_1372 : vector<16xi32>
    %and3A_1374 = arith.constant 127 : i32
    %and3A_1375 = vector.broadcast %and3A_1374 : i32 to vector<16xi32>
    %and3A_1376 = arith.andi %get3A_1370, %and3A_1375 : vector<16xi32>
    tpu.vector_store_idx %arg15[%shift_right_logical3A_1373, %and3A_1376], %broadcast_in_dim3A_1 {add = true} : memref<80x128xf32, #tpu.memory_space<vmem>>[vector<16xi32>, vector<16xi32>], vector<16xf32>,
    %get3A_1377 = arith.constant 8 : i32
    %get3A_1378 = arith.index_cast %get3A_1377 : i32 to index
    %get3A_1379 = arith.constant 16 : index
    %get3A_1380 = tpu.vector_load %arg12[%get3A_1378, %get3A_1379] {strides = array<i32>} : memref<10x128xi32, #tpu.memory_space<vmem>>, vector<16xi32>,
    %shift_right_logical3A_1381 = arith.constant 7 : i32
    %shift_right_logical3A_1382 = vector.broadcast %shift_right_logical3A_1381 : i32 to vector<16xi32>
    %shift_right_logical3A_1383 = arith.shrui %get3A_1380, %shift_right_logical3A_1382 : vector<16xi32>
    %and3A_1384 = arith.constant 127 : i32
    %and3A_1385 = vector.broadcast %and3A_1384 : i32 to vector<16xi32>
    %and3A_1386 = arith.andi %get3A_1380, %and3A_1385 : vector<16xi32>
    tpu.vector_store_idx %arg15[%shift_right_logical3A_1383, %and3A_1386], %broadcast_in_dim3A_1 {add = true} : memref<80x128xf32, #tpu.memory_space<vmem>>[vector<16xi32>, vector<16xi32>], vector<16xf32>,
    %get3A_1387 = arith.constant 8 : i32
    %get3A_1388 = arith.index_cast %get3A_1387 : i32 to index
    %get3A_1389 = arith.constant 32 : index
    %get3A_1390 = tpu.vector_load %arg12[%get3A_1388, %get3A_1389] {strides = array<i32>} : memref<10x128xi32, #tpu.memory_space<vmem>>, vector<16xi32>,
    %shift_right_logical3A_1391 = arith.constant 7 : i32
    %shift_right_logical3A_1392 = vector.broadcast %shift_right_logical3A_1391 : i32 to vector<16xi32>
    %shift_right_logical3A_1393 = arith.shrui %get3A_1390, %shift_right_logical3A_1392 : vector<16xi32>
    %and3A_1394 = arith.constant 127 : i32
    %and3A_1395 = vector.broadcast %and3A_1394 : i32 to vector<16xi32>
    %and3A_1396 = arith.andi %get3A_1390, %and3A_1395 : vector<16xi32>
    tpu.vector_store_idx %arg15[%shift_right_logical3A_1393, %and3A_1396], %broadcast_in_dim3A_1 {add = true} : memref<80x128xf32, #tpu.memory_space<vmem>>[vector<16xi32>, vector<16xi32>], vector<16xf32>,
    %get3A_1397 = arith.constant 8 : i32
    %get3A_1398 = arith.index_cast %get3A_1397 : i32 to index
    %get3A_1399 = arith.constant 48 : index
    %get3A_1400 = tpu.vector_load %arg12[%get3A_1398, %get3A_1399] {strides = array<i32>} : memref<10x128xi32, #tpu.memory_space<vmem>>, vector<16xi32>,
    %shift_right_logical3A_1401 = arith.constant 7 : i32
    %shift_right_logical3A_1402 = vector.broadcast %shift_right_logical3A_1401 : i32 to vector<16xi32>
    %shift_right_logical3A_1403 = arith.shrui %get3A_1400, %shift_right_logical3A_1402 : vector<16xi32>
    %and3A_1404 = arith.constant 127 : i32
    %and3A_1405 = vector.broadcast %and3A_1404 : i32 to vector<16xi32>
    %and3A_1406 = arith.andi %get3A_1400, %and3A_1405 : vector<16xi32>
    tpu.vector_store_idx %arg15[%shift_right_logical3A_1403, %and3A_1406], %broadcast_in_dim3A_1 {add = true} : memref<80x128xf32, #tpu.memory_space<vmem>>[vector<16xi32>, vector<16xi32>], vector<16xf32>,
    %get3A_1407 = arith.constant 8 : i32
    %get3A_1408 = arith.index_cast %get3A_1407 : i32 to index
    %get3A_1409 = arith.constant 64 : index
    %get3A_1410 = tpu.vector_load %arg12[%get3A_1408, %get3A_1409] {strides = array<i32>} : memref<10x128xi32, #tpu.memory_space<vmem>>, vector<16xi32>,
    %shift_right_logical3A_1411 = arith.constant 7 : i32
    %shift_right_logical3A_1412 = vector.broadcast %shift_right_logical3A_1411 : i32 to vector<16xi32>
    %shift_right_logical3A_1413 = arith.shrui %get3A_1410, %shift_right_logical3A_1412 : vector<16xi32>
    %and3A_1414 = arith.constant 127 : i32
    %and3A_1415 = vector.broadcast %and3A_1414 : i32 to vector<16xi32>
    %and3A_1416 = arith.andi %get3A_1410, %and3A_1415 : vector<16xi32>
    tpu.vector_store_idx %arg15[%shift_right_logical3A_1413, %and3A_1416], %broadcast_in_dim3A_1 {add = true} : memref<80x128xf32, #tpu.memory_space<vmem>>[vector<16xi32>, vector<16xi32>], vector<16xf32>,
    %get3A_1417 = arith.constant 8 : i32
    %get3A_1418 = arith.index_cast %get3A_1417 : i32 to index
    %get3A_1419 = arith.constant 80 : index
    %get3A_1420 = tpu.vector_load %arg12[%get3A_1418, %get3A_1419] {strides = array<i32>} : memref<10x128xi32, #tpu.memory_space<vmem>>, vector<16xi32>,
    %shift_right_logical3A_1421 = arith.constant 7 : i32
    %shift_right_logical3A_1422 = vector.broadcast %shift_right_logical3A_1421 : i32 to vector<16xi32>
    %shift_right_logical3A_1423 = arith.shrui %get3A_1420, %shift_right_logical3A_1422 : vector<16xi32>
    %and3A_1424 = arith.constant 127 : i32
    %and3A_1425 = vector.broadcast %and3A_1424 : i32 to vector<16xi32>
    %and3A_1426 = arith.andi %get3A_1420, %and3A_1425 : vector<16xi32>
    tpu.vector_store_idx %arg15[%shift_right_logical3A_1423, %and3A_1426], %broadcast_in_dim3A_1 {add = true} : memref<80x128xf32, #tpu.memory_space<vmem>>[vector<16xi32>, vector<16xi32>], vector<16xf32>,
    %get3A_1427 = arith.constant 8 : i32
    %get3A_1428 = arith.index_cast %get3A_1427 : i32 to index
    %get3A_1429 = arith.constant 96 : index
    %get3A_1430 = tpu.vector_load %arg12[%get3A_1428, %get3A_1429] {strides = array<i32>} : memref<10x128xi32, #tpu.memory_space<vmem>>, vector<16xi32>,
    %shift_right_logical3A_1431 = arith.constant 7 : i32
    %shift_right_logical3A_1432 = vector.broadcast %shift_right_logical3A_1431 : i32 to vector<16xi32>
    %shift_right_logical3A_1433 = arith.shrui %get3A_1430, %shift_right_logical3A_1432 : vector<16xi32>
    %and3A_1434 = arith.constant 127 : i32
    %and3A_1435 = vector.broadcast %and3A_1434 : i32 to vector<16xi32>
    %and3A_1436 = arith.andi %get3A_1430, %and3A_1435 : vector<16xi32>
    tpu.vector_store_idx %arg15[%shift_right_logical3A_1433, %and3A_1436], %broadcast_in_dim3A_1 {add = true} : memref<80x128xf32, #tpu.memory_space<vmem>>[vector<16xi32>, vector<16xi32>], vector<16xf32>,
    %get3A_1437 = arith.constant 8 : i32
    %get3A_1438 = arith.index_cast %get3A_1437 : i32 to index
    %get3A_1439 = arith.constant 112 : index
    %get3A_1440 = tpu.vector_load %arg12[%get3A_1438, %get3A_1439] {strides = array<i32>} : memref<10x128xi32, #tpu.memory_space<vmem>>, vector<16xi32>,
    %shift_right_logical3A_1441 = arith.constant 7 : i32
    %shift_right_logical3A_1442 = vector.broadcast %shift_right_logical3A_1441 : i32 to vector<16xi32>
    %shift_right_logical3A_1443 = arith.shrui %get3A_1440, %shift_right_logical3A_1442 : vector<16xi32>
    %and3A_1444 = arith.constant 127 : i32
    %and3A_1445 = vector.broadcast %and3A_1444 : i32 to vector<16xi32>
    %and3A_1446 = arith.andi %get3A_1440, %and3A_1445 : vector<16xi32>
    tpu.vector_store_idx %arg15[%shift_right_logical3A_1443, %and3A_1446], %broadcast_in_dim3A_1 {add = true} : memref<80x128xf32, #tpu.memory_space<vmem>>[vector<16xi32>, vector<16xi32>], vector<16xf32>,
    %dma_wait3A_1447 = arith.constant 0 : i32
    %dma_wait3A_1448 = arith.constant 0 : i32
    %dma_wait3A_1449 = tpu.memref_slice %arg9[%dma_wait3A_1447, %dma_wait3A_1448] : memref<10x128xi32, #tpu.memory_space<vmem>> -> memref<1x128xi32, #tpu.memory_space<vmem>>
    %dma_wait3A_1450 = tpu.memref_squeeze %dma_wait3A_1449 : memref<1x128xi32, #tpu.memory_space<vmem>> -> memref<128xi32, #tpu.memory_space<vmem>>
    %dma_wait3A_1451 = arith.constant 0 : i32
    %dma_wait3A_1452 = arith.constant 0 : i32
    %dma_wait3A_1453 = tpu.memref_slice %arg2[%dma_wait3A_1451, %dma_wait3A_1452] : memref<10000x128xf32, #tpu.memory_space<hbm>> -> memref<10000x128xf32, #tpu.memory_space<hbm>>
    tpu.wait_indirect_dma semaphore(%arg20 : memref<!tpu.dma_semaphore, #tpu.memory_space<semaphore_mem>>) src(%dma_wait3A_1453 : memref<10000x128xf32, #tpu.memory_space<hbm>>) dst(%arg14 : memref<128x128xf32, #tpu.memory_space<vmem>>)
    %dma_start3A_1454 = arith.constant 9 : i32
    %dma_start3A_1455 = arith.constant 0 : i32
    %dma_start3A_1456 = tpu.memref_slice %arg12[%dma_start3A_1454, %dma_start3A_1455] : memref<10x128xi32, #tpu.memory_space<vmem>> -> memref<1x128xi32, #tpu.memory_space<vmem>>
    %dma_start3A_1457 = tpu.memref_squeeze %dma_start3A_1456 : memref<1x128xi32, #tpu.memory_space<vmem>> -> memref<128xi32, #tpu.memory_space<vmem>>
    %dma_start3A_1458 = arith.constant 0 : i32
    %dma_start3A_1459 = arith.constant 0 : i32
    %dma_start3A_1460 = tpu.memref_slice %arg17[%dma_start3A_1458, %dma_start3A_1459] : memref<10240x128xf32, #tpu.memory_space<vmem_shared>> -> memref<10240x128xf32, #tpu.memory_space<vmem_shared>>
    tpu.enqueue_indirect_dma source(%arg14 : memref<128x128xf32, #tpu.memory_space<vmem>>) target(%dma_start3A_1460 : memref<10240x128xf32, #tpu.memory_space<vmem_shared>>) offsets(%dma_start3A_1457 : memref<128xi32, #tpu.memory_space<vmem>>) semaphore(%arg22 : memref<!tpu.dma_semaphore, #tpu.memory_space<semaphore_mem>>) {add = true}
    %get3A_1461 = arith.constant 9 : i32
    %get3A_1462 = arith.index_cast %get3A_1461 : i32 to index
    %get3A_1463 = arith.constant 0 : index
    %get3A_1464 = tpu.vector_load %arg12[%get3A_1462, %get3A_1463] {strides = array<i32>} : memref<10x128xi32, #tpu.memory_space<vmem>>, vector<16xi32>,
    %shift_right_logical3A_1465 = arith.constant 7 : i32
    %shift_right_logical3A_1466 = vector.broadcast %shift_right_logical3A_1465 : i32 to vector<16xi32>
    %shift_right_logical3A_1467 = arith.shrui %get3A_1464, %shift_right_logical3A_1466 : vector<16xi32>
    %and3A_1468 = arith.constant 127 : i32
    %and3A_1469 = vector.broadcast %and3A_1468 : i32 to vector<16xi32>
    %and3A_1470 = arith.andi %get3A_1464, %and3A_1469 : vector<16xi32>
    tpu.vector_store_idx %arg15[%shift_right_logical3A_1467, %and3A_1470], %broadcast_in_dim3A_1 {add = true} : memref<80x128xf32, #tpu.memory_space<vmem>>[vector<16xi32>, vector<16xi32>], vector<16xf32>,
    %get3A_1471 = arith.constant 9 : i32
    %get3A_1472 = arith.index_cast %get3A_1471 : i32 to index
    %get3A_1473 = arith.constant 16 : index
    %get3A_1474 = tpu.vector_load %arg12[%get3A_1472, %get3A_1473] {strides = array<i32>} : memref<10x128xi32, #tpu.memory_space<vmem>>, vector<16xi32>,
    %shift_right_logical3A_1475 = arith.constant 7 : i32
    %shift_right_logical3A_1476 = vector.broadcast %shift_right_logical3A_1475 : i32 to vector<16xi32>
    %shift_right_logical3A_1477 = arith.shrui %get3A_1474, %shift_right_logical3A_1476 : vector<16xi32>
    %and3A_1478 = arith.constant 127 : i32
    %and3A_1479 = vector.broadcast %and3A_1478 : i32 to vector<16xi32>
    %and3A_1480 = arith.andi %get3A_1474, %and3A_1479 : vector<16xi32>
    tpu.vector_store_idx %arg15[%shift_right_logical3A_1477, %and3A_1480], %broadcast_in_dim3A_1 {add = true} : memref<80x128xf32, #tpu.memory_space<vmem>>[vector<16xi32>, vector<16xi32>], vector<16xf32>,
    %get3A_1481 = arith.constant 9 : i32
    %get3A_1482 = arith.index_cast %get3A_1481 : i32 to index
    %get3A_1483 = arith.constant 32 : index
    %get3A_1484 = tpu.vector_load %arg12[%get3A_1482, %get3A_1483] {strides = array<i32>} : memref<10x128xi32, #tpu.memory_space<vmem>>, vector<16xi32>,
    %shift_right_logical3A_1485 = arith.constant 7 : i32
    %shift_right_logical3A_1486 = vector.broadcast %shift_right_logical3A_1485 : i32 to vector<16xi32>
    %shift_right_logical3A_1487 = arith.shrui %get3A_1484, %shift_right_logical3A_1486 : vector<16xi32>
    %and3A_1488 = arith.constant 127 : i32
    %and3A_1489 = vector.broadcast %and3A_1488 : i32 to vector<16xi32>
    %and3A_1490 = arith.andi %get3A_1484, %and3A_1489 : vector<16xi32>
    tpu.vector_store_idx %arg15[%shift_right_logical3A_1487, %and3A_1490], %broadcast_in_dim3A_1 {add = true} : memref<80x128xf32, #tpu.memory_space<vmem>>[vector<16xi32>, vector<16xi32>], vector<16xf32>,
    %get3A_1491 = arith.constant 9 : i32
    %get3A_1492 = arith.index_cast %get3A_1491 : i32 to index
    %get3A_1493 = arith.constant 48 : index
    %get3A_1494 = tpu.vector_load %arg12[%get3A_1492, %get3A_1493] {strides = array<i32>} : memref<10x128xi32, #tpu.memory_space<vmem>>, vector<16xi32>,
    %shift_right_logical3A_1495 = arith.constant 7 : i32
    %shift_right_logical3A_1496 = vector.broadcast %shift_right_logical3A_1495 : i32 to vector<16xi32>
    %shift_right_logical3A_1497 = arith.shrui %get3A_1494, %shift_right_logical3A_1496 : vector<16xi32>
    %and3A_1498 = arith.constant 127 : i32
    %and3A_1499 = vector.broadcast %and3A_1498 : i32 to vector<16xi32>
    %and3A_1500 = arith.andi %get3A_1494, %and3A_1499 : vector<16xi32>
    tpu.vector_store_idx %arg15[%shift_right_logical3A_1497, %and3A_1500], %broadcast_in_dim3A_1 {add = true} : memref<80x128xf32, #tpu.memory_space<vmem>>[vector<16xi32>, vector<16xi32>], vector<16xf32>,
    %get3A_1501 = arith.constant 9 : i32
    %get3A_1502 = arith.index_cast %get3A_1501 : i32 to index
    %get3A_1503 = arith.constant 64 : index
    %get3A_1504 = tpu.vector_load %arg12[%get3A_1502, %get3A_1503] {strides = array<i32>} : memref<10x128xi32, #tpu.memory_space<vmem>>, vector<16xi32>,
    %shift_right_logical3A_1505 = arith.constant 7 : i32
    %shift_right_logical3A_1506 = vector.broadcast %shift_right_logical3A_1505 : i32 to vector<16xi32>
    %shift_right_logical3A_1507 = arith.shrui %get3A_1504, %shift_right_logical3A_1506 : vector<16xi32>
    %and3A_1508 = arith.constant 127 : i32
    %and3A_1509 = vector.broadcast %and3A_1508 : i32 to vector<16xi32>
    %and3A_1510 = arith.andi %get3A_1504, %and3A_1509 : vector<16xi32>
    tpu.vector_store_idx %arg15[%shift_right_logical3A_1507, %and3A_1510], %broadcast_in_dim3A_1 {add = true} : memref<80x128xf32, #tpu.memory_space<vmem>>[vector<16xi32>, vector<16xi32>], vector<16xf32>,
    %get3A_1511 = arith.constant 9 : i32
    %get3A_1512 = arith.index_cast %get3A_1511 : i32 to index
    %get3A_1513 = arith.constant 80 : index
    %get3A_1514 = tpu.vector_load %arg12[%get3A_1512, %get3A_1513] {strides = array<i32>} : memref<10x128xi32, #tpu.memory_space<vmem>>, vector<16xi32>,
    %shift_right_logical3A_1515 = arith.constant 7 : i32
    %shift_right_logical3A_1516 = vector.broadcast %shift_right_logical3A_1515 : i32 to vector<16xi32>
    %shift_right_logical3A_1517 = arith.shrui %get3A_1514, %shift_right_logical3A_1516 : vector<16xi32>
    %and3A_1518 = arith.constant 127 : i32
    %and3A_1519 = vector.broadcast %and3A_1518 : i32 to vector<16xi32>
    %and3A_1520 = arith.andi %get3A_1514, %and3A_1519 : vector<16xi32>
    tpu.vector_store_idx %arg15[%shift_right_logical3A_1517, %and3A_1520], %broadcast_in_dim3A_1 {add = true} : memref<80x128xf32, #tpu.memory_space<vmem>>[vector<16xi32>, vector<16xi32>], vector<16xf32>,
    %get3A_1521 = arith.constant 9 : i32
    %get3A_1522 = arith.index_cast %get3A_1521 : i32 to index
    %get3A_1523 = arith.constant 96 : index
    %get3A_1524 = tpu.vector_load %arg12[%get3A_1522, %get3A_1523] {strides = array<i32>} : memref<10x128xi32, #tpu.memory_space<vmem>>, vector<16xi32>,
    %shift_right_logical3A_1525 = arith.constant 7 : i32
    %shift_right_logical3A_1526 = vector.broadcast %shift_right_logical3A_1525 : i32 to vector<16xi32>
    %shift_right_logical3A_1527 = arith.shrui %get3A_1524, %shift_right_logical3A_1526 : vector<16xi32>
    %and3A_1528 = arith.constant 127 : i32
    %and3A_1529 = vector.broadcast %and3A_1528 : i32 to vector<16xi32>
    %and3A_1530 = arith.andi %get3A_1524, %and3A_1529 : vector<16xi32>
    tpu.vector_store_idx %arg15[%shift_right_logical3A_1527, %and3A_1530], %broadcast_in_dim3A_1 {add = true} : memref<80x128xf32, #tpu.memory_space<vmem>>[vector<16xi32>, vector<16xi32>], vector<16xf32>,
    %get3A_1531 = arith.constant 9 : i32
    %get3A_1532 = arith.index_cast %get3A_1531 : i32 to index
    %get3A_1533 = arith.constant 112 : index
    %get3A_1534 = tpu.vector_load %arg12[%get3A_1532, %get3A_1533] {strides = array<i32>} : memref<10x128xi32, #tpu.memory_space<vmem>>, vector<16xi32>,
    %shift_right_logical3A_1535 = arith.constant 7 : i32
    %shift_right_logical3A_1536 = vector.broadcast %shift_right_logical3A_1535 : i32 to vector<16xi32>
    %shift_right_logical3A_1537 = arith.shrui %get3A_1534, %shift_right_logical3A_1536 : vector<16xi32>
    %and3A_1538 = arith.constant 127 : i32
    %and3A_1539 = vector.broadcast %and3A_1538 : i32 to vector<16xi32>
    %and3A_1540 = arith.andi %get3A_1534, %and3A_1539 : vector<16xi32>
    tpu.vector_store_idx %arg15[%shift_right_logical3A_1537, %and3A_1540], %broadcast_in_dim3A_1 {add = true} : memref<80x128xf32, #tpu.memory_space<vmem>>[vector<16xi32>, vector<16xi32>], vector<16xf32>,
    %dma_wait3A_1541 = arith.constant 0 : i32
    %dma_wait3A_1542 = arith.constant 0 : i32
    %dma_wait3A_1543 = arith.constant 0 : i32
    %dma_wait3A_1544 = tpu.memref_slice %arg3[%add3A, %dma_wait3A_1541, %dma_wait3A_1542, %dma_wait3A_1543] : memref<32x8x10x128xi32, #tpu.memory_space<hbm>> -> memref<1x1x10x128xi32, #tpu.memory_space<hbm>>
    %dma_wait3A_1545 = tpu.memref_squeeze %dma_wait3A_1544 : memref<1x1x10x128xi32, #tpu.memory_space<hbm>> -> memref<10x128xi32, #tpu.memory_space<hbm>>
    %dma_wait3A_1546 = arith.constant 0 : i32
    %dma_wait3A_1547 = arith.constant 0 : i32
    %dma_wait3A_1548 = tpu.memref_slice %arg3[%add3A, %dma_wait3A_1541, %dma_wait3A_1546, %dma_wait3A_1547] : memref<32x8x10x128xi32, #tpu.memory_space<hbm>> -> memref<1x1x10x128xi32, #tpu.memory_space<hbm>>
    %dma_wait3A_1549 = tpu.memref_squeeze %dma_wait3A_1548 : memref<1x1x10x128xi32, #tpu.memory_space<hbm>> -> memref<10x128xi32, #tpu.memory_space<hbm>>
    tpu.wait_dma2 semaphore(%arg24 : memref<!tpu.dma_semaphore, #tpu.memory_space<semaphore_mem>>) src(%dma_wait3A_1549 : memref<10x128xi32, #tpu.memory_space<hbm>>) dst(%arg9 : memref<10x128xi32, #tpu.memory_space<vmem>>)
    %dma_wait3A_1550 = arith.constant 0 : i32
    %dma_wait3A_1551 = arith.constant 0 : i32
    %dma_wait3A_1552 = arith.constant 0 : i32
    %dma_wait3A_1553 = tpu.memref_slice %arg4[%add3A, %dma_wait3A_1550, %dma_wait3A_1551, %dma_wait3A_1552] : memref<32x8x10x128xi32, #tpu.memory_space<hbm>> -> memref<1x1x10x128xi32, #tpu.memory_space<hbm>>
    %dma_wait3A_1554 = tpu.memref_squeeze %dma_wait3A_1553 : memref<1x1x10x128xi32, #tpu.memory_space<hbm>> -> memref<10x128xi32, #tpu.memory_space<hbm>>
    %dma_wait3A_1555 = arith.constant 0 : i32
    %dma_wait3A_1556 = arith.constant 0 : i32
    %dma_wait3A_1557 = tpu.memref_slice %arg4[%add3A, %dma_wait3A_1550, %dma_wait3A_1555, %dma_wait3A_1556] : memref<32x8x10x128xi32, #tpu.memory_space<hbm>> -> memref<1x1x10x128xi32, #tpu.memory_space<hbm>>
    %dma_wait3A_1558 = tpu.memref_squeeze %dma_wait3A_1557 : memref<1x1x10x128xi32, #tpu.memory_space<hbm>> -> memref<10x128xi32, #tpu.memory_space<hbm>>
    tpu.wait_dma2 semaphore(%arg24 : memref<!tpu.dma_semaphore, #tpu.memory_space<semaphore_mem>>) src(%dma_wait3A_1558 : memref<10x128xi32, #tpu.memory_space<hbm>>) dst(%arg10 : memref<10x128xi32, #tpu.memory_space<vmem>>)
    %dma_wait3A_1559 = arith.constant 0 : i32
    %dma_wait3A_1560 = arith.constant 0 : i32
    %dma_wait3A_1561 = tpu.memref_slice %arg10[%dma_wait3A_1559, %dma_wait3A_1560] : memref<10x128xi32, #tpu.memory_space<vmem>> -> memref<1x128xi32, #tpu.memory_space<vmem>>
    %dma_wait3A_1562 = tpu.memref_squeeze %dma_wait3A_1561 : memref<1x128xi32, #tpu.memory_space<vmem>> -> memref<128xi32, #tpu.memory_space<vmem>>
    %dma_wait3A_1563 = arith.constant 0 : i32
    %dma_wait3A_1564 = arith.constant 0 : i32
    %dma_wait3A_1565 = tpu.memref_slice %arg17[%dma_wait3A_1563, %dma_wait3A_1564] : memref<10240x128xf32, #tpu.memory_space<vmem_shared>> -> memref<10240x128xf32, #tpu.memory_space<vmem_shared>>
    tpu.wait_indirect_dma semaphore(%arg21 : memref<!tpu.dma_semaphore, #tpu.memory_space<semaphore_mem>>) src(%arg13 : memref<128x128xf32, #tpu.memory_space<vmem>>) dst(%dma_wait3A_1565 : memref<10240x128xf32, #tpu.memory_space<vmem_shared>>)
    %dma_start3A_1566 = arith.constant 0 : i32
    %dma_start3A_1567 = arith.constant 0 : i32
    %dma_start3A_1568 = tpu.memref_slice %arg9[%dma_start3A_1566, %dma_start3A_1567] : memref<10x128xi32, #tpu.memory_space<vmem>> -> memref<1x128xi32, #tpu.memory_space<vmem>>
    %dma_start3A_1569 = tpu.memref_squeeze %dma_start3A_1568 : memref<1x128xi32, #tpu.memory_space<vmem>> -> memref<128xi32, #tpu.memory_space<vmem>>
    %dma_start3A_1570 = arith.constant 0 : i32
    %dma_start3A_1571 = arith.constant 0 : i32
    %dma_start3A_1572 = tpu.memref_slice %arg2[%dma_start3A_1570, %dma_start3A_1571] : memref<10000x128xf32, #tpu.memory_space<hbm>> -> memref<10000x128xf32, #tpu.memory_space<hbm>>
    tpu.enqueue_indirect_dma source(%dma_start3A_1572 : memref<10000x128xf32, #tpu.memory_space<hbm>>) target(%arg13 : memref<128x128xf32, #tpu.memory_space<vmem>>) offsets(%dma_start3A_1569 : memref<128xi32, #tpu.memory_space<vmem>>) semaphore(%arg19 : memref<!tpu.dma_semaphore, #tpu.memory_space<semaphore_mem>>)
    %dma_wait3A_1573 = arith.constant 0 : i32
    %dma_wait3A_1574 = arith.constant 0 : i32
    %dma_wait3A_1575 = tpu.memref_slice %arg10[%dma_wait3A_1573, %dma_wait3A_1574] : memref<10x128xi32, #tpu.memory_space<vmem>> -> memref<1x128xi32, #tpu.memory_space<vmem>>
    %dma_wait3A_1576 = tpu.memref_squeeze %dma_wait3A_1575 : memref<1x128xi32, #tpu.memory_space<vmem>> -> memref<128xi32, #tpu.memory_space<vmem>>
    %dma_wait3A_1577 = arith.constant 0 : i32
    %dma_wait3A_1578 = arith.constant 0 : i32
    %dma_wait3A_1579 = tpu.memref_slice %arg17[%dma_wait3A_1577, %dma_wait3A_1578] : memref<10240x128xf32, #tpu.memory_space<vmem_shared>> -> memref<10240x128xf32, #tpu.memory_space<vmem_shared>>
    tpu.wait_indirect_dma semaphore(%arg22 : memref<!tpu.dma_semaphore, #tpu.memory_space<semaphore_mem>>) src(%arg14 : memref<128x128xf32, #tpu.memory_space<vmem>>) dst(%dma_wait3A_1579 : memref<10240x128xf32, #tpu.memory_space<vmem_shared>>)
    %dma_start3A_1580 = arith.constant 1 : i32
    %dma_start3A_1581 = arith.constant 0 : i32
    %dma_start3A_1582 = tpu.memref_slice %arg9[%dma_start3A_1580, %dma_start3A_1581] : memref<10x128xi32, #tpu.memory_space<vmem>> -> memref<1x128xi32, #tpu.memory_space<vmem>>
    %dma_start3A_1583 = tpu.memref_squeeze %dma_start3A_1582 : memref<1x128xi32, #tpu.memory_space<vmem>> -> memref<128xi32, #tpu.memory_space<vmem>>
    %dma_start3A_1584 = arith.constant 0 : i32
    %dma_start3A_1585 = arith.constant 0 : i32
    %dma_start3A_1586 = tpu.memref_slice %arg2[%dma_start3A_1584, %dma_start3A_1585] : memref<10000x128xf32, #tpu.memory_space<hbm>> -> memref<10000x128xf32, #tpu.memory_space<hbm>>
    tpu.enqueue_indirect_dma source(%dma_start3A_1586 : memref<10000x128xf32, #tpu.memory_space<hbm>>) target(%arg14 : memref<128x128xf32, #tpu.memory_space<vmem>>) offsets(%dma_start3A_1583 : memref<128xi32, #tpu.memory_space<vmem>>) semaphore(%arg20 : memref<!tpu.dma_semaphore, #tpu.memory_space<semaphore_mem>>)
    %dma_start3A_1587 = arith.constant 7 : i32
    %dma_start3A_1588 = arith.constant 0 : i32
    %dma_start3A_1589 = arith.constant 0 : i32
    %dma_start3A_1590 = tpu.memref_slice %arg3[%add3A, %dma_start3A_1587, %dma_start3A_1588, %dma_start3A_1589] : memref<32x8x10x128xi32, #tpu.memory_space<hbm>> -> memref<1x1x10x128xi32, #tpu.memory_space<hbm>>
    %dma_start3A_1591 = tpu.memref_squeeze %dma_start3A_1590 : memref<1x1x10x128xi32, #tpu.memory_space<hbm>> -> memref<10x128xi32, #tpu.memory_space<hbm>>
    %dma_start3A_1592 = arith.constant 0 : i32
    %dma_start3A_1593 = arith.constant 0 : i32
    %dma_start3A_1594 = tpu.memref_slice %arg3[%add3A, %dma_start3A_1587, %dma_start3A_1592, %dma_start3A_1593] : memref<32x8x10x128xi32, #tpu.memory_space<hbm>> -> memref<1x1x10x128xi32, #tpu.memory_space<hbm>>
    %dma_start3A_1595 = tpu.memref_squeeze %dma_start3A_1594 : memref<1x1x10x128xi32, #tpu.memory_space<hbm>> -> memref<10x128xi32, #tpu.memory_space<hbm>>
    tpu.enqueue_dma source(%dma_start3A_1595 : memref<10x128xi32, #tpu.memory_space<hbm>>) target(%arg11 : memref<10x128xi32, #tpu.memory_space<vmem>>) target_semaphore(%arg24 : memref<!tpu.dma_semaphore, #tpu.memory_space<semaphore_mem>>)
    %dma_start3A_1596 = arith.constant 7 : i32
    %dma_start3A_1597 = arith.constant 0 : i32
    %dma_start3A_1598 = arith.constant 0 : i32
    %dma_start3A_1599 = tpu.memref_slice %arg4[%add3A, %dma_start3A_1596, %dma_start3A_1597, %dma_start3A_1598] : memref<32x8x10x128xi32, #tpu.memory_space<hbm>> -> memref<1x1x10x128xi32, #tpu.memory_space<hbm>>
    %dma_start3A_1600 = tpu.memref_squeeze %dma_start3A_1599 : memref<1x1x10x128xi32, #tpu.memory_space<hbm>> -> memref<10x128xi32, #tpu.memory_space<hbm>>
    %dma_start3A_1601 = arith.constant 0 : i32
    %dma_start3A_1602 = arith.constant 0 : i32
    %dma_start3A_1603 = tpu.memref_slice %arg4[%add3A, %dma_start3A_1596, %dma_start3A_1601, %dma_start3A_1602] : memref<32x8x10x128xi32, #tpu.memory_space<hbm>> -> memref<1x1x10x128xi32, #tpu.memory_space<hbm>>
    %dma_start3A_1604 = tpu.memref_squeeze %dma_start3A_1603 : memref<1x1x10x128xi32, #tpu.memory_space<hbm>> -> memref<10x128xi32, #tpu.memory_space<hbm>>
    tpu.enqueue_dma source(%dma_start3A_1604 : memref<10x128xi32, #tpu.memory_space<hbm>>) target(%arg12 : memref<10x128xi32, #tpu.memory_space<vmem>>) target_semaphore(%arg24 : memref<!tpu.dma_semaphore, #tpu.memory_space<semaphore_mem>>)
    %scan3A_1605 = arith.constant 0 : i32
    %scan3A_1606 = arith.constant 4 : i32
    %scan3A_1607 = arith.addi %scan3A_1605, %scan3A_1606 : i32
    %scan3A_1608 = arith.constant 1 : i32
    scf.for %scan3A_2053 = %scan3A_1605 to %scan3A_1607 step %scan3A_1608  : i32 {
      %mul3A_2054 = arith.constant 2 : i32
      %mul3A_2055 = arith.muli %scan3A_2053, %mul3A_2054 : i32
      %add3A_2056 = arith.constant 0 : i32
      %add3A_2057 = arith.addi %add3A_2056, %mul3A_2055 : i32
      %dma_wait3A_2058 = arith.constant 0 : i32
      %dma_wait3A_2059 = arith.constant 0 : i32
      %dma_wait3A_2060 = tpu.memref_slice %arg9[%dma_wait3A_2058, %dma_wait3A_2059] : memref<10x128xi32, #tpu.memory_space<vmem>> -> memref<1x128xi32, #tpu.memory_space<vmem>>
      %dma_wait3A_2061 = tpu.memref_squeeze %dma_wait3A_2060 : memref<1x128xi32, #tpu.memory_space<vmem>> -> memref<128xi32, #tpu.memory_space<vmem>>
      %dma_wait3A_2062 = arith.constant 0 : i32
      %dma_wait3A_2063 = arith.constant 0 : i32
      %dma_wait3A_2064 = tpu.memref_slice %arg2[%dma_wait3A_2062, %dma_wait3A_2063] : memref<10000x128xf32, #tpu.memory_space<hbm>> -> memref<10000x128xf32, #tpu.memory_space<hbm>>
      tpu.wait_indirect_dma semaphore(%arg19 : memref<!tpu.dma_semaphore, #tpu.memory_space<semaphore_mem>>) src(%dma_wait3A_2064 : memref<10000x128xf32, #tpu.memory_space<hbm>>) dst(%arg13 : memref<128x128xf32, #tpu.memory_space<vmem>>)
      %dma_start3A_2065 = arith.constant 0 : i32
      %dma_start3A_2066 = tpu.memref_slice %arg10[%add3A_2057, %dma_start3A_2065] : memref<10x128xi32, #tpu.memory_space<vmem>> -> memref<1x128xi32, #tpu.memory_space<vmem>>
      %dma_start3A_2067 = tpu.memref_squeeze %dma_start3A_2066 : memref<1x128xi32, #tpu.memory_space<vmem>> -> memref<128xi32, #tpu.memory_space<vmem>>
      %dma_start3A_2068 = arith.constant 0 : i32
      %dma_start3A_2069 = arith.constant 0 : i32
      %dma_start3A_2070 = tpu.memref_slice %arg17[%dma_start3A_2068, %dma_start3A_2069] : memref<10240x128xf32, #tpu.memory_space<vmem_shared>> -> memref<10240x128xf32, #tpu.memory_space<vmem_shared>>
      tpu.enqueue_indirect_dma source(%arg13 : memref<128x128xf32, #tpu.memory_space<vmem>>) target(%dma_start3A_2070 : memref<10240x128xf32, #tpu.memory_space<vmem_shared>>) offsets(%dma_start3A_2067 : memref<128xi32, #tpu.memory_space<vmem>>) semaphore(%arg21 : memref<!tpu.dma_semaphore, #tpu.memory_space<semaphore_mem>>) {add = true}
      %get3A_2071 = arith.index_cast %add3A_2057 : i32 to index
      %get3A_2072 = arith.constant 0 : index
      %get3A_2073 = tpu.vector_load %arg10[%get3A_2071, %get3A_2072] {strides = array<i32>} : memref<10x128xi32, #tpu.memory_space<vmem>>, vector<16xi32>,
      %shift_right_logical3A_2074 = arith.constant 7 : i32
      %shift_right_logical3A_2075 = vector.broadcast %shift_right_logical3A_2074 : i32 to vector<16xi32>
      %shift_right_logical3A_2076 = arith.shrui %get3A_2073, %shift_right_logical3A_2075 : vector<16xi32>
      %and3A_2077 = arith.constant 127 : i32
      %and3A_2078 = vector.broadcast %and3A_2077 : i32 to vector<16xi32>
      %and3A_2079 = arith.andi %get3A_2073, %and3A_2078 : vector<16xi32>
      tpu.vector_store_idx %arg15[%shift_right_logical3A_2076, %and3A_2079], %broadcast_in_dim3A_1 {add = true} : memref<80x128xf32, #tpu.memory_space<vmem>>[vector<16xi32>, vector<16xi32>], vector<16xf32>,
      %get3A_2080 = arith.index_cast %add3A_2057 : i32 to index
      %get3A_2081 = arith.constant 16 : index
      %get3A_2082 = tpu.vector_load %arg10[%get3A_2080, %get3A_2081] {strides = array<i32>} : memref<10x128xi32, #tpu.memory_space<vmem>>, vector<16xi32>,
      %shift_right_logical3A_2083 = arith.constant 7 : i32
      %shift_right_logical3A_2084 = vector.broadcast %shift_right_logical3A_2083 : i32 to vector<16xi32>
      %shift_right_logical3A_2085 = arith.shrui %get3A_2082, %shift_right_logical3A_2084 : vector<16xi32>
      %and3A_2086 = arith.constant 127 : i32
      %and3A_2087 = vector.broadcast %and3A_2086 : i32 to vector<16xi32>
      %and3A_2088 = arith.andi %get3A_2082, %and3A_2087 : vector<16xi32>
      tpu.vector_store_idx %arg15[%shift_right_logical3A_2085, %and3A_2088], %broadcast_in_dim3A_1 {add = true} : memref<80x128xf32, #tpu.memory_space<vmem>>[vector<16xi32>, vector<16xi32>], vector<16xf32>,
      %get3A_2089 = arith.index_cast %add3A_2057 : i32 to index
      %get3A_2090 = arith.constant 32 : index
      %get3A_2091 = tpu.vector_load %arg10[%get3A_2089, %get3A_2090] {strides = array<i32>} : memref<10x128xi32, #tpu.memory_space<vmem>>, vector<16xi32>,
      %shift_right_logical3A_2092 = arith.constant 7 : i32
      %shift_right_logical3A_2093 = vector.broadcast %shift_right_logical3A_2092 : i32 to vector<16xi32>
      %shift_right_logical3A_2094 = arith.shrui %get3A_2091, %shift_right_logical3A_2093 : vector<16xi32>
      %and3A_2095 = arith.constant 127 : i32
      %and3A_2096 = vector.broadcast %and3A_2095 : i32 to vector<16xi32>
      %and3A_2097 = arith.andi %get3A_2091, %and3A_2096 : vector<16xi32>
      tpu.vector_store_idx %arg15[%shift_right_logical3A_2094, %and3A_2097], %broadcast_in_dim3A_1 {add = true} : memref<80x128xf32, #tpu.memory_space<vmem>>[vector<16xi32>, vector<16xi32>], vector<16xf32>,
      %get3A_2098 = arith.index_cast %add3A_2057 : i32 to index
      %get3A_2099 = arith.constant 48 : index
      %get3A_2100 = tpu.vector_load %arg10[%get3A_2098, %get3A_2099] {strides = array<i32>} : memref<10x128xi32, #tpu.memory_space<vmem>>, vector<16xi32>,
      %shift_right_logical3A_2101 = arith.constant 7 : i32
      %shift_right_logical3A_2102 = vector.broadcast %shift_right_logical3A_2101 : i32 to vector<16xi32>
      %shift_right_logical3A_2103 = arith.shrui %get3A_2100, %shift_right_logical3A_2102 : vector<16xi32>
      %and3A_2104 = arith.constant 127 : i32
      %and3A_2105 = vector.broadcast %and3A_2104 : i32 to vector<16xi32>
      %and3A_2106 = arith.andi %get3A_2100, %and3A_2105 : vector<16xi32>
      tpu.vector_store_idx %arg15[%shift_right_logical3A_2103, %and3A_2106], %broadcast_in_dim3A_1 {add = true} : memref<80x128xf32, #tpu.memory_space<vmem>>[vector<16xi32>, vector<16xi32>], vector<16xf32>,
      %get3A_2107 = arith.index_cast %add3A_2057 : i32 to index
      %get3A_2108 = arith.constant 64 : index
      %get3A_2109 = tpu.vector_load %arg10[%get3A_2107, %get3A_2108] {strides = array<i32>} : memref<10x128xi32, #tpu.memory_space<vmem>>, vector<16xi32>,
      %shift_right_logical3A_2110 = arith.constant 7 : i32
      %shift_right_logical3A_2111 = vector.broadcast %shift_right_logical3A_2110 : i32 to vector<16xi32>
      %shift_right_logical3A_2112 = arith.shrui %get3A_2109, %shift_right_logical3A_2111 : vector<16xi32>
      %and3A_2113 = arith.constant 127 : i32
      %and3A_2114 = vector.broadcast %and3A_2113 : i32 to vector<16xi32>
      %and3A_2115 = arith.andi %get3A_2109, %and3A_2114 : vector<16xi32>
      tpu.vector_store_idx %arg15[%shift_right_logical3A_2112, %and3A_2115], %broadcast_in_dim3A_1 {add = true} : memref<80x128xf32, #tpu.memory_space<vmem>>[vector<16xi32>, vector<16xi32>], vector<16xf32>,
      %get3A_2116 = arith.index_cast %add3A_2057 : i32 to index
      %get3A_2117 = arith.constant 80 : index
      %get3A_2118 = tpu.vector_load %arg10[%get3A_2116, %get3A_2117] {strides = array<i32>} : memref<10x128xi32, #tpu.memory_space<vmem>>, vector<16xi32>,
      %shift_right_logical3A_2119 = arith.constant 7 : i32
      %shift_right_logical3A_2120 = vector.broadcast %shift_right_logical3A_2119 : i32 to vector<16xi32>
      %shift_right_logical3A_2121 = arith.shrui %get3A_2118, %shift_right_logical3A_2120 : vector<16xi32>
      %and3A_2122 = arith.constant 127 : i32
      %and3A_2123 = vector.broadcast %and3A_2122 : i32 to vector<16xi32>
      %and3A_2124 = arith.andi %get3A_2118, %and3A_2123 : vector<16xi32>
      tpu.vector_store_idx %arg15[%shift_right_logical3A_2121, %and3A_2124], %broadcast_in_dim3A_1 {add = true} : memref<80x128xf32, #tpu.memory_space<vmem>>[vector<16xi32>, vector<16xi32>], vector<16xf32>,
      %get3A_2125 = arith.index_cast %add3A_2057 : i32 to index
      %get3A_2126 = arith.constant 96 : index
      %get3A_2127 = tpu.vector_load %arg10[%get3A_2125, %get3A_2126] {strides = array<i32>} : memref<10x128xi32, #tpu.memory_space<vmem>>, vector<16xi32>,
      %shift_right_logical3A_2128 = arith.constant 7 : i32
      %shift_right_logical3A_2129 = vector.broadcast %shift_right_logical3A_2128 : i32 to vector<16xi32>
      %shift_right_logical3A_2130 = arith.shrui %get3A_2127, %shift_right_logical3A_2129 : vector<16xi32>
      %and3A_2131 = arith.constant 127 : i32
      %and3A_2132 = vector.broadcast %and3A_2131 : i32 to vector<16xi32>
      %and3A_2133 = arith.andi %get3A_2127, %and3A_2132 : vector<16xi32>
      tpu.vector_store_idx %arg15[%shift_right_logical3A_2130, %and3A_2133], %broadcast_in_dim3A_1 {add = true} : memref<80x128xf32, #tpu.memory_space<vmem>>[vector<16xi32>, vector<16xi32>], vector<16xf32>,
      %get3A_2134 = arith.index_cast %add3A_2057 : i32 to index
      %get3A_2135 = arith.constant 112 : index
      %get3A_2136 = tpu.vector_load %arg10[%get3A_2134, %get3A_2135] {strides = array<i32>} : memref<10x128xi32, #tpu.memory_space<vmem>>, vector<16xi32>,
      %shift_right_logical3A_2137 = arith.constant 7 : i32
      %shift_right_logical3A_2138 = vector.broadcast %shift_right_logical3A_2137 : i32 to vector<16xi32>
      %shift_right_logical3A_2139 = arith.shrui %get3A_2136, %shift_right_logical3A_2138 : vector<16xi32>
      %and3A_2140 = arith.constant 127 : i32
      %and3A_2141 = vector.broadcast %and3A_2140 : i32 to vector<16xi32>
      %and3A_2142 = arith.andi %get3A_2136, %and3A_2141 : vector<16xi32>
      tpu.vector_store_idx %arg15[%shift_right_logical3A_2139, %and3A_2142], %broadcast_in_dim3A_1 {add = true} : memref<80x128xf32, #tpu.memory_space<vmem>>[vector<16xi32>, vector<16xi32>], vector<16xf32>,
      %dma_wait3A_2143 = arith.constant 0 : i32
      %dma_wait3A_2144 = arith.constant 0 : i32
      %dma_wait3A_2145 = tpu.memref_slice %arg9[%dma_wait3A_2143, %dma_wait3A_2144] : memref<10x128xi32, #tpu.memory_space<vmem>> -> memref<1x128xi32, #tpu.memory_space<vmem>>
      %dma_wait3A_2146 = tpu.memref_squeeze %dma_wait3A_2145 : memref<1x128xi32, #tpu.memory_space<vmem>> -> memref<128xi32, #tpu.memory_space<vmem>>
      %dma_wait3A_2147 = arith.constant 0 : i32
      %dma_wait3A_2148 = arith.constant 0 : i32
      %dma_wait3A_2149 = tpu.memref_slice %arg2[%dma_wait3A_2147, %dma_wait3A_2148] : memref<10000x128xf32, #tpu.memory_space<hbm>> -> memref<10000x128xf32, #tpu.memory_space<hbm>>
      tpu.wait_indirect_dma semaphore(%arg20 : memref<!tpu.dma_semaphore, #tpu.memory_space<semaphore_mem>>) src(%dma_wait3A_2149 : memref<10000x128xf32, #tpu.memory_space<hbm>>) dst(%arg14 : memref<128x128xf32, #tpu.memory_space<vmem>>)
      %add3A_2150 = arith.constant 1 : i32
      %add3A_2151 = arith.addi %add3A_2057, %add3A_2150 : i32
      %dma_start3A_2152 = arith.constant 0 : i32
      %dma_start3A_2153 = tpu.memref_slice %arg10[%add3A_2151, %dma_start3A_2152] : memref<10x128xi32, #tpu.memory_space<vmem>> -> memref<1x128xi32, #tpu.memory_space<vmem>>
      %dma_start3A_2154 = tpu.memref_squeeze %dma_start3A_2153 : memref<1x128xi32, #tpu.memory_space<vmem>> -> memref<128xi32, #tpu.memory_space<vmem>>
      %dma_start3A_2155 = arith.constant 0 : i32
      %dma_start3A_2156 = arith.constant 0 : i32
      %dma_start3A_2157 = tpu.memref_slice %arg17[%dma_start3A_2155, %dma_start3A_2156] : memref<10240x128xf32, #tpu.memory_space<vmem_shared>> -> memref<10240x128xf32, #tpu.memory_space<vmem_shared>>
      tpu.enqueue_indirect_dma source(%arg14 : memref<128x128xf32, #tpu.memory_space<vmem>>) target(%dma_start3A_2157 : memref<10240x128xf32, #tpu.memory_space<vmem_shared>>) offsets(%dma_start3A_2154 : memref<128xi32, #tpu.memory_space<vmem>>) semaphore(%arg22 : memref<!tpu.dma_semaphore, #tpu.memory_space<semaphore_mem>>) {add = true}
      %add3A_2158 = arith.constant 1 : i32
      %add3A_2159 = arith.addi %add3A_2057, %add3A_2158 : i32
      %get3A_2160 = arith.index_cast %add3A_2159 : i32 to index
      %get3A_2161 = arith.constant 0 : index
      %get3A_2162 = tpu.vector_load %arg10[%get3A_2160, %get3A_2161] {strides = array<i32>} : memref<10x128xi32, #tpu.memory_space<vmem>>, vector<16xi32>,
      %shift_right_logical3A_2163 = arith.constant 7 : i32
      %shift_right_logical3A_2164 = vector.broadcast %shift_right_logical3A_2163 : i32 to vector<16xi32>
      %shift_right_logical3A_2165 = arith.shrui %get3A_2162, %shift_right_logical3A_2164 : vector<16xi32>
      %and3A_2166 = arith.constant 127 : i32
      %and3A_2167 = vector.broadcast %and3A_2166 : i32 to vector<16xi32>
      %and3A_2168 = arith.andi %get3A_2162, %and3A_2167 : vector<16xi32>
      tpu.vector_store_idx %arg15[%shift_right_logical3A_2165, %and3A_2168], %broadcast_in_dim3A_1 {add = true} : memref<80x128xf32, #tpu.memory_space<vmem>>[vector<16xi32>, vector<16xi32>], vector<16xf32>,
      %get3A_2169 = arith.index_cast %add3A_2159 : i32 to index
      %get3A_2170 = arith.constant 16 : index
      %get3A_2171 = tpu.vector_load %arg10[%get3A_2169, %get3A_2170] {strides = array<i32>} : memref<10x128xi32, #tpu.memory_space<vmem>>, vector<16xi32>,
      %shift_right_logical3A_2172 = arith.constant 7 : i32
      %shift_right_logical3A_2173 = vector.broadcast %shift_right_logical3A_2172 : i32 to vector<16xi32>
      %shift_right_logical3A_2174 = arith.shrui %get3A_2171, %shift_right_logical3A_2173 : vector<16xi32>
      %and3A_2175 = arith.constant 127 : i32
      %and3A_2176 = vector.broadcast %and3A_2175 : i32 to vector<16xi32>
      %and3A_2177 = arith.andi %get3A_2171, %and3A_2176 : vector<16xi32>
      tpu.vector_store_idx %arg15[%shift_right_logical3A_2174, %and3A_2177], %broadcast_in_dim3A_1 {add = true} : memref<80x128xf32, #tpu.memory_space<vmem>>[vector<16xi32>, vector<16xi32>], vector<16xf32>,
      %get3A_2178 = arith.index_cast %add3A_2159 : i32 to index
      %get3A_2179 = arith.constant 32 : index
      %get3A_2180 = tpu.vector_load %arg10[%get3A_2178, %get3A_2179] {strides = array<i32>} : memref<10x128xi32, #tpu.memory_space<vmem>>, vector<16xi32>,
      %shift_right_logical3A_2181 = arith.constant 7 : i32
      %shift_right_logical3A_2182 = vector.broadcast %shift_right_logical3A_2181 : i32 to vector<16xi32>
      %shift_right_logical3A_2183 = arith.shrui %get3A_2180, %shift_right_logical3A_2182 : vector<16xi32>
      %and3A_2184 = arith.constant 127 : i32
      %and3A_2185 = vector.broadcast %and3A_2184 : i32 to vector<16xi32>
      %and3A_2186 = arith.andi %get3A_2180, %and3A_2185 : vector<16xi32>
      tpu.vector_store_idx %arg15[%shift_right_logical3A_2183, %and3A_2186], %broadcast_in_dim3A_1 {add = true} : memref<80x128xf32, #tpu.memory_space<vmem>>[vector<16xi32>, vector<16xi32>], vector<16xf32>,
      %get3A_2187 = arith.index_cast %add3A_2159 : i32 to index
      %get3A_2188 = arith.constant 48 : index
      %get3A_2189 = tpu.vector_load %arg10[%get3A_2187, %get3A_2188] {strides = array<i32>} : memref<10x128xi32, #tpu.memory_space<vmem>>, vector<16xi32>,
      %shift_right_logical3A_2190 = arith.constant 7 : i32
      %shift_right_logical3A_2191 = vector.broadcast %shift_right_logical3A_2190 : i32 to vector<16xi32>
      %shift_right_logical3A_2192 = arith.shrui %get3A_2189, %shift_right_logical3A_2191 : vector<16xi32>
      %and3A_2193 = arith.constant 127 : i32
      %and3A_2194 = vector.broadcast %and3A_2193 : i32 to vector<16xi32>
      %and3A_2195 = arith.andi %get3A_2189, %and3A_2194 : vector<16xi32>
      tpu.vector_store_idx %arg15[%shift_right_logical3A_2192, %and3A_2195], %broadcast_in_dim3A_1 {add = true} : memref<80x128xf32, #tpu.memory_space<vmem>>[vector<16xi32>, vector<16xi32>], vector<16xf32>,
      %get3A_2196 = arith.index_cast %add3A_2159 : i32 to index
      %get3A_2197 = arith.constant 64 : index
      %get3A_2198 = tpu.vector_load %arg10[%get3A_2196, %get3A_2197] {strides = array<i32>} : memref<10x128xi32, #tpu.memory_space<vmem>>, vector<16xi32>,
      %shift_right_logical3A_2199 = arith.constant 7 : i32
      %shift_right_logical3A_2200 = vector.broadcast %shift_right_logical3A_2199 : i32 to vector<16xi32>
      %shift_right_logical3A_2201 = arith.shrui %get3A_2198, %shift_right_logical3A_2200 : vector<16xi32>
      %and3A_2202 = arith.constant 127 : i32
      %and3A_2203 = vector.broadcast %and3A_2202 : i32 to vector<16xi32>
      %and3A_2204 = arith.andi %get3A_2198, %and3A_2203 : vector<16xi32>
      tpu.vector_store_idx %arg15[%shift_right_logical3A_2201, %and3A_2204], %broadcast_in_dim3A_1 {add = true} : memref<80x128xf32, #tpu.memory_space<vmem>>[vector<16xi32>, vector<16xi32>], vector<16xf32>,
      %get3A_2205 = arith.index_cast %add3A_2159 : i32 to index
      %get3A_2206 = arith.constant 80 : index
      %get3A_2207 = tpu.vector_load %arg10[%get3A_2205, %get3A_2206] {strides = array<i32>} : memref<10x128xi32, #tpu.memory_space<vmem>>, vector<16xi32>,
      %shift_right_logical3A_2208 = arith.constant 7 : i32
      %shift_right_logical3A_2209 = vector.broadcast %shift_right_logical3A_2208 : i32 to vector<16xi32>
      %shift_right_logical3A_2210 = arith.shrui %get3A_2207, %shift_right_logical3A_2209 : vector<16xi32>
      %and3A_2211 = arith.constant 127 : i32
      %and3A_2212 = vector.broadcast %and3A_2211 : i32 to vector<16xi32>
      %and3A_2213 = arith.andi %get3A_2207, %and3A_2212 : vector<16xi32>
      tpu.vector_store_idx %arg15[%shift_right_logical3A_2210, %and3A_2213], %broadcast_in_dim3A_1 {add = true} : memref<80x128xf32, #tpu.memory_space<vmem>>[vector<16xi32>, vector<16xi32>], vector<16xf32>,
      %get3A_2214 = arith.index_cast %add3A_2159 : i32 to index
      %get3A_2215 = arith.constant 96 : index
      %get3A_2216 = tpu.vector_load %arg10[%get3A_2214, %get3A_2215] {strides = array<i32>} : memref<10x128xi32, #tpu.memory_space<vmem>>, vector<16xi32>,
      %shift_right_logical3A_2217 = arith.constant 7 : i32
      %shift_right_logical3A_2218 = vector.broadcast %shift_right_logical3A_2217 : i32 to vector<16xi32>
      %shift_right_logical3A_2219 = arith.shrui %get3A_2216, %shift_right_logical3A_2218 : vector<16xi32>
      %and3A_2220 = arith.constant 127 : i32
      %and3A_2221 = vector.broadcast %and3A_2220 : i32 to vector<16xi32>
      %and3A_2222 = arith.andi %get3A_2216, %and3A_2221 : vector<16xi32>
      tpu.vector_store_idx %arg15[%shift_right_logical3A_2219, %and3A_2222], %broadcast_in_dim3A_1 {add = true} : memref<80x128xf32, #tpu.memory_space<vmem>>[vector<16xi32>, vector<16xi32>], vector<16xf32>,
      %get3A_2223 = arith.index_cast %add3A_2159 : i32 to index
      %get3A_2224 = arith.constant 112 : index
      %get3A_2225 = tpu.vector_load %arg10[%get3A_2223, %get3A_2224] {strides = array<i32>} : memref<10x128xi32, #tpu.memory_space<vmem>>, vector<16xi32>,
      %shift_right_logical3A_2226 = arith.constant 7 : i32
      %shift_right_logical3A_2227 = vector.broadcast %shift_right_logical3A_2226 : i32 to vector<16xi32>
      %shift_right_logical3A_2228 = arith.shrui %get3A_2225, %shift_right_logical3A_2227 : vector<16xi32>
      %and3A_2229 = arith.constant 127 : i32
      %and3A_2230 = vector.broadcast %and3A_2229 : i32 to vector<16xi32>
      %and3A_2231 = arith.andi %get3A_2225, %and3A_2230 : vector<16xi32>
      tpu.vector_store_idx %arg15[%shift_right_logical3A_2228, %and3A_2231], %broadcast_in_dim3A_1 {add = true} : memref<80x128xf32, #tpu.memory_space<vmem>>[vector<16xi32>, vector<16xi32>], vector<16xf32>,
      %dma_wait3A_2232 = arith.constant 0 : i32
      %dma_wait3A_2233 = arith.constant 0 : i32
      %dma_wait3A_2234 = tpu.memref_slice %arg10[%dma_wait3A_2232, %dma_wait3A_2233] : memref<10x128xi32, #tpu.memory_space<vmem>> -> memref<1x128xi32, #tpu.memory_space<vmem>>
      %dma_wait3A_2235 = tpu.memref_squeeze %dma_wait3A_2234 : memref<1x128xi32, #tpu.memory_space<vmem>> -> memref<128xi32, #tpu.memory_space<vmem>>
      %dma_wait3A_2236 = arith.constant 0 : i32
      %dma_wait3A_2237 = arith.constant 0 : i32
      %dma_wait3A_2238 = tpu.memref_slice %arg17[%dma_wait3A_2236, %dma_wait3A_2237] : memref<10240x128xf32, #tpu.memory_space<vmem_shared>> -> memref<10240x128xf32, #tpu.memory_space<vmem_shared>>
      tpu.wait_indirect_dma semaphore(%arg21 : memref<!tpu.dma_semaphore, #tpu.memory_space<semaphore_mem>>) src(%arg13 : memref<128x128xf32, #tpu.memory_space<vmem>>) dst(%dma_wait3A_2238 : memref<10240x128xf32, #tpu.memory_space<vmem_shared>>)
      %add3A_2239 = arith.constant 2 : i32
      %add3A_2240 = arith.addi %add3A_2057, %add3A_2239 : i32
      %dma_start3A_2241 = arith.constant 0 : i32
      %dma_start3A_2242 = tpu.memref_slice %arg9[%add3A_2240, %dma_start3A_2241] : memref<10x128xi32, #tpu.memory_space<vmem>> -> memref<1x128xi32, #tpu.memory_space<vmem>>
      %dma_start3A_2243 = tpu.memref_squeeze %dma_start3A_2242 : memref<1x128xi32, #tpu.memory_space<vmem>> -> memref<128xi32, #tpu.memory_space<vmem>>
      %dma_start3A_2244 = arith.constant 0 : i32
      %dma_start3A_2245 = arith.constant 0 : i32
      %dma_start3A_2246 = tpu.memref_slice %arg2[%dma_start3A_2244, %dma_start3A_2245] : memref<10000x128xf32, #tpu.memory_space<hbm>> -> memref<10000x128xf32, #tpu.memory_space<hbm>>
      tpu.enqueue_indirect_dma source(%dma_start3A_2246 : memref<10000x128xf32, #tpu.memory_space<hbm>>) target(%arg13 : memref<128x128xf32, #tpu.memory_space<vmem>>) offsets(%dma_start3A_2243 : memref<128xi32, #tpu.memory_space<vmem>>) semaphore(%arg19 : memref<!tpu.dma_semaphore, #tpu.memory_space<semaphore_mem>>)
      %dma_wait3A_2247 = arith.constant 0 : i32
      %dma_wait3A_2248 = arith.constant 0 : i32
      %dma_wait3A_2249 = tpu.memref_slice %arg10[%dma_wait3A_2247, %dma_wait3A_2248] : memref<10x128xi32, #tpu.memory_space<vmem>> -> memref<1x128xi32, #tpu.memory_space<vmem>>
      %dma_wait3A_2250 = tpu.memref_squeeze %dma_wait3A_2249 : memref<1x128xi32, #tpu.memory_space<vmem>> -> memref<128xi32, #tpu.memory_space<vmem>>
      %dma_wait3A_2251 = arith.constant 0 : i32
      %dma_wait3A_2252 = arith.constant 0 : i32
      %dma_wait3A_2253 = tpu.memref_slice %arg17[%dma_wait3A_2251, %dma_wait3A_2252] : memref<10240x128xf32, #tpu.memory_space<vmem_shared>> -> memref<10240x128xf32, #tpu.memory_space<vmem_shared>>
      tpu.wait_indirect_dma semaphore(%arg22 : memref<!tpu.dma_semaphore, #tpu.memory_space<semaphore_mem>>) src(%arg14 : memref<128x128xf32, #tpu.memory_space<vmem>>) dst(%dma_wait3A_2253 : memref<10240x128xf32, #tpu.memory_space<vmem_shared>>)
      %add3A_2254 = arith.constant 3 : i32
      %add3A_2255 = arith.addi %add3A_2057, %add3A_2254 : i32
      %dma_start3A_2256 = arith.constant 0 : i32
      %dma_start3A_2257 = tpu.memref_slice %arg9[%add3A_2255, %dma_start3A_2256] : memref<10x128xi32, #tpu.memory_space<vmem>> -> memref<1x128xi32, #tpu.memory_space<vmem>>
      %dma_start3A_2258 = tpu.memref_squeeze %dma_start3A_2257 : memref<1x128xi32, #tpu.memory_space<vmem>> -> memref<128xi32, #tpu.memory_space<vmem>>
      %dma_start3A_2259 = arith.constant 0 : i32
      %dma_start3A_2260 = arith.constant 0 : i32
      %dma_start3A_2261 = tpu.memref_slice %arg2[%dma_start3A_2259, %dma_start3A_2260] : memref<10000x128xf32, #tpu.memory_space<hbm>> -> memref<10000x128xf32, #tpu.memory_space<hbm>>
      tpu.enqueue_indirect_dma source(%dma_start3A_2261 : memref<10000x128xf32, #tpu.memory_space<hbm>>) target(%arg14 : memref<128x128xf32, #tpu.memory_space<vmem>>) offsets(%dma_start3A_2258 : memref<128xi32, #tpu.memory_space<vmem>>) semaphore(%arg20 : memref<!tpu.dma_semaphore, #tpu.memory_space<semaphore_mem>>)
    }
    %scan3A_1609 = arith.constant 4 : i32
    %dma_wait3A_1610 = arith.constant 0 : i32
    %dma_wait3A_1611 = arith.constant 0 : i32
    %dma_wait3A_1612 = tpu.memref_slice %arg9[%dma_wait3A_1610, %dma_wait3A_1611] : memref<10x128xi32, #tpu.memory_space<vmem>> -> memref<1x128xi32, #tpu.memory_space<vmem>>
    %dma_wait3A_1613 = tpu.memref_squeeze %dma_wait3A_1612 : memref<1x128xi32, #tpu.memory_space<vmem>> -> memref<128xi32, #tpu.memory_space<vmem>>
    %dma_wait3A_1614 = arith.constant 0 : i32
    %dma_wait3A_1615 = arith.constant 0 : i32
    %dma_wait3A_1616 = tpu.memref_slice %arg2[%dma_wait3A_1614, %dma_wait3A_1615] : memref<10000x128xf32, #tpu.memory_space<hbm>> -> memref<10000x128xf32, #tpu.memory_space<hbm>>
    tpu.wait_indirect_dma semaphore(%arg19 : memref<!tpu.dma_semaphore, #tpu.memory_space<semaphore_mem>>) src(%dma_wait3A_1616 : memref<10000x128xf32, #tpu.memory_space<hbm>>) dst(%arg13 : memref<128x128xf32, #tpu.memory_space<vmem>>)
    %dma_start3A_1617 = arith.constant 8 : i32
    %dma_start3A_1618 = arith.constant 0 : i32
    %dma_start3A_1619 = tpu.memref_slice %arg10[%dma_start3A_1617, %dma_start3A_1618] : memref<10x128xi32, #tpu.memory_space<vmem>> -> memref<1x128xi32, #tpu.memory_space<vmem>>
    %dma_start3A_1620 = tpu.memref_squeeze %dma_start3A_1619 : memref<1x128xi32, #tpu.memory_space<vmem>> -> memref<128xi32, #tpu.memory_space<vmem>>
    %dma_start3A_1621 = arith.constant 0 : i32
    %dma_start3A_1622 = arith.constant 0 : i32
    %dma_start3A_1623 = tpu.memref_slice %arg17[%dma_start3A_1621, %dma_start3A_1622] : memref<10240x128xf32, #tpu.memory_space<vmem_shared>> -> memref<10240x128xf32, #tpu.memory_space<vmem_shared>>
    tpu.enqueue_indirect_dma source(%arg13 : memref<128x128xf32, #tpu.memory_space<vmem>>) target(%dma_start3A_1623 : memref<10240x128xf32, #tpu.memory_space<vmem_shared>>) offsets(%dma_start3A_1620 : memref<128xi32, #tpu.memory_space<vmem>>) semaphore(%arg21 : memref<!tpu.dma_semaphore, #tpu.memory_space<semaphore_mem>>) {add = true}
    %get3A_1624 = arith.constant 8 : i32
    %get3A_1625 = arith.index_cast %get3A_1624 : i32 to index
    %get3A_1626 = arith.constant 0 : index
    %get3A_1627 = tpu.vector_load %arg10[%get3A_1625, %get3A_1626] {strides = array<i32>} : memref<10x128xi32, #tpu.memory_space<vmem>>, vector<16xi32>,
    %shift_right_logical3A_1628 = arith.constant 7 : i32
    %shift_right_logical3A_1629 = vector.broadcast %shift_right_logical3A_1628 : i32 to vector<16xi32>
    %shift_right_logical3A_1630 = arith.shrui %get3A_1627, %shift_right_logical3A_1629 : vector<16xi32>
    %and3A_1631 = arith.constant 127 : i32
    %and3A_1632 = vector.broadcast %and3A_1631 : i32 to vector<16xi32>
    %and3A_1633 = arith.andi %get3A_1627, %and3A_1632 : vector<16xi32>
    tpu.vector_store_idx %arg15[%shift_right_logical3A_1630, %and3A_1633], %broadcast_in_dim3A_1 {add = true} : memref<80x128xf32, #tpu.memory_space<vmem>>[vector<16xi32>, vector<16xi32>], vector<16xf32>,
    %get3A_1634 = arith.constant 8 : i32
    %get3A_1635 = arith.index_cast %get3A_1634 : i32 to index
    %get3A_1636 = arith.constant 16 : index
    %get3A_1637 = tpu.vector_load %arg10[%get3A_1635, %get3A_1636] {strides = array<i32>} : memref<10x128xi32, #tpu.memory_space<vmem>>, vector<16xi32>,
    %shift_right_logical3A_1638 = arith.constant 7 : i32
    %shift_right_logical3A_1639 = vector.broadcast %shift_right_logical3A_1638 : i32 to vector<16xi32>
    %shift_right_logical3A_1640 = arith.shrui %get3A_1637, %shift_right_logical3A_1639 : vector<16xi32>
    %and3A_1641 = arith.constant 127 : i32
    %and3A_1642 = vector.broadcast %and3A_1641 : i32 to vector<16xi32>
    %and3A_1643 = arith.andi %get3A_1637, %and3A_1642 : vector<16xi32>
    tpu.vector_store_idx %arg15[%shift_right_logical3A_1640, %and3A_1643], %broadcast_in_dim3A_1 {add = true} : memref<80x128xf32, #tpu.memory_space<vmem>>[vector<16xi32>, vector<16xi32>], vector<16xf32>,
    %get3A_1644 = arith.constant 8 : i32
    %get3A_1645 = arith.index_cast %get3A_1644 : i32 to index
    %get3A_1646 = arith.constant 32 : index
    %get3A_1647 = tpu.vector_load %arg10[%get3A_1645, %get3A_1646] {strides = array<i32>} : memref<10x128xi32, #tpu.memory_space<vmem>>, vector<16xi32>,
    %shift_right_logical3A_1648 = arith.constant 7 : i32
    %shift_right_logical3A_1649 = vector.broadcast %shift_right_logical3A_1648 : i32 to vector<16xi32>
    %shift_right_logical3A_1650 = arith.shrui %get3A_1647, %shift_right_logical3A_1649 : vector<16xi32>
    %and3A_1651 = arith.constant 127 : i32
    %and3A_1652 = vector.broadcast %and3A_1651 : i32 to vector<16xi32>
    %and3A_1653 = arith.andi %get3A_1647, %and3A_1652 : vector<16xi32>
    tpu.vector_store_idx %arg15[%shift_right_logical3A_1650, %and3A_1653], %broadcast_in_dim3A_1 {add = true} : memref<80x128xf32, #tpu.memory_space<vmem>>[vector<16xi32>, vector<16xi32>], vector<16xf32>,
    %get3A_1654 = arith.constant 8 : i32
    %get3A_1655 = arith.index_cast %get3A_1654 : i32 to index
    %get3A_1656 = arith.constant 48 : index
    %get3A_1657 = tpu.vector_load %arg10[%get3A_1655, %get3A_1656] {strides = array<i32>} : memref<10x128xi32, #tpu.memory_space<vmem>>, vector<16xi32>,
    %shift_right_logical3A_1658 = arith.constant 7 : i32
    %shift_right_logical3A_1659 = vector.broadcast %shift_right_logical3A_1658 : i32 to vector<16xi32>
    %shift_right_logical3A_1660 = arith.shrui %get3A_1657, %shift_right_logical3A_1659 : vector<16xi32>
    %and3A_1661 = arith.constant 127 : i32
    %and3A_1662 = vector.broadcast %and3A_1661 : i32 to vector<16xi32>
    %and3A_1663 = arith.andi %get3A_1657, %and3A_1662 : vector<16xi32>
    tpu.vector_store_idx %arg15[%shift_right_logical3A_1660, %and3A_1663], %broadcast_in_dim3A_1 {add = true} : memref<80x128xf32, #tpu.memory_space<vmem>>[vector<16xi32>, vector<16xi32>], vector<16xf32>,
    %get3A_1664 = arith.constant 8 : i32
    %get3A_1665 = arith.index_cast %get3A_1664 : i32 to index
    %get3A_1666 = arith.constant 64 : index
    %get3A_1667 = tpu.vector_load %arg10[%get3A_1665, %get3A_1666] {strides = array<i32>} : memref<10x128xi32, #tpu.memory_space<vmem>>, vector<16xi32>,
    %shift_right_logical3A_1668 = arith.constant 7 : i32
    %shift_right_logical3A_1669 = vector.broadcast %shift_right_logical3A_1668 : i32 to vector<16xi32>
    %shift_right_logical3A_1670 = arith.shrui %get3A_1667, %shift_right_logical3A_1669 : vector<16xi32>
    %and3A_1671 = arith.constant 127 : i32
    %and3A_1672 = vector.broadcast %and3A_1671 : i32 to vector<16xi32>
    %and3A_1673 = arith.andi %get3A_1667, %and3A_1672 : vector<16xi32>
    tpu.vector_store_idx %arg15[%shift_right_logical3A_1670, %and3A_1673], %broadcast_in_dim3A_1 {add = true} : memref<80x128xf32, #tpu.memory_space<vmem>>[vector<16xi32>, vector<16xi32>], vector<16xf32>,
    %get3A_1674 = arith.constant 8 : i32
    %get3A_1675 = arith.index_cast %get3A_1674 : i32 to index
    %get3A_1676 = arith.constant 80 : index
    %get3A_1677 = tpu.vector_load %arg10[%get3A_1675, %get3A_1676] {strides = array<i32>} : memref<10x128xi32, #tpu.memory_space<vmem>>, vector<16xi32>,
    %shift_right_logical3A_1678 = arith.constant 7 : i32
    %shift_right_logical3A_1679 = vector.broadcast %shift_right_logical3A_1678 : i32 to vector<16xi32>
    %shift_right_logical3A_1680 = arith.shrui %get3A_1677, %shift_right_logical3A_1679 : vector<16xi32>
    %and3A_1681 = arith.constant 127 : i32
    %and3A_1682 = vector.broadcast %and3A_1681 : i32 to vector<16xi32>
    %and3A_1683 = arith.andi %get3A_1677, %and3A_1682 : vector<16xi32>
    tpu.vector_store_idx %arg15[%shift_right_logical3A_1680, %and3A_1683], %broadcast_in_dim3A_1 {add = true} : memref<80x128xf32, #tpu.memory_space<vmem>>[vector<16xi32>, vector<16xi32>], vector<16xf32>,
    %get3A_1684 = arith.constant 8 : i32
    %get3A_1685 = arith.index_cast %get3A_1684 : i32 to index
    %get3A_1686 = arith.constant 96 : index
    %get3A_1687 = tpu.vector_load %arg10[%get3A_1685, %get3A_1686] {strides = array<i32>} : memref<10x128xi32, #tpu.memory_space<vmem>>, vector<16xi32>,
    %shift_right_logical3A_1688 = arith.constant 7 : i32
    %shift_right_logical3A_1689 = vector.broadcast %shift_right_logical3A_1688 : i32 to vector<16xi32>
    %shift_right_logical3A_1690 = arith.shrui %get3A_1687, %shift_right_logical3A_1689 : vector<16xi32>
    %and3A_1691 = arith.constant 127 : i32
    %and3A_1692 = vector.broadcast %and3A_1691 : i32 to vector<16xi32>
    %and3A_1693 = arith.andi %get3A_1687, %and3A_1692 : vector<16xi32>
    tpu.vector_store_idx %arg15[%shift_right_logical3A_1690, %and3A_1693], %broadcast_in_dim3A_1 {add = true} : memref<80x128xf32, #tpu.memory_space<vmem>>[vector<16xi32>, vector<16xi32>], vector<16xf32>,
    %get3A_1694 = arith.constant 8 : i32
    %get3A_1695 = arith.index_cast %get3A_1694 : i32 to index
    %get3A_1696 = arith.constant 112 : index
    %get3A_1697 = tpu.vector_load %arg10[%get3A_1695, %get3A_1696] {strides = array<i32>} : memref<10x128xi32, #tpu.memory_space<vmem>>, vector<16xi32>,
    %shift_right_logical3A_1698 = arith.constant 7 : i32
    %shift_right_logical3A_1699 = vector.broadcast %shift_right_logical3A_1698 : i32 to vector<16xi32>
    %shift_right_logical3A_1700 = arith.shrui %get3A_1697, %shift_right_logical3A_1699 : vector<16xi32>
    %and3A_1701 = arith.constant 127 : i32
    %and3A_1702 = vector.broadcast %and3A_1701 : i32 to vector<16xi32>
    %and3A_1703 = arith.andi %get3A_1697, %and3A_1702 : vector<16xi32>
    tpu.vector_store_idx %arg15[%shift_right_logical3A_1700, %and3A_1703], %broadcast_in_dim3A_1 {add = true} : memref<80x128xf32, #tpu.memory_space<vmem>>[vector<16xi32>, vector<16xi32>], vector<16xf32>,
    %dma_wait3A_1704 = arith.constant 0 : i32
    %dma_wait3A_1705 = arith.constant 0 : i32
    %dma_wait3A_1706 = tpu.memref_slice %arg9[%dma_wait3A_1704, %dma_wait3A_1705] : memref<10x128xi32, #tpu.memory_space<vmem>> -> memref<1x128xi32, #tpu.memory_space<vmem>>
    %dma_wait3A_1707 = tpu.memref_squeeze %dma_wait3A_1706 : memref<1x128xi32, #tpu.memory_space<vmem>> -> memref<128xi32, #tpu.memory_space<vmem>>
    %dma_wait3A_1708 = arith.constant 0 : i32
    %dma_wait3A_1709 = arith.constant 0 : i32
    %dma_wait3A_1710 = tpu.memref_slice %arg2[%dma_wait3A_1708, %dma_wait3A_1709] : memref<10000x128xf32, #tpu.memory_space<hbm>> -> memref<10000x128xf32, #tpu.memory_space<hbm>>
    tpu.wait_indirect_dma semaphore(%arg20 : memref<!tpu.dma_semaphore, #tpu.memory_space<semaphore_mem>>) src(%dma_wait3A_1710 : memref<10000x128xf32, #tpu.memory_space<hbm>>) dst(%arg14 : memref<128x128xf32, #tpu.memory_space<vmem>>)
    %dma_start3A_1711 = arith.constant 9 : i32
    %dma_start3A_1712 = arith.constant 0 : i32
    %dma_start3A_1713 = tpu.memref_slice %arg10[%dma_start3A_1711, %dma_start3A_1712] : memref<10x128xi32, #tpu.memory_space<vmem>> -> memref<1x128xi32, #tpu.memory_space<vmem>>
    %dma_start3A_1714 = tpu.memref_squeeze %dma_start3A_1713 : memref<1x128xi32, #tpu.memory_space<vmem>> -> memref<128xi32, #tpu.memory_space<vmem>>
    %dma_start3A_1715 = arith.constant 0 : i32
    %dma_start3A_1716 = arith.constant 0 : i32
    %dma_start3A_1717 = tpu.memref_slice %arg17[%dma_start3A_1715, %dma_start3A_1716] : memref<10240x128xf32, #tpu.memory_space<vmem_shared>> -> memref<10240x128xf32, #tpu.memory_space<vmem_shared>>
    tpu.enqueue_indirect_dma source(%arg14 : memref<128x128xf32, #tpu.memory_space<vmem>>) target(%dma_start3A_1717 : memref<10240x128xf32, #tpu.memory_space<vmem_shared>>) offsets(%dma_start3A_1714 : memref<128xi32, #tpu.memory_space<vmem>>) semaphore(%arg22 : memref<!tpu.dma_semaphore, #tpu.memory_space<semaphore_mem>>) {add = true}
    %get3A_1718 = arith.constant 9 : i32
    %get3A_1719 = arith.index_cast %get3A_1718 : i32 to index
    %get3A_1720 = arith.constant 0 : index
    %get3A_1721 = tpu.vector_load %arg10[%get3A_1719, %get3A_1720] {strides = array<i32>} : memref<10x128xi32, #tpu.memory_space<vmem>>, vector<16xi32>,
    %shift_right_logical3A_1722 = arith.constant 7 : i32
    %shift_right_logical3A_1723 = vector.broadcast %shift_right_logical3A_1722 : i32 to vector<16xi32>
    %shift_right_logical3A_1724 = arith.shrui %get3A_1721, %shift_right_logical3A_1723 : vector<16xi32>
    %and3A_1725 = arith.constant 127 : i32
    %and3A_1726 = vector.broadcast %and3A_1725 : i32 to vector<16xi32>
    %and3A_1727 = arith.andi %get3A_1721, %and3A_1726 : vector<16xi32>
    tpu.vector_store_idx %arg15[%shift_right_logical3A_1724, %and3A_1727], %broadcast_in_dim3A_1 {add = true} : memref<80x128xf32, #tpu.memory_space<vmem>>[vector<16xi32>, vector<16xi32>], vector<16xf32>,
    %get3A_1728 = arith.constant 9 : i32
    %get3A_1729 = arith.index_cast %get3A_1728 : i32 to index
    %get3A_1730 = arith.constant 16 : index
    %get3A_1731 = tpu.vector_load %arg10[%get3A_1729, %get3A_1730] {strides = array<i32>} : memref<10x128xi32, #tpu.memory_space<vmem>>, vector<16xi32>,
    %shift_right_logical3A_1732 = arith.constant 7 : i32
    %shift_right_logical3A_1733 = vector.broadcast %shift_right_logical3A_1732 : i32 to vector<16xi32>
    %shift_right_logical3A_1734 = arith.shrui %get3A_1731, %shift_right_logical3A_1733 : vector<16xi32>
    %and3A_1735 = arith.constant 127 : i32
    %and3A_1736 = vector.broadcast %and3A_1735 : i32 to vector<16xi32>
    %and3A_1737 = arith.andi %get3A_1731, %and3A_1736 : vector<16xi32>
    tpu.vector_store_idx %arg15[%shift_right_logical3A_1734, %and3A_1737], %broadcast_in_dim3A_1 {add = true} : memref<80x128xf32, #tpu.memory_space<vmem>>[vector<16xi32>, vector<16xi32>], vector<16xf32>,
    %get3A_1738 = arith.constant 9 : i32
    %get3A_1739 = arith.index_cast %get3A_1738 : i32 to index
    %get3A_1740 = arith.constant 32 : index
    %get3A_1741 = tpu.vector_load %arg10[%get3A_1739, %get3A_1740] {strides = array<i32>} : memref<10x128xi32, #tpu.memory_space<vmem>>, vector<16xi32>,
    %shift_right_logical3A_1742 = arith.constant 7 : i32
    %shift_right_logical3A_1743 = vector.broadcast %shift_right_logical3A_1742 : i32 to vector<16xi32>
    %shift_right_logical3A_1744 = arith.shrui %get3A_1741, %shift_right_logical3A_1743 : vector<16xi32>
    %and3A_1745 = arith.constant 127 : i32
    %and3A_1746 = vector.broadcast %and3A_1745 : i32 to vector<16xi32>
    %and3A_1747 = arith.andi %get3A_1741, %and3A_1746 : vector<16xi32>
    tpu.vector_store_idx %arg15[%shift_right_logical3A_1744, %and3A_1747], %broadcast_in_dim3A_1 {add = true} : memref<80x128xf32, #tpu.memory_space<vmem>>[vector<16xi32>, vector<16xi32>], vector<16xf32>,
    %get3A_1748 = arith.constant 9 : i32
    %get3A_1749 = arith.index_cast %get3A_1748 : i32 to index
    %get3A_1750 = arith.constant 48 : index
    %get3A_1751 = tpu.vector_load %arg10[%get3A_1749, %get3A_1750] {strides = array<i32>} : memref<10x128xi32, #tpu.memory_space<vmem>>, vector<16xi32>,
    %shift_right_logical3A_1752 = arith.constant 7 : i32
    %shift_right_logical3A_1753 = vector.broadcast %shift_right_logical3A_1752 : i32 to vector<16xi32>
    %shift_right_logical3A_1754 = arith.shrui %get3A_1751, %shift_right_logical3A_1753 : vector<16xi32>
    %and3A_1755 = arith.constant 127 : i32
    %and3A_1756 = vector.broadcast %and3A_1755 : i32 to vector<16xi32>
    %and3A_1757 = arith.andi %get3A_1751, %and3A_1756 : vector<16xi32>
    tpu.vector_store_idx %arg15[%shift_right_logical3A_1754, %and3A_1757], %broadcast_in_dim3A_1 {add = true} : memref<80x128xf32, #tpu.memory_space<vmem>>[vector<16xi32>, vector<16xi32>], vector<16xf32>,
    %get3A_1758 = arith.constant 9 : i32
    %get3A_1759 = arith.index_cast %get3A_1758 : i32 to index
    %get3A_1760 = arith.constant 64 : index
    %get3A_1761 = tpu.vector_load %arg10[%get3A_1759, %get3A_1760] {strides = array<i32>} : memref<10x128xi32, #tpu.memory_space<vmem>>, vector<16xi32>,
    %shift_right_logical3A_1762 = arith.constant 7 : i32
    %shift_right_logical3A_1763 = vector.broadcast %shift_right_logical3A_1762 : i32 to vector<16xi32>
    %shift_right_logical3A_1764 = arith.shrui %get3A_1761, %shift_right_logical3A_1763 : vector<16xi32>
    %and3A_1765 = arith.constant 127 : i32
    %and3A_1766 = vector.broadcast %and3A_1765 : i32 to vector<16xi32>
    %and3A_1767 = arith.andi %get3A_1761, %and3A_1766 : vector<16xi32>
    tpu.vector_store_idx %arg15[%shift_right_logical3A_1764, %and3A_1767], %broadcast_in_dim3A_1 {add = true} : memref<80x128xf32, #tpu.memory_space<vmem>>[vector<16xi32>, vector<16xi32>], vector<16xf32>,
    %get3A_1768 = arith.constant 9 : i32
    %get3A_1769 = arith.index_cast %get3A_1768 : i32 to index
    %get3A_1770 = arith.constant 80 : index
    %get3A_1771 = tpu.vector_load %arg10[%get3A_1769, %get3A_1770] {strides = array<i32>} : memref<10x128xi32, #tpu.memory_space<vmem>>, vector<16xi32>,
    %shift_right_logical3A_1772 = arith.constant 7 : i32
    %shift_right_logical3A_1773 = vector.broadcast %shift_right_logical3A_1772 : i32 to vector<16xi32>
    %shift_right_logical3A_1774 = arith.shrui %get3A_1771, %shift_right_logical3A_1773 : vector<16xi32>
    %and3A_1775 = arith.constant 127 : i32
    %and3A_1776 = vector.broadcast %and3A_1775 : i32 to vector<16xi32>
    %and3A_1777 = arith.andi %get3A_1771, %and3A_1776 : vector<16xi32>
    tpu.vector_store_idx %arg15[%shift_right_logical3A_1774, %and3A_1777], %broadcast_in_dim3A_1 {add = true} : memref<80x128xf32, #tpu.memory_space<vmem>>[vector<16xi32>, vector<16xi32>], vector<16xf32>,
    %get3A_1778 = arith.constant 9 : i32
    %get3A_1779 = arith.index_cast %get3A_1778 : i32 to index
    %get3A_1780 = arith.constant 96 : index
    %get3A_1781 = tpu.vector_load %arg10[%get3A_1779, %get3A_1780] {strides = array<i32>} : memref<10x128xi32, #tpu.memory_space<vmem>>, vector<16xi32>,
    %shift_right_logical3A_1782 = arith.constant 7 : i32
    %shift_right_logical3A_1783 = vector.broadcast %shift_right_logical3A_1782 : i32 to vector<16xi32>
    %shift_right_logical3A_1784 = arith.shrui %get3A_1781, %shift_right_logical3A_1783 : vector<16xi32>
    %and3A_1785 = arith.constant 127 : i32
    %and3A_1786 = vector.broadcast %and3A_1785 : i32 to vector<16xi32>
    %and3A_1787 = arith.andi %get3A_1781, %and3A_1786 : vector<16xi32>
    tpu.vector_store_idx %arg15[%shift_right_logical3A_1784, %and3A_1787], %broadcast_in_dim3A_1 {add = true} : memref<80x128xf32, #tpu.memory_space<vmem>>[vector<16xi32>, vector<16xi32>], vector<16xf32>,
    %get3A_1788 = arith.constant 9 : i32
    %get3A_1789 = arith.index_cast %get3A_1788 : i32 to index
    %get3A_1790 = arith.constant 112 : index
    %get3A_1791 = tpu.vector_load %arg10[%get3A_1789, %get3A_1790] {strides = array<i32>} : memref<10x128xi32, #tpu.memory_space<vmem>>, vector<16xi32>,
    %shift_right_logical3A_1792 = arith.constant 7 : i32
    %shift_right_logical3A_1793 = vector.broadcast %shift_right_logical3A_1792 : i32 to vector<16xi32>
    %shift_right_logical3A_1794 = arith.shrui %get3A_1791, %shift_right_logical3A_1793 : vector<16xi32>
    %and3A_1795 = arith.constant 127 : i32
    %and3A_1796 = vector.broadcast %and3A_1795 : i32 to vector<16xi32>
    %and3A_1797 = arith.andi %get3A_1791, %and3A_1796 : vector<16xi32>
    tpu.vector_store_idx %arg15[%shift_right_logical3A_1794, %and3A_1797], %broadcast_in_dim3A_1 {add = true} : memref<80x128xf32, #tpu.memory_space<vmem>>[vector<16xi32>, vector<16xi32>], vector<16xf32>,
    %dma_wait3A_1798 = arith.constant 0 : i32
    %dma_wait3A_1799 = arith.constant 0 : i32
    %dma_wait3A_1800 = arith.constant 0 : i32
    %dma_wait3A_1801 = tpu.memref_slice %arg3[%add3A, %dma_wait3A_1798, %dma_wait3A_1799, %dma_wait3A_1800] : memref<32x8x10x128xi32, #tpu.memory_space<hbm>> -> memref<1x1x10x128xi32, #tpu.memory_space<hbm>>
    %dma_wait3A_1802 = tpu.memref_squeeze %dma_wait3A_1801 : memref<1x1x10x128xi32, #tpu.memory_space<hbm>> -> memref<10x128xi32, #tpu.memory_space<hbm>>
    %dma_wait3A_1803 = arith.constant 0 : i32
    %dma_wait3A_1804 = arith.constant 0 : i32
    %dma_wait3A_1805 = tpu.memref_slice %arg3[%add3A, %dma_wait3A_1798, %dma_wait3A_1803, %dma_wait3A_1804] : memref<32x8x10x128xi32, #tpu.memory_space<hbm>> -> memref<1x1x10x128xi32, #tpu.memory_space<hbm>>
    %dma_wait3A_1806 = tpu.memref_squeeze %dma_wait3A_1805 : memref<1x1x10x128xi32, #tpu.memory_space<hbm>> -> memref<10x128xi32, #tpu.memory_space<hbm>>
    tpu.wait_dma2 semaphore(%arg24 : memref<!tpu.dma_semaphore, #tpu.memory_space<semaphore_mem>>) src(%dma_wait3A_1806 : memref<10x128xi32, #tpu.memory_space<hbm>>) dst(%arg9 : memref<10x128xi32, #tpu.memory_space<vmem>>)
    %dma_wait3A_1807 = arith.constant 0 : i32
    %dma_wait3A_1808 = arith.constant 0 : i32
    %dma_wait3A_1809 = arith.constant 0 : i32
    %dma_wait3A_1810 = tpu.memref_slice %arg4[%add3A, %dma_wait3A_1807, %dma_wait3A_1808, %dma_wait3A_1809] : memref<32x8x10x128xi32, #tpu.memory_space<hbm>> -> memref<1x1x10x128xi32, #tpu.memory_space<hbm>>
    %dma_wait3A_1811 = tpu.memref_squeeze %dma_wait3A_1810 : memref<1x1x10x128xi32, #tpu.memory_space<hbm>> -> memref<10x128xi32, #tpu.memory_space<hbm>>
    %dma_wait3A_1812 = arith.constant 0 : i32
    %dma_wait3A_1813 = arith.constant 0 : i32
    %dma_wait3A_1814 = tpu.memref_slice %arg4[%add3A, %dma_wait3A_1807, %dma_wait3A_1812, %dma_wait3A_1813] : memref<32x8x10x128xi32, #tpu.memory_space<hbm>> -> memref<1x1x10x128xi32, #tpu.memory_space<hbm>>
    %dma_wait3A_1815 = tpu.memref_squeeze %dma_wait3A_1814 : memref<1x1x10x128xi32, #tpu.memory_space<hbm>> -> memref<10x128xi32, #tpu.memory_space<hbm>>
    tpu.wait_dma2 semaphore(%arg24 : memref<!tpu.dma_semaphore, #tpu.memory_space<semaphore_mem>>) src(%dma_wait3A_1815 : memref<10x128xi32, #tpu.memory_space<hbm>>) dst(%arg10 : memref<10x128xi32, #tpu.memory_space<vmem>>)
    %dma_wait3A_1816 = arith.constant 0 : i32
    %dma_wait3A_1817 = arith.constant 0 : i32
    %dma_wait3A_1818 = tpu.memref_slice %arg10[%dma_wait3A_1816, %dma_wait3A_1817] : memref<10x128xi32, #tpu.memory_space<vmem>> -> memref<1x128xi32, #tpu.memory_space<vmem>>
    %dma_wait3A_1819 = tpu.memref_squeeze %dma_wait3A_1818 : memref<1x128xi32, #tpu.memory_space<vmem>> -> memref<128xi32, #tpu.memory_space<vmem>>
    %dma_wait3A_1820 = arith.constant 0 : i32
    %dma_wait3A_1821 = arith.constant 0 : i32
    %dma_wait3A_1822 = tpu.memref_slice %arg17[%dma_wait3A_1820, %dma_wait3A_1821] : memref<10240x128xf32, #tpu.memory_space<vmem_shared>> -> memref<10240x128xf32, #tpu.memory_space<vmem_shared>>
    tpu.wait_indirect_dma semaphore(%arg21 : memref<!tpu.dma_semaphore, #tpu.memory_space<semaphore_mem>>) src(%arg13 : memref<128x128xf32, #tpu.memory_space<vmem>>) dst(%dma_wait3A_1822 : memref<10240x128xf32, #tpu.memory_space<vmem_shared>>)
    %dma_start3A_1823 = arith.constant 0 : i32
    %dma_start3A_1824 = arith.constant 0 : i32
    %dma_start3A_1825 = tpu.memref_slice %arg11[%dma_start3A_1823, %dma_start3A_1824] : memref<10x128xi32, #tpu.memory_space<vmem>> -> memref<1x128xi32, #tpu.memory_space<vmem>>
    %dma_start3A_1826 = tpu.memref_squeeze %dma_start3A_1825 : memref<1x128xi32, #tpu.memory_space<vmem>> -> memref<128xi32, #tpu.memory_space<vmem>>
    %dma_start3A_1827 = arith.constant 0 : i32
    %dma_start3A_1828 = arith.constant 0 : i32
    %dma_start3A_1829 = tpu.memref_slice %arg2[%dma_start3A_1827, %dma_start3A_1828] : memref<10000x128xf32, #tpu.memory_space<hbm>> -> memref<10000x128xf32, #tpu.memory_space<hbm>>
    tpu.enqueue_indirect_dma source(%dma_start3A_1829 : memref<10000x128xf32, #tpu.memory_space<hbm>>) target(%arg13 : memref<128x128xf32, #tpu.memory_space<vmem>>) offsets(%dma_start3A_1826 : memref<128xi32, #tpu.memory_space<vmem>>) semaphore(%arg19 : memref<!tpu.dma_semaphore, #tpu.memory_space<semaphore_mem>>)
    %dma_wait3A_1830 = arith.constant 0 : i32
    %dma_wait3A_1831 = arith.constant 0 : i32
    %dma_wait3A_1832 = tpu.memref_slice %arg10[%dma_wait3A_1830, %dma_wait3A_1831] : memref<10x128xi32, #tpu.memory_space<vmem>> -> memref<1x128xi32, #tpu.memory_space<vmem>>
    %dma_wait3A_1833 = tpu.memref_squeeze %dma_wait3A_1832 : memref<1x128xi32, #tpu.memory_space<vmem>> -> memref<128xi32, #tpu.memory_space<vmem>>
    %dma_wait3A_1834 = arith.constant 0 : i32
    %dma_wait3A_1835 = arith.constant 0 : i32
    %dma_wait3A_1836 = tpu.memref_slice %arg17[%dma_wait3A_1834, %dma_wait3A_1835] : memref<10240x128xf32, #tpu.memory_space<vmem_shared>> -> memref<10240x128xf32, #tpu.memory_space<vmem_shared>>
    tpu.wait_indirect_dma semaphore(%arg22 : memref<!tpu.dma_semaphore, #tpu.memory_space<semaphore_mem>>) src(%arg14 : memref<128x128xf32, #tpu.memory_space<vmem>>) dst(%dma_wait3A_1836 : memref<10240x128xf32, #tpu.memory_space<vmem_shared>>)
    %dma_start3A_1837 = arith.constant 1 : i32
    %dma_start3A_1838 = arith.constant 0 : i32
    %dma_start3A_1839 = tpu.memref_slice %arg11[%dma_start3A_1837, %dma_start3A_1838] : memref<10x128xi32, #tpu.memory_space<vmem>> -> memref<1x128xi32, #tpu.memory_space<vmem>>
    %dma_start3A_1840 = tpu.memref_squeeze %dma_start3A_1839 : memref<1x128xi32, #tpu.memory_space<vmem>> -> memref<128xi32, #tpu.memory_space<vmem>>
    %dma_start3A_1841 = arith.constant 0 : i32
    %dma_start3A_1842 = arith.constant 0 : i32
    %dma_start3A_1843 = tpu.memref_slice %arg2[%dma_start3A_1841, %dma_start3A_1842] : memref<10000x128xf32, #tpu.memory_space<hbm>> -> memref<10000x128xf32, #tpu.memory_space<hbm>>
    tpu.enqueue_indirect_dma source(%dma_start3A_1843 : memref<10000x128xf32, #tpu.memory_space<hbm>>) target(%arg14 : memref<128x128xf32, #tpu.memory_space<vmem>>) offsets(%dma_start3A_1840 : memref<128xi32, #tpu.memory_space<vmem>>) semaphore(%arg20 : memref<!tpu.dma_semaphore, #tpu.memory_space<semaphore_mem>>)
    %scan3A_1844 = arith.constant 0 : i32
    %scan3A_1845 = arith.constant 4 : i32
    %scan3A_1846 = arith.addi %scan3A_1844, %scan3A_1845 : i32
    %scan3A_1847 = arith.constant 1 : i32
    scf.for %scan3A_2053 = %scan3A_1844 to %scan3A_1846 step %scan3A_1847  : i32 {
      %mul3A_2054 = arith.constant 2 : i32
      %mul3A_2055 = arith.muli %scan3A_2053, %mul3A_2054 : i32
      %add3A_2056 = arith.constant 0 : i32
      %add3A_2057 = arith.addi %add3A_2056, %mul3A_2055 : i32
      %dma_wait3A_2058 = arith.constant 0 : i32
      %dma_wait3A_2059 = arith.constant 0 : i32
      %dma_wait3A_2060 = tpu.memref_slice %arg9[%dma_wait3A_2058, %dma_wait3A_2059] : memref<10x128xi32, #tpu.memory_space<vmem>> -> memref<1x128xi32, #tpu.memory_space<vmem>>
      %dma_wait3A_2061 = tpu.memref_squeeze %dma_wait3A_2060 : memref<1x128xi32, #tpu.memory_space<vmem>> -> memref<128xi32, #tpu.memory_space<vmem>>
      %dma_wait3A_2062 = arith.constant 0 : i32
      %dma_wait3A_2063 = arith.constant 0 : i32
      %dma_wait3A_2064 = tpu.memref_slice %arg2[%dma_wait3A_2062, %dma_wait3A_2063] : memref<10000x128xf32, #tpu.memory_space<hbm>> -> memref<10000x128xf32, #tpu.memory_space<hbm>>
      tpu.wait_indirect_dma semaphore(%arg19 : memref<!tpu.dma_semaphore, #tpu.memory_space<semaphore_mem>>) src(%dma_wait3A_2064 : memref<10000x128xf32, #tpu.memory_space<hbm>>) dst(%arg13 : memref<128x128xf32, #tpu.memory_space<vmem>>)
      %dma_start3A_2065 = arith.constant 0 : i32
      %dma_start3A_2066 = tpu.memref_slice %arg12[%add3A_2057, %dma_start3A_2065] : memref<10x128xi32, #tpu.memory_space<vmem>> -> memref<1x128xi32, #tpu.memory_space<vmem>>
      %dma_start3A_2067 = tpu.memref_squeeze %dma_start3A_2066 : memref<1x128xi32, #tpu.memory_space<vmem>> -> memref<128xi32, #tpu.memory_space<vmem>>
      %dma_start3A_2068 = arith.constant 0 : i32
      %dma_start3A_2069 = arith.constant 0 : i32
      %dma_start3A_2070 = tpu.memref_slice %arg17[%dma_start3A_2068, %dma_start3A_2069] : memref<10240x128xf32, #tpu.memory_space<vmem_shared>> -> memref<10240x128xf32, #tpu.memory_space<vmem_shared>>
      tpu.enqueue_indirect_dma source(%arg13 : memref<128x128xf32, #tpu.memory_space<vmem>>) target(%dma_start3A_2070 : memref<10240x128xf32, #tpu.memory_space<vmem_shared>>) offsets(%dma_start3A_2067 : memref<128xi32, #tpu.memory_space<vmem>>) semaphore(%arg21 : memref<!tpu.dma_semaphore, #tpu.memory_space<semaphore_mem>>) {add = true}
      %get3A_2071 = arith.index_cast %add3A_2057 : i32 to index
      %get3A_2072 = arith.constant 0 : index
      %get3A_2073 = tpu.vector_load %arg12[%get3A_2071, %get3A_2072] {strides = array<i32>} : memref<10x128xi32, #tpu.memory_space<vmem>>, vector<16xi32>,
      %shift_right_logical3A_2074 = arith.constant 7 : i32
      %shift_right_logical3A_2075 = vector.broadcast %shift_right_logical3A_2074 : i32 to vector<16xi32>
      %shift_right_logical3A_2076 = arith.shrui %get3A_2073, %shift_right_logical3A_2075 : vector<16xi32>
      %and3A_2077 = arith.constant 127 : i32
      %and3A_2078 = vector.broadcast %and3A_2077 : i32 to vector<16xi32>
      %and3A_2079 = arith.andi %get3A_2073, %and3A_2078 : vector<16xi32>
      tpu.vector_store_idx %arg15[%shift_right_logical3A_2076, %and3A_2079], %broadcast_in_dim3A_1 {add = true} : memref<80x128xf32, #tpu.memory_space<vmem>>[vector<16xi32>, vector<16xi32>], vector<16xf32>,
      %get3A_2080 = arith.index_cast %add3A_2057 : i32 to index
      %get3A_2081 = arith.constant 16 : index
      %get3A_2082 = tpu.vector_load %arg12[%get3A_2080, %get3A_2081] {strides = array<i32>} : memref<10x128xi32, #tpu.memory_space<vmem>>, vector<16xi32>,
      %shift_right_logical3A_2083 = arith.constant 7 : i32
      %shift_right_logical3A_2084 = vector.broadcast %shift_right_logical3A_2083 : i32 to vector<16xi32>
      %shift_right_logical3A_2085 = arith.shrui %get3A_2082, %shift_right_logical3A_2084 : vector<16xi32>
      %and3A_2086 = arith.constant 127 : i32
      %and3A_2087 = vector.broadcast %and3A_2086 : i32 to vector<16xi32>
      %and3A_2088 = arith.andi %get3A_2082, %and3A_2087 : vector<16xi32>
      tpu.vector_store_idx %arg15[%shift_right_logical3A_2085, %and3A_2088], %broadcast_in_dim3A_1 {add = true} : memref<80x128xf32, #tpu.memory_space<vmem>>[vector<16xi32>, vector<16xi32>], vector<16xf32>,
      %get3A_2089 = arith.index_cast %add3A_2057 : i32 to index
      %get3A_2090 = arith.constant 32 : index
      %get3A_2091 = tpu.vector_load %arg12[%get3A_2089, %get3A_2090] {strides = array<i32>} : memref<10x128xi32, #tpu.memory_space<vmem>>, vector<16xi32>,
      %shift_right_logical3A_2092 = arith.constant 7 : i32
      %shift_right_logical3A_2093 = vector.broadcast %shift_right_logical3A_2092 : i32 to vector<16xi32>
      %shift_right_logical3A_2094 = arith.shrui %get3A_2091, %shift_right_logical3A_2093 : vector<16xi32>
      %and3A_2095 = arith.constant 127 : i32
      %and3A_2096 = vector.broadcast %and3A_2095 : i32 to vector<16xi32>
      %and3A_2097 = arith.andi %get3A_2091, %and3A_2096 : vector<16xi32>
      tpu.vector_store_idx %arg15[%shift_right_logical3A_2094, %and3A_2097], %broadcast_in_dim3A_1 {add = true} : memref<80x128xf32, #tpu.memory_space<vmem>>[vector<16xi32>, vector<16xi32>], vector<16xf32>,
      %get3A_2098 = arith.index_cast %add3A_2057 : i32 to index
      %get3A_2099 = arith.constant 48 : index
      %get3A_2100 = tpu.vector_load %arg12[%get3A_2098, %get3A_2099] {strides = array<i32>} : memref<10x128xi32, #tpu.memory_space<vmem>>, vector<16xi32>,
      %shift_right_logical3A_2101 = arith.constant 7 : i32
      %shift_right_logical3A_2102 = vector.broadcast %shift_right_logical3A_2101 : i32 to vector<16xi32>
      %shift_right_logical3A_2103 = arith.shrui %get3A_2100, %shift_right_logical3A_2102 : vector<16xi32>
      %and3A_2104 = arith.constant 127 : i32
      %and3A_2105 = vector.broadcast %and3A_2104 : i32 to vector<16xi32>
      %and3A_2106 = arith.andi %get3A_2100, %and3A_2105 : vector<16xi32>
      tpu.vector_store_idx %arg15[%shift_right_logical3A_2103, %and3A_2106], %broadcast_in_dim3A_1 {add = true} : memref<80x128xf32, #tpu.memory_space<vmem>>[vector<16xi32>, vector<16xi32>], vector<16xf32>,
      %get3A_2107 = arith.index_cast %add3A_2057 : i32 to index
      %get3A_2108 = arith.constant 64 : index
      %get3A_2109 = tpu.vector_load %arg12[%get3A_2107, %get3A_2108] {strides = array<i32>} : memref<10x128xi32, #tpu.memory_space<vmem>>, vector<16xi32>,
      %shift_right_logical3A_2110 = arith.constant 7 : i32
      %shift_right_logical3A_2111 = vector.broadcast %shift_right_logical3A_2110 : i32 to vector<16xi32>
      %shift_right_logical3A_2112 = arith.shrui %get3A_2109, %shift_right_logical3A_2111 : vector<16xi32>
      %and3A_2113 = arith.constant 127 : i32
      %and3A_2114 = vector.broadcast %and3A_2113 : i32 to vector<16xi32>
      %and3A_2115 = arith.andi %get3A_2109, %and3A_2114 : vector<16xi32>
      tpu.vector_store_idx %arg15[%shift_right_logical3A_2112, %and3A_2115], %broadcast_in_dim3A_1 {add = true} : memref<80x128xf32, #tpu.memory_space<vmem>>[vector<16xi32>, vector<16xi32>], vector<16xf32>,
      %get3A_2116 = arith.index_cast %add3A_2057 : i32 to index
      %get3A_2117 = arith.constant 80 : index
      %get3A_2118 = tpu.vector_load %arg12[%get3A_2116, %get3A_2117] {strides = array<i32>} : memref<10x128xi32, #tpu.memory_space<vmem>>, vector<16xi32>,
      %shift_right_logical3A_2119 = arith.constant 7 : i32
      %shift_right_logical3A_2120 = vector.broadcast %shift_right_logical3A_2119 : i32 to vector<16xi32>
      %shift_right_logical3A_2121 = arith.shrui %get3A_2118, %shift_right_logical3A_2120 : vector<16xi32>
      %and3A_2122 = arith.constant 127 : i32
      %and3A_2123 = vector.broadcast %and3A_2122 : i32 to vector<16xi32>
      %and3A_2124 = arith.andi %get3A_2118, %and3A_2123 : vector<16xi32>
      tpu.vector_store_idx %arg15[%shift_right_logical3A_2121, %and3A_2124], %broadcast_in_dim3A_1 {add = true} : memref<80x128xf32, #tpu.memory_space<vmem>>[vector<16xi32>, vector<16xi32>], vector<16xf32>,
      %get3A_2125 = arith.index_cast %add3A_2057 : i32 to index
      %get3A_2126 = arith.constant 96 : index
      %get3A_2127 = tpu.vector_load %arg12[%get3A_2125, %get3A_2126] {strides = array<i32>} : memref<10x128xi32, #tpu.memory_space<vmem>>, vector<16xi32>,
      %shift_right_logical3A_2128 = arith.constant 7 : i32
      %shift_right_logical3A_2129 = vector.broadcast %shift_right_logical3A_2128 : i32 to vector<16xi32>
      %shift_right_logical3A_2130 = arith.shrui %get3A_2127, %shift_right_logical3A_2129 : vector<16xi32>
      %and3A_2131 = arith.constant 127 : i32
      %and3A_2132 = vector.broadcast %and3A_2131 : i32 to vector<16xi32>
      %and3A_2133 = arith.andi %get3A_2127, %and3A_2132 : vector<16xi32>
      tpu.vector_store_idx %arg15[%shift_right_logical3A_2130, %and3A_2133], %broadcast_in_dim3A_1 {add = true} : memref<80x128xf32, #tpu.memory_space<vmem>>[vector<16xi32>, vector<16xi32>], vector<16xf32>,
      %get3A_2134 = arith.index_cast %add3A_2057 : i32 to index
      %get3A_2135 = arith.constant 112 : index
      %get3A_2136 = tpu.vector_load %arg12[%get3A_2134, %get3A_2135] {strides = array<i32>} : memref<10x128xi32, #tpu.memory_space<vmem>>, vector<16xi32>,
      %shift_right_logical3A_2137 = arith.constant 7 : i32
      %shift_right_logical3A_2138 = vector.broadcast %shift_right_logical3A_2137 : i32 to vector<16xi32>
      %shift_right_logical3A_2139 = arith.shrui %get3A_2136, %shift_right_logical3A_2138 : vector<16xi32>
      %and3A_2140 = arith.constant 127 : i32
      %and3A_2141 = vector.broadcast %and3A_2140 : i32 to vector<16xi32>
      %and3A_2142 = arith.andi %get3A_2136, %and3A_2141 : vector<16xi32>
      tpu.vector_store_idx %arg15[%shift_right_logical3A_2139, %and3A_2142], %broadcast_in_dim3A_1 {add = true} : memref<80x128xf32, #tpu.memory_space<vmem>>[vector<16xi32>, vector<16xi32>], vector<16xf32>,
      %dma_wait3A_2143 = arith.constant 0 : i32
      %dma_wait3A_2144 = arith.constant 0 : i32
      %dma_wait3A_2145 = tpu.memref_slice %arg9[%dma_wait3A_2143, %dma_wait3A_2144] : memref<10x128xi32, #tpu.memory_space<vmem>> -> memref<1x128xi32, #tpu.memory_space<vmem>>
      %dma_wait3A_2146 = tpu.memref_squeeze %dma_wait3A_2145 : memref<1x128xi32, #tpu.memory_space<vmem>> -> memref<128xi32, #tpu.memory_space<vmem>>
      %dma_wait3A_2147 = arith.constant 0 : i32
      %dma_wait3A_2148 = arith.constant 0 : i32
      %dma_wait3A_2149 = tpu.memref_slice %arg2[%dma_wait3A_2147, %dma_wait3A_2148] : memref<10000x128xf32, #tpu.memory_space<hbm>> -> memref<10000x128xf32, #tpu.memory_space<hbm>>
      tpu.wait_indirect_dma semaphore(%arg20 : memref<!tpu.dma_semaphore, #tpu.memory_space<semaphore_mem>>) src(%dma_wait3A_2149 : memref<10000x128xf32, #tpu.memory_space<hbm>>) dst(%arg14 : memref<128x128xf32, #tpu.memory_space<vmem>>)
      %add3A_2150 = arith.constant 1 : i32
      %add3A_2151 = arith.addi %add3A_2057, %add3A_2150 : i32
      %dma_start3A_2152 = arith.constant 0 : i32
      %dma_start3A_2153 = tpu.memref_slice %arg12[%add3A_2151, %dma_start3A_2152] : memref<10x128xi32, #tpu.memory_space<vmem>> -> memref<1x128xi32, #tpu.memory_space<vmem>>
      %dma_start3A_2154 = tpu.memref_squeeze %dma_start3A_2153 : memref<1x128xi32, #tpu.memory_space<vmem>> -> memref<128xi32, #tpu.memory_space<vmem>>
      %dma_start3A_2155 = arith.constant 0 : i32
      %dma_start3A_2156 = arith.constant 0 : i32
      %dma_start3A_2157 = tpu.memref_slice %arg17[%dma_start3A_2155, %dma_start3A_2156] : memref<10240x128xf32, #tpu.memory_space<vmem_shared>> -> memref<10240x128xf32, #tpu.memory_space<vmem_shared>>
      tpu.enqueue_indirect_dma source(%arg14 : memref<128x128xf32, #tpu.memory_space<vmem>>) target(%dma_start3A_2157 : memref<10240x128xf32, #tpu.memory_space<vmem_shared>>) offsets(%dma_start3A_2154 : memref<128xi32, #tpu.memory_space<vmem>>) semaphore(%arg22 : memref<!tpu.dma_semaphore, #tpu.memory_space<semaphore_mem>>) {add = true}
      %add3A_2158 = arith.constant 1 : i32
      %add3A_2159 = arith.addi %add3A_2057, %add3A_2158 : i32
      %get3A_2160 = arith.index_cast %add3A_2159 : i32 to index
      %get3A_2161 = arith.constant 0 : index
      %get3A_2162 = tpu.vector_load %arg12[%get3A_2160, %get3A_2161] {strides = array<i32>} : memref<10x128xi32, #tpu.memory_space<vmem>>, vector<16xi32>,
      %shift_right_logical3A_2163 = arith.constant 7 : i32
      %shift_right_logical3A_2164 = vector.broadcast %shift_right_logical3A_2163 : i32 to vector<16xi32>
      %shift_right_logical3A_2165 = arith.shrui %get3A_2162, %shift_right_logical3A_2164 : vector<16xi32>
      %and3A_2166 = arith.constant 127 : i32
      %and3A_2167 = vector.broadcast %and3A_2166 : i32 to vector<16xi32>
      %and3A_2168 = arith.andi %get3A_2162, %and3A_2167 : vector<16xi32>
      tpu.vector_store_idx %arg15[%shift_right_logical3A_2165, %and3A_2168], %broadcast_in_dim3A_1 {add = true} : memref<80x128xf32, #tpu.memory_space<vmem>>[vector<16xi32>, vector<16xi32>], vector<16xf32>,
      %get3A_2169 = arith.index_cast %add3A_2159 : i32 to index
      %get3A_2170 = arith.constant 16 : index
      %get3A_2171 = tpu.vector_load %arg12[%get3A_2169, %get3A_2170] {strides = array<i32>} : memref<10x128xi32, #tpu.memory_space<vmem>>, vector<16xi32>,
      %shift_right_logical3A_2172 = arith.constant 7 : i32
      %shift_right_logical3A_2173 = vector.broadcast %shift_right_logical3A_2172 : i32 to vector<16xi32>
      %shift_right_logical3A_2174 = arith.shrui %get3A_2171, %shift_right_logical3A_2173 : vector<16xi32>
      %and3A_2175 = arith.constant 127 : i32
      %and3A_2176 = vector.broadcast %and3A_2175 : i32 to vector<16xi32>
      %and3A_2177 = arith.andi %get3A_2171, %and3A_2176 : vector<16xi32>
      tpu.vector_store_idx %arg15[%shift_right_logical3A_2174, %and3A_2177], %broadcast_in_dim3A_1 {add = true} : memref<80x128xf32, #tpu.memory_space<vmem>>[vector<16xi32>, vector<16xi32>], vector<16xf32>,
      %get3A_2178 = arith.index_cast %add3A_2159 : i32 to index
      %get3A_2179 = arith.constant 32 : index
      %get3A_2180 = tpu.vector_load %arg12[%get3A_2178, %get3A_2179] {strides = array<i32>} : memref<10x128xi32, #tpu.memory_space<vmem>>, vector<16xi32>,
      %shift_right_logical3A_2181 = arith.constant 7 : i32
      %shift_right_logical3A_2182 = vector.broadcast %shift_right_logical3A_2181 : i32 to vector<16xi32>
      %shift_right_logical3A_2183 = arith.shrui %get3A_2180, %shift_right_logical3A_2182 : vector<16xi32>
      %and3A_2184 = arith.constant 127 : i32
      %and3A_2185 = vector.broadcast %and3A_2184 : i32 to vector<16xi32>
      %and3A_2186 = arith.andi %get3A_2180, %and3A_2185 : vector<16xi32>
      tpu.vector_store_idx %arg15[%shift_right_logical3A_2183, %and3A_2186], %broadcast_in_dim3A_1 {add = true} : memref<80x128xf32, #tpu.memory_space<vmem>>[vector<16xi32>, vector<16xi32>], vector<16xf32>,
      %get3A_2187 = arith.index_cast %add3A_2159 : i32 to index
      %get3A_2188 = arith.constant 48 : index
      %get3A_2189 = tpu.vector_load %arg12[%get3A_2187, %get3A_2188] {strides = array<i32>} : memref<10x128xi32, #tpu.memory_space<vmem>>, vector<16xi32>,
      %shift_right_logical3A_2190 = arith.constant 7 : i32
      %shift_right_logical3A_2191 = vector.broadcast %shift_right_logical3A_2190 : i32 to vector<16xi32>
      %shift_right_logical3A_2192 = arith.shrui %get3A_2189, %shift_right_logical3A_2191 : vector<16xi32>
      %and3A_2193 = arith.constant 127 : i32
      %and3A_2194 = vector.broadcast %and3A_2193 : i32 to vector<16xi32>
      %and3A_2195 = arith.andi %get3A_2189, %and3A_2194 : vector<16xi32>
      tpu.vector_store_idx %arg15[%shift_right_logical3A_2192, %and3A_2195], %broadcast_in_dim3A_1 {add = true} : memref<80x128xf32, #tpu.memory_space<vmem>>[vector<16xi32>, vector<16xi32>], vector<16xf32>,
      %get3A_2196 = arith.index_cast %add3A_2159 : i32 to index
      %get3A_2197 = arith.constant 64 : index
      %get3A_2198 = tpu.vector_load %arg12[%get3A_2196, %get3A_2197] {strides = array<i32>} : memref<10x128xi32, #tpu.memory_space<vmem>>, vector<16xi32>,
      %shift_right_logical3A_2199 = arith.constant 7 : i32
      %shift_right_logical3A_2200 = vector.broadcast %shift_right_logical3A_2199 : i32 to vector<16xi32>
      %shift_right_logical3A_2201 = arith.shrui %get3A_2198, %shift_right_logical3A_2200 : vector<16xi32>
      %and3A_2202 = arith.constant 127 : i32
      %and3A_2203 = vector.broadcast %and3A_2202 : i32 to vector<16xi32>
      %and3A_2204 = arith.andi %get3A_2198, %and3A_2203 : vector<16xi32>
      tpu.vector_store_idx %arg15[%shift_right_logical3A_2201, %and3A_2204], %broadcast_in_dim3A_1 {add = true} : memref<80x128xf32, #tpu.memory_space<vmem>>[vector<16xi32>, vector<16xi32>], vector<16xf32>,
      %get3A_2205 = arith.index_cast %add3A_2159 : i32 to index
      %get3A_2206 = arith.constant 80 : index
      %get3A_2207 = tpu.vector_load %arg12[%get3A_2205, %get3A_2206] {strides = array<i32>} : memref<10x128xi32, #tpu.memory_space<vmem>>, vector<16xi32>,
      %shift_right_logical3A_2208 = arith.constant 7 : i32
      %shift_right_logical3A_2209 = vector.broadcast %shift_right_logical3A_2208 : i32 to vector<16xi32>
      %shift_right_logical3A_2210 = arith.shrui %get3A_2207, %shift_right_logical3A_2209 : vector<16xi32>
      %and3A_2211 = arith.constant 127 : i32
      %and3A_2212 = vector.broadcast %and3A_2211 : i32 to vector<16xi32>
      %and3A_2213 = arith.andi %get3A_2207, %and3A_2212 : vector<16xi32>
      tpu.vector_store_idx %arg15[%shift_right_logical3A_2210, %and3A_2213], %broadcast_in_dim3A_1 {add = true} : memref<80x128xf32, #tpu.memory_space<vmem>>[vector<16xi32>, vector<16xi32>], vector<16xf32>,
      %get3A_2214 = arith.index_cast %add3A_2159 : i32 to index
      %get3A_2215 = arith.constant 96 : index
      %get3A_2216 = tpu.vector_load %arg12[%get3A_2214, %get3A_2215] {strides = array<i32>} : memref<10x128xi32, #tpu.memory_space<vmem>>, vector<16xi32>,
      %shift_right_logical3A_2217 = arith.constant 7 : i32
      %shift_right_logical3A_2218 = vector.broadcast %shift_right_logical3A_2217 : i32 to vector<16xi32>
      %shift_right_logical3A_2219 = arith.shrui %get3A_2216, %shift_right_logical3A_2218 : vector<16xi32>
      %and3A_2220 = arith.constant 127 : i32
      %and3A_2221 = vector.broadcast %and3A_2220 : i32 to vector<16xi32>
      %and3A_2222 = arith.andi %get3A_2216, %and3A_2221 : vector<16xi32>
      tpu.vector_store_idx %arg15[%shift_right_logical3A_2219, %and3A_2222], %broadcast_in_dim3A_1 {add = true} : memref<80x128xf32, #tpu.memory_space<vmem>>[vector<16xi32>, vector<16xi32>], vector<16xf32>,
      %get3A_2223 = arith.index_cast %add3A_2159 : i32 to index
      %get3A_2224 = arith.constant 112 : index
      %get3A_2225 = tpu.vector_load %arg12[%get3A_2223, %get3A_2224] {strides = array<i32>} : memref<10x128xi32, #tpu.memory_space<vmem>>, vector<16xi32>,
      %shift_right_logical3A_2226 = arith.constant 7 : i32
      %shift_right_logical3A_2227 = vector.broadcast %shift_right_logical3A_2226 : i32 to vector<16xi32>
      %shift_right_logical3A_2228 = arith.shrui %get3A_2225, %shift_right_logical3A_2227 : vector<16xi32>
      %and3A_2229 = arith.constant 127 : i32
      %and3A_2230 = vector.broadcast %and3A_2229 : i32 to vector<16xi32>
      %and3A_2231 = arith.andi %get3A_2225, %and3A_2230 : vector<16xi32>
      tpu.vector_store_idx %arg15[%shift_right_logical3A_2228, %and3A_2231], %broadcast_in_dim3A_1 {add = true} : memref<80x128xf32, #tpu.memory_space<vmem>>[vector<16xi32>, vector<16xi32>], vector<16xf32>,
      %dma_wait3A_2232 = arith.constant 0 : i32
      %dma_wait3A_2233 = arith.constant 0 : i32
      %dma_wait3A_2234 = tpu.memref_slice %arg10[%dma_wait3A_2232, %dma_wait3A_2233] : memref<10x128xi32, #tpu.memory_space<vmem>> -> memref<1x128xi32, #tpu.memory_space<vmem>>
      %dma_wait3A_2235 = tpu.memref_squeeze %dma_wait3A_2234 : memref<1x128xi32, #tpu.memory_space<vmem>> -> memref<128xi32, #tpu.memory_space<vmem>>
      %dma_wait3A_2236 = arith.constant 0 : i32
      %dma_wait3A_2237 = arith.constant 0 : i32
      %dma_wait3A_2238 = tpu.memref_slice %arg17[%dma_wait3A_2236, %dma_wait3A_2237] : memref<10240x128xf32, #tpu.memory_space<vmem_shared>> -> memref<10240x128xf32, #tpu.memory_space<vmem_shared>>
      tpu.wait_indirect_dma semaphore(%arg21 : memref<!tpu.dma_semaphore, #tpu.memory_space<semaphore_mem>>) src(%arg13 : memref<128x128xf32, #tpu.memory_space<vmem>>) dst(%dma_wait3A_2238 : memref<10240x128xf32, #tpu.memory_space<vmem_shared>>)
      %add3A_2239 = arith.constant 2 : i32
      %add3A_2240 = arith.addi %add3A_2057, %add3A_2239 : i32
      %dma_start3A_2241 = arith.constant 0 : i32
      %dma_start3A_2242 = tpu.memref_slice %arg11[%add3A_2240, %dma_start3A_2241] : memref<10x128xi32, #tpu.memory_space<vmem>> -> memref<1x128xi32, #tpu.memory_space<vmem>>
      %dma_start3A_2243 = tpu.memref_squeeze %dma_start3A_2242 : memref<1x128xi32, #tpu.memory_space<vmem>> -> memref<128xi32, #tpu.memory_space<vmem>>
      %dma_start3A_2244 = arith.constant 0 : i32
      %dma_start3A_2245 = arith.constant 0 : i32
      %dma_start3A_2246 = tpu.memref_slice %arg2[%dma_start3A_2244, %dma_start3A_2245] : memref<10000x128xf32, #tpu.memory_space<hbm>> -> memref<10000x128xf32, #tpu.memory_space<hbm>>
      tpu.enqueue_indirect_dma source(%dma_start3A_2246 : memref<10000x128xf32, #tpu.memory_space<hbm>>) target(%arg13 : memref<128x128xf32, #tpu.memory_space<vmem>>) offsets(%dma_start3A_2243 : memref<128xi32, #tpu.memory_space<vmem>>) semaphore(%arg19 : memref<!tpu.dma_semaphore, #tpu.memory_space<semaphore_mem>>)
      %dma_wait3A_2247 = arith.constant 0 : i32
      %dma_wait3A_2248 = arith.constant 0 : i32
      %dma_wait3A_2249 = tpu.memref_slice %arg10[%dma_wait3A_2247, %dma_wait3A_2248] : memref<10x128xi32, #tpu.memory_space<vmem>> -> memref<1x128xi32, #tpu.memory_space<vmem>>
      %dma_wait3A_2250 = tpu.memref_squeeze %dma_wait3A_2249 : memref<1x128xi32, #tpu.memory_space<vmem>> -> memref<128xi32, #tpu.memory_space<vmem>>
      %dma_wait3A_2251 = arith.constant 0 : i32
      %dma_wait3A_2252 = arith.constant 0 : i32
      %dma_wait3A_2253 = tpu.memref_slice %arg17[%dma_wait3A_2251, %dma_wait3A_2252] : memref<10240x128xf32, #tpu.memory_space<vmem_shared>> -> memref<10240x128xf32, #tpu.memory_space<vmem_shared>>
      tpu.wait_indirect_dma semaphore(%arg22 : memref<!tpu.dma_semaphore, #tpu.memory_space<semaphore_mem>>) src(%arg14 : memref<128x128xf32, #tpu.memory_space<vmem>>) dst(%dma_wait3A_2253 : memref<10240x128xf32, #tpu.memory_space<vmem_shared>>)
      %add3A_2254 = arith.constant 3 : i32
      %add3A_2255 = arith.addi %add3A_2057, %add3A_2254 : i32
      %dma_start3A_2256 = arith.constant 0 : i32
      %dma_start3A_2257 = tpu.memref_slice %arg11[%add3A_2255, %dma_start3A_2256] : memref<10x128xi32, #tpu.memory_space<vmem>> -> memref<1x128xi32, #tpu.memory_space<vmem>>
      %dma_start3A_2258 = tpu.memref_squeeze %dma_start3A_2257 : memref<1x128xi32, #tpu.memory_space<vmem>> -> memref<128xi32, #tpu.memory_space<vmem>>
      %dma_start3A_2259 = arith.constant 0 : i32
      %dma_start3A_2260 = arith.constant 0 : i32
      %dma_start3A_2261 = tpu.memref_slice %arg2[%dma_start3A_2259, %dma_start3A_2260] : memref<10000x128xf32, #tpu.memory_space<hbm>> -> memref<10000x128xf32, #tpu.memory_space<hbm>>
      tpu.enqueue_indirect_dma source(%dma_start3A_2261 : memref<10000x128xf32, #tpu.memory_space<hbm>>) target(%arg14 : memref<128x128xf32, #tpu.memory_space<vmem>>) offsets(%dma_start3A_2258 : memref<128xi32, #tpu.memory_space<vmem>>) semaphore(%arg20 : memref<!tpu.dma_semaphore, #tpu.memory_space<semaphore_mem>>)
    }
    %scan3A_1848 = arith.constant 4 : i32
    %dma_wait3A_1849 = arith.constant 0 : i32
    %dma_wait3A_1850 = arith.constant 0 : i32
    %dma_wait3A_1851 = tpu.memref_slice %arg9[%dma_wait3A_1849, %dma_wait3A_1850] : memref<10x128xi32, #tpu.memory_space<vmem>> -> memref<1x128xi32, #tpu.memory_space<vmem>>
    %dma_wait3A_1852 = tpu.memref_squeeze %dma_wait3A_1851 : memref<1x128xi32, #tpu.memory_space<vmem>> -> memref<128xi32, #tpu.memory_space<vmem>>
    %dma_wait3A_1853 = arith.constant 0 : i32
    %dma_wait3A_1854 = arith.constant 0 : i32
    %dma_wait3A_1855 = tpu.memref_slice %arg2[%dma_wait3A_1853, %dma_wait3A_1854] : memref<10000x128xf32, #tpu.memory_space<hbm>> -> memref<10000x128xf32, #tpu.memory_space<hbm>>
    tpu.wait_indirect_dma semaphore(%arg19 : memref<!tpu.dma_semaphore, #tpu.memory_space<semaphore_mem>>) src(%dma_wait3A_1855 : memref<10000x128xf32, #tpu.memory_space<hbm>>) dst(%arg13 : memref<128x128xf32, #tpu.memory_space<vmem>>)
    %dma_start3A_1856 = arith.constant 8 : i32
    %dma_start3A_1857 = arith.constant 0 : i32
    %dma_start3A_1858 = tpu.memref_slice %arg12[%dma_start3A_1856, %dma_start3A_1857] : memref<10x128xi32, #tpu.memory_space<vmem>> -> memref<1x128xi32, #tpu.memory_space<vmem>>
    %dma_start3A_1859 = tpu.memref_squeeze %dma_start3A_1858 : memref<1x128xi32, #tpu.memory_space<vmem>> -> memref<128xi32, #tpu.memory_space<vmem>>
    %dma_start3A_1860 = arith.constant 0 : i32
    %dma_start3A_1861 = arith.constant 0 : i32
    %dma_start3A_1862 = tpu.memref_slice %arg17[%dma_start3A_1860, %dma_start3A_1861] : memref<10240x128xf32, #tpu.memory_space<vmem_shared>> -> memref<10240x128xf32, #tpu.memory_space<vmem_shared>>
    tpu.enqueue_indirect_dma source(%arg13 : memref<128x128xf32, #tpu.memory_space<vmem>>) target(%dma_start3A_1862 : memref<10240x128xf32, #tpu.memory_space<vmem_shared>>) offsets(%dma_start3A_1859 : memref<128xi32, #tpu.memory_space<vmem>>) semaphore(%arg21 : memref<!tpu.dma_semaphore, #tpu.memory_space<semaphore_mem>>) {add = true}
    %get3A_1863 = arith.constant 8 : i32
    %get3A_1864 = arith.index_cast %get3A_1863 : i32 to index
    %get3A_1865 = arith.constant 0 : index
    %get3A_1866 = tpu.vector_load %arg12[%get3A_1864, %get3A_1865] {strides = array<i32>} : memref<10x128xi32, #tpu.memory_space<vmem>>, vector<16xi32>,
    %shift_right_logical3A_1867 = arith.constant 7 : i32
    %shift_right_logical3A_1868 = vector.broadcast %shift_right_logical3A_1867 : i32 to vector<16xi32>
    %shift_right_logical3A_1869 = arith.shrui %get3A_1866, %shift_right_logical3A_1868 : vector<16xi32>
    %and3A_1870 = arith.constant 127 : i32
    %and3A_1871 = vector.broadcast %and3A_1870 : i32 to vector<16xi32>
    %and3A_1872 = arith.andi %get3A_1866, %and3A_1871 : vector<16xi32>
    tpu.vector_store_idx %arg15[%shift_right_logical3A_1869, %and3A_1872], %broadcast_in_dim3A_1 {add = true} : memref<80x128xf32, #tpu.memory_space<vmem>>[vector<16xi32>, vector<16xi32>], vector<16xf32>,
    %get3A_1873 = arith.constant 8 : i32
    %get3A_1874 = arith.index_cast %get3A_1873 : i32 to index
    %get3A_1875 = arith.constant 16 : index
    %get3A_1876 = tpu.vector_load %arg12[%get3A_1874, %get3A_1875] {strides = array<i32>} : memref<10x128xi32, #tpu.memory_space<vmem>>, vector<16xi32>,
    %shift_right_logical3A_1877 = arith.constant 7 : i32
    %shift_right_logical3A_1878 = vector.broadcast %shift_right_logical3A_1877 : i32 to vector<16xi32>
    %shift_right_logical3A_1879 = arith.shrui %get3A_1876, %shift_right_logical3A_1878 : vector<16xi32>
    %and3A_1880 = arith.constant 127 : i32
    %and3A_1881 = vector.broadcast %and3A_1880 : i32 to vector<16xi32>
    %and3A_1882 = arith.andi %get3A_1876, %and3A_1881 : vector<16xi32>
    tpu.vector_store_idx %arg15[%shift_right_logical3A_1879, %and3A_1882], %broadcast_in_dim3A_1 {add = true} : memref<80x128xf32, #tpu.memory_space<vmem>>[vector<16xi32>, vector<16xi32>], vector<16xf32>,
    %get3A_1883 = arith.constant 8 : i32
    %get3A_1884 = arith.index_cast %get3A_1883 : i32 to index
    %get3A_1885 = arith.constant 32 : index
    %get3A_1886 = tpu.vector_load %arg12[%get3A_1884, %get3A_1885] {strides = array<i32>} : memref<10x128xi32, #tpu.memory_space<vmem>>, vector<16xi32>,
    %shift_right_logical3A_1887 = arith.constant 7 : i32
    %shift_right_logical3A_1888 = vector.broadcast %shift_right_logical3A_1887 : i32 to vector<16xi32>
    %shift_right_logical3A_1889 = arith.shrui %get3A_1886, %shift_right_logical3A_1888 : vector<16xi32>
    %and3A_1890 = arith.constant 127 : i32
    %and3A_1891 = vector.broadcast %and3A_1890 : i32 to vector<16xi32>
    %and3A_1892 = arith.andi %get3A_1886, %and3A_1891 : vector<16xi32>
    tpu.vector_store_idx %arg15[%shift_right_logical3A_1889, %and3A_1892], %broadcast_in_dim3A_1 {add = true} : memref<80x128xf32, #tpu.memory_space<vmem>>[vector<16xi32>, vector<16xi32>], vector<16xf32>,
    %get3A_1893 = arith.constant 8 : i32
    %get3A_1894 = arith.index_cast %get3A_1893 : i32 to index
    %get3A_1895 = arith.constant 48 : index
    %get3A_1896 = tpu.vector_load %arg12[%get3A_1894, %get3A_1895] {strides = array<i32>} : memref<10x128xi32, #tpu.memory_space<vmem>>, vector<16xi32>,
    %shift_right_logical3A_1897 = arith.constant 7 : i32
    %shift_right_logical3A_1898 = vector.broadcast %shift_right_logical3A_1897 : i32 to vector<16xi32>
    %shift_right_logical3A_1899 = arith.shrui %get3A_1896, %shift_right_logical3A_1898 : vector<16xi32>
    %and3A_1900 = arith.constant 127 : i32
    %and3A_1901 = vector.broadcast %and3A_1900 : i32 to vector<16xi32>
    %and3A_1902 = arith.andi %get3A_1896, %and3A_1901 : vector<16xi32>
    tpu.vector_store_idx %arg15[%shift_right_logical3A_1899, %and3A_1902], %broadcast_in_dim3A_1 {add = true} : memref<80x128xf32, #tpu.memory_space<vmem>>[vector<16xi32>, vector<16xi32>], vector<16xf32>,
    %get3A_1903 = arith.constant 8 : i32
    %get3A_1904 = arith.index_cast %get3A_1903 : i32 to index
    %get3A_1905 = arith.constant 64 : index
    %get3A_1906 = tpu.vector_load %arg12[%get3A_1904, %get3A_1905] {strides = array<i32>} : memref<10x128xi32, #tpu.memory_space<vmem>>, vector<16xi32>,
    %shift_right_logical3A_1907 = arith.constant 7 : i32
    %shift_right_logical3A_1908 = vector.broadcast %shift_right_logical3A_1907 : i32 to vector<16xi32>
    %shift_right_logical3A_1909 = arith.shrui %get3A_1906, %shift_right_logical3A_1908 : vector<16xi32>
    %and3A_1910 = arith.constant 127 : i32
    %and3A_1911 = vector.broadcast %and3A_1910 : i32 to vector<16xi32>
    %and3A_1912 = arith.andi %get3A_1906, %and3A_1911 : vector<16xi32>
    tpu.vector_store_idx %arg15[%shift_right_logical3A_1909, %and3A_1912], %broadcast_in_dim3A_1 {add = true} : memref<80x128xf32, #tpu.memory_space<vmem>>[vector<16xi32>, vector<16xi32>], vector<16xf32>,
    %get3A_1913 = arith.constant 8 : i32
    %get3A_1914 = arith.index_cast %get3A_1913 : i32 to index
    %get3A_1915 = arith.constant 80 : index
    %get3A_1916 = tpu.vector_load %arg12[%get3A_1914, %get3A_1915] {strides = array<i32>} : memref<10x128xi32, #tpu.memory_space<vmem>>, vector<16xi32>,
    %shift_right_logical3A_1917 = arith.constant 7 : i32
    %shift_right_logical3A_1918 = vector.broadcast %shift_right_logical3A_1917 : i32 to vector<16xi32>
    %shift_right_logical3A_1919 = arith.shrui %get3A_1916, %shift_right_logical3A_1918 : vector<16xi32>
    %and3A_1920 = arith.constant 127 : i32
    %and3A_1921 = vector.broadcast %and3A_1920 : i32 to vector<16xi32>
    %and3A_1922 = arith.andi %get3A_1916, %and3A_1921 : vector<16xi32>
    tpu.vector_store_idx %arg15[%shift_right_logical3A_1919, %and3A_1922], %broadcast_in_dim3A_1 {add = true} : memref<80x128xf32, #tpu.memory_space<vmem>>[vector<16xi32>, vector<16xi32>], vector<16xf32>,
    %get3A_1923 = arith.constant 8 : i32
    %get3A_1924 = arith.index_cast %get3A_1923 : i32 to index
    %get3A_1925 = arith.constant 96 : index
    %get3A_1926 = tpu.vector_load %arg12[%get3A_1924, %get3A_1925] {strides = array<i32>} : memref<10x128xi32, #tpu.memory_space<vmem>>, vector<16xi32>,
    %shift_right_logical3A_1927 = arith.constant 7 : i32
    %shift_right_logical3A_1928 = vector.broadcast %shift_right_logical3A_1927 : i32 to vector<16xi32>
    %shift_right_logical3A_1929 = arith.shrui %get3A_1926, %shift_right_logical3A_1928 : vector<16xi32>
    %and3A_1930 = arith.constant 127 : i32
    %and3A_1931 = vector.broadcast %and3A_1930 : i32 to vector<16xi32>
    %and3A_1932 = arith.andi %get3A_1926, %and3A_1931 : vector<16xi32>
    tpu.vector_store_idx %arg15[%shift_right_logical3A_1929, %and3A_1932], %broadcast_in_dim3A_1 {add = true} : memref<80x128xf32, #tpu.memory_space<vmem>>[vector<16xi32>, vector<16xi32>], vector<16xf32>,
    %get3A_1933 = arith.constant 8 : i32
    %get3A_1934 = arith.index_cast %get3A_1933 : i32 to index
    %get3A_1935 = arith.constant 112 : index
    %get3A_1936 = tpu.vector_load %arg12[%get3A_1934, %get3A_1935] {strides = array<i32>} : memref<10x128xi32, #tpu.memory_space<vmem>>, vector<16xi32>,
    %shift_right_logical3A_1937 = arith.constant 7 : i32
    %shift_right_logical3A_1938 = vector.broadcast %shift_right_logical3A_1937 : i32 to vector<16xi32>
    %shift_right_logical3A_1939 = arith.shrui %get3A_1936, %shift_right_logical3A_1938 : vector<16xi32>
    %and3A_1940 = arith.constant 127 : i32
    %and3A_1941 = vector.broadcast %and3A_1940 : i32 to vector<16xi32>
    %and3A_1942 = arith.andi %get3A_1936, %and3A_1941 : vector<16xi32>
    tpu.vector_store_idx %arg15[%shift_right_logical3A_1939, %and3A_1942], %broadcast_in_dim3A_1 {add = true} : memref<80x128xf32, #tpu.memory_space<vmem>>[vector<16xi32>, vector<16xi32>], vector<16xf32>,
    %dma_wait3A_1943 = arith.constant 0 : i32
    %dma_wait3A_1944 = arith.constant 0 : i32
    %dma_wait3A_1945 = tpu.memref_slice %arg9[%dma_wait3A_1943, %dma_wait3A_1944] : memref<10x128xi32, #tpu.memory_space<vmem>> -> memref<1x128xi32, #tpu.memory_space<vmem>>
    %dma_wait3A_1946 = tpu.memref_squeeze %dma_wait3A_1945 : memref<1x128xi32, #tpu.memory_space<vmem>> -> memref<128xi32, #tpu.memory_space<vmem>>
    %dma_wait3A_1947 = arith.constant 0 : i32
    %dma_wait3A_1948 = arith.constant 0 : i32
    %dma_wait3A_1949 = tpu.memref_slice %arg2[%dma_wait3A_1947, %dma_wait3A_1948] : memref<10000x128xf32, #tpu.memory_space<hbm>> -> memref<10000x128xf32, #tpu.memory_space<hbm>>
    tpu.wait_indirect_dma semaphore(%arg20 : memref<!tpu.dma_semaphore, #tpu.memory_space<semaphore_mem>>) src(%dma_wait3A_1949 : memref<10000x128xf32, #tpu.memory_space<hbm>>) dst(%arg14 : memref<128x128xf32, #tpu.memory_space<vmem>>)
    %dma_start3A_1950 = arith.constant 9 : i32
    %dma_start3A_1951 = arith.constant 0 : i32
    %dma_start3A_1952 = tpu.memref_slice %arg12[%dma_start3A_1950, %dma_start3A_1951] : memref<10x128xi32, #tpu.memory_space<vmem>> -> memref<1x128xi32, #tpu.memory_space<vmem>>
    %dma_start3A_1953 = tpu.memref_squeeze %dma_start3A_1952 : memref<1x128xi32, #tpu.memory_space<vmem>> -> memref<128xi32, #tpu.memory_space<vmem>>
    %dma_start3A_1954 = arith.constant 0 : i32
    %dma_start3A_1955 = arith.constant 0 : i32
    %dma_start3A_1956 = tpu.memref_slice %arg17[%dma_start3A_1954, %dma_start3A_1955] : memref<10240x128xf32, #tpu.memory_space<vmem_shared>> -> memref<10240x128xf32, #tpu.memory_space<vmem_shared>>
    tpu.enqueue_indirect_dma source(%arg14 : memref<128x128xf32, #tpu.memory_space<vmem>>) target(%dma_start3A_1956 : memref<10240x128xf32, #tpu.memory_space<vmem_shared>>) offsets(%dma_start3A_1953 : memref<128xi32, #tpu.memory_space<vmem>>) semaphore(%arg22 : memref<!tpu.dma_semaphore, #tpu.memory_space<semaphore_mem>>) {add = true}
    %get3A_1957 = arith.constant 9 : i32
    %get3A_1958 = arith.index_cast %get3A_1957 : i32 to index
    %get3A_1959 = arith.constant 0 : index
    %get3A_1960 = tpu.vector_load %arg12[%get3A_1958, %get3A_1959] {strides = array<i32>} : memref<10x128xi32, #tpu.memory_space<vmem>>, vector<16xi32>,
    %shift_right_logical3A_1961 = arith.constant 7 : i32
    %shift_right_logical3A_1962 = vector.broadcast %shift_right_logical3A_1961 : i32 to vector<16xi32>
    %shift_right_logical3A_1963 = arith.shrui %get3A_1960, %shift_right_logical3A_1962 : vector<16xi32>
    %and3A_1964 = arith.constant 127 : i32
    %and3A_1965 = vector.broadcast %and3A_1964 : i32 to vector<16xi32>
    %and3A_1966 = arith.andi %get3A_1960, %and3A_1965 : vector<16xi32>
    tpu.vector_store_idx %arg15[%shift_right_logical3A_1963, %and3A_1966], %broadcast_in_dim3A_1 {add = true} : memref<80x128xf32, #tpu.memory_space<vmem>>[vector<16xi32>, vector<16xi32>], vector<16xf32>,
    %get3A_1967 = arith.constant 9 : i32
    %get3A_1968 = arith.index_cast %get3A_1967 : i32 to index
    %get3A_1969 = arith.constant 16 : index
    %get3A_1970 = tpu.vector_load %arg12[%get3A_1968, %get3A_1969] {strides = array<i32>} : memref<10x128xi32, #tpu.memory_space<vmem>>, vector<16xi32>,
    %shift_right_logical3A_1971 = arith.constant 7 : i32
    %shift_right_logical3A_1972 = vector.broadcast %shift_right_logical3A_1971 : i32 to vector<16xi32>
    %shift_right_logical3A_1973 = arith.shrui %get3A_1970, %shift_right_logical3A_1972 : vector<16xi32>
    %and3A_1974 = arith.constant 127 : i32
    %and3A_1975 = vector.broadcast %and3A_1974 : i32 to vector<16xi32>
    %and3A_1976 = arith.andi %get3A_1970, %and3A_1975 : vector<16xi32>
    tpu.vector_store_idx %arg15[%shift_right_logical3A_1973, %and3A_1976], %broadcast_in_dim3A_1 {add = true} : memref<80x128xf32, #tpu.memory_space<vmem>>[vector<16xi32>, vector<16xi32>], vector<16xf32>,
    %get3A_1977 = arith.constant 9 : i32
    %get3A_1978 = arith.index_cast %get3A_1977 : i32 to index
    %get3A_1979 = arith.constant 32 : index
    %get3A_1980 = tpu.vector_load %arg12[%get3A_1978, %get3A_1979] {strides = array<i32>} : memref<10x128xi32, #tpu.memory_space<vmem>>, vector<16xi32>,
    %shift_right_logical3A_1981 = arith.constant 7 : i32
    %shift_right_logical3A_1982 = vector.broadcast %shift_right_logical3A_1981 : i32 to vector<16xi32>
    %shift_right_logical3A_1983 = arith.shrui %get3A_1980, %shift_right_logical3A_1982 : vector<16xi32>
    %and3A_1984 = arith.constant 127 : i32
    %and3A_1985 = vector.broadcast %and3A_1984 : i32 to vector<16xi32>
    %and3A_1986 = arith.andi %get3A_1980, %and3A_1985 : vector<16xi32>
    tpu.vector_store_idx %arg15[%shift_right_logical3A_1983, %and3A_1986], %broadcast_in_dim3A_1 {add = true} : memref<80x128xf32, #tpu.memory_space<vmem>>[vector<16xi32>, vector<16xi32>], vector<16xf32>,
    %get3A_1987 = arith.constant 9 : i32
    %get3A_1988 = arith.index_cast %get3A_1987 : i32 to index
    %get3A_1989 = arith.constant 48 : index
    %get3A_1990 = tpu.vector_load %arg12[%get3A_1988, %get3A_1989] {strides = array<i32>} : memref<10x128xi32, #tpu.memory_space<vmem>>, vector<16xi32>,
    %shift_right_logical3A_1991 = arith.constant 7 : i32
    %shift_right_logical3A_1992 = vector.broadcast %shift_right_logical3A_1991 : i32 to vector<16xi32>
    %shift_right_logical3A_1993 = arith.shrui %get3A_1990, %shift_right_logical3A_1992 : vector<16xi32>
    %and3A_1994 = arith.constant 127 : i32
    %and3A_1995 = vector.broadcast %and3A_1994 : i32 to vector<16xi32>
    %and3A_1996 = arith.andi %get3A_1990, %and3A_1995 : vector<16xi32>
    tpu.vector_store_idx %arg15[%shift_right_logical3A_1993, %and3A_1996], %broadcast_in_dim3A_1 {add = true} : memref<80x128xf32, #tpu.memory_space<vmem>>[vector<16xi32>, vector<16xi32>], vector<16xf32>,
    %get3A_1997 = arith.constant 9 : i32
    %get3A_1998 = arith.index_cast %get3A_1997 : i32 to index
    %get3A_1999 = arith.constant 64 : index
    %get3A_2000 = tpu.vector_load %arg12[%get3A_1998, %get3A_1999] {strides = array<i32>} : memref<10x128xi32, #tpu.memory_space<vmem>>, vector<16xi32>,
    %shift_right_logical3A_2001 = arith.constant 7 : i32
    %shift_right_logical3A_2002 = vector.broadcast %shift_right_logical3A_2001 : i32 to vector<16xi32>
    %shift_right_logical3A_2003 = arith.shrui %get3A_2000, %shift_right_logical3A_2002 : vector<16xi32>
    %and3A_2004 = arith.constant 127 : i32
    %and3A_2005 = vector.broadcast %and3A_2004 : i32 to vector<16xi32>
    %and3A_2006 = arith.andi %get3A_2000, %and3A_2005 : vector<16xi32>
    tpu.vector_store_idx %arg15[%shift_right_logical3A_2003, %and3A_2006], %broadcast_in_dim3A_1 {add = true} : memref<80x128xf32, #tpu.memory_space<vmem>>[vector<16xi32>, vector<16xi32>], vector<16xf32>,
    %get3A_2007 = arith.constant 9 : i32
    %get3A_2008 = arith.index_cast %get3A_2007 : i32 to index
    %get3A_2009 = arith.constant 80 : index
    %get3A_2010 = tpu.vector_load %arg12[%get3A_2008, %get3A_2009] {strides = array<i32>} : memref<10x128xi32, #tpu.memory_space<vmem>>, vector<16xi32>,
    %shift_right_logical3A_2011 = arith.constant 7 : i32
    %shift_right_logical3A_2012 = vector.broadcast %shift_right_logical3A_2011 : i32 to vector<16xi32>
    %shift_right_logical3A_2013 = arith.shrui %get3A_2010, %shift_right_logical3A_2012 : vector<16xi32>
    %and3A_2014 = arith.constant 127 : i32
    %and3A_2015 = vector.broadcast %and3A_2014 : i32 to vector<16xi32>
    %and3A_2016 = arith.andi %get3A_2010, %and3A_2015 : vector<16xi32>
    tpu.vector_store_idx %arg15[%shift_right_logical3A_2013, %and3A_2016], %broadcast_in_dim3A_1 {add = true} : memref<80x128xf32, #tpu.memory_space<vmem>>[vector<16xi32>, vector<16xi32>], vector<16xf32>,
    %get3A_2017 = arith.constant 9 : i32
    %get3A_2018 = arith.index_cast %get3A_2017 : i32 to index
    %get3A_2019 = arith.constant 96 : index
    %get3A_2020 = tpu.vector_load %arg12[%get3A_2018, %get3A_2019] {strides = array<i32>} : memref<10x128xi32, #tpu.memory_space<vmem>>, vector<16xi32>,
    %shift_right_logical3A_2021 = arith.constant 7 : i32
    %shift_right_logical3A_2022 = vector.broadcast %shift_right_logical3A_2021 : i32 to vector<16xi32>
    %shift_right_logical3A_2023 = arith.shrui %get3A_2020, %shift_right_logical3A_2022 : vector<16xi32>
    %and3A_2024 = arith.constant 127 : i32
    %and3A_2025 = vector.broadcast %and3A_2024 : i32 to vector<16xi32>
    %and3A_2026 = arith.andi %get3A_2020, %and3A_2025 : vector<16xi32>
    tpu.vector_store_idx %arg15[%shift_right_logical3A_2023, %and3A_2026], %broadcast_in_dim3A_1 {add = true} : memref<80x128xf32, #tpu.memory_space<vmem>>[vector<16xi32>, vector<16xi32>], vector<16xf32>,
    %get3A_2027 = arith.constant 9 : i32
    %get3A_2028 = arith.index_cast %get3A_2027 : i32 to index
    %get3A_2029 = arith.constant 112 : index
    %get3A_2030 = tpu.vector_load %arg12[%get3A_2028, %get3A_2029] {strides = array<i32>} : memref<10x128xi32, #tpu.memory_space<vmem>>, vector<16xi32>,
    %shift_right_logical3A_2031 = arith.constant 7 : i32
    %shift_right_logical3A_2032 = vector.broadcast %shift_right_logical3A_2031 : i32 to vector<16xi32>
    %shift_right_logical3A_2033 = arith.shrui %get3A_2030, %shift_right_logical3A_2032 : vector<16xi32>
    %and3A_2034 = arith.constant 127 : i32
    %and3A_2035 = vector.broadcast %and3A_2034 : i32 to vector<16xi32>
    %and3A_2036 = arith.andi %get3A_2030, %and3A_2035 : vector<16xi32>
    tpu.vector_store_idx %arg15[%shift_right_logical3A_2033, %and3A_2036], %broadcast_in_dim3A_1 {add = true} : memref<80x128xf32, #tpu.memory_space<vmem>>[vector<16xi32>, vector<16xi32>], vector<16xf32>,
    %dma_wait3A_2037 = arith.constant 0 : i32
    %dma_wait3A_2038 = arith.constant 0 : i32
    %dma_wait3A_2039 = tpu.memref_slice %arg10[%dma_wait3A_2037, %dma_wait3A_2038] : memref<10x128xi32, #tpu.memory_space<vmem>> -> memref<1x128xi32, #tpu.memory_space<vmem>>
    %dma_wait3A_2040 = tpu.memref_squeeze %dma_wait3A_2039 : memref<1x128xi32, #tpu.memory_space<vmem>> -> memref<128xi32, #tpu.memory_space<vmem>>
    %dma_wait3A_2041 = arith.constant 0 : i32
    %dma_wait3A_2042 = arith.constant 0 : i32
    %dma_wait3A_2043 = tpu.memref_slice %arg17[%dma_wait3A_2041, %dma_wait3A_2042] : memref<10240x128xf32, #tpu.memory_space<vmem_shared>> -> memref<10240x128xf32, #tpu.memory_space<vmem_shared>>
    tpu.wait_indirect_dma semaphore(%arg21 : memref<!tpu.dma_semaphore, #tpu.memory_space<semaphore_mem>>) src(%arg13 : memref<128x128xf32, #tpu.memory_space<vmem>>) dst(%dma_wait3A_2043 : memref<10240x128xf32, #tpu.memory_space<vmem_shared>>)
    %dma_wait3A_2044 = arith.constant 0 : i32
    %dma_wait3A_2045 = arith.constant 0 : i32
    %dma_wait3A_2046 = tpu.memref_slice %arg10[%dma_wait3A_2044, %dma_wait3A_2045] : memref<10x128xi32, #tpu.memory_space<vmem>> -> memref<1x128xi32, #tpu.memory_space<vmem>>
    %dma_wait3A_2047 = tpu.memref_squeeze %dma_wait3A_2046 : memref<1x128xi32, #tpu.memory_space<vmem>> -> memref<128xi32, #tpu.memory_space<vmem>>
    %dma_wait3A_2048 = arith.constant 0 : i32
    %dma_wait3A_2049 = arith.constant 0 : i32
    %dma_wait3A_2050 = tpu.memref_slice %arg17[%dma_wait3A_2048, %dma_wait3A_2049] : memref<10240x128xf32, #tpu.memory_space<vmem_shared>> -> memref<10240x128xf32, #tpu.memory_space<vmem_shared>>
    tpu.wait_indirect_dma semaphore(%arg22 : memref<!tpu.dma_semaphore, #tpu.memory_space<semaphore_mem>>) src(%arg14 : memref<128x128xf32, #tpu.memory_space<vmem>>) dst(%dma_wait3A_2050 : memref<10240x128xf32, #tpu.memory_space<vmem_shared>>)
    %run_scoped3A_2051 = arith.constant 0 : i32
    "tpu.region"() ({
      %run_scoped3A_2053 = tpu.sem_alloc : memref<!tpu.dma_semaphore, #tpu.memory_space<semaphore_mem>>
      %dma_start3A_2054 = arith.constant 0 : i32
      %dma_start3A_2055 = tpu.memref_slice %arg16[%run_scoped3A_2051, %dma_start3A_2054] : memref<1x80xi32, #tpu.memory_space<vmem>> -> memref<1x80xi32, #tpu.memory_space<vmem>>
      %dma_start3A_2056 = tpu.memref_squeeze %dma_start3A_2055 : memref<1x80xi32, #tpu.memory_space<vmem>> -> memref<80xi32, #tpu.memory_space<vmem>>
      %dma_start3A_2057 = arith.constant 0 : i32
      %dma_start3A_2058 = arith.constant 0 : i32
      %dma_start3A_2059 = tpu.memref_slice %arg18[%dma_start3A_2057, %dma_start3A_2058] : memref<80x128xf32, #tpu.memory_space<vmem_shared>> -> memref<80x128xf32, #tpu.memory_space<vmem_shared>>
      tpu.enqueue_indirect_dma source(%arg15 : memref<80x128xf32, #tpu.memory_space<vmem>>) target(%dma_start3A_2059 : memref<80x128xf32, #tpu.memory_space<vmem_shared>>) offsets(%dma_start3A_2056 : memref<80xi32, #tpu.memory_space<vmem>>) semaphore(%run_scoped3A_2053 : memref<!tpu.dma_semaphore, #tpu.memory_space<semaphore_mem>>) {add = true}
      %dma_wait3A_2060 = arith.constant 0 : i32
      %dma_wait3A_2061 = tpu.memref_slice %arg16[%run_scoped3A_2051, %dma_wait3A_2060] : memref<1x80xi32, #tpu.memory_space<vmem>> -> memref<1x80xi32, #tpu.memory_space<vmem>>
      %dma_wait3A_2062 = tpu.memref_squeeze %dma_wait3A_2061 : memref<1x80xi32, #tpu.memory_space<vmem>> -> memref<80xi32, #tpu.memory_space<vmem>>
      %dma_wait3A_2063 = arith.constant 0 : i32
      %dma_wait3A_2064 = arith.constant 0 : i32
      %dma_wait3A_2065 = tpu.memref_slice %arg18[%dma_wait3A_2063, %dma_wait3A_2064] : memref<80x128xf32, #tpu.memory_space<vmem_shared>> -> memref<80x128xf32, #tpu.memory_space<vmem_shared>>
      tpu.wait_indirect_dma semaphore(%run_scoped3A_2053 : memref<!tpu.dma_semaphore, #tpu.memory_space<semaphore_mem>>) src(%arg15 : memref<80x128xf32, #tpu.memory_space<vmem>>) dst(%dma_wait3A_2065 : memref<80x128xf32, #tpu.memory_space<vmem_shared>>)
      tpu.yield
    }) : () -> ()
    %barrier3A_2052 = arith.constant 0 : index
    tpu.barrier barrier_id(%barrier3A_2052)
    "tpu.region"() ({
      %run_scoped3A_2053 = tpu.sem_alloc : memref<!tpu.dma_semaphore, #tpu.memory_space<semaphore_mem>>
      %dma_start3A_2054 = arith.constant 0 : i32
      %dma_start3A_2055 = tpu.memref_slice %arg7[%arg0, %mul3A_3, %dma_start3A_2054] : memref<2x10240x128xf32, #tpu.memory_space<hbm>> -> memref<1x640x128xf32, #tpu.memory_space<hbm>>
      %dma_start3A_2056 = tpu.memref_squeeze %dma_start3A_2055 : memref<1x640x128xf32, #tpu.memory_space<hbm>> -> memref<640x128xf32, #tpu.memory_space<hbm>>
      %dma_start3A_2057 = arith.constant 0 : i32
      %dma_start3A_2058 = tpu.memref_slice %arg17[%mul3A_3, %dma_start3A_2057] : memref<10240x128xf32, #tpu.memory_space<vmem_shared>> -> memref<640x128xf32, #tpu.memory_space<vmem_shared>>
      tpu.enqueue_dma source(%dma_start3A_2058 : memref<640x128xf32, #tpu.memory_space<vmem_shared>>) target(%dma_start3A_2056 : memref<640x128xf32, #tpu.memory_space<hbm>>) target_semaphore(%run_scoped3A_2053 : memref<!tpu.dma_semaphore, #tpu.memory_space<semaphore_mem>>)
      %dma_wait3A_2059 = arith.constant 0 : i32
      %dma_wait3A_2060 = tpu.memref_slice %arg7[%arg0, %mul3A_3, %dma_wait3A_2059] : memref<2x10240x128xf32, #tpu.memory_space<hbm>> -> memref<1x640x128xf32, #tpu.memory_space<hbm>>
      %dma_wait3A_2061 = tpu.memref_squeeze %dma_wait3A_2060 : memref<1x640x128xf32, #tpu.memory_space<hbm>> -> memref<640x128xf32, #tpu.memory_space<hbm>>
      %dma_wait3A_2062 = arith.constant 0 : i32
      %dma_wait3A_2063 = tpu.memref_slice %arg17[%mul3A_3, %dma_wait3A_2062] : memref<10240x128xf32, #tpu.memory_space<vmem_shared>> -> memref<640x128xf32, #tpu.memory_space<vmem_shared>>
      tpu.wait_dma2 semaphore(%run_scoped3A_2053 : memref<!tpu.dma_semaphore, #tpu.memory_space<semaphore_mem>>) src(%dma_wait3A_2063 : memref<640x128xf32, #tpu.memory_space<vmem_shared>>) dst(%dma_wait3A_2061 : memref<640x128xf32, #tpu.memory_space<hbm>>)
      tpu.yield
    }) : () -> ()
    "tpu.region"() ({
      %run_scoped3A_2053 = tpu.sem_alloc : memref<!tpu.dma_semaphore, #tpu.memory_space<semaphore_mem>>
      %dma_start3A_2054 = arith.constant 0 : i32
      %dma_start3A_2055 = tpu.memref_slice %arg8[%arg0, %mul3A_5, %dma_start3A_2054] : memref<2x80x128xf32, #tpu.memory_space<hbm>> -> memref<1x5x128xf32, #tpu.memory_space<hbm>>
      %dma_start3A_2056 = tpu.memref_squeeze %dma_start3A_2055 : memref<1x5x128xf32, #tpu.memory_space<hbm>> -> memref<5x128xf32, #tpu.memory_space<hbm>>
      %dma_start3A_2057 = arith.constant 0 : i32
      %dma_start3A_2058 = tpu.memref_slice %arg18[%mul3A_5, %dma_start3A_2057] : memref<80x128xf32, #tpu.memory_space<vmem_shared>> -> memref<5x128xf32, #tpu.memory_space<vmem_shared>>
      tpu.enqueue_dma source(%dma_start3A_2058 : memref<5x128xf32, #tpu.memory_space<vmem_shared>>) target(%dma_start3A_2056 : memref<5x128xf32, #tpu.memory_space<hbm>>) target_semaphore(%run_scoped3A_2053 : memref<!tpu.dma_semaphore, #tpu.memory_space<semaphore_mem>>)
      %dma_wait3A_2059 = arith.constant 0 : i32
      %dma_wait3A_2060 = tpu.memref_slice %arg8[%arg0, %mul3A_5, %dma_wait3A_2059] : memref<2x80x128xf32, #tpu.memory_space<hbm>> -> memref<1x5x128xf32, #tpu.memory_space<hbm>>
      %dma_wait3A_2061 = tpu.memref_squeeze %dma_wait3A_2060 : memref<1x5x128xf32, #tpu.memory_space<hbm>> -> memref<5x128xf32, #tpu.memory_space<hbm>>
      %dma_wait3A_2062 = arith.constant 0 : i32
      %dma_wait3A_2063 = tpu.memref_slice %arg18[%mul3A_5, %dma_wait3A_2062] : memref<80x128xf32, #tpu.memory_space<vmem_shared>> -> memref<5x128xf32, #tpu.memory_space<vmem_shared>>
      tpu.wait_dma2 semaphore(%run_scoped3A_2053 : memref<!tpu.dma_semaphore, #tpu.memory_space<semaphore_mem>>) src(%dma_wait3A_2063 : memref<5x128xf32, #tpu.memory_space<vmem_shared>>) dst(%dma_wait3A_2061 : memref<5x128xf32, #tpu.memory_space<hbm>>)
      tpu.yield
    }) : () -> ()
    return
  }
}

module attributes {stable_mosaic.version = 14 : i64} {
  func.func @_tc_apply(%arg0: i32, %arg1: memref<2000x128xf32, #tpu.memory_space<vmem>>, %arg2: memref<2x2000x128xf32, #tpu.memory_space<vmem>>, %arg3: memref<2x2000x1xf32, #tpu.memory_space<vmem>>, %arg4: memref<256x128xf32, #tpu.memory_space<vmem>>, %arg5: memref<1x128xf32, #tpu.memory_space<vmem>>, %arg6: memref<2000x128xf32, #tpu.memory_space<vmem>>) attributes {dimension_semantics = [#tpu.dimension_semantics<arbitrary>], iteration_bounds = array<i64: 5>, scalar_prefetch = 0 : i64, scratch_operands = 0 : i64, tpu.core_type = #tpu.core_type<tc>, window_params = [{transform_indices = @transform_0, window_bounds = array<i64: 2000, 128>}, {transform_indices = @transform_1, window_bounds = array<i64: 2, 2000, 128>}, {transform_indices = @transform_2, window_bounds = array<i64: 2, 2000, 1>}, {pipeline_mode = #tpu.pipeline_mode<synchronous>, transform_indices = @transform_3, window_bounds = array<i64: 256, 128>}, {pipeline_mode = #tpu.pipeline_mode<synchronous>, transform_indices = @transform_4, window_bounds = array<i64: 1, 128>}, {transform_indices = @transform_5, window_bounds = array<i64: 2000, 128>}]} {
    %get3A = arith.constant 0 : index
    %get3A_0 = arith.constant 0 : index
    %get3A_1 = vector.load %arg1[%get3A, %get3A_0] : memref<2000x128xf32, #tpu.memory_space<vmem>>, vector<2000x128xf32>
    %get3A_2 = arith.constant 0 : index
    %get3A_3 = arith.constant 0 : index
    %get3A_4 = arith.constant 0 : index
    %get3A_5 = vector.load %arg2[%get3A_2, %get3A_3, %get3A_4] : memref<2x2000x128xf32, #tpu.memory_space<vmem>>, vector<1x2000x128xf32>
    %get3A_6 = vector.shape_cast %get3A_5 : vector<1x2000x128xf32> to vector<2000x128xf32>
    %get3A_7 = arith.constant 1 : index
    %get3A_8 = arith.constant 0 : index
    %get3A_9 = arith.constant 0 : index
    %get3A_10 = vector.load %arg2[%get3A_7, %get3A_8, %get3A_9] : memref<2x2000x128xf32, #tpu.memory_space<vmem>>, vector<1x2000x128xf32>
    %get3A_11 = vector.shape_cast %get3A_10 : vector<1x2000x128xf32> to vector<2000x128xf32>
    %add3A = arith.addf %get3A_6, %get3A_11 : vector<2000x128xf32>
    %get3A_12 = arith.constant 0 : index
    %get3A_13 = arith.constant 0 : index
    %get3A_14 = arith.constant 0 : index
    %get3A_15 = vector.load %arg3[%get3A_12, %get3A_13, %get3A_14] : memref<2x2000x1xf32, #tpu.memory_space<vmem>>, vector<1x2000x1xf32>
    %get3A_16 = vector.shape_cast %get3A_15 : vector<1x2000x1xf32> to vector<2000x1xf32>
    %get3A_17 = arith.constant 1 : index
    %get3A_18 = arith.constant 0 : index
    %get3A_19 = arith.constant 0 : index
    %get3A_20 = vector.load %arg3[%get3A_17, %get3A_18, %get3A_19] : memref<2x2000x1xf32, #tpu.memory_space<vmem>>, vector<1x2000x1xf32>
    %get3A_21 = vector.shape_cast %get3A_20 : vector<1x2000x1xf32> to vector<2000x1xf32>
    %add3A_22 = arith.addf %get3A_16, %get3A_21 : vector<2000x1xf32>
    %max3A = arith.constant 1.000000e+00 : f32
    %max3A_23 = vector.broadcast %max3A : f32 to vector<2000x1xf32>
    %max3A_24 = arith.maximumf %add3A_22, %max3A_23 : vector<2000x1xf32>
    %div3A = vector.broadcast %max3A_24 : vector<2000x1xf32> to vector<2000x128xf32>
    %div3A_25 = arith.divf %add3A, %div3A : vector<2000x128xf32>
    %get3A_26 = arith.constant 0 : index
    %get3A_27 = arith.constant 0 : index
    %get3A_28 = vector.load %arg4[%get3A_26, %get3A_27] : memref<256x128xf32, #tpu.memory_space<vmem>>, vector<256x128xf32>
    %slice3A = vector.extract_strided_slice %get3A_28 {offsets = [0, 0], sizes = [128, 128], strides = [1, 1]} : vector<256x128xf32> to vector<128x128xf32>
    %dot_general3A = arith.constant dense<0.000000e+00> : vector<2000x128xf32>
    %dot_general3A_29 = tpu.matmul %get3A_1, %slice3A, %dot_general3A {dimension_numbers = #tpu.dot_dimension_numbers<[1], [0], [0], [1], [0, 0, 1, 1], [], []>, transpose_lhs_hint = false} : vector<2000x128xf32>, vector<128x128xf32>, vector<2000x128xf32> -> vector<2000x128xf32>
    %slice3A_30 = vector.extract_strided_slice %get3A_28 {offsets = [128, 0], sizes = [128, 128], strides = [1, 1]} : vector<256x128xf32> to vector<128x128xf32>
    %dot_general3A_31 = arith.constant dense<0.000000e+00> : vector<2000x128xf32>
    %dot_general3A_32 = tpu.matmul %div3A_25, %slice3A_30, %dot_general3A_31 {dimension_numbers = #tpu.dot_dimension_numbers<[1], [0], [0], [1], [0, 0, 1, 1], [], []>, transpose_lhs_hint = false} : vector<2000x128xf32>, vector<128x128xf32>, vector<2000x128xf32> -> vector<2000x128xf32>
    %add3A_33 = arith.addf %dot_general3A_29, %dot_general3A_32 : vector<2000x128xf32>
    %get3A_34 = arith.constant 0 : index
    %get3A_35 = arith.constant 0 : index
    %get3A_36 = vector.load %arg5[%get3A_34, %get3A_35] : memref<1x128xf32, #tpu.memory_space<vmem>>, vector<1x128xf32>
    %add3A_37 = vector.broadcast %get3A_36 : vector<1x128xf32> to vector<2000x128xf32>
    %add3A_38 = arith.addf %add3A_33, %add3A_37 : vector<2000x128xf32>
    %mul3A = arith.mulf %add3A_38, %add3A_38 : vector<2000x128xf32>
    %reduce_sum3A = arith.constant dense<0.000000e+00> : vector<2000xf32>
    %reduce_sum3A_39 = vector.multi_reduction <add>, %mul3A, %reduce_sum3A [1] : vector<2000x128xf32> to vector<2000xf32>
    %broadcast_in_dim3A = vector.shape_cast %reduce_sum3A_39 : vector<2000xf32> to vector<2000x1xf32>
    %sqrt3A = math.sqrt %broadcast_in_dim3A : vector<2000x1xf32>
    %max3A_40 = arith.constant 9.99999996E-13 : f32
    %max3A_41 = vector.broadcast %max3A_40 : f32 to vector<2000x1xf32>
    %max3A_42 = arith.maximumf %sqrt3A, %max3A_41 : vector<2000x1xf32>
    %div3A_43 = vector.broadcast %max3A_42 : vector<2000x1xf32> to vector<2000x128xf32>
    %div3A_44 = arith.divf %add3A_38, %div3A_43 : vector<2000x128xf32>
    %max3A_45 = arith.constant 0.000000e+00 : f32
    %max3A_46 = vector.broadcast %max3A_45 : f32 to vector<2000x128xf32>
    %max3A_47 = arith.maximumf %div3A_44, %max3A_46 : vector<2000x128xf32>
    %add3A_48 = arith.addf %get3A_1, %max3A_47 : vector<2000x128xf32>
    %swap3A = arith.constant 0 : index
    %swap3A_49 = arith.constant 0 : index
    %swap3A_50 = vector.load %arg6[%swap3A, %swap3A_49] : memref<2000x128xf32, #tpu.memory_space<vmem>>, vector<2000x128xf32>
    tpu.vector_store %arg6[%swap3A, %swap3A_49], %add3A_48 {strides = array<i32>} : memref<2000x128xf32, #tpu.memory_space<vmem>>, vector<2000x128xf32>,
    return
  }
  func.func @transform_0(%arg0: i32) -> (i32, i32) {
    %c0_i32 = arith.constant 0 : i32
    %c0_i32_0 = arith.constant 0 : i32
    return %arg0, %c0_i32 : i32, i32
  }
  func.func @transform_1(%arg0: i32) -> (i32, i32, i32) {
    %c0_i32 = arith.constant 0 : i32
    %c0_i32_0 = arith.constant 0 : i32
    %c0_i32_1 = arith.constant 0 : i32
    return %c0_i32, %arg0, %c0_i32_0 : i32, i32, i32
  }
  func.func @transform_2(%arg0: i32) -> (i32, i32, i32) {
    %c0_i32 = arith.constant 0 : i32
    %c0_i32_0 = arith.constant 0 : i32
    %c0_i32_1 = arith.constant 0 : i32
    return %c0_i32, %arg0, %c0_i32_0 : i32, i32, i32
  }
  func.func @transform_3(%arg0: i32) -> (i32, i32) {
    %c0_i32 = arith.constant 0 : i32
    %c0_i32_0 = arith.constant 0 : i32
    %c0_i32_1 = arith.constant 0 : i32
    return %c0_i32, %c0_i32_0 : i32, i32
  }
  func.func @transform_4(%arg0: i32) -> (i32, i32) {
    %c0_i32 = arith.constant 0 : i32
    %c0_i32_0 = arith.constant 0 : i32
    %c0_i32_1 = arith.constant 0 : i32
    return %c0_i32, %c0_i32_0 : i32, i32
  }
  func.func @transform_5(%arg0: i32) -> (i32, i32) {
    %c0_i32 = arith.constant 0 : i32
    %c0_i32_0 = arith.constant 0 : i32
    return %arg0, %c0_i32 : i32, i32
  }
}

</mosaic_0001>

<sc_bundles>
// kernel: kernel.4.cloned.1.call-start
scs
__scs_entry_jumppad:
0x0: {  	(pc) =	sbr.rel $0x88, $3  }
0x1: {  	(tag) =	ssettag $0x0;
	lr =	simm.s32 $0x1  }
0x2: {  	[smem:$0x3F9D] =	sst lr;
	_ =	strace $0xD0000000  }
0x3: {  	_ = 	snop  }
0x4: {  	_ = 	snop  }
0x5: {  	_ = 	snop  }
0x6: {  	_ = 	snop  }
0x7: {  	_ = 	snop  }
__scs_overlays_trampoline_lowered:
0x8: {  	[smem:$0x3FAC] =	sst s0  }
0x9: {  	[smem:$0x3FAD] =	sst s1  }
0xa: {  	[smem:$0x3FAE] =	sst s2  }
0xb: {  	[smem:$0x3FAF] =	sst s3  }
0xc: {  	[smem:$0x3FB0] =	sst s4  }
0xd: {  	[smem:$0x3FB1] =	sst s5  }
0xe: {  	[smem:$0x3FB2] =	sst s6  }
0xf: {  	[smem:$0x3FB3] =	sst s7  }
0x10: {  	[smem:$0x3FB4] =	sst s8  }
0x11: {  	[smem:$0x3FB5] =	sst s9;
	s0 =	simm.s32 @!p0 $0x0  }
0x12: {  	s1 =	sld [smem:$0x3F9B];
	s0 =	simm.s32 @p0 $0x1  }
0x13: {  	[smem:$0x3FB6] =	sst s0;
	s0 =	simm.s32 @!p1 $0x0  }
0x14: {  	s2 =	sld [smem:$0x3F9A];
	s0 =	simm.s32 @p1 $0x1  }
0x15: {  	[smem:$0x3FB7] =	sst s0;
	s0 =	simm.s32 @!p2 $0x0  }
0x16: {  	s3 =	sld [smem:$0x3FDB];
	s0 =	simm.s32 @p2 $0x1  }
0x17: {  	s4 =	simm.s32 $0x1BF5;
	[smem:$0x3FB9] =	sst s0  }
0x18: {  	s0 =	sld [smem:$0x3F9C];
	_ =	swait.ge [sflag:s4], $0x0  }
0x19: {  	s7 =	sld [smem:$0x3F9D]  }
0x1a: {  	s8 =	sadd.s32 $0xFFFFE003, lr  }
0x1b: {  	s9 =	sadd.s32 $0xFFFFFEF7, lr;
	s5 =	simm.s32 $0xFFFFFFFF;
	p2 =	slt.u32 s8, $0xFFFFF086  }
0x1c: {  	p1 =	slt.u32 s9, $0xF7A;
	s5 =	simm.s32 @!p2 $0x0  }
0x1d: {  	s5 =	simm.s32 @p1 $0x1;
	p0 =	seq.s32 s7, s2  }
0x1e: {  	s7 =	smul.u32 @!p0 $0xF7A, s2;
	p2 =	seq.s32 @!p0 s5, $0x0  }
0x1f: {  	s9 =	smul.u32 $0xF7A, s1;
	s8 =	simm.s32 @!p0 $0x1BF5;
	p2 =	por !p2, p0  }
0x20: {  	[sflag:s8] =	ssyncset.s32 @!p0 $0xFFFFF086;
	s6 =	sadd.s32 @!p0 s3, s7;
	s7 =	simm.s32 @!p0 $0x108  }
0x21: {  	s3 =	sadd.s32 s3, s9;
	s6 =	sadd.s32 @!p0 $0x88, s6;
	s7 =	simm.s32 @p2 $0x1082  }
0x22: {  	[simem:s7], [sflag:s8] =	dma.local @!p0 [hbm:s6], $0xF7A  }
0x23: {  	s9 =	sor.u32 $0xD0000000, s2;
	s6 =	simm.s32 $0x108;
	_ =	swait.ge @!p0 [sflag:s8], $0x0  }
0x24: {  	s3 =	sadd.s32 $0x88, s3;
	s6 =	simm.s32 @!p1 $0x1082;
	[sflag:s4] =	ssyncset.s32 $0xFFFFF086  }
0x25: {  	[simem:s6], [sflag:s4] =	dma.local [hbm:s3], $0xF7A  }
0x26: {  	[smem:$0x3F9D] =	sst s1;
	(tag) =	ssettag s2;
	_ =	strace s9  }
0x27: {  	s1 =	sld [smem:$0x3FAD]  }
0x28: {  	s2 =	sld [smem:$0x3FAE]  }
0x29: {  	s4 =	sld [smem:$0x3FB0]  }
0x2a: {  	p0 =	seq.s32 s5, $0x0;
	s5 =	sld [smem:$0x3FB1]  }
0x2b: {  	s6 =	sld [smem:$0x3FB2]  }
0x2c: {  	s7 =	sld [smem:$0x3FB3]  }
0x2d: {  	s3 =	simm.s32 $0x108;
	s8 =	sld [smem:$0x3FB4]  }
0x2e: {  	s3 =	simm.s32 @!p0 $0x1082;
	s9 =	sld [smem:$0x3FB5]  }
0x2f: {  	lr =	sadd.s32 s0, s3;
	s0 =	sld [smem:$0x3FAC]  }
0x30: {  	s3 =	sld [smem:$0x3FAF]  }
0x31: {  	[smem:$0x3FB8] =	sst s10  }
0x32: {  	s10 =	sld [smem:$0x3FB6];
	_ =	sdelay $0x3  }
0x33: {  	p0 =	seq.s32 s10, $0x1;
	s10 =	sld [smem:$0x3FB8];
	_ =	sdelay $0x3  }
0x34: {  	[smem:$0x3FB8] =	sst s10  }
0x35: {  	s10 =	sld [smem:$0x3FB7];
	_ =	sdelay $0x3  }
0x36: {  	p1 =	seq.s32 s10, $0x1;
	s10 =	sld [smem:$0x3FB8];
	_ =	sdelay $0x3  }
0x37: {  	[smem:$0x3FB8] =	sst s10  }
0x38: {  	s10 =	sld [smem:$0x3FB9]  }
0x39: {  	_ = 	snop;
	(pc) =	sbr.ind lr, $3  }
0x3a: {  	_ = 	snop  }
0x3b: {  	_ = 	snop  }
0x3c: {  	p2 =	seq.s32 s10, $0x1;
	s10 =	sld [smem:$0x3FB8]  }
0x3d: {  	_ =	shalt  }
0x3e: {  	_ =	shalt  }
0x3f: {  	_ =	shalt  }
0x40: {  	_ =	shalt  }
0x41: {  	_ =	shalt  }
0x42: {  	_ =	shalt  }
0x43: {  	_ =	shalt  }
0x44: {  	_ =	shalt  }
0x45: {  	_ =	shalt  }
0x46: {  	_ =	shalt  }
0x47: {  	_ =	shalt  }
0x48: {  	_ =	shalt  }
0x49: {  	_ =	shalt  }
0x4a: {  	_ =	shalt  }
0x4b: {  	_ =	shalt  }
0x4c: {  	_ =	shalt  }
0x4d: {  	_ =	shalt  }
0x4e: {  	_ =	shalt  }
0x4f: {  	_ =	shalt  }
0x50: {  	_ =	shalt  }
0x51: {  	_ =	shalt  }
0x52: {  	_ =	shalt  }
0x53: {  	_ =	shalt  }
0x54: {  	_ =	shalt  }
0x55: {  	_ =	shalt  }
0x56: {  	_ =	shalt  }
0x57: {  	_ =	shalt  }
0x58: {  	_ =	shalt  }
0x59: {  	_ =	shalt  }
0x5a: {  	_ =	shalt  }
0x5b: {  	_ =	shalt  }
0x5c: {  	_ =	shalt  }
0x5d: {  	_ =	shalt  }
0x5e: {  	_ =	shalt  }
0x5f: {  	_ =	shalt  }
0x60: {  	_ =	shalt  }
0x61: {  	_ =	shalt  }
0x62: {  	_ =	shalt  }
0x63: {  	_ =	shalt  }
0x64: {  	_ =	shalt  }
0x65: {  	_ =	shalt  }
0x66: {  	_ =	shalt  }
0x67: {  	_ =	shalt  }
0x68: {  	_ =	shalt  }
0x69: {  	_ =	shalt  }
0x6a: {  	_ =	shalt  }
0x6b: {  	_ =	shalt  }
0x6c: {  	_ =	shalt  }
0x6d: {  	_ =	shalt  }
0x6e: {  	_ =	shalt  }
0x6f: {  	_ =	shalt  }
0x70: {  	_ =	shalt  }
0x71: {  	_ =	shalt  }
0x72: {  	_ =	shalt  }
0x73: {  	_ =	shalt  }
0x74: {  	_ =	shalt  }
0x75: {  	_ =	shalt  }
0x76: {  	_ =	shalt  }
0x77: {  	_ =	shalt  }
0x78: {  	_ =	shalt  }
0x79: {  	_ =	shalt  }
0x7a: {  	_ =	shalt  }
0x7b: {  	_ =	shalt  }
0x7c: {  	_ =	shalt  }
0x7d: {  	_ =	shalt  }
0x7e: {  	_ =	shalt  }
0x7f: {  	_ =	shalt  }
0x80: {  	_ =	shalt  }
0x81: {  	_ =	shalt  }
0x82: {  	_ =	shalt  }
0x83: {  	_ =	shalt  }
0x84: {  	_ =	shalt  }
0x85: {  	_ =	shalt  }
0x86: {  	_ =	shalt  }
0x87: {  	_ =	shalt  }
.Lfunc_end0:
.L_simem_size_0:
called_computation_lowered:
.L_overlay_start_0:
0x88: {  	s2 =	sld [smem:$0x3FD9]  }
0x89: {  	s3 =	sld [smem:$0x3FFE];
	_ =	sdelay $0x1  }
0x8a: {  	s1 =	srdreg.scid  }
0x8b: {  	s0 =	sand.u32 $0x1, s1  }
0x8c: {  	s17 =	sshll.u32 s0, $0xA;
	s2 =	sadd.s32 s3, s2  }
0x8d: {  	s2 =	sadd.s32 s2, s17  }
0x8e: {  	[smem:$0x3FC4] =	sst s2  }
0x8f: {  	_ = 	snop  }
0x90: {  	s2 =	sld [smem:$0x3FC9]  }
0x91: {  	s18 =	sld [smem:$0x3FD0];
	(tm) =	ssettm $0x1  }
0x92: {  	s4 =	sld [smem:$0x3FFB];
	_ =	sdelay $0x3  }
0x93: {  	_ =	strace s4  }
0x94: {  	s4 =	sld [smem:$0x3FFC];
	_ =	sdelay $0x3  }
0x95: {  	_ =	strace s4  }
0x96: {  	s4 =	sld [smem:$0x3FFD];
	_ =	sdelay $0x3  }
0x97: {  	_ =	strace s4  }
0x98: {  	_ =	strace $0x8FFFFFFF  }
0x99: {  	s19 =	sld [smem:$0x3FDB];
	_ =	sdelay $0x1  }
0x9a: {  	s5 =	simm.s32 $_scs_section_size  }
0x9b: {  	s6 =	simm.s32 $_size__tile_overlayer_lowered;
	s7 =	simm.s32 $_tile_overlayer_lowered  }
0x9c: {  	s22 =	simm.s32 $0x1BFF;
	s21 =	sshll.u32 s7, $0x1;
	s4 =	sadd.s32 s5, s19  }
0x9d: {  	s8 =	simm.s32 $0x0;
	s20 =	sshll.u32 s6, $0x1;
	s6 =	sadd.s32 s21, s4  }
0x9e: {  	[timem:s8], [sflag:s22] =	dma.local [hbm:s6], s20  }
0x9f: {  	_ =	swait.ge [sflag:s22], s20  }
0xa0: {  	s5 =	ssub.s32 $0x0, s20;
	[sflag:s22] =	ssyncset.done $0x0  }
0xa1: {  	[sflag:s22] =	ssyncadd.s32 s5;
	_ =	sdelay $0x1  }
0xa2: {  	s23 =	simm.s32 $0x1B8B  }
0xa3: {  	_ =	swait.ge [sflag:s23], $0x1  }
0xa4: {  	[sflag:s23] =	ssyncset.done $0x0  }
0xa5: {  	s25 =	simm.s32 $0x1B8E;
	s24 =	sld [smem:$0x3FFE];
	[sflag:s23] =	ssyncadd.s32 $0xFFFFFFFF  }
0xa6: {  	s26 =	simm.s32 $execute0_lowered;
	[smem:$0x3FD2] =	sst s25  }
0xa7: {  	s6 =	sshll.u32 s26, $0x1;
	_ =	strace $0x80000046;
	[dreg:$0x1] =	wrdreg $0xFFFFFFFF  }
0xa8: {  	s28 =	simm.s32 $_size_execute0_lowered;
	s4 =	sadd.s32 s4, s6;
	[dreg:$0x0] =	wrdreg $0x0  }
0xa9: {  	s6 =	sshll.u32 s28, $0x1;
	[dreg:$0x2] =	wrdreg s4  }
0xaa: {  	[dreg:$0x3] =	wrdreg s6  }
0xab: {  	[dreg:$0x4] =	wrdreg $0xC0  }
0xac: {  	_ =	task [dreg:s8], $0x5FFFF  }
0xad: {  	[dreg:$0x1] =	wrdreg $0xFFFFFFFF  }
0xae: {  	[dreg:$0x0] =	wrdreg $0x60  }
0xaf: {  	[dreg:$0x2] =	wrdreg s2  }
0xb0: {  	[dreg:$0x3] =	wrdreg s18  }
0xb1: {  	[dreg:$0x4] =	wrdreg s24  }
0xb2: {  	[dreg:$0x5] =	wrdreg $0xBC500  }
0xb3: {  	[dreg:$0x6] =	wrdreg $0x1FC500  }
0xb4: {  	[dreg:$0x7] =	wrdreg $0x9  }
0xb5: {  	_ =	task.clear_ibuf [dreg:s8], $0x8FFFF;
	_ =	strace $0x90000046  }
0xb6: {  	s29 =	simm.s32 $0x9;
	_ =	strace $0x80000048  }
0xb7: {  	_ =	swait.ge [sflag:s29], $0x1  }
0xb8: {  	[sflag:s29] =	ssyncadd.s32 $0xFFFFFFFF  }
0xb9: {  	_ =	strace $0x90000048  }
0xba: {  	_ =	sfence  }
0xbb: {  	s30 =	sld [smem:$0x0];
	_ =	sdelay $0x2  }
0xbc: {  	s31 =	sshll.u32 s1, $0xD;
	s1 =	sshrl.u32 s1, $0x2  }
0xbd: {  	s3 =	sand.u32 $0x4000, s31;
	s1 =	sadd.s32 s1, s30  }
0xbe: {  	s0 =	sor.u32 s3, s0;
	s1 =	sshll.u32 s1, $0x11  }
0xbf: {  	s0 =	sor.u32 s1, s0  }
0xc0: {  	s0 =	sadd.s32 $0x8F2B, s0  }
0xc1: {  	[sflag:s0] =	ssyncadd.remote.s32 $0x1  }
0xc2: {  	_ =	sfence.sel $0xFFFF  }
0xc3: {  	[dreg:$0x0] =	wrdreg $0xFFFFFFFF;
	(pc) =	sbr.abs _section_cstart, $3  }
0xc4: {  	[dreg:$0x1] =	wrdreg $0xFFFFFFFF  }
0xc5: {  	_ =	task.clear_ibuf [dreg:s8], $0x2FFFF;
	_ =	strace $0x9FFFFFFF  }
0xc6: {  	(tm) =	ssettm $0x7FFFFFFF  }
0xc7: {  	_ =	shalt  }
tec
execute0_lowered:
.L_overlay_start_1:
0x0: {  	(tag) =	ssettag $0x1  }
0x1: {  	s0 =	srdreg.scid;
	s1 =	rddreg [dreg:$0x0]  }
0x2: {  	s4 =	rddreg [dreg:$0x1];
	s13 =	stileid.u32;
	s0 =	sand.u32 $0x1, s0  }
0x3: {  	s5 =	rddreg [dreg:$0x2];
	s3 =	simm.s32 $0x0;
	s2 =	sshll.u32 s0, $0x4  }
0x4: {  	s31 =	simm.s32 $0xBC00;
	s8 =	smul.u32 $0x14000, s13;
	s6 =	sor.u32 s13, s2  }
0x5: {  	s7 =	sadd.s32 $0xE00, s5;
	[smem:$0x7FF] =	sst s3;
	s6 =	smul.u32 $0x2800, s6  }
0x6: {  	s30 =	sshll.u32 s13, $0x6;
	s9 =	ssub.s32 $0x2, s0;
	s10 =	smul.u32 $0x140000, s0  }
0x7: {  	s0 =	smul.u32 $0x2800, s0;
	s11 =	sshrl.u32 s9, $0x1;
	s6 =	sshrl.u32 s6, $0x3  }
0x8: {  	s2 =	rddreg [dreg:$0x3];
	s9 =	ssub.s32 s9, s11;
	s21 =	sadd.s32 s4, s6  }
0x9: {  	s22 =	sadd.s32 s7, s6;
	s23 =	sor.u32 $0xA0, s6;
	s12 =	sadd.s32 $0x140, s6  }
0xa: {  	s26 =	sadd.s32 $0x1E0, s6;
	s28 =	sadd.s32 $0x280, s6;
	[dreg:$0x6] =	wrdreg s21  }
0xb: {  	s16 =	sadd.s32 $0x320, s6;
	[dreg:$0x7] =	wrdreg s22;
	s14 =	sadd.s32 s4, s23  }
0xc: {  	s17 =	sadd.s32 $0x3C0, s6;
	s11 =	sadd.s32 s7, s23;
	[dreg:$0x8] =	wrdreg s14  }
0xd: {  	s6 =	sadd.s32 $0x460, s6;
	s24 =	sadd.s32 s4, s12;
	[dreg:$0x9] =	wrdreg s11  }
0xe: {  	s25 =	sadd.s32 s7, s12;
	s29 =	sadd.s32 s4, s26;
	[dreg:$0xa] =	wrdreg s24  }
0xf: {  	s15 =	sadd.s32 s7, s28;
	s18 =	sadd.s32 s4, s16;
	[dreg:$0xb] =	wrdreg s25  }
0x10: {  	s19 =	sadd.s32 s4, s17;
	s20 =	sadd.s32 s7, s17;
	[dreg:$0xc] =	wrdreg s29  }
0x11: {  	s21 =	smul.u32 $0x280, s13;
	s22 =	sadd.s32 s7, s6;
	[dreg:$0xf] =	wrdreg s15  }
0x12: {  	s23 =	sadd.s32 s8, s10;
	s10 =	simm.s32 $0xF00;
	[dreg:$0x10] =	wrdreg s18  }
0x13: {  	s12 =	simm.s32 $0x1;
	s13 =	simm.s32 $0x2;
	[dreg:$0x12] =	wrdreg s19  }
0x14: {  	s17 =	simm.s32 $0x980;
	s11 =	sadd.s32 s7, s26;
	[dreg:$0x13] =	wrdreg s20  }
0x15: {  	s14 =	sadd.s32 s4, s28;
	s4 =	sadd.s32 s4, s6;
	[dreg:$0x15] =	wrdreg s22  }
0x16: {  	s24 =	rddreg [dreg:$0x4];
	s22 =	sadd.s32 $0xB000, s5;
	s25 =	sshrl.u32 s8, $0x3  }
0x17: {  	s26 =	sadd.s32 s8, s2;
	s29 =	smax.u32 s9, $0x1;
	s20 =	sor.u32 $0x1C05, s30  }
0x18: {  	s6 =	simm.s32 $0x80;
	s8 =	simm.s32 $0x5400;
	s9 =	simm.s32 $0xA00  }
0x19: {  	s15 =	simm.s32 $0x4;
	s18 =	simm.s32 $0x6;
	[dreg:$0xd] =	wrdreg s11  }
0x1a: {  	s19 =	simm.s32 $0xA80;
	[dreg:$0xe] =	wrdreg s14;
	s11 =	sadd.s32 s7, s16  }
0x1b: {  	[dreg:$0x14] =	wrdreg s4;
	s0 =	sadd.s32 s21, s0;
	s4 =	sshrl.u32 s23, $0x3  }
0x1c: {  	s28 =	sadd.s32 s21, s24;
	s7 =	simm.s32 $0x1400;
	s14 =	simm.s32 $0x3  }
0x1d: {  	s16 =	simm.s32 $0x900;
	s21 =	simm.s32 $0x1300;
	[dreg:$0x11] =	wrdreg s11  }
0x1e: {  	s23 =	simm.s32 $0x1380;
	_ =	strace $0x80000047;
	[dreg:$0x17] =	wrdreg s26  }
0x1f: {  	s0 =	sshrl.u32 s0, $0x3;
	s4 =	sadd.s32 s4, s5;
	[dreg:$0x19] =	wrdreg s28  }
0x20: {  	s0 =	sadd.s32 s0, s5;
	s5 =	sadd.s32 $0xAE00, s5;
	[dreg:$0x1c] =	wrdreg s29  }
0x21: {  	s24 =	simm.s32 $0x0;
	s4 =	sadd.s32 $0x33A00, s4;
	[dreg:$0x16] =	wrdreg s5  }
0x22: {  	s11 =	simm.s32 $0x5;
	s5 =	sadd.s32 s22, s25;
	[dreg:$0x1a] =	wrdreg s4  }
0x23: {  	s0 =	sadd.s32 $0x33000, s0;
	s4 =	simm.s32 $0x7;
	[dreg:$0x18] =	wrdreg s5  }
0x24: {  	v0 =	vimm.f32 $1.000000000e+00;
	[dreg:$0x1b] =	wrdreg s0;
	s0 =	simm.s32 $0x9400;
	s5 =	simm.s32 $0x500  }
.LBB2_1:
0x25: {  	s25 =	rddreg [dreg:$0x17]  }
0x26: {  	s29 =	rddreg [dreg:$0x18];
	s26 =	sshrl.u32 s25, $0x3  }
0x27: {  	[spmem:s26], [sflag:s20] =	dma.local [hbm:s29], $0x2800  }
0x28: {  	[tilespmem:s0], [sflag:$0x5] =	stream.linear.gather [hbm4b:s22+s3], $0x2800, $0x38;
	[tilespmem:$0x1FED0] =	vst v63  }
0x29: {  	s25 =	rddreg [dreg:$0x19]  }
0x2a: {  	s25 =	sshrl.u32 s25, $0x3  }
0x2b: {  	[spmem:s25], [sflag:s20] =	dma.local [hbm:s22], $0x50  }
0x2c: {  	s28 =	rddreg [dreg:$0x16]  }
0x2d: {  	[tilespmem:s31], [sflag:$0x7] =	stream.linear.gather [hbm4b:s28+s3], $0x50, $0x38;
	[tilespmem:$0x1FED0] =	vst v63  }
0x2e: {  	_ =	swait.ge [sflag:s4], $0x50  }
0x2f: {  	[sflag:s4] =	ssyncset.done $0x0  }
0x30: {  	s28 =	rddreg [dreg:$0x6];
	[sflag:s4] =	ssyncadd.s32 $0xFFFFFFB0  }
0x31: {  	[tilespmem:s3], [sflag:$0x7] =	stream.linear.gather [hbm4b:s28+s3], $0x500, $0x38;
	[tilespmem:$0x1FED0] =	vst v63  }
0x32: {  	_ =	swait.ge [sflag:s4], $0x500  }
0x33: {  	[sflag:s4] =	ssyncset.done $0x0  }
0x34: {  	s28 =	rddreg [dreg:$0x7];
	[sflag:s4] =	ssyncadd.s32 $0xFFFFFB00  }
0x35: {  	[tilespmem:s5], [sflag:$0x7] =	stream.linear.gather [hbm4b:s28+s3], $0x500, $0x38;
	[tilespmem:$0x1FED0] =	vst v63  }
0x36: {  	_ =	swait.ge [sflag:s4], $0x500  }
0x37: {  	[sflag:s4] =	ssyncset.done $0x0  }
0x38: {  	[sflag:s4] =	ssyncadd.s32 $0xFFFFFB00  }
0x39: {  	[tilespmem:s7], [sflag:$0x1] =	stream.indirect.gather [hbm4b:s1+s6], $0x80, s3, s6, $0xb8;
	[tilespmem:$0x1FED0] =	vst v63  }
0x3a: {  	_ = 	snop  }
0x3b: {  	[tilespmem:s8], [sflag:$0x2] =	stream.indirect.gather [hbm4b:s1+s6], $0x80, s6, s6, $0xb8;
	[tilespmem:$0x1FED0] =	vst v63  }
0x3c: {  	s28 =	rddreg [dreg:$0x8]  }
0x3d: {  	[tilespmem:s9], [sflag:$0x6] =	stream.linear.gather [hbm4b:s28+s3], $0x500, $0x38;
	[tilespmem:$0x1FED0] =	vst v63  }
0x3e: {  	s28 =	rddreg [dreg:$0x9]  }
0x3f: {  	[tilespmem:s10], [sflag:$0x6] =	stream.linear.gather [hbm4b:s28+s3], $0x500, $0x38;
	[tilespmem:$0x1FED0] =	vst v63  }
0x40: {  	_ =	swait.ge [sflag:s11], $0x2800  }
0x41: {  	[sflag:s11] =	ssyncset.done $0x0  }
0x42: {  	[sflag:s11] =	ssyncadd.s32 $0xFFFFD800  }
0x43: {  	_ =	swait.ge [sflag:s11], $0x2800  }
0x44: {  	[sflag:s11] =	ssyncset.done $0x0  }
0x45: {  	[sflag:s11] =	ssyncadd.s32 $0xFFFFD800  }
0x46: {  	_ =	swait.ge [sflag:s11], $0x50  }
0x47: {  	[sflag:s11] =	ssyncset.done $0x0  }
0x48: {  	[sflag:s11] =	ssyncadd.s32 $0xFFFFFFB0  }
0x49: {  	s28 =	simm.s32 $0x0;
	[bflag:$0x0] =	sbarrier.arrive $0xFFFF  }
.LBB2_2:
0x4a: {  	_ =	swait.ge [sflag:s12], $0x4000  }
0x4b: {  	s29 =	sshra.s32 s28, $0x2;
	[sflag:s12] =	ssyncset.done $0x0  }
0x4c: {  	s31 =	sadd.s32 $0x500, s29;
	[sflag:s12] =	ssyncadd.s32 $0xFFFFC000  }
0x4d: {  	[spmem:s2] =	stream.indirect.scatter.add.f32 [tilespmem:s7], [sflag:$0x3], $0x80, s31, s6, $0xb8;
	[tilespmem:$0x1FED0] =	vst v63  }
0x4e: {  	v1 =	vld [tilespmem:s29+$0x500];
	_ =	sdelay $0x7  }
0x4f: {  	[tilespmem:v1+s0+$0x0] =	vst.idx.add.f32.msk $0xffff, v0  }
0x50: {  	v1 =	vld [tilespmem:s29+$0x510];
	_ =	sdelay $0x7  }
0x51: {  	[tilespmem:v1+s0+$0x0] =	vst.idx.add.f32.msk $0xffff, v0  }
0x52: {  	v1 =	vld [tilespmem:s29+$0x520];
	_ =	sdelay $0x7  }
0x53: {  	[tilespmem:v1+s0+$0x0] =	vst.idx.add.f32.msk $0xffff, v0  }
0x54: {  	v1 =	vld [tilespmem:s29+$0x530];
	_ =	sdelay $0x7  }
0x55: {  	[tilespmem:v1+s0+$0x0] =	vst.idx.add.f32.msk $0xffff, v0  }
0x56: {  	v1 =	vld [tilespmem:s29+$0x540];
	_ =	sdelay $0x7  }
0x57: {  	[tilespmem:v1+s0+$0x0] =	vst.idx.add.f32.msk $0xffff, v0  }
0x58: {  	v1 =	vld [tilespmem:s29+$0x550];
	_ =	sdelay $0x7  }
0x59: {  	[tilespmem:v1+s0+$0x0] =	vst.idx.add.f32.msk $0xffff, v0  }
0x5a: {  	v1 =	vld [tilespmem:s29+$0x560];
	_ =	sdelay $0x7  }
0x5b: {  	[tilespmem:v1+s0+$0x0] =	vst.idx.add.f32.msk $0xffff, v0  }
0x5c: {  	v1 =	vld [tilespmem:s29+$0x570];
	_ =	sdelay $0x7  }
0x5d: {  	[tilespmem:v1+s0+$0x0] =	vst.idx.add.f32.msk $0xffff, v0  }
0x5e: {  	_ =	swait.ge [sflag:s13], $0x4000  }
0x5f: {  	[sflag:s13] =	ssyncset.done $0x0  }
0x60: {  	s31 =	sadd.s32 $0x580, s29;
	[sflag:s13] =	ssyncadd.s32 $0xFFFFC000  }
0x61: {  	[spmem:s2] =	stream.indirect.scatter.add.f32 [tilespmem:s8], [sflag:$0x4], $0x80, s31, s6, $0xb8;
	[tilespmem:$0x1FED0] =	vst v63  }
0x62: {  	v1 =	vld [tilespmem:s29+$0x580];
	_ =	sdelay $0x7  }
0x63: {  	[tilespmem:v1+s0+$0x0] =	vst.idx.add.f32.msk $0xffff, v0  }
0x64: {  	v1 =	vld [tilespmem:s29+$0x590];
	_ =	sdelay $0x7  }
0x65: {  	[tilespmem:v1+s0+$0x0] =	vst.idx.add.f32.msk $0xffff, v0  }
0x66: {  	v1 =	vld [tilespmem:s29+$0x5A0];
	_ =	sdelay $0x7  }
0x67: {  	[tilespmem:v1+s0+$0x0] =	vst.idx.add.f32.msk $0xffff, v0  }
0x68: {  	v1 =	vld [tilespmem:s29+$0x5B0];
	_ =	sdelay $0x7  }
0x69: {  	[tilespmem:v1+s0+$0x0] =	vst.idx.add.f32.msk $0xffff, v0  }
0x6a: {  	v1 =	vld [tilespmem:s29+$0x5C0];
	_ =	sdelay $0x7  }
0x6b: {  	[tilespmem:v1+s0+$0x0] =	vst.idx.add.f32.msk $0xffff, v0  }
0x6c: {  	v1 =	vld [tilespmem:s29+$0x5D0];
	_ =	sdelay $0x7  }
0x6d: {  	[tilespmem:v1+s0+$0x0] =	vst.idx.add.f32.msk $0xffff, v0  }
0x6e: {  	v1 =	vld [tilespmem:s29+$0x5E0];
	_ =	sdelay $0x7  }
0x6f: {  	[tilespmem:v1+s0+$0x0] =	vst.idx.add.f32.msk $0xffff, v0  }
0x70: {  	v1 =	vld [tilespmem:s29+$0x5F0];
	_ =	sdelay $0x7  }
0x71: {  	[tilespmem:v1+s0+$0x0] =	vst.idx.add.f32.msk $0xffff, v0  }
0x72: {  	_ =	swait.ge [sflag:s14], $0x4000  }
0x73: {  	[sflag:s14] =	ssyncset.done $0x0  }
0x74: {  	p0 =	sne.s32 s28, $0xC00;
	s31 =	sadd.s32 $0x100, s29;
	[sflag:s14] =	ssyncadd.s32 $0xFFFFC000  }
0x75: {  	[tilespmem:s7], [sflag:$0x1] =	stream.indirect.gather [hbm4b:s1+s6], $0x80, s31, s6, $0xb8;
	[tilespmem:$0x1FED0] =	vst v63  }
.Ltmp0:
0x76: {  	_ = 	snop;
	(pc) =	sbr.rel @p0 .LBB2_2-.Ltmp0, $4  }
0x77: {  	_ =	swait.ge [sflag:s15], $0x4000  }
0x78: {  	[sflag:s15] =	ssyncset.done $0x0  }
0x79: {  	s28 =	sadd.s32 $0x400, s28;
	s29 =	sadd.s32 $0x180, s29;
	[sflag:s15] =	ssyncadd.s32 $0xFFFFC000  }
0x7a: {  	[tilespmem:s8], [sflag:$0x2] =	stream.indirect.gather [hbm4b:s1+s6], $0x80, s29, s6, $0xb8;
	[tilespmem:$0x1FED0] =	vst v63  }
0x7b: {  	_ =	swait.ge [sflag:s12], $0x4000  }
0x7c: {  	[sflag:s12] =	ssyncset.done $0x0  }
0x7d: {  	[sflag:s12] =	ssyncadd.s32 $0xFFFFC000  }
0x7e: {  	[spmem:s2] =	stream.indirect.scatter.add.f32 [tilespmem:s7], [sflag:$0x3], $0x80, s16, s6, $0xb8;
	[tilespmem:$0x1FED0] =	vst v63  }
0x7f: {  	v1 =	vld [tilespmem:$0x900];
	_ =	sdelay $0x7  }
0x80: {  	[tilespmem:v1+s0+$0x0] =	vst.idx.add.f32.msk $0xffff, v0  }
0x81: {  	v1 =	vld [tilespmem:$0x910];
	_ =	sdelay $0x7  }
0x82: {  	[tilespmem:v1+s0+$0x0] =	vst.idx.add.f32.msk $0xffff, v0  }
0x83: {  	v1 =	vld [tilespmem:$0x920];
	_ =	sdelay $0x7  }
0x84: {  	[tilespmem:v1+s0+$0x0] =	vst.idx.add.f32.msk $0xffff, v0  }
0x85: {  	v1 =	vld [tilespmem:$0x930];
	_ =	sdelay $0x7  }
0x86: {  	[tilespmem:v1+s0+$0x0] =	vst.idx.add.f32.msk $0xffff, v0  }
0x87: {  	v1 =	vld [tilespmem:$0x940];
	_ =	sdelay $0x7  }
0x88: {  	[tilespmem:v1+s0+$0x0] =	vst.idx.add.f32.msk $0xffff, v0  }
0x89: {  	v1 =	vld [tilespmem:$0x950];
	_ =	sdelay $0x7  }
0x8a: {  	[tilespmem:v1+s0+$0x0] =	vst.idx.add.f32.msk $0xffff, v0  }
0x8b: {  	v1 =	vld [tilespmem:$0x960];
	_ =	sdelay $0x7  }
0x8c: {  	[tilespmem:v1+s0+$0x0] =	vst.idx.add.f32.msk $0xffff, v0  }
0x8d: {  	v1 =	vld [tilespmem:$0x970];
	_ =	sdelay $0x7  }
0x8e: {  	[tilespmem:v1+s0+$0x0] =	vst.idx.add.f32.msk $0xffff, v0  }
0x8f: {  	_ =	swait.ge [sflag:s13], $0x4000  }
0x90: {  	[sflag:s13] =	ssyncset.done $0x0  }
0x91: {  	[sflag:s13] =	ssyncadd.s32 $0xFFFFC000  }
0x92: {  	[spmem:s2] =	stream.indirect.scatter.add.f32 [tilespmem:s8], [sflag:$0x4], $0x80, s17, s6, $0xb8;
	[tilespmem:$0x1FED0] =	vst v63  }
0x93: {  	v1 =	vld [tilespmem:$0x980];
	_ =	sdelay $0x7  }
0x94: {  	[tilespmem:v1+s0+$0x0] =	vst.idx.add.f32.msk $0xffff, v0  }
0x95: {  	v1 =	vld [tilespmem:$0x990];
	_ =	sdelay $0x7  }
0x96: {  	[tilespmem:v1+s0+$0x0] =	vst.idx.add.f32.msk $0xffff, v0  }
0x97: {  	v1 =	vld [tilespmem:$0x9A0];
	_ =	sdelay $0x7  }
0x98: {  	[tilespmem:v1+s0+$0x0] =	vst.idx.add.f32.msk $0xffff, v0  }
0x99: {  	v1 =	vld [tilespmem:$0x9B0];
	_ =	sdelay $0x7  }
0x9a: {  	[tilespmem:v1+s0+$0x0] =	vst.idx.add.f32.msk $0xffff, v0  }
0x9b: {  	v1 =	vld [tilespmem:$0x9C0];
	_ =	sdelay $0x7  }
0x9c: {  	[tilespmem:v1+s0+$0x0] =	vst.idx.add.f32.msk $0xffff, v0  }
0x9d: {  	v1 =	vld [tilespmem:$0x9D0];
	_ =	sdelay $0x7  }
0x9e: {  	[tilespmem:v1+s0+$0x0] =	vst.idx.add.f32.msk $0xffff, v0  }
0x9f: {  	v1 =	vld [tilespmem:$0x9E0];
	_ =	sdelay $0x7  }
0xa0: {  	[tilespmem:v1+s0+$0x0] =	vst.idx.add.f32.msk $0xffff, v0  }
0xa1: {  	v1 =	vld [tilespmem:$0x9F0];
	_ =	sdelay $0x7  }
0xa2: {  	[tilespmem:v1+s0+$0x0] =	vst.idx.add.f32.msk $0xffff, v0  }
0xa3: {  	_ =	swait.ge [sflag:s18], $0x500  }
0xa4: {  	[sflag:s18] =	ssyncset.done $0x0  }
0xa5: {  	[sflag:s18] =	ssyncadd.s32 $0xFFFFFB00  }
0xa6: {  	_ =	swait.ge [sflag:s18], $0x500  }
0xa7: {  	[sflag:s18] =	ssyncset.done $0x0  }
0xa8: {  	[sflag:s18] =	ssyncadd.s32 $0xFFFFFB00  }
0xa9: {  	_ =	swait.ge [sflag:s14], $0x4000  }
0xaa: {  	[sflag:s14] =	ssyncset.done $0x0  }
0xab: {  	[sflag:s14] =	ssyncadd.s32 $0xFFFFC000  }
0xac: {  	[tilespmem:s7], [sflag:$0x1] =	stream.indirect.gather [hbm4b:s1+s6], $0x80, s9, s6, $0xb8;
	[tilespmem:$0x1FED0] =	vst v63  }
0xad: {  	_ =	swait.ge [sflag:s15], $0x4000  }
0xae: {  	[sflag:s15] =	ssyncset.done $0x0  }
0xaf: {  	[sflag:s15] =	ssyncadd.s32 $0xFFFFC000  }
0xb0: {  	[tilespmem:s8], [sflag:$0x2] =	stream.indirect.gather [hbm4b:s1+s6], $0x80, s19, s6, $0xb8;
	[tilespmem:$0x1FED0] =	vst v63  }
0xb1: {  	s28 =	simm.s32 $0x0;
	s29 =	rddreg [dreg:$0xa]  }
0xb2: {  	[tilespmem:s28], [sflag:$0x6] =	stream.linear.gather [hbm4b:s29+s28], $0x500, $0x38;
	[tilespmem:$0x1FED0] =	vst v63  }
0xb3: {  	s31 =	rddreg [dreg:$0xb]  }
0xb4: {  	[tilespmem:s5], [sflag:$0x6] =	stream.linear.gather [hbm4b:s31+s28], $0x500, $0x38;
	[tilespmem:$0x1FED0] =	vst v63  }
.LBB2_4:
0xb5: {  	_ =	swait.ge [sflag:s12], $0x4000  }
0xb6: {  	s29 =	sshra.s32 s28, $0x2;
	[sflag:s12] =	ssyncset.done $0x0  }
0xb7: {  	s31 =	sadd.s32 $0xF00, s29;
	[sflag:s12] =	ssyncadd.s32 $0xFFFFC000  }
0xb8: {  	[spmem:s2] =	stream.indirect.scatter.add.f32 [tilespmem:s7], [sflag:$0x3], $0x80, s31, s6, $0xb8;
	[tilespmem:$0x1FED0] =	vst v63  }
0xb9: {  	v1 =	vld [tilespmem:s29+$0xF00];
	_ =	sdelay $0x7  }
0xba: {  	[tilespmem:v1+s0+$0x0] =	vst.idx.add.f32.msk $0xffff, v0  }
0xbb: {  	v1 =	vld [tilespmem:s29+$0xF10];
	_ =	sdelay $0x7  }
0xbc: {  	[tilespmem:v1+s0+$0x0] =	vst.idx.add.f32.msk $0xffff, v0  }
0xbd: {  	v1 =	vld [tilespmem:s29+$0xF20];
	_ =	sdelay $0x7  }
0xbe: {  	[tilespmem:v1+s0+$0x0] =	vst.idx.add.f32.msk $0xffff, v0  }
0xbf: {  	v1 =	vld [tilespmem:s29+$0xF30];
	_ =	sdelay $0x7  }
0xc0: {  	[tilespmem:v1+s0+$0x0] =	vst.idx.add.f32.msk $0xffff, v0  }
0xc1: {  	v1 =	vld [tilespmem:s29+$0xF40];
	_ =	sdelay $0x7  }
0xc2: {  	[tilespmem:v1+s0+$0x0] =	vst.idx.add.f32.msk $0xffff, v0  }
0xc3: {  	v1 =	vld [tilespmem:s29+$0xF50];
	_ =	sdelay $0x7  }
0xc4: {  	[tilespmem:v1+s0+$0x0] =	vst.idx.add.f32.msk $0xffff, v0  }
0xc5: {  	v1 =	vld [tilespmem:s29+$0xF60];
	_ =	sdelay $0x7  }
0xc6: {  	[tilespmem:v1+s0+$0x0] =	vst.idx.add.f32.msk $0xffff, v0  }
0xc7: {  	v1 =	vld [tilespmem:s29+$0xF70];
	_ =	sdelay $0x7  }
0xc8: {  	[tilespmem:v1+s0+$0x0] =	vst.idx.add.f32.msk $0xffff, v0  }
0xc9: {  	_ =	swait.ge [sflag:s13], $0x4000  }
0xca: {  	[sflag:s13] =	ssyncset.done $0x0  }
0xcb: {  	s31 =	sadd.s32 $0xF80, s29;
	[sflag:s13] =	ssyncadd.s32 $0xFFFFC000  }
0xcc: {  	[spmem:s2] =	stream.indirect.scatter.add.f32 [tilespmem:s8], [sflag:$0x4], $0x80, s31, s6, $0xb8;
	[tilespmem:$0x1FED0] =	vst v63  }
0xcd: {  	v1 =	vld [tilespmem:s29+$0xF80];
	_ =	sdelay $0x7  }
0xce: {  	[tilespmem:v1+s0+$0x0] =	vst.idx.add.f32.msk $0xffff, v0  }
0xcf: {  	v1 =	vld [tilespmem:s29+$0xF90];
	_ =	sdelay $0x7  }
0xd0: {  	[tilespmem:v1+s0+$0x0] =	vst.idx.add.f32.msk $0xffff, v0  }
0xd1: {  	v1 =	vld [tilespmem:s29+$0xFA0];
	_ =	sdelay $0x7  }
0xd2: {  	[tilespmem:v1+s0+$0x0] =	vst.idx.add.f32.msk $0xffff, v0  }
0xd3: {  	v1 =	vld [tilespmem:s29+$0xFB0];
	_ =	sdelay $0x7  }
0xd4: {  	[tilespmem:v1+s0+$0x0] =	vst.idx.add.f32.msk $0xffff, v0  }
0xd5: {  	v1 =	vld [tilespmem:s29+$0xFC0];
	_ =	sdelay $0x7  }
0xd6: {  	[tilespmem:v1+s0+$0x0] =	vst.idx.add.f32.msk $0xffff, v0  }
0xd7: {  	v1 =	vld [tilespmem:s29+$0xFD0];
	_ =	sdelay $0x7  }
0xd8: {  	[tilespmem:v1+s0+$0x0] =	vst.idx.add.f32.msk $0xffff, v0  }
0xd9: {  	v1 =	vld [tilespmem:s29+$0xFE0];
	_ =	sdelay $0x7  }
0xda: {  	[tilespmem:v1+s0+$0x0] =	vst.idx.add.f32.msk $0xffff, v0  }
0xdb: {  	v1 =	vld [tilespmem:s29+$0xFF0];
	_ =	sdelay $0x7  }
0xdc: {  	[tilespmem:v1+s0+$0x0] =	vst.idx.add.f32.msk $0xffff, v0  }
0xdd: {  	_ =	swait.ge [sflag:s14], $0x4000  }
0xde: {  	[sflag:s14] =	ssyncset.done $0x0  }
0xdf: {  	p0 =	sne.s32 s28, $0xC00;
	s31 =	sadd.s32 $0xB00, s29;
	[sflag:s14] =	ssyncadd.s32 $0xFFFFC000  }
0xe0: {  	[tilespmem:s7], [sflag:$0x1] =	stream.indirect.gather [hbm4b:s1+s6], $0x80, s31, s6, $0xb8;
	[tilespmem:$0x1FED0] =	vst v63  }
.Ltmp1:
0xe1: {  	_ = 	snop;
	(pc) =	sbr.rel @p0 .LBB2_4-.Ltmp1, $4  }
0xe2: {  	_ =	swait.ge [sflag:s15], $0x4000  }
0xe3: {  	[sflag:s15] =	ssyncset.done $0x0  }
0xe4: {  	s28 =	sadd.s32 $0x400, s28;
	s29 =	sadd.s32 $0xB80, s29;
	[sflag:s15] =	ssyncadd.s32 $0xFFFFC000  }
0xe5: {  	[tilespmem:s8], [sflag:$0x2] =	stream.indirect.gather [hbm4b:s1+s6], $0x80, s29, s6, $0xb8;
	[tilespmem:$0x1FED0] =	vst v63  }
0xe6: {  	_ =	swait.ge [sflag:s12], $0x4000  }
0xe7: {  	[sflag:s12] =	ssyncset.done $0x0  }
0xe8: {  	[sflag:s12] =	ssyncadd.s32 $0xFFFFC000  }
0xe9: {  	[spmem:s2] =	stream.indirect.scatter.add.f32 [tilespmem:s7], [sflag:$0x3], $0x80, s21, s6, $0xb8;
	[tilespmem:$0x1FED0] =	vst v63  }
0xea: {  	v1 =	vld [tilespmem:$0x1300];
	_ =	sdelay $0x7  }
0xeb: {  	[tilespmem:v1+s0+$0x0] =	vst.idx.add.f32.msk $0xffff, v0  }
0xec: {  	v1 =	vld [tilespmem:$0x1310];
	_ =	sdelay $0x7  }
0xed: {  	[tilespmem:v1+s0+$0x0] =	vst.idx.add.f32.msk $0xffff, v0  }
0xee: {  	v1 =	vld [tilespmem:$0x1320];
	_ =	sdelay $0x7  }
0xef: {  	[tilespmem:v1+s0+$0x0] =	vst.idx.add.f32.msk $0xffff, v0  }
0xf0: {  	v1 =	vld [tilespmem:$0x1330];
	_ =	sdelay $0x7  }
0xf1: {  	[tilespmem:v1+s0+$0x0] =	vst.idx.add.f32.msk $0xffff, v0  }
0xf2: {  	v1 =	vld [tilespmem:$0x1340];
	_ =	sdelay $0x7  }
0xf3: {  	[tilespmem:v1+s0+$0x0] =	vst.idx.add.f32.msk $0xffff, v0  }
0xf4: {  	v1 =	vld [tilespmem:$0x1350];
	_ =	sdelay $0x7  }
0xf5: {  	[tilespmem:v1+s0+$0x0] =	vst.idx.add.f32.msk $0xffff, v0  }
0xf6: {  	v1 =	vld [tilespmem:$0x1360];
	_ =	sdelay $0x7  }
0xf7: {  	[tilespmem:v1+s0+$0x0] =	vst.idx.add.f32.msk $0xffff, v0  }
0xf8: {  	v1 =	vld [tilespmem:$0x1370];
	_ =	sdelay $0x7  }
0xf9: {  	[tilespmem:v1+s0+$0x0] =	vst.idx.add.f32.msk $0xffff, v0  }
0xfa: {  	_ =	swait.ge [sflag:s13], $0x4000  }
0xfb: {  	[sflag:s13] =	ssyncset.done $0x0  }
0xfc: {  	[sflag:s13] =	ssyncadd.s32 $0xFFFFC000  }
0xfd: {  	[spmem:s2] =	stream.indirect.scatter.add.f32 [tilespmem:s8], [sflag:$0x4], $0x80, s23, s6, $0xb8;
	[tilespmem:$0x1FED0] =	vst v63  }
0xfe: {  	v1 =	vld [tilespmem:$0x1380];
	_ =	sdelay $0x7  }
0xff: {  	[tilespmem:v1+s0+$0x0] =	vst.idx.add.f32.msk $0xffff, v0  }
0x100: {  	v1 =	vld [tilespmem:$0x1390];
	_ =	sdelay $0x7  }
0x101: {  	[tilespmem:v1+s0+$0x0] =	vst.idx.add.f32.msk $0xffff, v0  }
0x102: {  	v1 =	vld [tilespmem:$0x13A0];
	_ =	sdelay $0x7  }
0x103: {  	[tilespmem:v1+s0+$0x0] =	vst.idx.add.f32.msk $0xffff, v0  }
0x104: {  	v1 =	vld [tilespmem:$0x13B0];
	_ =	sdelay $0x7  }
0x105: {  	[tilespmem:v1+s0+$0x0] =	vst.idx.add.f32.msk $0xffff, v0  }
0x106: {  	v1 =	vld [tilespmem:$0x13C0];
	_ =	sdelay $0x7  }
0x107: {  	[tilespmem:v1+s0+$0x0] =	vst.idx.add.f32.msk $0xffff, v0  }
0x108: {  	v1 =	vld [tilespmem:$0x13D0];
	_ =	sdelay $0x7  }
0x109: {  	[tilespmem:v1+s0+$0x0] =	vst.idx.add.f32.msk $0xffff, v0  }
0x10a: {  	v1 =	vld [tilespmem:$0x13E0];
	_ =	sdelay $0x7  }
0x10b: {  	[tilespmem:v1+s0+$0x0] =	vst.idx.add.f32.msk $0xffff, v0  }
0x10c: {  	v1 =	vld [tilespmem:$0x13F0];
	_ =	sdelay $0x7  }
0x10d: {  	[tilespmem:v1+s0+$0x0] =	vst.idx.add.f32.msk $0xffff, v0  }
0x10e: {  	_ =	swait.ge [sflag:s18], $0x500  }
0x10f: {  	[sflag:s18] =	ssyncset.done $0x0  }
0x110: {  	[sflag:s18] =	ssyncadd.s32 $0xFFFFFB00  }
0x111: {  	_ =	swait.ge [sflag:s18], $0x500  }
0x112: {  	[sflag:s18] =	ssyncset.done $0x0  }
0x113: {  	[sflag:s18] =	ssyncadd.s32 $0xFFFFFB00  }
0x114: {  	_ =	swait.ge [sflag:s14], $0x4000  }
0x115: {  	[sflag:s14] =	ssyncset.done $0x0  }
0x116: {  	s28 =	simm.s32 $0x0;
	[sflag:s14] =	ssyncadd.s32 $0xFFFFC000  }
0x117: {  	[tilespmem:s7], [sflag:$0x1] =	stream.indirect.gather [hbm4b:s1+s6], $0x80, s28, s6, $0xb8;
	[tilespmem:$0x1FED0] =	vst v63  }
0x118: {  	_ =	swait.ge [sflag:s15], $0x4000  }
0x119: {  	[sflag:s15] =	ssyncset.done $0x0  }
0x11a: {  	[sflag:s15] =	ssyncadd.s32 $0xFFFFC000  }
0x11b: {  	[tilespmem:s8], [sflag:$0x2] =	stream.indirect.gather [hbm4b:s1+s6], $0x80, s6, s6, $0xb8;
	[tilespmem:$0x1FED0] =	vst v63  }
0x11c: {  	s29 =	rddreg [dreg:$0xc]  }
0x11d: {  	[tilespmem:s9], [sflag:$0x6] =	stream.linear.gather [hbm4b:s29+s28], $0x500, $0x38;
	[tilespmem:$0x1FED0] =	vst v63  }
0x11e: {  	s31 =	rddreg [dreg:$0xd]  }
0x11f: {  	[tilespmem:s10], [sflag:$0x6] =	stream.linear.gather [hbm4b:s31+s28], $0x500, $0x38;
	[tilespmem:$0x1FED0] =	vst v63  }
.LBB2_6:
0x120: {  	_ =	swait.ge [sflag:s12], $0x4000  }
0x121: {  	s29 =	sshra.s32 s28, $0x2;
	[sflag:s12] =	ssyncset.done $0x0  }
0x122: {  	s31 =	sadd.s32 $0x500, s29;
	[sflag:s12] =	ssyncadd.s32 $0xFFFFC000  }
0x123: {  	[spmem:s2] =	stream.indirect.scatter.add.f32 [tilespmem:s7], [sflag:$0x3], $0x80, s31, s6, $0xb8;
	[tilespmem:$0x1FED0] =	vst v63  }
0x124: {  	v1 =	vld [tilespmem:s29+$0x500];
	_ =	sdelay $0x7  }
0x125: {  	[tilespmem:v1+s0+$0x0] =	vst.idx.add.f32.msk $0xffff, v0  }
0x126: {  	v1 =	vld [tilespmem:s29+$0x510];
	_ =	sdelay $0x7  }
0x127: {  	[tilespmem:v1+s0+$0x0] =	vst.idx.add.f32.msk $0xffff, v0  }
0x128: {  	v1 =	vld [tilespmem:s29+$0x520];
	_ =	sdelay $0x7  }
0x129: {  	[tilespmem:v1+s0+$0x0] =	vst.idx.add.f32.msk $0xffff, v0  }
0x12a: {  	v1 =	vld [tilespmem:s29+$0x530];
	_ =	sdelay $0x7  }
0x12b: {  	[tilespmem:v1+s0+$0x0] =	vst.idx.add.f32.msk $0xffff, v0  }
0x12c: {  	v1 =	vld [tilespmem:s29+$0x540];
	_ =	sdelay $0x7  }
0x12d: {  	[tilespmem:v1+s0+$0x0] =	vst.idx.add.f32.msk $0xffff, v0  }
0x12e: {  	v1 =	vld [tilespmem:s29+$0x550];
	_ =	sdelay $0x7  }
0x12f: {  	[tilespmem:v1+s0+$0x0] =	vst.idx.add.f32.msk $0xffff, v0  }
0x130: {  	v1 =	vld [tilespmem:s29+$0x560];
	_ =	sdelay $0x7  }
0x131: {  	[tilespmem:v1+s0+$0x0] =	vst.idx.add.f32.msk $0xffff, v0  }
0x132: {  	v1 =	vld [tilespmem:s29+$0x570];
	_ =	sdelay $0x7  }
0x133: {  	[tilespmem:v1+s0+$0x0] =	vst.idx.add.f32.msk $0xffff, v0  }
0x134: {  	_ =	swait.ge [sflag:s13], $0x4000  }
0x135: {  	[sflag:s13] =	ssyncset.done $0x0  }
0x136: {  	s31 =	sadd.s32 $0x580, s29;
	[sflag:s13] =	ssyncadd.s32 $0xFFFFC000  }
0x137: {  	[spmem:s2] =	stream.indirect.scatter.add.f32 [tilespmem:s8], [sflag:$0x4], $0x80, s31, s6, $0xb8;
	[tilespmem:$0x1FED0] =	vst v63  }
0x138: {  	v1 =	vld [tilespmem:s29+$0x580];
	_ =	sdelay $0x7  }
0x139: {  	[tilespmem:v1+s0+$0x0] =	vst.idx.add.f32.msk $0xffff, v0  }
0x13a: {  	v1 =	vld [tilespmem:s29+$0x590];
	_ =	sdelay $0x7  }
0x13b: {  	[tilespmem:v1+s0+$0x0] =	vst.idx.add.f32.msk $0xffff, v0  }
0x13c: {  	v1 =	vld [tilespmem:s29+$0x5A0];
	_ =	sdelay $0x7  }
0x13d: {  	[tilespmem:v1+s0+$0x0] =	vst.idx.add.f32.msk $0xffff, v0  }
0x13e: {  	v1 =	vld [tilespmem:s29+$0x5B0];
	_ =	sdelay $0x7  }
0x13f: {  	[tilespmem:v1+s0+$0x0] =	vst.idx.add.f32.msk $0xffff, v0  }
0x140: {  	v1 =	vld [tilespmem:s29+$0x5C0];
	_ =	sdelay $0x7  }
0x141: {  	[tilespmem:v1+s0+$0x0] =	vst.idx.add.f32.msk $0xffff, v0  }
0x142: {  	v1 =	vld [tilespmem:s29+$0x5D0];
	_ =	sdelay $0x7  }
0x143: {  	[tilespmem:v1+s0+$0x0] =	vst.idx.add.f32.msk $0xffff, v0  }
0x144: {  	v1 =	vld [tilespmem:s29+$0x5E0];
	_ =	sdelay $0x7  }
0x145: {  	[tilespmem:v1+s0+$0x0] =	vst.idx.add.f32.msk $0xffff, v0  }
0x146: {  	v1 =	vld [tilespmem:s29+$0x5F0];
	_ =	sdelay $0x7  }
0x147: {  	[tilespmem:v1+s0+$0x0] =	vst.idx.add.f32.msk $0xffff, v0  }
0x148: {  	_ =	swait.ge [sflag:s14], $0x4000  }
0x149: {  	[sflag:s14] =	ssyncset.done $0x0  }
0x14a: {  	p0 =	sne.s32 s28, $0xC00;
	s31 =	sadd.s32 $0x100, s29;
	[sflag:s14] =	ssyncadd.s32 $0xFFFFC000  }
0x14b: {  	[tilespmem:s7], [sflag:$0x1] =	stream.indirect.gather [hbm4b:s1+s6], $0x80, s31, s6, $0xb8;
	[tilespmem:$0x1FED0] =	vst v63  }
.Ltmp2:
0x14c: {  	_ = 	snop;
	(pc) =	sbr.rel @p0 .LBB2_6-.Ltmp2, $4  }
0x14d: {  	_ =	swait.ge [sflag:s15], $0x4000  }
0x14e: {  	[sflag:s15] =	ssyncset.done $0x0  }
0x14f: {  	s28 =	sadd.s32 $0x400, s28;
	s29 =	sadd.s32 $0x180, s29;
	[sflag:s15] =	ssyncadd.s32 $0xFFFFC000  }
0x150: {  	[tilespmem:s8], [sflag:$0x2] =	stream.indirect.gather [hbm4b:s1+s6], $0x80, s29, s6, $0xb8;
	[tilespmem:$0x1FED0] =	vst v63  }
0x151: {  	_ =	swait.ge [sflag:s12], $0x4000  }
0x152: {  	[sflag:s12] =	ssyncset.done $0x0  }
0x153: {  	[sflag:s12] =	ssyncadd.s32 $0xFFFFC000  }
0x154: {  	[spmem:s2] =	stream.indirect.scatter.add.f32 [tilespmem:s7], [sflag:$0x3], $0x80, s16, s6, $0xb8;
	[tilespmem:$0x1FED0] =	vst v63  }
0x155: {  	v1 =	vld [tilespmem:$0x900];
	_ =	sdelay $0x7  }
0x156: {  	[tilespmem:v1+s0+$0x0] =	vst.idx.add.f32.msk $0xffff, v0  }
0x157: {  	v1 =	vld [tilespmem:$0x910];
	_ =	sdelay $0x7  }
0x158: {  	[tilespmem:v1+s0+$0x0] =	vst.idx.add.f32.msk $0xffff, v0  }
0x159: {  	v1 =	vld [tilespmem:$0x920];
	_ =	sdelay $0x7  }
0x15a: {  	[tilespmem:v1+s0+$0x0] =	vst.idx.add.f32.msk $0xffff, v0  }
0x15b: {  	v1 =	vld [tilespmem:$0x930];
	_ =	sdelay $0x7  }
0x15c: {  	[tilespmem:v1+s0+$0x0] =	vst.idx.add.f32.msk $0xffff, v0  }
0x15d: {  	v1 =	vld [tilespmem:$0x940];
	_ =	sdelay $0x7  }
0x15e: {  	[tilespmem:v1+s0+$0x0] =	vst.idx.add.f32.msk $0xffff, v0  }
0x15f: {  	v1 =	vld [tilespmem:$0x950];
	_ =	sdelay $0x7  }
0x160: {  	[tilespmem:v1+s0+$0x0] =	vst.idx.add.f32.msk $0xffff, v0  }
0x161: {  	v1 =	vld [tilespmem:$0x960];
	_ =	sdelay $0x7  }
0x162: {  	[tilespmem:v1+s0+$0x0] =	vst.idx.add.f32.msk $0xffff, v0  }
0x163: {  	v1 =	vld [tilespmem:$0x970];
	_ =	sdelay $0x7  }
0x164: {  	[tilespmem:v1+s0+$0x0] =	vst.idx.add.f32.msk $0xffff, v0  }
0x165: {  	_ =	swait.ge [sflag:s13], $0x4000  }
0x166: {  	[sflag:s13] =	ssyncset.done $0x0  }
0x167: {  	[sflag:s13] =	ssyncadd.s32 $0xFFFFC000  }
0x168: {  	[spmem:s2] =	stream.indirect.scatter.add.f32 [tilespmem:s8], [sflag:$0x4], $0x80, s17, s6, $0xb8;
	[tilespmem:$0x1FED0] =	vst v63  }
0x169: {  	v1 =	vld [tilespmem:$0x980];
	_ =	sdelay $0x7  }
0x16a: {  	[tilespmem:v1+s0+$0x0] =	vst.idx.add.f32.msk $0xffff, v0  }
0x16b: {  	v1 =	vld [tilespmem:$0x990];
	_ =	sdelay $0x7  }
0x16c: {  	[tilespmem:v1+s0+$0x0] =	vst.idx.add.f32.msk $0xffff, v0  }
0x16d: {  	v1 =	vld [tilespmem:$0x9A0];
	_ =	sdelay $0x7  }
0x16e: {  	[tilespmem:v1+s0+$0x0] =	vst.idx.add.f32.msk $0xffff, v0  }
0x16f: {  	v1 =	vld [tilespmem:$0x9B0];
	_ =	sdelay $0x7  }
0x170: {  	[tilespmem:v1+s0+$0x0] =	vst.idx.add.f32.msk $0xffff, v0  }
0x171: {  	v1 =	vld [tilespmem:$0x9C0];
	_ =	sdelay $0x7  }
0x172: {  	[tilespmem:v1+s0+$0x0] =	vst.idx.add.f32.msk $0xffff, v0  }
0x173: {  	v1 =	vld [tilespmem:$0x9D0];
	_ =	sdelay $0x7  }
0x174: {  	[tilespmem:v1+s0+$0x0] =	vst.idx.add.f32.msk $0xffff, v0  }
0x175: {  	v1 =	vld [tilespmem:$0x9E0];
	_ =	sdelay $0x7  }
0x176: {  	[tilespmem:v1+s0+$0x0] =	vst.idx.add.f32.msk $0xffff, v0  }
0x177: {  	v1 =	vld [tilespmem:$0x9F0];
	_ =	sdelay $0x7  }
0x178: {  	[tilespmem:v1+s0+$0x0] =	vst.idx.add.f32.msk $0xffff, v0  }
0x179: {  	_ =	swait.ge [sflag:s18], $0x500  }
0x17a: {  	[sflag:s18] =	ssyncset.done $0x0  }
0x17b: {  	[sflag:s18] =	ssyncadd.s32 $0xFFFFFB00  }
0x17c: {  	_ =	swait.ge [sflag:s18], $0x500  }
0x17d: {  	[sflag:s18] =	ssyncset.done $0x0  }
0x17e: {  	[sflag:s18] =	ssyncadd.s32 $0xFFFFFB00  }
0x17f: {  	_ =	swait.ge [sflag:s14], $0x4000  }
0x180: {  	[sflag:s14] =	ssyncset.done $0x0  }
0x181: {  	[sflag:s14] =	ssyncadd.s32 $0xFFFFC000  }
0x182: {  	[tilespmem:s7], [sflag:$0x1] =	stream.indirect.gather [hbm4b:s1+s6], $0x80, s9, s6, $0xb8;
	[tilespmem:$0x1FED0] =	vst v63  }
0x183: {  	_ =	swait.ge [sflag:s15], $0x4000  }
0x184: {  	[sflag:s15] =	ssyncset.done $0x0  }
0x185: {  	[sflag:s15] =	ssyncadd.s32 $0xFFFFC000  }
0x186: {  	[tilespmem:s8], [sflag:$0x2] =	stream.indirect.gather [hbm4b:s1+s6], $0x80, s19, s6, $0xb8;
	[tilespmem:$0x1FED0] =	vst v63  }
0x187: {  	s28 =	simm.s32 $0x0;
	s29 =	rddreg [dreg:$0xe]  }
0x188: {  	[tilespmem:s28], [sflag:$0x6] =	stream.linear.gather [hbm4b:s29+s28], $0x500, $0x38;
	[tilespmem:$0x1FED0] =	vst v63  }
0x189: {  	s31 =	rddreg [dreg:$0xf]  }
0x18a: {  	[tilespmem:s5], [sflag:$0x6] =	stream.linear.gather [hbm4b:s31+s28], $0x500, $0x38;
	[tilespmem:$0x1FED0] =	vst v63  }
.LBB2_8:
0x18b: {  	_ =	swait.ge [sflag:s12], $0x4000  }
0x18c: {  	s29 =	sshra.s32 s28, $0x2;
	[sflag:s12] =	ssyncset.done $0x0  }
0x18d: {  	s31 =	sadd.s32 $0xF00, s29;
	[sflag:s12] =	ssyncadd.s32 $0xFFFFC000  }
0x18e: {  	[spmem:s2] =	stream.indirect.scatter.add.f32 [tilespmem:s7], [sflag:$0x3], $0x80, s31, s6, $0xb8;
	[tilespmem:$0x1FED0] =	vst v63  }
0x18f: {  	v1 =	vld [tilespmem:s29+$0xF00];
	_ =	sdelay $0x7  }
0x190: {  	[tilespmem:v1+s0+$0x0] =	vst.idx.add.f32.msk $0xffff, v0  }
0x191: {  	v1 =	vld [tilespmem:s29+$0xF10];
	_ =	sdelay $0x7  }
0x192: {  	[tilespmem:v1+s0+$0x0] =	vst.idx.add.f32.msk $0xffff, v0  }
0x193: {  	v1 =	vld [tilespmem:s29+$0xF20];
	_ =	sdelay $0x7  }
0x194: {  	[tilespmem:v1+s0+$0x0] =	vst.idx.add.f32.msk $0xffff, v0  }
0x195: {  	v1 =	vld [tilespmem:s29+$0xF30];
	_ =	sdelay $0x7  }
0x196: {  	[tilespmem:v1+s0+$0x0] =	vst.idx.add.f32.msk $0xffff, v0  }
0x197: {  	v1 =	vld [tilespmem:s29+$0xF40];
	_ =	sdelay $0x7  }
0x198: {  	[tilespmem:v1+s0+$0x0] =	vst.idx.add.f32.msk $0xffff, v0  }
0x199: {  	v1 =	vld [tilespmem:s29+$0xF50];
	_ =	sdelay $0x7  }
0x19a: {  	[tilespmem:v1+s0+$0x0] =	vst.idx.add.f32.msk $0xffff, v0  }
0x19b: {  	v1 =	vld [tilespmem:s29+$0xF60];
	_ =	sdelay $0x7  }
0x19c: {  	[tilespmem:v1+s0+$0x0] =	vst.idx.add.f32.msk $0xffff, v0  }
0x19d: {  	v1 =	vld [tilespmem:s29+$0xF70];
	_ =	sdelay $0x7  }
0x19e: {  	[tilespmem:v1+s0+$0x0] =	vst.idx.add.f32.msk $0xffff, v0  }
0x19f: {  	_ =	swait.ge [sflag:s13], $0x4000  }
0x1a0: {  	[sflag:s13] =	ssyncset.done $0x0  }
0x1a1: {  	s31 =	sadd.s32 $0xF80, s29;
	[sflag:s13] =	ssyncadd.s32 $0xFFFFC000  }
0x1a2: {  	[spmem:s2] =	stream.indirect.scatter.add.f32 [tilespmem:s8], [sflag:$0x4], $0x80, s31, s6, $0xb8;
	[tilespmem:$0x1FED0] =	vst v63  }
0x1a3: {  	v1 =	vld [tilespmem:s29+$0xF80];
	_ =	sdelay $0x7  }
0x1a4: {  	[tilespmem:v1+s0+$0x0] =	vst.idx.add.f32.msk $0xffff, v0  }
0x1a5: {  	v1 =	vld [tilespmem:s29+$0xF90];
	_ =	sdelay $0x7  }
0x1a6: {  	[tilespmem:v1+s0+$0x0] =	vst.idx.add.f32.msk $0xffff, v0  }
0x1a7: {  	v1 =	vld [tilespmem:s29+$0xFA0];
	_ =	sdelay $0x7  }
0x1a8: {  	[tilespmem:v1+s0+$0x0] =	vst.idx.add.f32.msk $0xffff, v0  }
0x1a9: {  	v1 =	vld [tilespmem:s29+$0xFB0];
	_ =	sdelay $0x7  }
0x1aa: {  	[tilespmem:v1+s0+$0x0] =	vst.idx.add.f32.msk $0xffff, v0  }
0x1ab: {  	v1 =	vld [tilespmem:s29+$0xFC0];
	_ =	sdelay $0x7  }
0x1ac: {  	[tilespmem:v1+s0+$0x0] =	vst.idx.add.f32.msk $0xffff, v0  }
0x1ad: {  	v1 =	vld [tilespmem:s29+$0xFD0];
	_ =	sdelay $0x7  }
0x1ae: {  	[tilespmem:v1+s0+$0x0] =	vst.idx.add.f32.msk $0xffff, v0  }
0x1af: {  	v1 =	vld [tilespmem:s29+$0xFE0];
	_ =	sdelay $0x7  }
0x1b0: {  	[tilespmem:v1+s0+$0x0] =	vst.idx.add.f32.msk $0xffff, v0  }
0x1b1: {  	v1 =	vld [tilespmem:s29+$0xFF0];
	_ =	sdelay $0x7  }
0x1b2: {  	[tilespmem:v1+s0+$0x0] =	vst.idx.add.f32.msk $0xffff, v0  }
0x1b3: {  	_ =	swait.ge [sflag:s14], $0x4000  }
0x1b4: {  	[sflag:s14] =	ssyncset.done $0x0  }
0x1b5: {  	p0 =	sne.s32 s28, $0xC00;
	s31 =	sadd.s32 $0xB00, s29;
	[sflag:s14] =	ssyncadd.s32 $0xFFFFC000  }
0x1b6: {  	[tilespmem:s7], [sflag:$0x1] =	stream.indirect.gather [hbm4b:s1+s6], $0x80, s31, s6, $0xb8;
	[tilespmem:$0x1FED0] =	vst v63  }
.Ltmp3:
0x1b7: {  	_ = 	snop;
	(pc) =	sbr.rel @p0 .LBB2_8-.Ltmp3, $4  }
0x1b8: {  	_ =	swait.ge [sflag:s15], $0x4000  }
0x1b9: {  	[sflag:s15] =	ssyncset.done $0x0  }
0x1ba: {  	s28 =	sadd.s32 $0x400, s28;
	s29 =	sadd.s32 $0xB80, s29;
	[sflag:s15] =	ssyncadd.s32 $0xFFFFC000  }
0x1bb: {  	[tilespmem:s8], [sflag:$0x2] =	stream.indirect.gather [hbm4b:s1+s6], $0x80, s29, s6, $0xb8;
	[tilespmem:$0x1FED0] =	vst v63  }
0x1bc: {  	_ =	swait.ge [sflag:s12], $0x4000  }
0x1bd: {  	[sflag:s12] =	ssyncset.done $0x0  }
0x1be: {  	[sflag:s12] =	ssyncadd.s32 $0xFFFFC000  }
0x1bf: {  	[spmem:s2] =	stream.indirect.scatter.add.f32 [tilespmem:s7], [sflag:$0x3], $0x80, s21, s6, $0xb8;
	[tilespmem:$0x1FED0] =	vst v63  }
0x1c0: {  	v1 =	vld [tilespmem:$0x1300];
	_ =	sdelay $0x7  }
0x1c1: {  	[tilespmem:v1+s0+$0x0] =	vst.idx.add.f32.msk $0xffff, v0  }
0x1c2: {  	v1 =	vld [tilespmem:$0x1310];
	_ =	sdelay $0x7  }
0x1c3: {  	[tilespmem:v1+s0+$0x0] =	vst.idx.add.f32.msk $0xffff, v0  }
0x1c4: {  	v1 =	vld [tilespmem:$0x1320];
	_ =	sdelay $0x7  }
0x1c5: {  	[tilespmem:v1+s0+$0x0] =	vst.idx.add.f32.msk $0xffff, v0  }
0x1c6: {  	v1 =	vld [tilespmem:$0x1330];
	_ =	sdelay $0x7  }
0x1c7: {  	[tilespmem:v1+s0+$0x0] =	vst.idx.add.f32.msk $0xffff, v0  }
0x1c8: {  	v1 =	vld [tilespmem:$0x1340];
	_ =	sdelay $0x7  }
0x1c9: {  	[tilespmem:v1+s0+$0x0] =	vst.idx.add.f32.msk $0xffff, v0  }
0x1ca: {  	v1 =	vld [tilespmem:$0x1350];
	_ =	sdelay $0x7  }
0x1cb: {  	[tilespmem:v1+s0+$0x0] =	vst.idx.add.f32.msk $0xffff, v0  }
0x1cc: {  	v1 =	vld [tilespmem:$0x1360];
	_ =	sdelay $0x7  }
0x1cd: {  	[tilespmem:v1+s0+$0x0] =	vst.idx.add.f32.msk $0xffff, v0  }
0x1ce: {  	v1 =	vld [tilespmem:$0x1370];
	_ =	sdelay $0x7  }
0x1cf: {  	[tilespmem:v1+s0+$0x0] =	vst.idx.add.f32.msk $0xffff, v0  }
0x1d0: {  	_ =	swait.ge [sflag:s13], $0x4000  }
0x1d1: {  	[sflag:s13] =	ssyncset.done $0x0  }
0x1d2: {  	[sflag:s13] =	ssyncadd.s32 $0xFFFFC000  }
0x1d3: {  	[spmem:s2] =	stream.indirect.scatter.add.f32 [tilespmem:s8], [sflag:$0x4], $0x80, s23, s6, $0xb8;
	[tilespmem:$0x1FED0] =	vst v63  }
0x1d4: {  	v1 =	vld [tilespmem:$0x1380];
	_ =	sdelay $0x7  }
0x1d5: {  	[tilespmem:v1+s0+$0x0] =	vst.idx.add.f32.msk $0xffff, v0  }
0x1d6: {  	v1 =	vld [tilespmem:$0x1390];
	_ =	sdelay $0x7  }
0x1d7: {  	[tilespmem:v1+s0+$0x0] =	vst.idx.add.f32.msk $0xffff, v0  }
0x1d8: {  	v1 =	vld [tilespmem:$0x13A0];
	_ =	sdelay $0x7  }
0x1d9: {  	[tilespmem:v1+s0+$0x0] =	vst.idx.add.f32.msk $0xffff, v0  }
0x1da: {  	v1 =	vld [tilespmem:$0x13B0];
	_ =	sdelay $0x7  }
0x1db: {  	[tilespmem:v1+s0+$0x0] =	vst.idx.add.f32.msk $0xffff, v0  }
0x1dc: {  	v1 =	vld [tilespmem:$0x13C0];
	_ =	sdelay $0x7  }
0x1dd: {  	[tilespmem:v1+s0+$0x0] =	vst.idx.add.f32.msk $0xffff, v0  }
0x1de: {  	v1 =	vld [tilespmem:$0x13D0];
	_ =	sdelay $0x7  }
0x1df: {  	[tilespmem:v1+s0+$0x0] =	vst.idx.add.f32.msk $0xffff, v0  }
0x1e0: {  	v1 =	vld [tilespmem:$0x13E0];
	_ =	sdelay $0x7  }
0x1e1: {  	[tilespmem:v1+s0+$0x0] =	vst.idx.add.f32.msk $0xffff, v0  }
0x1e2: {  	v1 =	vld [tilespmem:$0x13F0];
	_ =	sdelay $0x7  }
0x1e3: {  	[tilespmem:v1+s0+$0x0] =	vst.idx.add.f32.msk $0xffff, v0  }
0x1e4: {  	_ =	swait.ge [sflag:s18], $0x500  }
0x1e5: {  	[sflag:s18] =	ssyncset.done $0x0  }
0x1e6: {  	[sflag:s18] =	ssyncadd.s32 $0xFFFFFB00  }
0x1e7: {  	_ =	swait.ge [sflag:s18], $0x500  }
0x1e8: {  	[sflag:s18] =	ssyncset.done $0x0  }
0x1e9: {  	[sflag:s18] =	ssyncadd.s32 $0xFFFFFB00  }
0x1ea: {  	_ =	swait.ge [sflag:s14], $0x4000  }
0x1eb: {  	[sflag:s14] =	ssyncset.done $0x0  }
0x1ec: {  	s28 =	simm.s32 $0x0;
	[sflag:s14] =	ssyncadd.s32 $0xFFFFC000  }
0x1ed: {  	[tilespmem:s7], [sflag:$0x1] =	stream.indirect.gather [hbm4b:s1+s6], $0x80, s28, s6, $0xb8;
	[tilespmem:$0x1FED0] =	vst v63  }
0x1ee: {  	_ =	swait.ge [sflag:s15], $0x4000  }
0x1ef: {  	[sflag:s15] =	ssyncset.done $0x0  }
0x1f0: {  	[sflag:s15] =	ssyncadd.s32 $0xFFFFC000  }
0x1f1: {  	[tilespmem:s8], [sflag:$0x2] =	stream.indirect.gather [hbm4b:s1+s6], $0x80, s6, s6, $0xb8;
	[tilespmem:$0x1FED0] =	vst v63  }
0x1f2: {  	s29 =	rddreg [dreg:$0x10]  }
0x1f3: {  	[tilespmem:s9], [sflag:$0x6] =	stream.linear.gather [hbm4b:s29+s28], $0x500, $0x38;
	[tilespmem:$0x1FED0] =	vst v63  }
0x1f4: {  	s31 =	rddreg [dreg:$0x11]  }
0x1f5: {  	[tilespmem:s10], [sflag:$0x6] =	stream.linear.gather [hbm4b:s31+s28], $0x500, $0x38;
	[tilespmem:$0x1FED0] =	vst v63  }
.LBB2_10:
0x1f6: {  	_ =	swait.ge [sflag:s12], $0x4000  }
0x1f7: {  	s29 =	sshra.s32 s28, $0x2;
	[sflag:s12] =	ssyncset.done $0x0  }
0x1f8: {  	s31 =	sadd.s32 $0x500, s29;
	[sflag:s12] =	ssyncadd.s32 $0xFFFFC000  }
0x1f9: {  	[spmem:s2] =	stream.indirect.scatter.add.f32 [tilespmem:s7], [sflag:$0x3], $0x80, s31, s6, $0xb8;
	[tilespmem:$0x1FED0] =	vst v63  }
0x1fa: {  	v1 =	vld [tilespmem:s29+$0x500];
	_ =	sdelay $0x7  }
0x1fb: {  	[tilespmem:v1+s0+$0x0] =	vst.idx.add.f32.msk $0xffff, v0  }
0x1fc: {  	v1 =	vld [tilespmem:s29+$0x510];
	_ =	sdelay $0x7  }
0x1fd: {  	[tilespmem:v1+s0+$0x0] =	vst.idx.add.f32.msk $0xffff, v0  }
0x1fe: {  	v1 =	vld [tilespmem:s29+$0x520];
	_ =	sdelay $0x7  }
0x1ff: {  	[tilespmem:v1+s0+$0x0] =	vst.idx.add.f32.msk $0xffff, v0  }
0x200: {  	v1 =	vld [tilespmem:s29+$0x530];
	_ =	sdelay $0x7  }
0x201: {  	[tilespmem:v1+s0+$0x0] =	vst.idx.add.f32.msk $0xffff, v0  }
0x202: {  	v1 =	vld [tilespmem:s29+$0x540];
	_ =	sdelay $0x7  }
0x203: {  	[tilespmem:v1+s0+$0x0] =	vst.idx.add.f32.msk $0xffff, v0  }
0x204: {  	v1 =	vld [tilespmem:s29+$0x550];
	_ =	sdelay $0x7  }
0x205: {  	[tilespmem:v1+s0+$0x0] =	vst.idx.add.f32.msk $0xffff, v0  }
0x206: {  	v1 =	vld [tilespmem:s29+$0x560];
	_ =	sdelay $0x7  }
0x207: {  	[tilespmem:v1+s0+$0x0] =	vst.idx.add.f32.msk $0xffff, v0  }
0x208: {  	v1 =	vld [tilespmem:s29+$0x570];
	_ =	sdelay $0x7  }
0x209: {  	[tilespmem:v1+s0+$0x0] =	vst.idx.add.f32.msk $0xffff, v0  }
0x20a: {  	_ =	swait.ge [sflag:s13], $0x4000  }
0x20b: {  	[sflag:s13] =	ssyncset.done $0x0  }
0x20c: {  	s31 =	sadd.s32 $0x580, s29;
	[sflag:s13] =	ssyncadd.s32 $0xFFFFC000  }
0x20d: {  	[spmem:s2] =	stream.indirect.scatter.add.f32 [tilespmem:s8], [sflag:$0x4], $0x80, s31, s6, $0xb8;
	[tilespmem:$0x1FED0] =	vst v63  }
0x20e: {  	v1 =	vld [tilespmem:s29+$0x580];
	_ =	sdelay $0x7  }
0x20f: {  	[tilespmem:v1+s0+$0x0] =	vst.idx.add.f32.msk $0xffff, v0  }
0x210: {  	v1 =	vld [tilespmem:s29+$0x590];
	_ =	sdelay $0x7  }
0x211: {  	[tilespmem:v1+s0+$0x0] =	vst.idx.add.f32.msk $0xffff, v0  }
0x212: {  	v1 =	vld [tilespmem:s29+$0x5A0];
	_ =	sdelay $0x7  }
0x213: {  	[tilespmem:v1+s0+$0x0] =	vst.idx.add.f32.msk $0xffff, v0  }
0x214: {  	v1 =	vld [tilespmem:s29+$0x5B0];
	_ =	sdelay $0x7  }
0x215: {  	[tilespmem:v1+s0+$0x0] =	vst.idx.add.f32.msk $0xffff, v0  }
0x216: {  	v1 =	vld [tilespmem:s29+$0x5C0];
	_ =	sdelay $0x7  }
0x217: {  	[tilespmem:v1+s0+$0x0] =	vst.idx.add.f32.msk $0xffff, v0  }
0x218: {  	v1 =	vld [tilespmem:s29+$0x5D0];
	_ =	sdelay $0x7  }
0x219: {  	[tilespmem:v1+s0+$0x0] =	vst.idx.add.f32.msk $0xffff, v0  }
0x21a: {  	v1 =	vld [tilespmem:s29+$0x5E0];
	_ =	sdelay $0x7  }
0x21b: {  	[tilespmem:v1+s0+$0x0] =	vst.idx.add.f32.msk $0xffff, v0  }
0x21c: {  	v1 =	vld [tilespmem:s29+$0x5F0];
	_ =	sdelay $0x7  }
0x21d: {  	[tilespmem:v1+s0+$0x0] =	vst.idx.add.f32.msk $0xffff, v0  }
0x21e: {  	_ =	swait.ge [sflag:s14], $0x4000  }
0x21f: {  	[sflag:s14] =	ssyncset.done $0x0  }
0x220: {  	p0 =	sne.s32 s28, $0xC00;
	s31 =	sadd.s32 $0x100, s29;
	[sflag:s14] =	ssyncadd.s32 $0xFFFFC000  }
0x221: {  	[tilespmem:s7], [sflag:$0x1] =	stream.indirect.gather [hbm4b:s1+s6], $0x80, s31, s6, $0xb8;
	[tilespmem:$0x1FED0] =	vst v63  }
.Ltmp4:
0x222: {  	_ = 	snop;
	(pc) =	sbr.rel @p0 .LBB2_10-.Ltmp4, $4  }
0x223: {  	_ =	swait.ge [sflag:s15], $0x4000  }
0x224: {  	[sflag:s15] =	ssyncset.done $0x0  }
0x225: {  	s28 =	sadd.s32 $0x400, s28;
	s29 =	sadd.s32 $0x180, s29;
	[sflag:s15] =	ssyncadd.s32 $0xFFFFC000  }
0x226: {  	[tilespmem:s8], [sflag:$0x2] =	stream.indirect.gather [hbm4b:s1+s6], $0x80, s29, s6, $0xb8;
	[tilespmem:$0x1FED0] =	vst v63  }
0x227: {  	_ =	swait.ge [sflag:s12], $0x4000  }
0x228: {  	[sflag:s12] =	ssyncset.done $0x0  }
0x229: {  	[sflag:s12] =	ssyncadd.s32 $0xFFFFC000  }
0x22a: {  	[spmem:s2] =	stream.indirect.scatter.add.f32 [tilespmem:s7], [sflag:$0x3], $0x80, s16, s6, $0xb8;
	[tilespmem:$0x1FED0] =	vst v63  }
0x22b: {  	v1 =	vld [tilespmem:$0x900];
	_ =	sdelay $0x7  }
0x22c: {  	[tilespmem:v1+s0+$0x0] =	vst.idx.add.f32.msk $0xffff, v0  }
0x22d: {  	v1 =	vld [tilespmem:$0x910];
	_ =	sdelay $0x7  }
0x22e: {  	[tilespmem:v1+s0+$0x0] =	vst.idx.add.f32.msk $0xffff, v0  }
0x22f: {  	v1 =	vld [tilespmem:$0x920];
	_ =	sdelay $0x7  }
0x230: {  	[tilespmem:v1+s0+$0x0] =	vst.idx.add.f32.msk $0xffff, v0  }
0x231: {  	v1 =	vld [tilespmem:$0x930];
	_ =	sdelay $0x7  }
0x232: {  	[tilespmem:v1+s0+$0x0] =	vst.idx.add.f32.msk $0xffff, v0  }
0x233: {  	v1 =	vld [tilespmem:$0x940];
	_ =	sdelay $0x7  }
0x234: {  	[tilespmem:v1+s0+$0x0] =	vst.idx.add.f32.msk $0xffff, v0  }
0x235: {  	v1 =	vld [tilespmem:$0x950];
	_ =	sdelay $0x7  }
0x236: {  	[tilespmem:v1+s0+$0x0] =	vst.idx.add.f32.msk $0xffff, v0  }
0x237: {  	v1 =	vld [tilespmem:$0x960];
	_ =	sdelay $0x7  }
0x238: {  	[tilespmem:v1+s0+$0x0] =	vst.idx.add.f32.msk $0xffff, v0  }
0x239: {  	v1 =	vld [tilespmem:$0x970];
	_ =	sdelay $0x7  }
0x23a: {  	[tilespmem:v1+s0+$0x0] =	vst.idx.add.f32.msk $0xffff, v0  }
0x23b: {  	_ =	swait.ge [sflag:s13], $0x4000  }
0x23c: {  	[sflag:s13] =	ssyncset.done $0x0  }
0x23d: {  	[sflag:s13] =	ssyncadd.s32 $0xFFFFC000  }
0x23e: {  	[spmem:s2] =	stream.indirect.scatter.add.f32 [tilespmem:s8], [sflag:$0x4], $0x80, s17, s6, $0xb8;
	[tilespmem:$0x1FED0] =	vst v63  }
0x23f: {  	v1 =	vld [tilespmem:$0x980];
	_ =	sdelay $0x7  }
0x240: {  	[tilespmem:v1+s0+$0x0] =	vst.idx.add.f32.msk $0xffff, v0  }
0x241: {  	v1 =	vld [tilespmem:$0x990];
	_ =	sdelay $0x7  }
0x242: {  	[tilespmem:v1+s0+$0x0] =	vst.idx.add.f32.msk $0xffff, v0  }
0x243: {  	v1 =	vld [tilespmem:$0x9A0];
	_ =	sdelay $0x7  }
0x244: {  	[tilespmem:v1+s0+$0x0] =	vst.idx.add.f32.msk $0xffff, v0  }
0x245: {  	v1 =	vld [tilespmem:$0x9B0];
	_ =	sdelay $0x7  }
0x246: {  	[tilespmem:v1+s0+$0x0] =	vst.idx.add.f32.msk $0xffff, v0  }
0x247: {  	v1 =	vld [tilespmem:$0x9C0];
	_ =	sdelay $0x7  }
0x248: {  	[tilespmem:v1+s0+$0x0] =	vst.idx.add.f32.msk $0xffff, v0  }
0x249: {  	v1 =	vld [tilespmem:$0x9D0];
	_ =	sdelay $0x7  }
0x24a: {  	[tilespmem:v1+s0+$0x0] =	vst.idx.add.f32.msk $0xffff, v0  }
0x24b: {  	v1 =	vld [tilespmem:$0x9E0];
	_ =	sdelay $0x7  }
0x24c: {  	[tilespmem:v1+s0+$0x0] =	vst.idx.add.f32.msk $0xffff, v0  }
0x24d: {  	v1 =	vld [tilespmem:$0x9F0];
	_ =	sdelay $0x7  }
0x24e: {  	[tilespmem:v1+s0+$0x0] =	vst.idx.add.f32.msk $0xffff, v0  }
0x24f: {  	_ =	swait.ge [sflag:s18], $0x500  }
0x250: {  	[sflag:s18] =	ssyncset.done $0x0  }
0x251: {  	[sflag:s18] =	ssyncadd.s32 $0xFFFFFB00  }
0x252: {  	_ =	swait.ge [sflag:s18], $0x500  }
0x253: {  	[sflag:s18] =	ssyncset.done $0x0  }
0x254: {  	[sflag:s18] =	ssyncadd.s32 $0xFFFFFB00  }
0x255: {  	_ =	swait.ge [sflag:s14], $0x4000  }
0x256: {  	[sflag:s14] =	ssyncset.done $0x0  }
0x257: {  	[sflag:s14] =	ssyncadd.s32 $0xFFFFC000  }
0x258: {  	[tilespmem:s7], [sflag:$0x1] =	stream.indirect.gather [hbm4b:s1+s6], $0x80, s9, s6, $0xb8;
	[tilespmem:$0x1FED0] =	vst v63  }
0x259: {  	_ =	swait.ge [sflag:s15], $0x4000  }
0x25a: {  	[sflag:s15] =	ssyncset.done $0x0  }
0x25b: {  	[sflag:s15] =	ssyncadd.s32 $0xFFFFC000  }
0x25c: {  	[tilespmem:s8], [sflag:$0x2] =	stream.indirect.gather [hbm4b:s1+s6], $0x80, s19, s6, $0xb8;
	[tilespmem:$0x1FED0] =	vst v63  }
0x25d: {  	s28 =	simm.s32 $0x0;
	s29 =	rddreg [dreg:$0x12]  }
0x25e: {  	[tilespmem:s28], [sflag:$0x6] =	stream.linear.gather [hbm4b:s29+s28], $0x500, $0x38;
	[tilespmem:$0x1FED0] =	vst v63  }
0x25f: {  	s31 =	rddreg [dreg:$0x13]  }
0x260: {  	[tilespmem:s5], [sflag:$0x6] =	stream.linear.gather [hbm4b:s31+s28], $0x500, $0x38;
	[tilespmem:$0x1FED0] =	vst v63  }
.LBB2_12:
0x261: {  	_ =	swait.ge [sflag:s12], $0x4000  }
0x262: {  	s29 =	sshra.s32 s28, $0x2;
	[sflag:s12] =	ssyncset.done $0x0  }
0x263: {  	s31 =	sadd.s32 $0xF00, s29;
	[sflag:s12] =	ssyncadd.s32 $0xFFFFC000  }
0x264: {  	[spmem:s2] =	stream.indirect.scatter.add.f32 [tilespmem:s7], [sflag:$0x3], $0x80, s31, s6, $0xb8;
	[tilespmem:$0x1FED0] =	vst v63  }
0x265: {  	v1 =	vld [tilespmem:s29+$0xF00];
	_ =	sdelay $0x7  }
0x266: {  	[tilespmem:v1+s0+$0x0] =	vst.idx.add.f32.msk $0xffff, v0  }
0x267: {  	v1 =	vld [tilespmem:s29+$0xF10];
	_ =	sdelay $0x7  }
0x268: {  	[tilespmem:v1+s0+$0x0] =	vst.idx.add.f32.msk $0xffff, v0  }
0x269: {  	v1 =	vld [tilespmem:s29+$0xF20];
	_ =	sdelay $0x7  }
0x26a: {  	[tilespmem:v1+s0+$0x0] =	vst.idx.add.f32.msk $0xffff, v0  }
0x26b: {  	v1 =	vld [tilespmem:s29+$0xF30];
	_ =	sdelay $0x7  }
0x26c: {  	[tilespmem:v1+s0+$0x0] =	vst.idx.add.f32.msk $0xffff, v0  }
0x26d: {  	v1 =	vld [tilespmem:s29+$0xF40];
	_ =	sdelay $0x7  }
0x26e: {  	[tilespmem:v1+s0+$0x0] =	vst.idx.add.f32.msk $0xffff, v0  }
0x26f: {  	v1 =	vld [tilespmem:s29+$0xF50];
	_ =	sdelay $0x7  }
0x270: {  	[tilespmem:v1+s0+$0x0] =	vst.idx.add.f32.msk $0xffff, v0  }
0x271: {  	v1 =	vld [tilespmem:s29+$0xF60];
	_ =	sdelay $0x7  }
0x272: {  	[tilespmem:v1+s0+$0x0] =	vst.idx.add.f32.msk $0xffff, v0  }
0x273: {  	v1 =	vld [tilespmem:s29+$0xF70];
	_ =	sdelay $0x7  }
0x274: {  	[tilespmem:v1+s0+$0x0] =	vst.idx.add.f32.msk $0xffff, v0  }
0x275: {  	_ =	swait.ge [sflag:s13], $0x4000  }
0x276: {  	[sflag:s13] =	ssyncset.done $0x0  }
0x277: {  	s31 =	sadd.s32 $0xF80, s29;
	[sflag:s13] =	ssyncadd.s32 $0xFFFFC000  }
0x278: {  	[spmem:s2] =	stream.indirect.scatter.add.f32 [tilespmem:s8], [sflag:$0x4], $0x80, s31, s6, $0xb8;
	[tilespmem:$0x1FED0] =	vst v63  }
0x279: {  	v1 =	vld [tilespmem:s29+$0xF80];
	_ =	sdelay $0x7  }
0x27a: {  	[tilespmem:v1+s0+$0x0] =	vst.idx.add.f32.msk $0xffff, v0  }
0x27b: {  	v1 =	vld [tilespmem:s29+$0xF90];
	_ =	sdelay $0x7  }
0x27c: {  	[tilespmem:v1+s0+$0x0] =	vst.idx.add.f32.msk $0xffff, v0  }
0x27d: {  	v1 =	vld [tilespmem:s29+$0xFA0];
	_ =	sdelay $0x7  }
0x27e: {  	[tilespmem:v1+s0+$0x0] =	vst.idx.add.f32.msk $0xffff, v0  }
0x27f: {  	v1 =	vld [tilespmem:s29+$0xFB0];
	_ =	sdelay $0x7  }
0x280: {  	[tilespmem:v1+s0+$0x0] =	vst.idx.add.f32.msk $0xffff, v0  }
0x281: {  	v1 =	vld [tilespmem:s29+$0xFC0];
	_ =	sdelay $0x7  }
0x282: {  	[tilespmem:v1+s0+$0x0] =	vst.idx.add.f32.msk $0xffff, v0  }
0x283: {  	v1 =	vld [tilespmem:s29+$0xFD0];
	_ =	sdelay $0x7  }
0x284: {  	[tilespmem:v1+s0+$0x0] =	vst.idx.add.f32.msk $0xffff, v0  }
0x285: {  	v1 =	vld [tilespmem:s29+$0xFE0];
	_ =	sdelay $0x7  }
0x286: {  	[tilespmem:v1+s0+$0x0] =	vst.idx.add.f32.msk $0xffff, v0  }
0x287: {  	v1 =	vld [tilespmem:s29+$0xFF0];
	_ =	sdelay $0x7  }
0x288: {  	[tilespmem:v1+s0+$0x0] =	vst.idx.add.f32.msk $0xffff, v0  }
0x289: {  	_ =	swait.ge [sflag:s14], $0x4000  }
0x28a: {  	[sflag:s14] =	ssyncset.done $0x0  }
0x28b: {  	p0 =	sne.s32 s28, $0xC00;
	s31 =	sadd.s32 $0xB00, s29;
	[sflag:s14] =	ssyncadd.s32 $0xFFFFC000  }
0x28c: {  	[tilespmem:s7], [sflag:$0x1] =	stream.indirect.gather [hbm4b:s1+s6], $0x80, s31, s6, $0xb8;
	[tilespmem:$0x1FED0] =	vst v63  }
.Ltmp5:
0x28d: {  	_ = 	snop;
	(pc) =	sbr.rel @p0 .LBB2_12-.Ltmp5, $4  }
0x28e: {  	_ =	swait.ge [sflag:s15], $0x4000  }
0x28f: {  	[sflag:s15] =	ssyncset.done $0x0  }
0x290: {  	s28 =	sadd.s32 $0x400, s28;
	s29 =	sadd.s32 $0xB80, s29;
	[sflag:s15] =	ssyncadd.s32 $0xFFFFC000  }
0x291: {  	[tilespmem:s8], [sflag:$0x2] =	stream.indirect.gather [hbm4b:s1+s6], $0x80, s29, s6, $0xb8;
	[tilespmem:$0x1FED0] =	vst v63  }
0x292: {  	_ =	swait.ge [sflag:s12], $0x4000  }
0x293: {  	[sflag:s12] =	ssyncset.done $0x0  }
0x294: {  	[sflag:s12] =	ssyncadd.s32 $0xFFFFC000  }
0x295: {  	[spmem:s2] =	stream.indirect.scatter.add.f32 [tilespmem:s7], [sflag:$0x3], $0x80, s21, s6, $0xb8;
	[tilespmem:$0x1FED0] =	vst v63  }
0x296: {  	v1 =	vld [tilespmem:$0x1300];
	_ =	sdelay $0x7  }
0x297: {  	[tilespmem:v1+s0+$0x0] =	vst.idx.add.f32.msk $0xffff, v0  }
0x298: {  	v1 =	vld [tilespmem:$0x1310];
	_ =	sdelay $0x7  }
0x299: {  	[tilespmem:v1+s0+$0x0] =	vst.idx.add.f32.msk $0xffff, v0  }
0x29a: {  	v1 =	vld [tilespmem:$0x1320];
	_ =	sdelay $0x7  }
0x29b: {  	[tilespmem:v1+s0+$0x0] =	vst.idx.add.f32.msk $0xffff, v0  }
0x29c: {  	v1 =	vld [tilespmem:$0x1330];
	_ =	sdelay $0x7  }
0x29d: {  	[tilespmem:v1+s0+$0x0] =	vst.idx.add.f32.msk $0xffff, v0  }
0x29e: {  	v1 =	vld [tilespmem:$0x1340];
	_ =	sdelay $0x7  }
0x29f: {  	[tilespmem:v1+s0+$0x0] =	vst.idx.add.f32.msk $0xffff, v0  }
0x2a0: {  	v1 =	vld [tilespmem:$0x1350];
	_ =	sdelay $0x7  }
0x2a1: {  	[tilespmem:v1+s0+$0x0] =	vst.idx.add.f32.msk $0xffff, v0  }
0x2a2: {  	v1 =	vld [tilespmem:$0x1360];
	_ =	sdelay $0x7  }
0x2a3: {  	[tilespmem:v1+s0+$0x0] =	vst.idx.add.f32.msk $0xffff, v0  }
0x2a4: {  	v1 =	vld [tilespmem:$0x1370];
	_ =	sdelay $0x7  }
0x2a5: {  	[tilespmem:v1+s0+$0x0] =	vst.idx.add.f32.msk $0xffff, v0  }
0x2a6: {  	_ =	swait.ge [sflag:s13], $0x4000  }
0x2a7: {  	[sflag:s13] =	ssyncset.done $0x0  }
0x2a8: {  	[sflag:s13] =	ssyncadd.s32 $0xFFFFC000  }
0x2a9: {  	[spmem:s2] =	stream.indirect.scatter.add.f32 [tilespmem:s8], [sflag:$0x4], $0x80, s23, s6, $0xb8;
	[tilespmem:$0x1FED0] =	vst v63  }
0x2aa: {  	v1 =	vld [tilespmem:$0x1380];
	_ =	sdelay $0x7  }
0x2ab: {  	[tilespmem:v1+s0+$0x0] =	vst.idx.add.f32.msk $0xffff, v0  }
0x2ac: {  	v1 =	vld [tilespmem:$0x1390];
	_ =	sdelay $0x7  }
0x2ad: {  	[tilespmem:v1+s0+$0x0] =	vst.idx.add.f32.msk $0xffff, v0  }
0x2ae: {  	v1 =	vld [tilespmem:$0x13A0];
	_ =	sdelay $0x7  }
0x2af: {  	[tilespmem:v1+s0+$0x0] =	vst.idx.add.f32.msk $0xffff, v0  }
0x2b0: {  	v1 =	vld [tilespmem:$0x13B0];
	_ =	sdelay $0x7  }
0x2b1: {  	[tilespmem:v1+s0+$0x0] =	vst.idx.add.f32.msk $0xffff, v0  }
0x2b2: {  	v1 =	vld [tilespmem:$0x13C0];
	_ =	sdelay $0x7  }
0x2b3: {  	[tilespmem:v1+s0+$0x0] =	vst.idx.add.f32.msk $0xffff, v0  }
0x2b4: {  	v1 =	vld [tilespmem:$0x13D0];
	_ =	sdelay $0x7  }
0x2b5: {  	[tilespmem:v1+s0+$0x0] =	vst.idx.add.f32.msk $0xffff, v0  }
0x2b6: {  	v1 =	vld [tilespmem:$0x13E0];
	_ =	sdelay $0x7  }
0x2b7: {  	[tilespmem:v1+s0+$0x0] =	vst.idx.add.f32.msk $0xffff, v0  }
0x2b8: {  	v1 =	vld [tilespmem:$0x13F0];
	_ =	sdelay $0x7  }
0x2b9: {  	[tilespmem:v1+s0+$0x0] =	vst.idx.add.f32.msk $0xffff, v0  }
0x2ba: {  	_ =	swait.ge [sflag:s18], $0x500  }
0x2bb: {  	[sflag:s18] =	ssyncset.done $0x0  }
0x2bc: {  	[sflag:s18] =	ssyncadd.s32 $0xFFFFFB00  }
0x2bd: {  	_ =	swait.ge [sflag:s18], $0x500  }
0x2be: {  	[sflag:s18] =	ssyncset.done $0x0  }
0x2bf: {  	[sflag:s18] =	ssyncadd.s32 $0xFFFFFB00  }
0x2c0: {  	_ =	swait.ge [sflag:s14], $0x4000  }
0x2c1: {  	[sflag:s14] =	ssyncset.done $0x0  }
0x2c2: {  	s28 =	simm.s32 $0x0;
	[sflag:s14] =	ssyncadd.s32 $0xFFFFC000  }
0x2c3: {  	[tilespmem:s7], [sflag:$0x1] =	stream.indirect.gather [hbm4b:s1+s6], $0x80, s28, s6, $0xb8;
	[tilespmem:$0x1FED0] =	vst v63  }
0x2c4: {  	_ =	swait.ge [sflag:s15], $0x4000  }
0x2c5: {  	[sflag:s15] =	ssyncset.done $0x0  }
0x2c6: {  	[sflag:s15] =	ssyncadd.s32 $0xFFFFC000  }
0x2c7: {  	[tilespmem:s8], [sflag:$0x2] =	stream.indirect.gather [hbm4b:s1+s6], $0x80, s6, s6, $0xb8;
	[tilespmem:$0x1FED0] =	vst v63  }
0x2c8: {  	s29 =	rddreg [dreg:$0x14]  }
0x2c9: {  	[tilespmem:s9], [sflag:$0x6] =	stream.linear.gather [hbm4b:s29+s28], $0x500, $0x38;
	[tilespmem:$0x1FED0] =	vst v63  }
0x2ca: {  	s31 =	rddreg [dreg:$0x15]  }
0x2cb: {  	[tilespmem:s10], [sflag:$0x6] =	stream.linear.gather [hbm4b:s31+s28], $0x500, $0x38;
	[tilespmem:$0x1FED0] =	vst v63  }
.LBB2_14:
0x2cc: {  	_ =	swait.ge [sflag:s12], $0x4000  }
0x2cd: {  	s29 =	sshra.s32 s28, $0x2;
	[sflag:s12] =	ssyncset.done $0x0  }
0x2ce: {  	s31 =	sadd.s32 $0x500, s29;
	[sflag:s12] =	ssyncadd.s32 $0xFFFFC000  }
0x2cf: {  	[spmem:s2] =	stream.indirect.scatter.add.f32 [tilespmem:s7], [sflag:$0x3], $0x80, s31, s6, $0xb8;
	[tilespmem:$0x1FED0] =	vst v63  }
0x2d0: {  	v1 =	vld [tilespmem:s29+$0x500];
	_ =	sdelay $0x7  }
0x2d1: {  	[tilespmem:v1+s0+$0x0] =	vst.idx.add.f32.msk $0xffff, v0  }
0x2d2: {  	v1 =	vld [tilespmem:s29+$0x510];
	_ =	sdelay $0x7  }
0x2d3: {  	[tilespmem:v1+s0+$0x0] =	vst.idx.add.f32.msk $0xffff, v0  }
0x2d4: {  	v1 =	vld [tilespmem:s29+$0x520];
	_ =	sdelay $0x7  }
0x2d5: {  	[tilespmem:v1+s0+$0x0] =	vst.idx.add.f32.msk $0xffff, v0  }
0x2d6: {  	v1 =	vld [tilespmem:s29+$0x530];
	_ =	sdelay $0x7  }
0x2d7: {  	[tilespmem:v1+s0+$0x0] =	vst.idx.add.f32.msk $0xffff, v0  }
0x2d8: {  	v1 =	vld [tilespmem:s29+$0x540];
	_ =	sdelay $0x7  }
0x2d9: {  	[tilespmem:v1+s0+$0x0] =	vst.idx.add.f32.msk $0xffff, v0  }
0x2da: {  	v1 =	vld [tilespmem:s29+$0x550];
	_ =	sdelay $0x7  }
0x2db: {  	[tilespmem:v1+s0+$0x0] =	vst.idx.add.f32.msk $0xffff, v0  }
0x2dc: {  	v1 =	vld [tilespmem:s29+$0x560];
	_ =	sdelay $0x7  }
0x2dd: {  	[tilespmem:v1+s0+$0x0] =	vst.idx.add.f32.msk $0xffff, v0  }
0x2de: {  	v1 =	vld [tilespmem:s29+$0x570];
	_ =	sdelay $0x7  }
0x2df: {  	[tilespmem:v1+s0+$0x0] =	vst.idx.add.f32.msk $0xffff, v0  }
0x2e0: {  	_ =	swait.ge [sflag:s13], $0x4000  }
0x2e1: {  	[sflag:s13] =	ssyncset.done $0x0  }
0x2e2: {  	s31 =	sadd.s32 $0x580, s29;
	[sflag:s13] =	ssyncadd.s32 $0xFFFFC000  }
0x2e3: {  	[spmem:s2] =	stream.indirect.scatter.add.f32 [tilespmem:s8], [sflag:$0x4], $0x80, s31, s6, $0xb8;
	[tilespmem:$0x1FED0] =	vst v63  }
0x2e4: {  	v1 =	vld [tilespmem:s29+$0x580];
	_ =	sdelay $0x7  }
0x2e5: {  	[tilespmem:v1+s0+$0x0] =	vst.idx.add.f32.msk $0xffff, v0  }
0x2e6: {  	v1 =	vld [tilespmem:s29+$0x590];
	_ =	sdelay $0x7  }
0x2e7: {  	[tilespmem:v1+s0+$0x0] =	vst.idx.add.f32.msk $0xffff, v0  }
0x2e8: {  	v1 =	vld [tilespmem:s29+$0x5A0];
	_ =	sdelay $0x7  }
0x2e9: {  	[tilespmem:v1+s0+$0x0] =	vst.idx.add.f32.msk $0xffff, v0  }
0x2ea: {  	v1 =	vld [tilespmem:s29+$0x5B0];
	_ =	sdelay $0x7  }
0x2eb: {  	[tilespmem:v1+s0+$0x0] =	vst.idx.add.f32.msk $0xffff, v0  }
0x2ec: {  	v1 =	vld [tilespmem:s29+$0x5C0];
	_ =	sdelay $0x7  }
0x2ed: {  	[tilespmem:v1+s0+$0x0] =	vst.idx.add.f32.msk $0xffff, v0  }
0x2ee: {  	v1 =	vld [tilespmem:s29+$0x5D0];
	_ =	sdelay $0x7  }
0x2ef: {  	[tilespmem:v1+s0+$0x0] =	vst.idx.add.f32.msk $0xffff, v0  }
0x2f0: {  	v1 =	vld [tilespmem:s29+$0x5E0];
	_ =	sdelay $0x7  }
0x2f1: {  	[tilespmem:v1+s0+$0x0] =	vst.idx.add.f32.msk $0xffff, v0  }
0x2f2: {  	v1 =	vld [tilespmem:s29+$0x5F0];
	_ =	sdelay $0x7  }
0x2f3: {  	[tilespmem:v1+s0+$0x0] =	vst.idx.add.f32.msk $0xffff, v0  }
0x2f4: {  	_ =	swait.ge [sflag:s14], $0x4000  }
0x2f5: {  	[sflag:s14] =	ssyncset.done $0x0  }
0x2f6: {  	p0 =	sne.s32 s28, $0xC00;
	s31 =	sadd.s32 $0x100, s29;
	[sflag:s14] =	ssyncadd.s32 $0xFFFFC000  }
0x2f7: {  	[tilespmem:s7], [sflag:$0x1] =	stream.indirect.gather [hbm4b:s1+s6], $0x80, s31, s6, $0xb8;
	[tilespmem:$0x1FED0] =	vst v63  }
.Ltmp6:
0x2f8: {  	_ = 	snop;
	(pc) =	sbr.rel @p0 .LBB2_14-.Ltmp6, $4  }
0x2f9: {  	_ =	swait.ge [sflag:s15], $0x4000  }
0x2fa: {  	[sflag:s15] =	ssyncset.done $0x0  }
0x2fb: {  	s28 =	sadd.s32 $0x400, s28;
	s29 =	sadd.s32 $0x180, s29;
	[sflag:s15] =	ssyncadd.s32 $0xFFFFC000  }
0x2fc: {  	[tilespmem:s8], [sflag:$0x2] =	stream.indirect.gather [hbm4b:s1+s6], $0x80, s29, s6, $0xb8;
	[tilespmem:$0x1FED0] =	vst v63  }
0x2fd: {  	_ =	swait.ge [sflag:s12], $0x4000  }
0x2fe: {  	[sflag:s12] =	ssyncset.done $0x0  }
0x2ff: {  	[sflag:s12] =	ssyncadd.s32 $0xFFFFC000  }
0x300: {  	[spmem:s2] =	stream.indirect.scatter.add.f32 [tilespmem:s7], [sflag:$0x3], $0x80, s16, s6, $0xb8;
	[tilespmem:$0x1FED0] =	vst v63  }
0x301: {  	v1 =	vld [tilespmem:$0x900];
	_ =	sdelay $0x7  }
0x302: {  	[tilespmem:v1+s0+$0x0] =	vst.idx.add.f32.msk $0xffff, v0  }
0x303: {  	v1 =	vld [tilespmem:$0x910];
	_ =	sdelay $0x7  }
0x304: {  	[tilespmem:v1+s0+$0x0] =	vst.idx.add.f32.msk $0xffff, v0  }
0x305: {  	v1 =	vld [tilespmem:$0x920];
	_ =	sdelay $0x7  }
0x306: {  	[tilespmem:v1+s0+$0x0] =	vst.idx.add.f32.msk $0xffff, v0  }
0x307: {  	v1 =	vld [tilespmem:$0x930];
	_ =	sdelay $0x7  }
0x308: {  	[tilespmem:v1+s0+$0x0] =	vst.idx.add.f32.msk $0xffff, v0  }
0x309: {  	v1 =	vld [tilespmem:$0x940];
	_ =	sdelay $0x7  }
0x30a: {  	[tilespmem:v1+s0+$0x0] =	vst.idx.add.f32.msk $0xffff, v0  }
0x30b: {  	v1 =	vld [tilespmem:$0x950];
	_ =	sdelay $0x7  }
0x30c: {  	[tilespmem:v1+s0+$0x0] =	vst.idx.add.f32.msk $0xffff, v0  }
0x30d: {  	v1 =	vld [tilespmem:$0x960];
	_ =	sdelay $0x7  }
0x30e: {  	[tilespmem:v1+s0+$0x0] =	vst.idx.add.f32.msk $0xffff, v0  }
0x30f: {  	v1 =	vld [tilespmem:$0x970];
	_ =	sdelay $0x7  }
0x310: {  	[tilespmem:v1+s0+$0x0] =	vst.idx.add.f32.msk $0xffff, v0  }
0x311: {  	_ =	swait.ge [sflag:s13], $0x4000  }
0x312: {  	[sflag:s13] =	ssyncset.done $0x0  }
0x313: {  	[sflag:s13] =	ssyncadd.s32 $0xFFFFC000  }
0x314: {  	[spmem:s2] =	stream.indirect.scatter.add.f32 [tilespmem:s8], [sflag:$0x4], $0x80, s17, s6, $0xb8;
	[tilespmem:$0x1FED0] =	vst v63  }
0x315: {  	v1 =	vld [tilespmem:$0x980];
	_ =	sdelay $0x7  }
0x316: {  	[tilespmem:v1+s0+$0x0] =	vst.idx.add.f32.msk $0xffff, v0  }
0x317: {  	v1 =	vld [tilespmem:$0x990];
	_ =	sdelay $0x7  }
0x318: {  	[tilespmem:v1+s0+$0x0] =	vst.idx.add.f32.msk $0xffff, v0  }
0x319: {  	v1 =	vld [tilespmem:$0x9A0];
	_ =	sdelay $0x7  }
0x31a: {  	[tilespmem:v1+s0+$0x0] =	vst.idx.add.f32.msk $0xffff, v0  }
0x31b: {  	v1 =	vld [tilespmem:$0x9B0];
	_ =	sdelay $0x7  }
0x31c: {  	[tilespmem:v1+s0+$0x0] =	vst.idx.add.f32.msk $0xffff, v0  }
0x31d: {  	v1 =	vld [tilespmem:$0x9C0];
	_ =	sdelay $0x7  }
0x31e: {  	[tilespmem:v1+s0+$0x0] =	vst.idx.add.f32.msk $0xffff, v0  }
0x31f: {  	v1 =	vld [tilespmem:$0x9D0];
	_ =	sdelay $0x7  }
0x320: {  	[tilespmem:v1+s0+$0x0] =	vst.idx.add.f32.msk $0xffff, v0  }
0x321: {  	v1 =	vld [tilespmem:$0x9E0];
	_ =	sdelay $0x7  }
0x322: {  	[tilespmem:v1+s0+$0x0] =	vst.idx.add.f32.msk $0xffff, v0  }
0x323: {  	v1 =	vld [tilespmem:$0x9F0];
	_ =	sdelay $0x7  }
0x324: {  	[tilespmem:v1+s0+$0x0] =	vst.idx.add.f32.msk $0xffff, v0  }
0x325: {  	_ =	swait.ge [sflag:s18], $0x500  }
0x326: {  	[sflag:s18] =	ssyncset.done $0x0  }
0x327: {  	[sflag:s18] =	ssyncadd.s32 $0xFFFFFB00  }
0x328: {  	_ =	swait.ge [sflag:s18], $0x500  }
0x329: {  	[sflag:s18] =	ssyncset.done $0x0  }
0x32a: {  	[sflag:s18] =	ssyncadd.s32 $0xFFFFFB00  }
0x32b: {  	_ =	swait.ge [sflag:s14], $0x4000  }
0x32c: {  	[sflag:s14] =	ssyncset.done $0x0  }
0x32d: {  	[sflag:s14] =	ssyncadd.s32 $0xFFFFC000  }
0x32e: {  	[tilespmem:s7], [sflag:$0x1] =	stream.indirect.gather [hbm4b:s1+s6], $0x80, s9, s6, $0xb8;
	[tilespmem:$0x1FED0] =	vst v63  }
0x32f: {  	_ =	swait.ge [sflag:s15], $0x4000  }
0x330: {  	[sflag:s15] =	ssyncset.done $0x0  }
0x331: {  	s28 =	simm.s32 $0x0;
	[sflag:s15] =	ssyncadd.s32 $0xFFFFC000  }
0x332: {  	[tilespmem:s8], [sflag:$0x2] =	stream.indirect.gather [hbm4b:s1+s6], $0x80, s19, s6, $0xb8;
	[tilespmem:$0x1FED0] =	vst v63  }
.LBB2_16:
0x333: {  	_ =	swait.ge [sflag:s12], $0x4000  }
0x334: {  	s29 =	sshra.s32 s28, $0x2;
	[sflag:s12] =	ssyncset.done $0x0  }
0x335: {  	s31 =	sadd.s32 $0xF00, s29;
	[sflag:s12] =	ssyncadd.s32 $0xFFFFC000  }
0x336: {  	[spmem:s2] =	stream.indirect.scatter.add.f32 [tilespmem:s7], [sflag:$0x3], $0x80, s31, s6, $0xb8;
	[tilespmem:$0x1FED0] =	vst v63  }
0x337: {  	v1 =	vld [tilespmem:s29+$0xF00];
	_ =	sdelay $0x7  }
0x338: {  	[tilespmem:v1+s0+$0x0] =	vst.idx.add.f32.msk $0xffff, v0  }
0x339: {  	v1 =	vld [tilespmem:s29+$0xF10];
	_ =	sdelay $0x7  }
0x33a: {  	[tilespmem:v1+s0+$0x0] =	vst.idx.add.f32.msk $0xffff, v0  }
0x33b: {  	v1 =	vld [tilespmem:s29+$0xF20];
	_ =	sdelay $0x7  }
0x33c: {  	[tilespmem:v1+s0+$0x0] =	vst.idx.add.f32.msk $0xffff, v0  }
0x33d: {  	v1 =	vld [tilespmem:s29+$0xF30];
	_ =	sdelay $0x7  }
0x33e: {  	[tilespmem:v1+s0+$0x0] =	vst.idx.add.f32.msk $0xffff, v0  }
0x33f: {  	v1 =	vld [tilespmem:s29+$0xF40];
	_ =	sdelay $0x7  }
0x340: {  	[tilespmem:v1+s0+$0x0] =	vst.idx.add.f32.msk $0xffff, v0  }
0x341: {  	v1 =	vld [tilespmem:s29+$0xF50];
	_ =	sdelay $0x7  }
0x342: {  	[tilespmem:v1+s0+$0x0] =	vst.idx.add.f32.msk $0xffff, v0  }
0x343: {  	v1 =	vld [tilespmem:s29+$0xF60];
	_ =	sdelay $0x7  }
0x344: {  	[tilespmem:v1+s0+$0x0] =	vst.idx.add.f32.msk $0xffff, v0  }
0x345: {  	v1 =	vld [tilespmem:s29+$0xF70];
	_ =	sdelay $0x7  }
0x346: {  	[tilespmem:v1+s0+$0x0] =	vst.idx.add.f32.msk $0xffff, v0  }
0x347: {  	_ =	swait.ge [sflag:s13], $0x4000  }
0x348: {  	[sflag:s13] =	ssyncset.done $0x0  }
0x349: {  	s31 =	sadd.s32 $0xF80, s29;
	[sflag:s13] =	ssyncadd.s32 $0xFFFFC000  }
0x34a: {  	[spmem:s2] =	stream.indirect.scatter.add.f32 [tilespmem:s8], [sflag:$0x4], $0x80, s31, s6, $0xb8;
	[tilespmem:$0x1FED0] =	vst v63  }
0x34b: {  	v1 =	vld [tilespmem:s29+$0xF80];
	_ =	sdelay $0x7  }
0x34c: {  	[tilespmem:v1+s0+$0x0] =	vst.idx.add.f32.msk $0xffff, v0  }
0x34d: {  	v1 =	vld [tilespmem:s29+$0xF90];
	_ =	sdelay $0x7  }
0x34e: {  	[tilespmem:v1+s0+$0x0] =	vst.idx.add.f32.msk $0xffff, v0  }
0x34f: {  	v1 =	vld [tilespmem:s29+$0xFA0];
	_ =	sdelay $0x7  }
0x350: {  	[tilespmem:v1+s0+$0x0] =	vst.idx.add.f32.msk $0xffff, v0  }
0x351: {  	v1 =	vld [tilespmem:s29+$0xFB0];
	_ =	sdelay $0x7  }
0x352: {  	[tilespmem:v1+s0+$0x0] =	vst.idx.add.f32.msk $0xffff, v0  }
0x353: {  	v1 =	vld [tilespmem:s29+$0xFC0];
	_ =	sdelay $0x7  }
0x354: {  	[tilespmem:v1+s0+$0x0] =	vst.idx.add.f32.msk $0xffff, v0  }
0x355: {  	v1 =	vld [tilespmem:s29+$0xFD0];
	_ =	sdelay $0x7  }
0x356: {  	[tilespmem:v1+s0+$0x0] =	vst.idx.add.f32.msk $0xffff, v0  }
0x357: {  	v1 =	vld [tilespmem:s29+$0xFE0];
	_ =	sdelay $0x7  }
0x358: {  	[tilespmem:v1+s0+$0x0] =	vst.idx.add.f32.msk $0xffff, v0  }
0x359: {  	v1 =	vld [tilespmem:s29+$0xFF0];
	_ =	sdelay $0x7  }
0x35a: {  	[tilespmem:v1+s0+$0x0] =	vst.idx.add.f32.msk $0xffff, v0  }
0x35b: {  	_ =	swait.ge [sflag:s14], $0x4000  }
0x35c: {  	[sflag:s14] =	ssyncset.done $0x0  }
0x35d: {  	p0 =	sne.s32 s28, $0xC00;
	s31 =	sadd.s32 $0xB00, s29;
	[sflag:s14] =	ssyncadd.s32 $0xFFFFC000  }
0x35e: {  	[tilespmem:s7], [sflag:$0x1] =	stream.indirect.gather [hbm4b:s1+s6], $0x80, s31, s6, $0xb8;
	[tilespmem:$0x1FED0] =	vst v63  }
.Ltmp7:
0x35f: {  	_ = 	snop;
	(pc) =	sbr.rel @p0 .LBB2_16-.Ltmp7, $4  }
0x360: {  	_ =	swait.ge [sflag:s15], $0x4000  }
0x361: {  	[sflag:s15] =	ssyncset.done $0x0  }
0x362: {  	s28 =	sadd.s32 $0x400, s28;
	s29 =	sadd.s32 $0xB80, s29;
	[sflag:s15] =	ssyncadd.s32 $0xFFFFC000  }
0x363: {  	[tilespmem:s8], [sflag:$0x2] =	stream.indirect.gather [hbm4b:s1+s6], $0x80, s29, s6, $0xb8;
	[tilespmem:$0x1FED0] =	vst v63  }
0x364: {  	_ =	swait.ge [sflag:s12], $0x4000  }
0x365: {  	[sflag:s12] =	ssyncset.done $0x0  }
0x366: {  	[sflag:s12] =	ssyncadd.s32 $0xFFFFC000  }
0x367: {  	[spmem:s2] =	stream.indirect.scatter.add.f32 [tilespmem:s7], [sflag:$0x3], $0x80, s21, s6, $0xb8;
	[tilespmem:$0x1FED0] =	vst v63  }
0x368: {  	v1 =	vld [tilespmem:$0x1300];
	_ =	sdelay $0x7  }
0x369: {  	[tilespmem:v1+s0+$0x0] =	vst.idx.add.f32.msk $0xffff, v0  }
0x36a: {  	v1 =	vld [tilespmem:$0x1310];
	_ =	sdelay $0x7  }
0x36b: {  	[tilespmem:v1+s0+$0x0] =	vst.idx.add.f32.msk $0xffff, v0  }
0x36c: {  	v1 =	vld [tilespmem:$0x1320];
	_ =	sdelay $0x7  }
0x36d: {  	[tilespmem:v1+s0+$0x0] =	vst.idx.add.f32.msk $0xffff, v0  }
0x36e: {  	v1 =	vld [tilespmem:$0x1330];
	_ =	sdelay $0x7  }
0x36f: {  	[tilespmem:v1+s0+$0x0] =	vst.idx.add.f32.msk $0xffff, v0  }
0x370: {  	v1 =	vld [tilespmem:$0x1340];
	_ =	sdelay $0x7  }
0x371: {  	[tilespmem:v1+s0+$0x0] =	vst.idx.add.f32.msk $0xffff, v0  }
0x372: {  	v1 =	vld [tilespmem:$0x1350];
	_ =	sdelay $0x7  }
0x373: {  	[tilespmem:v1+s0+$0x0] =	vst.idx.add.f32.msk $0xffff, v0  }
0x374: {  	v1 =	vld [tilespmem:$0x1360];
	_ =	sdelay $0x7  }
0x375: {  	[tilespmem:v1+s0+$0x0] =	vst.idx.add.f32.msk $0xffff, v0  }
0x376: {  	v1 =	vld [tilespmem:$0x1370];
	_ =	sdelay $0x7  }
0x377: {  	[tilespmem:v1+s0+$0x0] =	vst.idx.add.f32.msk $0xffff, v0  }
0x378: {  	_ =	swait.ge [sflag:s13], $0x4000  }
0x379: {  	[sflag:s13] =	ssyncset.done $0x0  }
0x37a: {  	[sflag:s13] =	ssyncadd.s32 $0xFFFFC000  }
0x37b: {  	[spmem:s2] =	stream.indirect.scatter.add.f32 [tilespmem:s8], [sflag:$0x4], $0x80, s23, s6, $0xb8;
	[tilespmem:$0x1FED0] =	vst v63  }
0x37c: {  	v1 =	vld [tilespmem:$0x1380];
	_ =	sdelay $0x7  }
0x37d: {  	[tilespmem:v1+s0+$0x0] =	vst.idx.add.f32.msk $0xffff, v0  }
0x37e: {  	v1 =	vld [tilespmem:$0x1390];
	_ =	sdelay $0x7  }
0x37f: {  	[tilespmem:v1+s0+$0x0] =	vst.idx.add.f32.msk $0xffff, v0  }
0x380: {  	v1 =	vld [tilespmem:$0x13A0];
	_ =	sdelay $0x7  }
0x381: {  	[tilespmem:v1+s0+$0x0] =	vst.idx.add.f32.msk $0xffff, v0  }
0x382: {  	v1 =	vld [tilespmem:$0x13B0];
	_ =	sdelay $0x7  }
0x383: {  	[tilespmem:v1+s0+$0x0] =	vst.idx.add.f32.msk $0xffff, v0  }
0x384: {  	v1 =	vld [tilespmem:$0x13C0];
	_ =	sdelay $0x7  }
0x385: {  	[tilespmem:v1+s0+$0x0] =	vst.idx.add.f32.msk $0xffff, v0  }
0x386: {  	v1 =	vld [tilespmem:$0x13D0];
	_ =	sdelay $0x7  }
0x387: {  	[tilespmem:v1+s0+$0x0] =	vst.idx.add.f32.msk $0xffff, v0  }
0x388: {  	v1 =	vld [tilespmem:$0x13E0];
	_ =	sdelay $0x7  }
0x389: {  	[tilespmem:v1+s0+$0x0] =	vst.idx.add.f32.msk $0xffff, v0  }
0x38a: {  	v1 =	vld [tilespmem:$0x13F0];
	_ =	sdelay $0x7  }
0x38b: {  	[tilespmem:v1+s0+$0x0] =	vst.idx.add.f32.msk $0xffff, v0  }
0x38c: {  	_ =	swait.ge [sflag:s14], $0x4000  }
0x38d: {  	[sflag:s14] =	ssyncset.done $0x0  }
0x38e: {  	[sflag:s14] =	ssyncadd.s32 $0xFFFFC000  }
0x38f: {  	_ =	swait.ge [sflag:s15], $0x4000  }
0x390: {  	[sflag:s15] =	ssyncset.done $0x0  }
0x391: {  	[sflag:s15] =	ssyncadd.s32 $0xFFFFC000  }
0x392: {  	s31 =	simm.s32 $0xBC00;
	s29 =	simm.s32 $0x50;
	s28 =	rddreg [dreg:$0x4]  }
0x393: {  	[spmem:s28] =	stream.indirect.scatter.add.f32 [tilespmem:s0], [sflag:$0x7], $0x80, s31, s29, $0xb8;
	[tilespmem:$0x1FED0] =	vst v63  }
0x394: {  	_ =	swait.ge [sflag:s4], $0x2800  }
0x395: {  	[sflag:s4] =	ssyncset.done $0x0  }
0x396: {  	[sflag:s4] =	ssyncadd.s32 $0xFFFFD800  }
0x397: {  	[bflag:$0x0] =	sbarrier.arrive $0xFFFF  }
0x398: {  	s28 =	sor.u32 $0x1C07, s30;
	s29 =	rddreg [dreg:$0x1a]  }
0x399: {  	[hbm:s29], [sflag:s28] =	dma.local [spmem:s26], $0x2800  }
0x39a: {  	_ =	swait.ge [sflag:s4], $0x2800  }
0x39b: {  	[sflag:s4] =	ssyncset.done $0x0  }
0x39c: {  	s29 =	rddreg [dreg:$0x1b];
	[sflag:s4] =	ssyncadd.s32 $0xFFFFD800  }
0x39d: {  	[hbm:s29], [sflag:s28] =	dma.local [spmem:s25], $0x50  }
0x39e: {  	_ =	swait.ge [sflag:s4], $0x50  }
0x39f: {  	s24 =	sadd.s32 $0x1, s24;
	s29 =	rddreg [dreg:$0x1c]  }
0x3a0: {  	p0 =	sne.s32 s24, s29  }
.Ltmp8:
0x3a1: {  	_ = 	snop;
	(pc) =	sbr.rel @p0 .LBB2_1-.Ltmp8, $3  }
0x3a2: {  	_ =	sdelay $0x1  }
0x3a3: {  	[sflag:s4] =	ssyncset.done $0x0  }
0x3a4: {  	[sflag:s4] =	ssyncadd.s32 $0xFFFFFFB0  }
0x3a5: {  	_ =	sfence.sel $0x180000  }
0x3a6: {  	[bflag:$0x0] =	sbarrier.arrive $0xFFFF  }
0x3a7: {  	_ =	strace $0x90000047  }
0x3a8: {  	s0 =	stileid.u32;
	[bflag:$0x2] =	sbarrier.arrive $0xFFFF  }
0x3a9: {  	p0 =	sne.s32 s0, $0x0;
	s0 =	rddreg [dreg:$0x5]  }
0x3aa: {  	s0 =	sadd.s32 @!p0 $0x100000, s0  }
0x3ab: {  	[sflag:s0] =	ssyncadd.tile.s32 @!p0 $0x1;
	_ =	shalt  }
.Lfunc_end2:
_tile_overlayer_lowered:
.L_overlay_start_2:
0x3ac: {  	(tag) =	ssettag $0x2  }
0x3ad: {  	s0 =	rddreg [dreg:$0x0];
	s2 =	stileid.u32  }
0x3ae: {  	s1 =	rddreg [dreg:$0x1];
	p0 =	sne.s32 s2, $0x0  }
0x3af: {  	s3 =	rddreg [dreg:$0x2];
	[bflag:$0x3] =	sbarrier.arrive $0xFFFF;
	s2 =	simm.s32 @!p0 $0x1C07  }
0x3b0: {  	[timem:s3], [sflag:s2] =	dma.local @!p0 [hbm:s0], s1  }
0x3b1: {  	s0 =	simm.s32 @!p0 $0x7  }
0x3b2: {  	_ =	swait.ge @!p0 [sflag:s0], s1  }
0x3b3: {  	s1 =	ssub.s32 @!p0 $0x0, s1;
	[sflag:s0] =	ssyncset.done @!p0 $0x0  }
0x3b4: {  	[sflag:s0] =	ssyncadd.s32 @!p0 s1  }
0x3b5: {  	[bflag:$0x3] =	sbarrier.arrive $0xFFFF  }
0x3b6: {  	_ =	shalt  }

</sc_bundles>
